<compile_context>
chip_gen: v7x
topology: tpu7x:2x2x1
jax: 0.10.2.dev20260603
libtpu: 0.0.44.dev20260713+nightly
codegen_flags: <defaults>
</compile_context>

<pallas_src>
import functools

import jax
import jax.numpy as jnp
from jax import lax
from jax.experimental import pallas as pl
from jax.experimental.pallas import tpu as pltpu
from jax.experimental.pallas import tpu_sc as plsc

_PACK = 8
_PBLK = 4096
_CHUNK = 32



def _pack_body(*refs):
    srcs, dst = refs[:-1], refs[-1]
    D = srcs[0].shape[0]
    eye = jnp.eye(D, dtype=jnp.bfloat16)
    cols = []
    for s in srcs:
        cols.append(jax.lax.dot_general(
            s[...].astype(jnp.bfloat16), eye, (((0,), (0,)), ((), ())),
            preferred_element_type=jnp.float32).astype(jnp.bfloat16))
    t = jnp.concatenate(cols, axis=1)
    half = t.shape[1] // 2
    lo = jax.lax.bitcast_convert_type(t[:, :half], jnp.uint16).astype(jnp.uint32)
    hi = jax.lax.bitcast_convert_type(t[:, half:], jnp.uint16).astype(jnp.uint32)
    dst[...] = lo | (hi << 16)


@functools.lru_cache(maxsize=None)
def _make_pack(D, V):
    grid = (V + _PACK * _PBLK - 1) // (_PACK * _PBLK)
    Q = grid * _PBLK
    last = (V + _PBLK - 1) // _PBLK - 1

    def _imap(a, i):
        return (0, jnp.minimum(i + a * grid, last))

    specs = [
        pl.BlockSpec((D, _PBLK), functools.partial(_imap, a))
        for a in range(_PACK)
    ]
    call = pl.pallas_call(
        _pack_body,
        grid=(grid,),
        in_specs=specs,
        out_specs=pl.BlockSpec((_PBLK, _PACK * D // 2), lambda i: (i, 0)),
        out_shape=jax.ShapeDtypeStruct((Q, _PACK * D // 2), jnp.uint32),
    )

    def pack(tabT):
        return call(*([tabT] * _PACK))

    return pack, Q



@functools.lru_cache(maxsize=None)
def _make_gather(B, W):
    info = plsc.get_sparse_core_info()
    NC, NS = info.num_cores, info.num_subcores
    NW = NC * NS
    assert B % NW == 0
    b_per_w = B // NW
    assert b_per_w % _CHUNK == 0

    mesh = plsc.VectorSubcoreMesh(core_axis_name="c", subcore_axis_name="s")

    @functools.partial(
        pl.kernel,
        mesh=mesh,
        out_type=jax.ShapeDtypeStruct((B, W), jnp.uint32),
        scratch_types=[
            pltpu.VMEM((b_per_w,), jnp.int32),
            pltpu.VMEM((b_per_w, W), jnp.uint32),
            pltpu.SemaphoreType.DMA,
        ],
    )
    def gather(id_hbm, tab_hbm, out_hbm, idx_s, rows_v, sem):
        wid = lax.axis_index("s") * NC + lax.axis_index("c")
        base = wid * b_per_w
        nchunk = b_per_w // _CHUNK

        pltpu.sync_copy(id_hbm.at[pl.ds(base, b_per_w)], idx_s)

        def fire(off):
            for h in range(_CHUNK // 16):
                idx16 = idx_s[pl.ds(off + h * 16, 16)]
                for j in range(16):
                    pltpu.async_copy(
                        tab_hbm.at[pl.ds(idx16[j], 1)],
                        rows_v.at[pl.ds(off + h * 16 + j, 1)], sem)

        def drain(off):
            pltpu.make_async_copy(
                tab_hbm.at[pl.ds(0, _CHUNK)],
                rows_v.at[pl.ds(off, _CHUNK)], sem).wait()

        fire(0)

        def chunk(c, _):
            fire(c * _CHUNK)
            drain((c - 1) * _CHUNK)
            return ()

        lax.fori_loop(1, nchunk, chunk, ())
        drain((nchunk - 1) * _CHUNK)
        pltpu.sync_copy(rows_v, out_hbm.at[pl.ds(base, b_per_w)])

    return gather



def _mlp_body(uw, pw, ua, pa, w1u, w1p, b1, w2, b2, w3, b3, out):
    W = uw.shape[1]
    D = 2 * W // _PACK
    lq = jax.lax.broadcasted_iota(jnp.int32, (1, W), 1) // D

    def to_bf16(w, a):
        lo = jax.lax.bitcast_convert_type(
            (w & jnp.uint32(0xFFFF)).astype(jnp.uint16), jnp.bfloat16)
        hi = jax.lax.bitcast_convert_type(
            (w >> 16).astype(jnp.uint16), jnp.bfloat16)
        zero = jnp.zeros_like(lo)
        return jnp.concatenate([
            jnp.where(a == lq, lo, zero),
            jnp.where(a == _PACK // 2 + lq, hi, zero),
        ], axis=1)

    um = to_bf16(uw[...], ua[...])
    pm = to_bf16(pw[...], pa[...])
    h1 = jnp.dot(um, w1u[...], preferred_element_type=jnp.float32)
    h1 += jnp.dot(pm, w1p[...], preferred_element_type=jnp.float32)
    h1 = jnp.maximum(h1 + b1[...], 0.0)
    h2 = jnp.maximum(
        jnp.dot(h1, w2[...], preferred_element_type=jnp.float32) + b2[...], 0.0)
    out[...] = jax.lax.dot_general(
        w3[...], h2, (((0,), (1,)), ((), ())),
        preferred_element_type=jnp.float32) + b3[...]


@functools.lru_cache(maxsize=None)
def _make_mlp(B, W, D, H1, H2, BLK):
    grid = B // BLK
    full = lambda i: (0, 0)
    return pl.pallas_call(
        _mlp_body,
        grid=(grid,),
        in_specs=[
            pl.BlockSpec((BLK, W), lambda i: (i, 0)),
            pl.BlockSpec((BLK, W), lambda i: (i, 0)),
            pl.BlockSpec((BLK, 1), lambda i: (i, 0)),
            pl.BlockSpec((BLK, 1), lambda i: (i, 0)),
            pl.BlockSpec((2 * W, H1), full),
            pl.BlockSpec((2 * W, H1), full),
            pl.BlockSpec((1, H1), full),
            pl.BlockSpec((H1, H2), full),
            pl.BlockSpec((1, H2), full),
            pl.BlockSpec((H2, 1), full),
            pl.BlockSpec((1, 1), full),
        ],
        out_specs=pl.BlockSpec((1, BLK), lambda i: (0, i)),
        out_shape=jax.ShapeDtypeStruct((1, B), jnp.float32),
    )


def kernel(userId, productId, user_table, product_table, W1, b1, W2, b2, W3, b3):
    B = userId.shape[0]
    VU, D = user_table.shape
    VP = product_table.shape[0]
    H1 = W1.shape[1]
    H2 = W2.shape[1]
    W = _PACK * D // 2

    upack, QU = _make_pack(D, VU)
    ppack, QP = _make_pack(D, VP)
    uid = userId.astype(jnp.int32)
    pid = productId.astype(jnp.int32)
    gather = _make_gather(B, W)
    ptab = ppack(product_table.T)
    pw = gather(pid % QP, ptab)
    utab = upack(user_table.T)
    uw = gather(uid % QU, utab)

    w1ux = jnp.tile(W1[:D], (_PACK, 1)).astype(jnp.bfloat16)
    w1px = jnp.tile(W1[D:], (_PACK, 1)).astype(jnp.bfloat16)
    mlp = _make_mlp(B, W, D, H1, H2, BLK=4096)
    return mlp(uw, pw, (uid // QU)[:, None], (pid // QP)[:, None],
               w1ux, w1px, b1[None, :], W2, b2[None, :], W3, b3[None, :]).T

# --- scband reference (transcript-rebuilt; emitter-appended) ---
"""Pipeline reference for scband-ranking-model-4561255268842 (READ-ONLY COPY).

The authoritative reference and input builder live on the scoring server;
editing this copy changes nothing except your own understanding.
"""

import jax, jax.numpy as jnp
import numpy as np

NUM_USERS = 1000000
NUM_PRODUCTS = 100000
EMBED_DIM = 32
BATCH = 16384


def setup_inputs(seed: int = 0) -> dict:
    key = jax.random.key(seed)
    k1, k2, k3, k4, k5, k6, k7 = jax.random.split(key, 7)
    userId = jax.random.randint(k1, (BATCH,), 0, NUM_USERS, dtype=jnp.int64 if jax.config.read('jax_enable_x64') else jnp.int32)
    productId = jax.random.randint(k2, (BATCH,), 0, NUM_PRODUCTS, dtype=jnp.int64 if jax.config.read('jax_enable_x64') else jnp.int32)
    user_table = jax.random.normal(k3, (NUM_USERS + 1, EMBED_DIM), dtype=jnp.float32) * 0.05
    product_table = jax.random.normal(k4, (NUM_PRODUCTS + 1, EMBED_DIM), dtype=jnp.float32) * 0.05
    W1 = jax.random.normal(k5, (2 * EMBED_DIM, 256), dtype=jnp.float32) * (1.0 / np.sqrt(2 * EMBED_DIM))
    b1 = jnp.zeros((256,), dtype=jnp.float32)
    W2 = jax.random.normal(k6, (256, 64), dtype=jnp.float32) * (1.0 / np.sqrt(256))
    b2 = jnp.zeros((64,), dtype=jnp.float32)
    W3 = jax.random.normal(k7, (64, 1), dtype=jnp.float32) * (1.0 / np.sqrt(64))
    b3 = jnp.zeros((1,), dtype=jnp.float32)
    return {"userId": userId, "productId": productId, "user_table": user_table,
            "product_table": product_table, "W1": W1, "b1": b1, "W2": W2, "b2": b2,
            "W3": W3, "b3": b3}


def reference(userId, productId, user_table, product_table, W1, b1, W2, b2, W3, b3):
    # embedding lookups (StringLookup is modeled as precomputed integer ids)
    user_embeddings = jnp.take(user_table, userId, axis=0)
    product_embeddings = jnp.take(product_table, productId, axis=0)
    x = jnp.concatenate([user_embeddings, product_embeddings], axis=1)
    h1 = jax.nn.relu(x @ W1 + b1)
    h2 = jax.nn.relu(h1 @ W2 + b2)
    out = h2 @ W3 + b3
    return out

if __name__ == "__main__":
    import jax
    _d = setup_inputs()
    print(jax.jit(kernel)(*tuple(_d.values())))

</pallas_src>

<mosaic_0001>
#map = affine_map<(d0, d1) -> (0)>
#map1 = affine_map<(d0, d1) -> (0, 0)>
module attributes {stable_mosaic.version = 14 : i64} {
  func.func @gather(%arg0: i32, %arg1: i32, %arg2: memref<16384xi32, #tpu.memory_space<hbm>>, %arg3: memref<16384x128xi32, #tpu.memory_space<hbm>>, %arg4: memref<16384x128xi32, #tpu.memory_space<hbm>>, %arg5: memref<512xi32, #tpu.memory_space<vmem>>, %arg6: memref<512x128xi32, #tpu.memory_space<vmem>>, %arg7: memref<!tpu.dma_semaphore, #tpu.memory_space<semaphore_mem>>) attributes {dimension_semantics = [#tpu.dimension_semantics<core_parallel>, #tpu.dimension_semantics<subcore_parallel>], iteration_bounds = array<i64: 2, 16>, scalar_prefetch = 0 : i64, scratch_operands = 3 : i64, tpu.core_type = #tpu.core_type<sc_vector_subcore>, window_params = [{transform_indices = #map}, {transform_indices = #map1}, {transform_indices = #map1}]} {
    %mul3A = arith.constant 2 : i32
    %mul3A_0 = arith.muli %arg1, %mul3A : i32
    %add3A = arith.addi %mul3A_0, %arg0 : i32
    %mul3A_1 = arith.constant 512 : i32
    %mul3A_2 = arith.muli %add3A, %mul3A_1 : i32
    "tpu.region"() ({
      %run_scoped3A = tpu.sem_alloc : memref<!tpu.dma_semaphore, #tpu.memory_space<semaphore_mem>>
      %dma_start3A_404 = tpu.memref_slice %arg2[%mul3A_2] : memref<16384xi32, #tpu.memory_space<hbm>> -> memref<512xi32, #tpu.memory_space<hbm>>
      %dma_start3A_405 = tpu.memref_slice %arg2[%mul3A_2] : memref<16384xi32, #tpu.memory_space<hbm>> -> memref<512xi32, #tpu.memory_space<hbm>>
      tpu.enqueue_dma source(%dma_start3A_405 : memref<512xi32, #tpu.memory_space<hbm>>) target(%arg5 : memref<512xi32, #tpu.memory_space<vmem>>) target_semaphore(%run_scoped3A : memref<!tpu.dma_semaphore, #tpu.memory_space<semaphore_mem>>)
      %dma_wait3A_406 = tpu.memref_slice %arg2[%mul3A_2] : memref<16384xi32, #tpu.memory_space<hbm>> -> memref<512xi32, #tpu.memory_space<hbm>>
      %dma_wait3A_407 = tpu.memref_slice %arg2[%mul3A_2] : memref<16384xi32, #tpu.memory_space<hbm>> -> memref<512xi32, #tpu.memory_space<hbm>>
      tpu.wait_dma2 semaphore(%run_scoped3A : memref<!tpu.dma_semaphore, #tpu.memory_space<semaphore_mem>>) src(%dma_wait3A_407 : memref<512xi32, #tpu.memory_space<hbm>>) dst(%arg5 : memref<512xi32, #tpu.memory_space<vmem>>)
      tpu.yield
    }) : () -> ()
    %get3A = arith.constant 0 : index
    %get3A_3 = tpu.vector_load %arg5[%get3A] {strides = array<i32>} : memref<512xi32, #tpu.memory_space<vmem>>, vector<16xi32>,
    %get3A_4 = vector.shape_cast %get3A_3 : vector<16xi32> to vector<16xi32>
    %slice3A = vector.extract_strided_slice %get3A_4 {offsets = [0], sizes = [1], strides = [1]} : vector<16xi32> to vector<1xi32>
    %squeeze3A = vector.extract %slice3A[0] : i32 from vector<1xi32>
    %dma_start3A = arith.constant 0 : i32
    %dma_start3A_5 = arith.constant 0 : i32
    %dma_start3A_6 = tpu.memref_slice %arg6[%dma_start3A, %dma_start3A_5] : memref<512x128xi32, #tpu.memory_space<vmem>> -> memref<1x128xi32, #tpu.memory_space<vmem>>
    %dma_start3A_7 = arith.constant 0 : i32
    %dma_start3A_8 = tpu.memref_slice %arg3[%squeeze3A, %dma_start3A_7] : memref<16384x128xi32, #tpu.memory_space<hbm>> -> memref<1x128xi32, #tpu.memory_space<hbm>>
    %dma_start3A_9 = arith.constant 0 : i32
    %dma_start3A_10 = arith.constant 0 : i32
    %dma_start3A_11 = tpu.memref_slice %arg6[%dma_start3A_9, %dma_start3A_10] : memref<512x128xi32, #tpu.memory_space<vmem>> -> memref<1x128xi32, #tpu.memory_space<vmem>>
    %dma_start3A_12 = arith.constant 0 : i32
    %dma_start3A_13 = tpu.memref_slice %arg3[%squeeze3A, %dma_start3A_12] : memref<16384x128xi32, #tpu.memory_space<hbm>> -> memref<1x128xi32, #tpu.memory_space<hbm>>
    tpu.enqueue_dma source(%dma_start3A_13 : memref<1x128xi32, #tpu.memory_space<hbm>>) target(%dma_start3A_11 : memref<1x128xi32, #tpu.memory_space<vmem>>) target_semaphore(%arg7 : memref<!tpu.dma_semaphore, #tpu.memory_space<semaphore_mem>>)
    %slice3A_14 = vector.extract_strided_slice %get3A_4 {offsets = [1], sizes = [1], strides = [1]} : vector<16xi32> to vector<1xi32>
    %squeeze3A_15 = vector.extract %slice3A_14[0] : i32 from vector<1xi32>
    %dma_start3A_16 = arith.constant 1 : i32
    %dma_start3A_17 = arith.constant 0 : i32
    %dma_start3A_18 = tpu.memref_slice %arg6[%dma_start3A_16, %dma_start3A_17] : memref<512x128xi32, #tpu.memory_space<vmem>> -> memref<1x128xi32, #tpu.memory_space<vmem>>
    %dma_start3A_19 = arith.constant 0 : i32
    %dma_start3A_20 = tpu.memref_slice %arg3[%squeeze3A_15, %dma_start3A_19] : memref<16384x128xi32, #tpu.memory_space<hbm>> -> memref<1x128xi32, #tpu.memory_space<hbm>>
    %dma_start3A_21 = arith.constant 1 : i32
    %dma_start3A_22 = arith.constant 0 : i32
    %dma_start3A_23 = tpu.memref_slice %arg6[%dma_start3A_21, %dma_start3A_22] : memref<512x128xi32, #tpu.memory_space<vmem>> -> memref<1x128xi32, #tpu.memory_space<vmem>>
    %dma_start3A_24 = arith.constant 0 : i32
    %dma_start3A_25 = tpu.memref_slice %arg3[%squeeze3A_15, %dma_start3A_24] : memref<16384x128xi32, #tpu.memory_space<hbm>> -> memref<1x128xi32, #tpu.memory_space<hbm>>
    tpu.enqueue_dma source(%dma_start3A_25 : memref<1x128xi32, #tpu.memory_space<hbm>>) target(%dma_start3A_23 : memref<1x128xi32, #tpu.memory_space<vmem>>) target_semaphore(%arg7 : memref<!tpu.dma_semaphore, #tpu.memory_space<semaphore_mem>>)
    %slice3A_26 = vector.extract_strided_slice %get3A_4 {offsets = [2], sizes = [1], strides = [1]} : vector<16xi32> to vector<1xi32>
    %squeeze3A_27 = vector.extract %slice3A_26[0] : i32 from vector<1xi32>
    %dma_start3A_28 = arith.constant 2 : i32
    %dma_start3A_29 = arith.constant 0 : i32
    %dma_start3A_30 = tpu.memref_slice %arg6[%dma_start3A_28, %dma_start3A_29] : memref<512x128xi32, #tpu.memory_space<vmem>> -> memref<1x128xi32, #tpu.memory_space<vmem>>
    %dma_start3A_31 = arith.constant 0 : i32
    %dma_start3A_32 = tpu.memref_slice %arg3[%squeeze3A_27, %dma_start3A_31] : memref<16384x128xi32, #tpu.memory_space<hbm>> -> memref<1x128xi32, #tpu.memory_space<hbm>>
    %dma_start3A_33 = arith.constant 2 : i32
    %dma_start3A_34 = arith.constant 0 : i32
    %dma_start3A_35 = tpu.memref_slice %arg6[%dma_start3A_33, %dma_start3A_34] : memref<512x128xi32, #tpu.memory_space<vmem>> -> memref<1x128xi32, #tpu.memory_space<vmem>>
    %dma_start3A_36 = arith.constant 0 : i32
    %dma_start3A_37 = tpu.memref_slice %arg3[%squeeze3A_27, %dma_start3A_36] : memref<16384x128xi32, #tpu.memory_space<hbm>> -> memref<1x128xi32, #tpu.memory_space<hbm>>
    tpu.enqueue_dma source(%dma_start3A_37 : memref<1x128xi32, #tpu.memory_space<hbm>>) target(%dma_start3A_35 : memref<1x128xi32, #tpu.memory_space<vmem>>) target_semaphore(%arg7 : memref<!tpu.dma_semaphore, #tpu.memory_space<semaphore_mem>>)
    %slice3A_38 = vector.extract_strided_slice %get3A_4 {offsets = [3], sizes = [1], strides = [1]} : vector<16xi32> to vector<1xi32>
    %squeeze3A_39 = vector.extract %slice3A_38[0] : i32 from vector<1xi32>
    %dma_start3A_40 = arith.constant 3 : i32
    %dma_start3A_41 = arith.constant 0 : i32
    %dma_start3A_42 = tpu.memref_slice %arg6[%dma_start3A_40, %dma_start3A_41] : memref<512x128xi32, #tpu.memory_space<vmem>> -> memref<1x128xi32, #tpu.memory_space<vmem>>
    %dma_start3A_43 = arith.constant 0 : i32
    %dma_start3A_44 = tpu.memref_slice %arg3[%squeeze3A_39, %dma_start3A_43] : memref<16384x128xi32, #tpu.memory_space<hbm>> -> memref<1x128xi32, #tpu.memory_space<hbm>>
    %dma_start3A_45 = arith.constant 3 : i32
    %dma_start3A_46 = arith.constant 0 : i32
    %dma_start3A_47 = tpu.memref_slice %arg6[%dma_start3A_45, %dma_start3A_46] : memref<512x128xi32, #tpu.memory_space<vmem>> -> memref<1x128xi32, #tpu.memory_space<vmem>>
    %dma_start3A_48 = arith.constant 0 : i32
    %dma_start3A_49 = tpu.memref_slice %arg3[%squeeze3A_39, %dma_start3A_48] : memref<16384x128xi32, #tpu.memory_space<hbm>> -> memref<1x128xi32, #tpu.memory_space<hbm>>
    tpu.enqueue_dma source(%dma_start3A_49 : memref<1x128xi32, #tpu.memory_space<hbm>>) target(%dma_start3A_47 : memref<1x128xi32, #tpu.memory_space<vmem>>) target_semaphore(%arg7 : memref<!tpu.dma_semaphore, #tpu.memory_space<semaphore_mem>>)
    %slice3A_50 = vector.extract_strided_slice %get3A_4 {offsets = [4], sizes = [1], strides = [1]} : vector<16xi32> to vector<1xi32>
    %squeeze3A_51 = vector.extract %slice3A_50[0] : i32 from vector<1xi32>
    %dma_start3A_52 = arith.constant 4 : i32
    %dma_start3A_53 = arith.constant 0 : i32
    %dma_start3A_54 = tpu.memref_slice %arg6[%dma_start3A_52, %dma_start3A_53] : memref<512x128xi32, #tpu.memory_space<vmem>> -> memref<1x128xi32, #tpu.memory_space<vmem>>
    %dma_start3A_55 = arith.constant 0 : i32
    %dma_start3A_56 = tpu.memref_slice %arg3[%squeeze3A_51, %dma_start3A_55] : memref<16384x128xi32, #tpu.memory_space<hbm>> -> memref<1x128xi32, #tpu.memory_space<hbm>>
    %dma_start3A_57 = arith.constant 4 : i32
    %dma_start3A_58 = arith.constant 0 : i32
    %dma_start3A_59 = tpu.memref_slice %arg6[%dma_start3A_57, %dma_start3A_58] : memref<512x128xi32, #tpu.memory_space<vmem>> -> memref<1x128xi32, #tpu.memory_space<vmem>>
    %dma_start3A_60 = arith.constant 0 : i32
    %dma_start3A_61 = tpu.memref_slice %arg3[%squeeze3A_51, %dma_start3A_60] : memref<16384x128xi32, #tpu.memory_space<hbm>> -> memref<1x128xi32, #tpu.memory_space<hbm>>
    tpu.enqueue_dma source(%dma_start3A_61 : memref<1x128xi32, #tpu.memory_space<hbm>>) target(%dma_start3A_59 : memref<1x128xi32, #tpu.memory_space<vmem>>) target_semaphore(%arg7 : memref<!tpu.dma_semaphore, #tpu.memory_space<semaphore_mem>>)
    %slice3A_62 = vector.extract_strided_slice %get3A_4 {offsets = [5], sizes = [1], strides = [1]} : vector<16xi32> to vector<1xi32>
    %squeeze3A_63 = vector.extract %slice3A_62[0] : i32 from vector<1xi32>
    %dma_start3A_64 = arith.constant 5 : i32
    %dma_start3A_65 = arith.constant 0 : i32
    %dma_start3A_66 = tpu.memref_slice %arg6[%dma_start3A_64, %dma_start3A_65] : memref<512x128xi32, #tpu.memory_space<vmem>> -> memref<1x128xi32, #tpu.memory_space<vmem>>
    %dma_start3A_67 = arith.constant 0 : i32
    %dma_start3A_68 = tpu.memref_slice %arg3[%squeeze3A_63, %dma_start3A_67] : memref<16384x128xi32, #tpu.memory_space<hbm>> -> memref<1x128xi32, #tpu.memory_space<hbm>>
    %dma_start3A_69 = arith.constant 5 : i32
    %dma_start3A_70 = arith.constant 0 : i32
    %dma_start3A_71 = tpu.memref_slice %arg6[%dma_start3A_69, %dma_start3A_70] : memref<512x128xi32, #tpu.memory_space<vmem>> -> memref<1x128xi32, #tpu.memory_space<vmem>>
    %dma_start3A_72 = arith.constant 0 : i32
    %dma_start3A_73 = tpu.memref_slice %arg3[%squeeze3A_63, %dma_start3A_72] : memref<16384x128xi32, #tpu.memory_space<hbm>> -> memref<1x128xi32, #tpu.memory_space<hbm>>
    tpu.enqueue_dma source(%dma_start3A_73 : memref<1x128xi32, #tpu.memory_space<hbm>>) target(%dma_start3A_71 : memref<1x128xi32, #tpu.memory_space<vmem>>) target_semaphore(%arg7 : memref<!tpu.dma_semaphore, #tpu.memory_space<semaphore_mem>>)
    %slice3A_74 = vector.extract_strided_slice %get3A_4 {offsets = [6], sizes = [1], strides = [1]} : vector<16xi32> to vector<1xi32>
    %squeeze3A_75 = vector.extract %slice3A_74[0] : i32 from vector<1xi32>
    %dma_start3A_76 = arith.constant 6 : i32
    %dma_start3A_77 = arith.constant 0 : i32
    %dma_start3A_78 = tpu.memref_slice %arg6[%dma_start3A_76, %dma_start3A_77] : memref<512x128xi32, #tpu.memory_space<vmem>> -> memref<1x128xi32, #tpu.memory_space<vmem>>
    %dma_start3A_79 = arith.constant 0 : i32
    %dma_start3A_80 = tpu.memref_slice %arg3[%squeeze3A_75, %dma_start3A_79] : memref<16384x128xi32, #tpu.memory_space<hbm>> -> memref<1x128xi32, #tpu.memory_space<hbm>>
    %dma_start3A_81 = arith.constant 6 : i32
    %dma_start3A_82 = arith.constant 0 : i32
    %dma_start3A_83 = tpu.memref_slice %arg6[%dma_start3A_81, %dma_start3A_82] : memref<512x128xi32, #tpu.memory_space<vmem>> -> memref<1x128xi32, #tpu.memory_space<vmem>>
    %dma_start3A_84 = arith.constant 0 : i32
    %dma_start3A_85 = tpu.memref_slice %arg3[%squeeze3A_75, %dma_start3A_84] : memref<16384x128xi32, #tpu.memory_space<hbm>> -> memref<1x128xi32, #tpu.memory_space<hbm>>
    tpu.enqueue_dma source(%dma_start3A_85 : memref<1x128xi32, #tpu.memory_space<hbm>>) target(%dma_start3A_83 : memref<1x128xi32, #tpu.memory_space<vmem>>) target_semaphore(%arg7 : memref<!tpu.dma_semaphore, #tpu.memory_space<semaphore_mem>>)
    %slice3A_86 = vector.extract_strided_slice %get3A_4 {offsets = [7], sizes = [1], strides = [1]} : vector<16xi32> to vector<1xi32>
    %squeeze3A_87 = vector.extract %slice3A_86[0] : i32 from vector<1xi32>
    %dma_start3A_88 = arith.constant 7 : i32
    %dma_start3A_89 = arith.constant 0 : i32
    %dma_start3A_90 = tpu.memref_slice %arg6[%dma_start3A_88, %dma_start3A_89] : memref<512x128xi32, #tpu.memory_space<vmem>> -> memref<1x128xi32, #tpu.memory_space<vmem>>
    %dma_start3A_91 = arith.constant 0 : i32
    %dma_start3A_92 = tpu.memref_slice %arg3[%squeeze3A_87, %dma_start3A_91] : memref<16384x128xi32, #tpu.memory_space<hbm>> -> memref<1x128xi32, #tpu.memory_space<hbm>>
    %dma_start3A_93 = arith.constant 7 : i32
    %dma_start3A_94 = arith.constant 0 : i32
    %dma_start3A_95 = tpu.memref_slice %arg6[%dma_start3A_93, %dma_start3A_94] : memref<512x128xi32, #tpu.memory_space<vmem>> -> memref<1x128xi32, #tpu.memory_space<vmem>>
    %dma_start3A_96 = arith.constant 0 : i32
    %dma_start3A_97 = tpu.memref_slice %arg3[%squeeze3A_87, %dma_start3A_96] : memref<16384x128xi32, #tpu.memory_space<hbm>> -> memref<1x128xi32, #tpu.memory_space<hbm>>
    tpu.enqueue_dma source(%dma_start3A_97 : memref<1x128xi32, #tpu.memory_space<hbm>>) target(%dma_start3A_95 : memref<1x128xi32, #tpu.memory_space<vmem>>) target_semaphore(%arg7 : memref<!tpu.dma_semaphore, #tpu.memory_space<semaphore_mem>>)
    %slice3A_98 = vector.extract_strided_slice %get3A_4 {offsets = [8], sizes = [1], strides = [1]} : vector<16xi32> to vector<1xi32>
    %squeeze3A_99 = vector.extract %slice3A_98[0] : i32 from vector<1xi32>
    %dma_start3A_100 = arith.constant 8 : i32
    %dma_start3A_101 = arith.constant 0 : i32
    %dma_start3A_102 = tpu.memref_slice %arg6[%dma_start3A_100, %dma_start3A_101] : memref<512x128xi32, #tpu.memory_space<vmem>> -> memref<1x128xi32, #tpu.memory_space<vmem>>
    %dma_start3A_103 = arith.constant 0 : i32
    %dma_start3A_104 = tpu.memref_slice %arg3[%squeeze3A_99, %dma_start3A_103] : memref<16384x128xi32, #tpu.memory_space<hbm>> -> memref<1x128xi32, #tpu.memory_space<hbm>>
    %dma_start3A_105 = arith.constant 8 : i32
    %dma_start3A_106 = arith.constant 0 : i32
    %dma_start3A_107 = tpu.memref_slice %arg6[%dma_start3A_105, %dma_start3A_106] : memref<512x128xi32, #tpu.memory_space<vmem>> -> memref<1x128xi32, #tpu.memory_space<vmem>>
    %dma_start3A_108 = arith.constant 0 : i32
    %dma_start3A_109 = tpu.memref_slice %arg3[%squeeze3A_99, %dma_start3A_108] : memref<16384x128xi32, #tpu.memory_space<hbm>> -> memref<1x128xi32, #tpu.memory_space<hbm>>
    tpu.enqueue_dma source(%dma_start3A_109 : memref<1x128xi32, #tpu.memory_space<hbm>>) target(%dma_start3A_107 : memref<1x128xi32, #tpu.memory_space<vmem>>) target_semaphore(%arg7 : memref<!tpu.dma_semaphore, #tpu.memory_space<semaphore_mem>>)
    %slice3A_110 = vector.extract_strided_slice %get3A_4 {offsets = [9], sizes = [1], strides = [1]} : vector<16xi32> to vector<1xi32>
    %squeeze3A_111 = vector.extract %slice3A_110[0] : i32 from vector<1xi32>
    %dma_start3A_112 = arith.constant 9 : i32
    %dma_start3A_113 = arith.constant 0 : i32
    %dma_start3A_114 = tpu.memref_slice %arg6[%dma_start3A_112, %dma_start3A_113] : memref<512x128xi32, #tpu.memory_space<vmem>> -> memref<1x128xi32, #tpu.memory_space<vmem>>
    %dma_start3A_115 = arith.constant 0 : i32
    %dma_start3A_116 = tpu.memref_slice %arg3[%squeeze3A_111, %dma_start3A_115] : memref<16384x128xi32, #tpu.memory_space<hbm>> -> memref<1x128xi32, #tpu.memory_space<hbm>>
    %dma_start3A_117 = arith.constant 9 : i32
    %dma_start3A_118 = arith.constant 0 : i32
    %dma_start3A_119 = tpu.memref_slice %arg6[%dma_start3A_117, %dma_start3A_118] : memref<512x128xi32, #tpu.memory_space<vmem>> -> memref<1x128xi32, #tpu.memory_space<vmem>>
    %dma_start3A_120 = arith.constant 0 : i32
    %dma_start3A_121 = tpu.memref_slice %arg3[%squeeze3A_111, %dma_start3A_120] : memref<16384x128xi32, #tpu.memory_space<hbm>> -> memref<1x128xi32, #tpu.memory_space<hbm>>
    tpu.enqueue_dma source(%dma_start3A_121 : memref<1x128xi32, #tpu.memory_space<hbm>>) target(%dma_start3A_119 : memref<1x128xi32, #tpu.memory_space<vmem>>) target_semaphore(%arg7 : memref<!tpu.dma_semaphore, #tpu.memory_space<semaphore_mem>>)
    %slice3A_122 = vector.extract_strided_slice %get3A_4 {offsets = [10], sizes = [1], strides = [1]} : vector<16xi32> to vector<1xi32>
    %squeeze3A_123 = vector.extract %slice3A_122[0] : i32 from vector<1xi32>
    %dma_start3A_124 = arith.constant 10 : i32
    %dma_start3A_125 = arith.constant 0 : i32
    %dma_start3A_126 = tpu.memref_slice %arg6[%dma_start3A_124, %dma_start3A_125] : memref<512x128xi32, #tpu.memory_space<vmem>> -> memref<1x128xi32, #tpu.memory_space<vmem>>
    %dma_start3A_127 = arith.constant 0 : i32
    %dma_start3A_128 = tpu.memref_slice %arg3[%squeeze3A_123, %dma_start3A_127] : memref<16384x128xi32, #tpu.memory_space<hbm>> -> memref<1x128xi32, #tpu.memory_space<hbm>>
    %dma_start3A_129 = arith.constant 10 : i32
    %dma_start3A_130 = arith.constant 0 : i32
    %dma_start3A_131 = tpu.memref_slice %arg6[%dma_start3A_129, %dma_start3A_130] : memref<512x128xi32, #tpu.memory_space<vmem>> -> memref<1x128xi32, #tpu.memory_space<vmem>>
    %dma_start3A_132 = arith.constant 0 : i32
    %dma_start3A_133 = tpu.memref_slice %arg3[%squeeze3A_123, %dma_start3A_132] : memref<16384x128xi32, #tpu.memory_space<hbm>> -> memref<1x128xi32, #tpu.memory_space<hbm>>
    tpu.enqueue_dma source(%dma_start3A_133 : memref<1x128xi32, #tpu.memory_space<hbm>>) target(%dma_start3A_131 : memref<1x128xi32, #tpu.memory_space<vmem>>) target_semaphore(%arg7 : memref<!tpu.dma_semaphore, #tpu.memory_space<semaphore_mem>>)
    %slice3A_134 = vector.extract_strided_slice %get3A_4 {offsets = [11], sizes = [1], strides = [1]} : vector<16xi32> to vector<1xi32>
    %squeeze3A_135 = vector.extract %slice3A_134[0] : i32 from vector<1xi32>
    %dma_start3A_136 = arith.constant 11 : i32
    %dma_start3A_137 = arith.constant 0 : i32
    %dma_start3A_138 = tpu.memref_slice %arg6[%dma_start3A_136, %dma_start3A_137] : memref<512x128xi32, #tpu.memory_space<vmem>> -> memref<1x128xi32, #tpu.memory_space<vmem>>
    %dma_start3A_139 = arith.constant 0 : i32
    %dma_start3A_140 = tpu.memref_slice %arg3[%squeeze3A_135, %dma_start3A_139] : memref<16384x128xi32, #tpu.memory_space<hbm>> -> memref<1x128xi32, #tpu.memory_space<hbm>>
    %dma_start3A_141 = arith.constant 11 : i32
    %dma_start3A_142 = arith.constant 0 : i32
    %dma_start3A_143 = tpu.memref_slice %arg6[%dma_start3A_141, %dma_start3A_142] : memref<512x128xi32, #tpu.memory_space<vmem>> -> memref<1x128xi32, #tpu.memory_space<vmem>>
    %dma_start3A_144 = arith.constant 0 : i32
    %dma_start3A_145 = tpu.memref_slice %arg3[%squeeze3A_135, %dma_start3A_144] : memref<16384x128xi32, #tpu.memory_space<hbm>> -> memref<1x128xi32, #tpu.memory_space<hbm>>
    tpu.enqueue_dma source(%dma_start3A_145 : memref<1x128xi32, #tpu.memory_space<hbm>>) target(%dma_start3A_143 : memref<1x128xi32, #tpu.memory_space<vmem>>) target_semaphore(%arg7 : memref<!tpu.dma_semaphore, #tpu.memory_space<semaphore_mem>>)
    %slice3A_146 = vector.extract_strided_slice %get3A_4 {offsets = [12], sizes = [1], strides = [1]} : vector<16xi32> to vector<1xi32>
    %squeeze3A_147 = vector.extract %slice3A_146[0] : i32 from vector<1xi32>
    %dma_start3A_148 = arith.constant 12 : i32
    %dma_start3A_149 = arith.constant 0 : i32
    %dma_start3A_150 = tpu.memref_slice %arg6[%dma_start3A_148, %dma_start3A_149] : memref<512x128xi32, #tpu.memory_space<vmem>> -> memref<1x128xi32, #tpu.memory_space<vmem>>
    %dma_start3A_151 = arith.constant 0 : i32
    %dma_start3A_152 = tpu.memref_slice %arg3[%squeeze3A_147, %dma_start3A_151] : memref<16384x128xi32, #tpu.memory_space<hbm>> -> memref<1x128xi32, #tpu.memory_space<hbm>>
    %dma_start3A_153 = arith.constant 12 : i32
    %dma_start3A_154 = arith.constant 0 : i32
    %dma_start3A_155 = tpu.memref_slice %arg6[%dma_start3A_153, %dma_start3A_154] : memref<512x128xi32, #tpu.memory_space<vmem>> -> memref<1x128xi32, #tpu.memory_space<vmem>>
    %dma_start3A_156 = arith.constant 0 : i32
    %dma_start3A_157 = tpu.memref_slice %arg3[%squeeze3A_147, %dma_start3A_156] : memref<16384x128xi32, #tpu.memory_space<hbm>> -> memref<1x128xi32, #tpu.memory_space<hbm>>
    tpu.enqueue_dma source(%dma_start3A_157 : memref<1x128xi32, #tpu.memory_space<hbm>>) target(%dma_start3A_155 : memref<1x128xi32, #tpu.memory_space<vmem>>) target_semaphore(%arg7 : memref<!tpu.dma_semaphore, #tpu.memory_space<semaphore_mem>>)
    %slice3A_158 = vector.extract_strided_slice %get3A_4 {offsets = [13], sizes = [1], strides = [1]} : vector<16xi32> to vector<1xi32>
    %squeeze3A_159 = vector.extract %slice3A_158[0] : i32 from vector<1xi32>
    %dma_start3A_160 = arith.constant 13 : i32
    %dma_start3A_161 = arith.constant 0 : i32
    %dma_start3A_162 = tpu.memref_slice %arg6[%dma_start3A_160, %dma_start3A_161] : memref<512x128xi32, #tpu.memory_space<vmem>> -> memref<1x128xi32, #tpu.memory_space<vmem>>
    %dma_start3A_163 = arith.constant 0 : i32
    %dma_start3A_164 = tpu.memref_slice %arg3[%squeeze3A_159, %dma_start3A_163] : memref<16384x128xi32, #tpu.memory_space<hbm>> -> memref<1x128xi32, #tpu.memory_space<hbm>>
    %dma_start3A_165 = arith.constant 13 : i32
    %dma_start3A_166 = arith.constant 0 : i32
    %dma_start3A_167 = tpu.memref_slice %arg6[%dma_start3A_165, %dma_start3A_166] : memref<512x128xi32, #tpu.memory_space<vmem>> -> memref<1x128xi32, #tpu.memory_space<vmem>>
    %dma_start3A_168 = arith.constant 0 : i32
    %dma_start3A_169 = tpu.memref_slice %arg3[%squeeze3A_159, %dma_start3A_168] : memref<16384x128xi32, #tpu.memory_space<hbm>> -> memref<1x128xi32, #tpu.memory_space<hbm>>
    tpu.enqueue_dma source(%dma_start3A_169 : memref<1x128xi32, #tpu.memory_space<hbm>>) target(%dma_start3A_167 : memref<1x128xi32, #tpu.memory_space<vmem>>) target_semaphore(%arg7 : memref<!tpu.dma_semaphore, #tpu.memory_space<semaphore_mem>>)
    %slice3A_170 = vector.extract_strided_slice %get3A_4 {offsets = [14], sizes = [1], strides = [1]} : vector<16xi32> to vector<1xi32>
    %squeeze3A_171 = vector.extract %slice3A_170[0] : i32 from vector<1xi32>
    %dma_start3A_172 = arith.constant 14 : i32
    %dma_start3A_173 = arith.constant 0 : i32
    %dma_start3A_174 = tpu.memref_slice %arg6[%dma_start3A_172, %dma_start3A_173] : memref<512x128xi32, #tpu.memory_space<vmem>> -> memref<1x128xi32, #tpu.memory_space<vmem>>
    %dma_start3A_175 = arith.constant 0 : i32
    %dma_start3A_176 = tpu.memref_slice %arg3[%squeeze3A_171, %dma_start3A_175] : memref<16384x128xi32, #tpu.memory_space<hbm>> -> memref<1x128xi32, #tpu.memory_space<hbm>>
    %dma_start3A_177 = arith.constant 14 : i32
    %dma_start3A_178 = arith.constant 0 : i32
    %dma_start3A_179 = tpu.memref_slice %arg6[%dma_start3A_177, %dma_start3A_178] : memref<512x128xi32, #tpu.memory_space<vmem>> -> memref<1x128xi32, #tpu.memory_space<vmem>>
    %dma_start3A_180 = arith.constant 0 : i32
    %dma_start3A_181 = tpu.memref_slice %arg3[%squeeze3A_171, %dma_start3A_180] : memref<16384x128xi32, #tpu.memory_space<hbm>> -> memref<1x128xi32, #tpu.memory_space<hbm>>
    tpu.enqueue_dma source(%dma_start3A_181 : memref<1x128xi32, #tpu.memory_space<hbm>>) target(%dma_start3A_179 : memref<1x128xi32, #tpu.memory_space<vmem>>) target_semaphore(%arg7 : memref<!tpu.dma_semaphore, #tpu.memory_space<semaphore_mem>>)
    %slice3A_182 = vector.extract_strided_slice %get3A_4 {offsets = [15], sizes = [1], strides = [1]} : vector<16xi32> to vector<1xi32>
    %squeeze3A_183 = vector.extract %slice3A_182[0] : i32 from vector<1xi32>
    %dma_start3A_184 = arith.constant 15 : i32
    %dma_start3A_185 = arith.constant 0 : i32
    %dma_start3A_186 = tpu.memref_slice %arg6[%dma_start3A_184, %dma_start3A_185] : memref<512x128xi32, #tpu.memory_space<vmem>> -> memref<1x128xi32, #tpu.memory_space<vmem>>
    %dma_start3A_187 = arith.constant 0 : i32
    %dma_start3A_188 = tpu.memref_slice %arg3[%squeeze3A_183, %dma_start3A_187] : memref<16384x128xi32, #tpu.memory_space<hbm>> -> memref<1x128xi32, #tpu.memory_space<hbm>>
    %dma_start3A_189 = arith.constant 15 : i32
    %dma_start3A_190 = arith.constant 0 : i32
    %dma_start3A_191 = tpu.memref_slice %arg6[%dma_start3A_189, %dma_start3A_190] : memref<512x128xi32, #tpu.memory_space<vmem>> -> memref<1x128xi32, #tpu.memory_space<vmem>>
    %dma_start3A_192 = arith.constant 0 : i32
    %dma_start3A_193 = tpu.memref_slice %arg3[%squeeze3A_183, %dma_start3A_192] : memref<16384x128xi32, #tpu.memory_space<hbm>> -> memref<1x128xi32, #tpu.memory_space<hbm>>
    tpu.enqueue_dma source(%dma_start3A_193 : memref<1x128xi32, #tpu.memory_space<hbm>>) target(%dma_start3A_191 : memref<1x128xi32, #tpu.memory_space<vmem>>) target_semaphore(%arg7 : memref<!tpu.dma_semaphore, #tpu.memory_space<semaphore_mem>>)
    %get3A_194 = arith.constant 16 : index
    %get3A_195 = tpu.vector_load %arg5[%get3A_194] {strides = array<i32>} : memref<512xi32, #tpu.memory_space<vmem>>, vector<16xi32>,
    %get3A_196 = vector.shape_cast %get3A_195 : vector<16xi32> to vector<16xi32>
    %slice3A_197 = vector.extract_strided_slice %get3A_196 {offsets = [0], sizes = [1], strides = [1]} : vector<16xi32> to vector<1xi32>
    %squeeze3A_198 = vector.extract %slice3A_197[0] : i32 from vector<1xi32>
    %dma_start3A_199 = arith.constant 16 : i32
    %dma_start3A_200 = arith.constant 0 : i32
    %dma_start3A_201 = tpu.memref_slice %arg6[%dma_start3A_199, %dma_start3A_200] : memref<512x128xi32, #tpu.memory_space<vmem>> -> memref<1x128xi32, #tpu.memory_space<vmem>>
    %dma_start3A_202 = arith.constant 0 : i32
    %dma_start3A_203 = tpu.memref_slice %arg3[%squeeze3A_198, %dma_start3A_202] : memref<16384x128xi32, #tpu.memory_space<hbm>> -> memref<1x128xi32, #tpu.memory_space<hbm>>
    %dma_start3A_204 = arith.constant 16 : i32
    %dma_start3A_205 = arith.constant 0 : i32
    %dma_start3A_206 = tpu.memref_slice %arg6[%dma_start3A_204, %dma_start3A_205] : memref<512x128xi32, #tpu.memory_space<vmem>> -> memref<1x128xi32, #tpu.memory_space<vmem>>
    %dma_start3A_207 = arith.constant 0 : i32
    %dma_start3A_208 = tpu.memref_slice %arg3[%squeeze3A_198, %dma_start3A_207] : memref<16384x128xi32, #tpu.memory_space<hbm>> -> memref<1x128xi32, #tpu.memory_space<hbm>>
    tpu.enqueue_dma source(%dma_start3A_208 : memref<1x128xi32, #tpu.memory_space<hbm>>) target(%dma_start3A_206 : memref<1x128xi32, #tpu.memory_space<vmem>>) target_semaphore(%arg7 : memref<!tpu.dma_semaphore, #tpu.memory_space<semaphore_mem>>)
    %slice3A_209 = vector.extract_strided_slice %get3A_196 {offsets = [1], sizes = [1], strides = [1]} : vector<16xi32> to vector<1xi32>
    %squeeze3A_210 = vector.extract %slice3A_209[0] : i32 from vector<1xi32>
    %dma_start3A_211 = arith.constant 17 : i32
    %dma_start3A_212 = arith.constant 0 : i32
    %dma_start3A_213 = tpu.memref_slice %arg6[%dma_start3A_211, %dma_start3A_212] : memref<512x128xi32, #tpu.memory_space<vmem>> -> memref<1x128xi32, #tpu.memory_space<vmem>>
    %dma_start3A_214 = arith.constant 0 : i32
    %dma_start3A_215 = tpu.memref_slice %arg3[%squeeze3A_210, %dma_start3A_214] : memref<16384x128xi32, #tpu.memory_space<hbm>> -> memref<1x128xi32, #tpu.memory_space<hbm>>
    %dma_start3A_216 = arith.constant 17 : i32
    %dma_start3A_217 = arith.constant 0 : i32
    %dma_start3A_218 = tpu.memref_slice %arg6[%dma_start3A_216, %dma_start3A_217] : memref<512x128xi32, #tpu.memory_space<vmem>> -> memref<1x128xi32, #tpu.memory_space<vmem>>
    %dma_start3A_219 = arith.constant 0 : i32
    %dma_start3A_220 = tpu.memref_slice %arg3[%squeeze3A_210, %dma_start3A_219] : memref<16384x128xi32, #tpu.memory_space<hbm>> -> memref<1x128xi32, #tpu.memory_space<hbm>>
    tpu.enqueue_dma source(%dma_start3A_220 : memref<1x128xi32, #tpu.memory_space<hbm>>) target(%dma_start3A_218 : memref<1x128xi32, #tpu.memory_space<vmem>>) target_semaphore(%arg7 : memref<!tpu.dma_semaphore, #tpu.memory_space<semaphore_mem>>)
    %slice3A_221 = vector.extract_strided_slice %get3A_196 {offsets = [2], sizes = [1], strides = [1]} : vector<16xi32> to vector<1xi32>
    %squeeze3A_222 = vector.extract %slice3A_221[0] : i32 from vector<1xi32>
    %dma_start3A_223 = arith.constant 18 : i32
    %dma_start3A_224 = arith.constant 0 : i32
    %dma_start3A_225 = tpu.memref_slice %arg6[%dma_start3A_223, %dma_start3A_224] : memref<512x128xi32, #tpu.memory_space<vmem>> -> memref<1x128xi32, #tpu.memory_space<vmem>>
    %dma_start3A_226 = arith.constant 0 : i32
    %dma_start3A_227 = tpu.memref_slice %arg3[%squeeze3A_222, %dma_start3A_226] : memref<16384x128xi32, #tpu.memory_space<hbm>> -> memref<1x128xi32, #tpu.memory_space<hbm>>
    %dma_start3A_228 = arith.constant 18 : i32
    %dma_start3A_229 = arith.constant 0 : i32
    %dma_start3A_230 = tpu.memref_slice %arg6[%dma_start3A_228, %dma_start3A_229] : memref<512x128xi32, #tpu.memory_space<vmem>> -> memref<1x128xi32, #tpu.memory_space<vmem>>
    %dma_start3A_231 = arith.constant 0 : i32
    %dma_start3A_232 = tpu.memref_slice %arg3[%squeeze3A_222, %dma_start3A_231] : memref<16384x128xi32, #tpu.memory_space<hbm>> -> memref<1x128xi32, #tpu.memory_space<hbm>>
    tpu.enqueue_dma source(%dma_start3A_232 : memref<1x128xi32, #tpu.memory_space<hbm>>) target(%dma_start3A_230 : memref<1x128xi32, #tpu.memory_space<vmem>>) target_semaphore(%arg7 : memref<!tpu.dma_semaphore, #tpu.memory_space<semaphore_mem>>)
    %slice3A_233 = vector.extract_strided_slice %get3A_196 {offsets = [3], sizes = [1], strides = [1]} : vector<16xi32> to vector<1xi32>
    %squeeze3A_234 = vector.extract %slice3A_233[0] : i32 from vector<1xi32>
    %dma_start3A_235 = arith.constant 19 : i32
    %dma_start3A_236 = arith.constant 0 : i32
    %dma_start3A_237 = tpu.memref_slice %arg6[%dma_start3A_235, %dma_start3A_236] : memref<512x128xi32, #tpu.memory_space<vmem>> -> memref<1x128xi32, #tpu.memory_space<vmem>>
    %dma_start3A_238 = arith.constant 0 : i32
    %dma_start3A_239 = tpu.memref_slice %arg3[%squeeze3A_234, %dma_start3A_238] : memref<16384x128xi32, #tpu.memory_space<hbm>> -> memref<1x128xi32, #tpu.memory_space<hbm>>
    %dma_start3A_240 = arith.constant 19 : i32
    %dma_start3A_241 = arith.constant 0 : i32
    %dma_start3A_242 = tpu.memref_slice %arg6[%dma_start3A_240, %dma_start3A_241] : memref<512x128xi32, #tpu.memory_space<vmem>> -> memref<1x128xi32, #tpu.memory_space<vmem>>
    %dma_start3A_243 = arith.constant 0 : i32
    %dma_start3A_244 = tpu.memref_slice %arg3[%squeeze3A_234, %dma_start3A_243] : memref<16384x128xi32, #tpu.memory_space<hbm>> -> memref<1x128xi32, #tpu.memory_space<hbm>>
    tpu.enqueue_dma source(%dma_start3A_244 : memref<1x128xi32, #tpu.memory_space<hbm>>) target(%dma_start3A_242 : memref<1x128xi32, #tpu.memory_space<vmem>>) target_semaphore(%arg7 : memref<!tpu.dma_semaphore, #tpu.memory_space<semaphore_mem>>)
    %slice3A_245 = vector.extract_strided_slice %get3A_196 {offsets = [4], sizes = [1], strides = [1]} : vector<16xi32> to vector<1xi32>
    %squeeze3A_246 = vector.extract %slice3A_245[0] : i32 from vector<1xi32>
    %dma_start3A_247 = arith.constant 20 : i32
    %dma_start3A_248 = arith.constant 0 : i32
    %dma_start3A_249 = tpu.memref_slice %arg6[%dma_start3A_247, %dma_start3A_248] : memref<512x128xi32, #tpu.memory_space<vmem>> -> memref<1x128xi32, #tpu.memory_space<vmem>>
    %dma_start3A_250 = arith.constant 0 : i32
    %dma_start3A_251 = tpu.memref_slice %arg3[%squeeze3A_246, %dma_start3A_250] : memref<16384x128xi32, #tpu.memory_space<hbm>> -> memref<1x128xi32, #tpu.memory_space<hbm>>
    %dma_start3A_252 = arith.constant 20 : i32
    %dma_start3A_253 = arith.constant 0 : i32
    %dma_start3A_254 = tpu.memref_slice %arg6[%dma_start3A_252, %dma_start3A_253] : memref<512x128xi32, #tpu.memory_space<vmem>> -> memref<1x128xi32, #tpu.memory_space<vmem>>
    %dma_start3A_255 = arith.constant 0 : i32
    %dma_start3A_256 = tpu.memref_slice %arg3[%squeeze3A_246, %dma_start3A_255] : memref<16384x128xi32, #tpu.memory_space<hbm>> -> memref<1x128xi32, #tpu.memory_space<hbm>>
    tpu.enqueue_dma source(%dma_start3A_256 : memref<1x128xi32, #tpu.memory_space<hbm>>) target(%dma_start3A_254 : memref<1x128xi32, #tpu.memory_space<vmem>>) target_semaphore(%arg7 : memref<!tpu.dma_semaphore, #tpu.memory_space<semaphore_mem>>)
    %slice3A_257 = vector.extract_strided_slice %get3A_196 {offsets = [5], sizes = [1], strides = [1]} : vector<16xi32> to vector<1xi32>
    %squeeze3A_258 = vector.extract %slice3A_257[0] : i32 from vector<1xi32>
    %dma_start3A_259 = arith.constant 21 : i32
    %dma_start3A_260 = arith.constant 0 : i32
    %dma_start3A_261 = tpu.memref_slice %arg6[%dma_start3A_259, %dma_start3A_260] : memref<512x128xi32, #tpu.memory_space<vmem>> -> memref<1x128xi32, #tpu.memory_space<vmem>>
    %dma_start3A_262 = arith.constant 0 : i32
    %dma_start3A_263 = tpu.memref_slice %arg3[%squeeze3A_258, %dma_start3A_262] : memref<16384x128xi32, #tpu.memory_space<hbm>> -> memref<1x128xi32, #tpu.memory_space<hbm>>
    %dma_start3A_264 = arith.constant 21 : i32
    %dma_start3A_265 = arith.constant 0 : i32
    %dma_start3A_266 = tpu.memref_slice %arg6[%dma_start3A_264, %dma_start3A_265] : memref<512x128xi32, #tpu.memory_space<vmem>> -> memref<1x128xi32, #tpu.memory_space<vmem>>
    %dma_start3A_267 = arith.constant 0 : i32
    %dma_start3A_268 = tpu.memref_slice %arg3[%squeeze3A_258, %dma_start3A_267] : memref<16384x128xi32, #tpu.memory_space<hbm>> -> memref<1x128xi32, #tpu.memory_space<hbm>>
    tpu.enqueue_dma source(%dma_start3A_268 : memref<1x128xi32, #tpu.memory_space<hbm>>) target(%dma_start3A_266 : memref<1x128xi32, #tpu.memory_space<vmem>>) target_semaphore(%arg7 : memref<!tpu.dma_semaphore, #tpu.memory_space<semaphore_mem>>)
    %slice3A_269 = vector.extract_strided_slice %get3A_196 {offsets = [6], sizes = [1], strides = [1]} : vector<16xi32> to vector<1xi32>
    %squeeze3A_270 = vector.extract %slice3A_269[0] : i32 from vector<1xi32>
    %dma_start3A_271 = arith.constant 22 : i32
    %dma_start3A_272 = arith.constant 0 : i32
    %dma_start3A_273 = tpu.memref_slice %arg6[%dma_start3A_271, %dma_start3A_272] : memref<512x128xi32, #tpu.memory_space<vmem>> -> memref<1x128xi32, #tpu.memory_space<vmem>>
    %dma_start3A_274 = arith.constant 0 : i32
    %dma_start3A_275 = tpu.memref_slice %arg3[%squeeze3A_270, %dma_start3A_274] : memref<16384x128xi32, #tpu.memory_space<hbm>> -> memref<1x128xi32, #tpu.memory_space<hbm>>
    %dma_start3A_276 = arith.constant 22 : i32
    %dma_start3A_277 = arith.constant 0 : i32
    %dma_start3A_278 = tpu.memref_slice %arg6[%dma_start3A_276, %dma_start3A_277] : memref<512x128xi32, #tpu.memory_space<vmem>> -> memref<1x128xi32, #tpu.memory_space<vmem>>
    %dma_start3A_279 = arith.constant 0 : i32
    %dma_start3A_280 = tpu.memref_slice %arg3[%squeeze3A_270, %dma_start3A_279] : memref<16384x128xi32, #tpu.memory_space<hbm>> -> memref<1x128xi32, #tpu.memory_space<hbm>>
    tpu.enqueue_dma source(%dma_start3A_280 : memref<1x128xi32, #tpu.memory_space<hbm>>) target(%dma_start3A_278 : memref<1x128xi32, #tpu.memory_space<vmem>>) target_semaphore(%arg7 : memref<!tpu.dma_semaphore, #tpu.memory_space<semaphore_mem>>)
    %slice3A_281 = vector.extract_strided_slice %get3A_196 {offsets = [7], sizes = [1], strides = [1]} : vector<16xi32> to vector<1xi32>
    %squeeze3A_282 = vector.extract %slice3A_281[0] : i32 from vector<1xi32>
    %dma_start3A_283 = arith.constant 23 : i32
    %dma_start3A_284 = arith.constant 0 : i32
    %dma_start3A_285 = tpu.memref_slice %arg6[%dma_start3A_283, %dma_start3A_284] : memref<512x128xi32, #tpu.memory_space<vmem>> -> memref<1x128xi32, #tpu.memory_space<vmem>>
    %dma_start3A_286 = arith.constant 0 : i32
    %dma_start3A_287 = tpu.memref_slice %arg3[%squeeze3A_282, %dma_start3A_286] : memref<16384x128xi32, #tpu.memory_space<hbm>> -> memref<1x128xi32, #tpu.memory_space<hbm>>
    %dma_start3A_288 = arith.constant 23 : i32
    %dma_start3A_289 = arith.constant 0 : i32
    %dma_start3A_290 = tpu.memref_slice %arg6[%dma_start3A_288, %dma_start3A_289] : memref<512x128xi32, #tpu.memory_space<vmem>> -> memref<1x128xi32, #tpu.memory_space<vmem>>
    %dma_start3A_291 = arith.constant 0 : i32
    %dma_start3A_292 = tpu.memref_slice %arg3[%squeeze3A_282, %dma_start3A_291] : memref<16384x128xi32, #tpu.memory_space<hbm>> -> memref<1x128xi32, #tpu.memory_space<hbm>>
    tpu.enqueue_dma source(%dma_start3A_292 : memref<1x128xi32, #tpu.memory_space<hbm>>) target(%dma_start3A_290 : memref<1x128xi32, #tpu.memory_space<vmem>>) target_semaphore(%arg7 : memref<!tpu.dma_semaphore, #tpu.memory_space<semaphore_mem>>)
    %slice3A_293 = vector.extract_strided_slice %get3A_196 {offsets = [8], sizes = [1], strides = [1]} : vector<16xi32> to vector<1xi32>
    %squeeze3A_294 = vector.extract %slice3A_293[0] : i32 from vector<1xi32>
    %dma_start3A_295 = arith.constant 24 : i32
    %dma_start3A_296 = arith.constant 0 : i32
    %dma_start3A_297 = tpu.memref_slice %arg6[%dma_start3A_295, %dma_start3A_296] : memref<512x128xi32, #tpu.memory_space<vmem>> -> memref<1x128xi32, #tpu.memory_space<vmem>>
    %dma_start3A_298 = arith.constant 0 : i32
    %dma_start3A_299 = tpu.memref_slice %arg3[%squeeze3A_294, %dma_start3A_298] : memref<16384x128xi32, #tpu.memory_space<hbm>> -> memref<1x128xi32, #tpu.memory_space<hbm>>
    %dma_start3A_300 = arith.constant 24 : i32
    %dma_start3A_301 = arith.constant 0 : i32
    %dma_start3A_302 = tpu.memref_slice %arg6[%dma_start3A_300, %dma_start3A_301] : memref<512x128xi32, #tpu.memory_space<vmem>> -> memref<1x128xi32, #tpu.memory_space<vmem>>
    %dma_start3A_303 = arith.constant 0 : i32
    %dma_start3A_304 = tpu.memref_slice %arg3[%squeeze3A_294, %dma_start3A_303] : memref<16384x128xi32, #tpu.memory_space<hbm>> -> memref<1x128xi32, #tpu.memory_space<hbm>>
    tpu.enqueue_dma source(%dma_start3A_304 : memref<1x128xi32, #tpu.memory_space<hbm>>) target(%dma_start3A_302 : memref<1x128xi32, #tpu.memory_space<vmem>>) target_semaphore(%arg7 : memref<!tpu.dma_semaphore, #tpu.memory_space<semaphore_mem>>)
    %slice3A_305 = vector.extract_strided_slice %get3A_196 {offsets = [9], sizes = [1], strides = [1]} : vector<16xi32> to vector<1xi32>
    %squeeze3A_306 = vector.extract %slice3A_305[0] : i32 from vector<1xi32>
    %dma_start3A_307 = arith.constant 25 : i32
    %dma_start3A_308 = arith.constant 0 : i32
    %dma_start3A_309 = tpu.memref_slice %arg6[%dma_start3A_307, %dma_start3A_308] : memref<512x128xi32, #tpu.memory_space<vmem>> -> memref<1x128xi32, #tpu.memory_space<vmem>>
    %dma_start3A_310 = arith.constant 0 : i32
    %dma_start3A_311 = tpu.memref_slice %arg3[%squeeze3A_306, %dma_start3A_310] : memref<16384x128xi32, #tpu.memory_space<hbm>> -> memref<1x128xi32, #tpu.memory_space<hbm>>
    %dma_start3A_312 = arith.constant 25 : i32
    %dma_start3A_313 = arith.constant 0 : i32
    %dma_start3A_314 = tpu.memref_slice %arg6[%dma_start3A_312, %dma_start3A_313] : memref<512x128xi32, #tpu.memory_space<vmem>> -> memref<1x128xi32, #tpu.memory_space<vmem>>
    %dma_start3A_315 = arith.constant 0 : i32
    %dma_start3A_316 = tpu.memref_slice %arg3[%squeeze3A_306, %dma_start3A_315] : memref<16384x128xi32, #tpu.memory_space<hbm>> -> memref<1x128xi32, #tpu.memory_space<hbm>>
    tpu.enqueue_dma source(%dma_start3A_316 : memref<1x128xi32, #tpu.memory_space<hbm>>) target(%dma_start3A_314 : memref<1x128xi32, #tpu.memory_space<vmem>>) target_semaphore(%arg7 : memref<!tpu.dma_semaphore, #tpu.memory_space<semaphore_mem>>)
    %slice3A_317 = vector.extract_strided_slice %get3A_196 {offsets = [10], sizes = [1], strides = [1]} : vector<16xi32> to vector<1xi32>
    %squeeze3A_318 = vector.extract %slice3A_317[0] : i32 from vector<1xi32>
    %dma_start3A_319 = arith.constant 26 : i32
    %dma_start3A_320 = arith.constant 0 : i32
    %dma_start3A_321 = tpu.memref_slice %arg6[%dma_start3A_319, %dma_start3A_320] : memref<512x128xi32, #tpu.memory_space<vmem>> -> memref<1x128xi32, #tpu.memory_space<vmem>>
    %dma_start3A_322 = arith.constant 0 : i32
    %dma_start3A_323 = tpu.memref_slice %arg3[%squeeze3A_318, %dma_start3A_322] : memref<16384x128xi32, #tpu.memory_space<hbm>> -> memref<1x128xi32, #tpu.memory_space<hbm>>
    %dma_start3A_324 = arith.constant 26 : i32
    %dma_start3A_325 = arith.constant 0 : i32
    %dma_start3A_326 = tpu.memref_slice %arg6[%dma_start3A_324, %dma_start3A_325] : memref<512x128xi32, #tpu.memory_space<vmem>> -> memref<1x128xi32, #tpu.memory_space<vmem>>
    %dma_start3A_327 = arith.constant 0 : i32
    %dma_start3A_328 = tpu.memref_slice %arg3[%squeeze3A_318, %dma_start3A_327] : memref<16384x128xi32, #tpu.memory_space<hbm>> -> memref<1x128xi32, #tpu.memory_space<hbm>>
    tpu.enqueue_dma source(%dma_start3A_328 : memref<1x128xi32, #tpu.memory_space<hbm>>) target(%dma_start3A_326 : memref<1x128xi32, #tpu.memory_space<vmem>>) target_semaphore(%arg7 : memref<!tpu.dma_semaphore, #tpu.memory_space<semaphore_mem>>)
    %slice3A_329 = vector.extract_strided_slice %get3A_196 {offsets = [11], sizes = [1], strides = [1]} : vector<16xi32> to vector<1xi32>
    %squeeze3A_330 = vector.extract %slice3A_329[0] : i32 from vector<1xi32>
    %dma_start3A_331 = arith.constant 27 : i32
    %dma_start3A_332 = arith.constant 0 : i32
    %dma_start3A_333 = tpu.memref_slice %arg6[%dma_start3A_331, %dma_start3A_332] : memref<512x128xi32, #tpu.memory_space<vmem>> -> memref<1x128xi32, #tpu.memory_space<vmem>>
    %dma_start3A_334 = arith.constant 0 : i32
    %dma_start3A_335 = tpu.memref_slice %arg3[%squeeze3A_330, %dma_start3A_334] : memref<16384x128xi32, #tpu.memory_space<hbm>> -> memref<1x128xi32, #tpu.memory_space<hbm>>
    %dma_start3A_336 = arith.constant 27 : i32
    %dma_start3A_337 = arith.constant 0 : i32
    %dma_start3A_338 = tpu.memref_slice %arg6[%dma_start3A_336, %dma_start3A_337] : memref<512x128xi32, #tpu.memory_space<vmem>> -> memref<1x128xi32, #tpu.memory_space<vmem>>
    %dma_start3A_339 = arith.constant 0 : i32
    %dma_start3A_340 = tpu.memref_slice %arg3[%squeeze3A_330, %dma_start3A_339] : memref<16384x128xi32, #tpu.memory_space<hbm>> -> memref<1x128xi32, #tpu.memory_space<hbm>>
    tpu.enqueue_dma source(%dma_start3A_340 : memref<1x128xi32, #tpu.memory_space<hbm>>) target(%dma_start3A_338 : memref<1x128xi32, #tpu.memory_space<vmem>>) target_semaphore(%arg7 : memref<!tpu.dma_semaphore, #tpu.memory_space<semaphore_mem>>)
    %slice3A_341 = vector.extract_strided_slice %get3A_196 {offsets = [12], sizes = [1], strides = [1]} : vector<16xi32> to vector<1xi32>
    %squeeze3A_342 = vector.extract %slice3A_341[0] : i32 from vector<1xi32>
    %dma_start3A_343 = arith.constant 28 : i32
    %dma_start3A_344 = arith.constant 0 : i32
    %dma_start3A_345 = tpu.memref_slice %arg6[%dma_start3A_343, %dma_start3A_344] : memref<512x128xi32, #tpu.memory_space<vmem>> -> memref<1x128xi32, #tpu.memory_space<vmem>>
    %dma_start3A_346 = arith.constant 0 : i32
    %dma_start3A_347 = tpu.memref_slice %arg3[%squeeze3A_342, %dma_start3A_346] : memref<16384x128xi32, #tpu.memory_space<hbm>> -> memref<1x128xi32, #tpu.memory_space<hbm>>
    %dma_start3A_348 = arith.constant 28 : i32
    %dma_start3A_349 = arith.constant 0 : i32
    %dma_start3A_350 = tpu.memref_slice %arg6[%dma_start3A_348, %dma_start3A_349] : memref<512x128xi32, #tpu.memory_space<vmem>> -> memref<1x128xi32, #tpu.memory_space<vmem>>
    %dma_start3A_351 = arith.constant 0 : i32
    %dma_start3A_352 = tpu.memref_slice %arg3[%squeeze3A_342, %dma_start3A_351] : memref<16384x128xi32, #tpu.memory_space<hbm>> -> memref<1x128xi32, #tpu.memory_space<hbm>>
    tpu.enqueue_dma source(%dma_start3A_352 : memref<1x128xi32, #tpu.memory_space<hbm>>) target(%dma_start3A_350 : memref<1x128xi32, #tpu.memory_space<vmem>>) target_semaphore(%arg7 : memref<!tpu.dma_semaphore, #tpu.memory_space<semaphore_mem>>)
    %slice3A_353 = vector.extract_strided_slice %get3A_196 {offsets = [13], sizes = [1], strides = [1]} : vector<16xi32> to vector<1xi32>
    %squeeze3A_354 = vector.extract %slice3A_353[0] : i32 from vector<1xi32>
    %dma_start3A_355 = arith.constant 29 : i32
    %dma_start3A_356 = arith.constant 0 : i32
    %dma_start3A_357 = tpu.memref_slice %arg6[%dma_start3A_355, %dma_start3A_356] : memref<512x128xi32, #tpu.memory_space<vmem>> -> memref<1x128xi32, #tpu.memory_space<vmem>>
    %dma_start3A_358 = arith.constant 0 : i32
    %dma_start3A_359 = tpu.memref_slice %arg3[%squeeze3A_354, %dma_start3A_358] : memref<16384x128xi32, #tpu.memory_space<hbm>> -> memref<1x128xi32, #tpu.memory_space<hbm>>
    %dma_start3A_360 = arith.constant 29 : i32
    %dma_start3A_361 = arith.constant 0 : i32
    %dma_start3A_362 = tpu.memref_slice %arg6[%dma_start3A_360, %dma_start3A_361] : memref<512x128xi32, #tpu.memory_space<vmem>> -> memref<1x128xi32, #tpu.memory_space<vmem>>
    %dma_start3A_363 = arith.constant 0 : i32
    %dma_start3A_364 = tpu.memref_slice %arg3[%squeeze3A_354, %dma_start3A_363] : memref<16384x128xi32, #tpu.memory_space<hbm>> -> memref<1x128xi32, #tpu.memory_space<hbm>>
    tpu.enqueue_dma source(%dma_start3A_364 : memref<1x128xi32, #tpu.memory_space<hbm>>) target(%dma_start3A_362 : memref<1x128xi32, #tpu.memory_space<vmem>>) target_semaphore(%arg7 : memref<!tpu.dma_semaphore, #tpu.memory_space<semaphore_mem>>)
    %slice3A_365 = vector.extract_strided_slice %get3A_196 {offsets = [14], sizes = [1], strides = [1]} : vector<16xi32> to vector<1xi32>
    %squeeze3A_366 = vector.extract %slice3A_365[0] : i32 from vector<1xi32>
    %dma_start3A_367 = arith.constant 30 : i32
    %dma_start3A_368 = arith.constant 0 : i32
    %dma_start3A_369 = tpu.memref_slice %arg6[%dma_start3A_367, %dma_start3A_368] : memref<512x128xi32, #tpu.memory_space<vmem>> -> memref<1x128xi32, #tpu.memory_space<vmem>>
    %dma_start3A_370 = arith.constant 0 : i32
    %dma_start3A_371 = tpu.memref_slice %arg3[%squeeze3A_366, %dma_start3A_370] : memref<16384x128xi32, #tpu.memory_space<hbm>> -> memref<1x128xi32, #tpu.memory_space<hbm>>
    %dma_start3A_372 = arith.constant 30 : i32
    %dma_start3A_373 = arith.constant 0 : i32
    %dma_start3A_374 = tpu.memref_slice %arg6[%dma_start3A_372, %dma_start3A_373] : memref<512x128xi32, #tpu.memory_space<vmem>> -> memref<1x128xi32, #tpu.memory_space<vmem>>
    %dma_start3A_375 = arith.constant 0 : i32
    %dma_start3A_376 = tpu.memref_slice %arg3[%squeeze3A_366, %dma_start3A_375] : memref<16384x128xi32, #tpu.memory_space<hbm>> -> memref<1x128xi32, #tpu.memory_space<hbm>>
    tpu.enqueue_dma source(%dma_start3A_376 : memref<1x128xi32, #tpu.memory_space<hbm>>) target(%dma_start3A_374 : memref<1x128xi32, #tpu.memory_space<vmem>>) target_semaphore(%arg7 : memref<!tpu.dma_semaphore, #tpu.memory_space<semaphore_mem>>)
    %slice3A_377 = vector.extract_strided_slice %get3A_196 {offsets = [15], sizes = [1], strides = [1]} : vector<16xi32> to vector<1xi32>
    %squeeze3A_378 = vector.extract %slice3A_377[0] : i32 from vector<1xi32>
    %dma_start3A_379 = arith.constant 31 : i32
    %dma_start3A_380 = arith.constant 0 : i32
    %dma_start3A_381 = tpu.memref_slice %arg6[%dma_start3A_379, %dma_start3A_380] : memref<512x128xi32, #tpu.memory_space<vmem>> -> memref<1x128xi32, #tpu.memory_space<vmem>>
    %dma_start3A_382 = arith.constant 0 : i32
    %dma_start3A_383 = tpu.memref_slice %arg3[%squeeze3A_378, %dma_start3A_382] : memref<16384x128xi32, #tpu.memory_space<hbm>> -> memref<1x128xi32, #tpu.memory_space<hbm>>
    %dma_start3A_384 = arith.constant 31 : i32
    %dma_start3A_385 = arith.constant 0 : i32
    %dma_start3A_386 = tpu.memref_slice %arg6[%dma_start3A_384, %dma_start3A_385] : memref<512x128xi32, #tpu.memory_space<vmem>> -> memref<1x128xi32, #tpu.memory_space<vmem>>
    %dma_start3A_387 = arith.constant 0 : i32
    %dma_start3A_388 = tpu.memref_slice %arg3[%squeeze3A_378, %dma_start3A_387] : memref<16384x128xi32, #tpu.memory_space<hbm>> -> memref<1x128xi32, #tpu.memory_space<hbm>>
    tpu.enqueue_dma source(%dma_start3A_388 : memref<1x128xi32, #tpu.memory_space<hbm>>) target(%dma_start3A_386 : memref<1x128xi32, #tpu.memory_space<vmem>>) target_semaphore(%arg7 : memref<!tpu.dma_semaphore, #tpu.memory_space<semaphore_mem>>)
    %scan3A = arith.constant 1 : i32
    %scan3A_389 = arith.constant 15 : i32
    %scan3A_390 = arith.addi %scan3A, %scan3A_389 : i32
    %scan3A_391 = arith.constant 1 : i32
    scf.for %scan3A_404 = %scan3A to %scan3A_390 step %scan3A_391  : i32 {
      %mul3A_405 = arith.constant 32 : i32
      %mul3A_406 = arith.muli %scan3A_404, %mul3A_405 : i32
      %add3A_407 = arith.constant 0 : i32
      %add3A_408 = arith.addi %mul3A_406, %add3A_407 : i32
      %get3A_409 = arith.index_cast %add3A_408 : i32 to index
      %get3A_410 = tpu.vector_load %arg5[%get3A_409] {strides = array<i32>} : memref<512xi32, #tpu.memory_space<vmem>>, vector<16xi32>,
      %get3A_411 = vector.shape_cast %get3A_410 : vector<16xi32> to vector<16xi32>
      %slice3A_412 = vector.extract_strided_slice %get3A_411 {offsets = [0], sizes = [1], strides = [1]} : vector<16xi32> to vector<1xi32>
      %squeeze3A_413 = vector.extract %slice3A_412[0] : i32 from vector<1xi32>
      %add3A_414 = arith.constant 0 : i32
      %add3A_415 = arith.addi %mul3A_406, %add3A_414 : i32
      %add3A_416 = arith.constant 0 : i32
      %add3A_417 = arith.addi %add3A_415, %add3A_416 : i32
      %dma_start3A_418 = arith.constant 0 : i32
      %dma_start3A_419 = tpu.memref_slice %arg6[%add3A_417, %dma_start3A_418] : memref<512x128xi32, #tpu.memory_space<vmem>> -> memref<1x128xi32, #tpu.memory_space<vmem>>
      %dma_start3A_420 = arith.constant 0 : i32
      %dma_start3A_421 = tpu.memref_slice %arg3[%squeeze3A_413, %dma_start3A_420] : memref<16384x128xi32, #tpu.memory_space<hbm>> -> memref<1x128xi32, #tpu.memory_space<hbm>>
      %dma_start3A_422 = arith.constant 0 : i32
      %dma_start3A_423 = tpu.memref_slice %arg6[%add3A_417, %dma_start3A_422] : memref<512x128xi32, #tpu.memory_space<vmem>> -> memref<1x128xi32, #tpu.memory_space<vmem>>
      %dma_start3A_424 = arith.constant 0 : i32
      %dma_start3A_425 = tpu.memref_slice %arg3[%squeeze3A_413, %dma_start3A_424] : memref<16384x128xi32, #tpu.memory_space<hbm>> -> memref<1x128xi32, #tpu.memory_space<hbm>>
      tpu.enqueue_dma source(%dma_start3A_425 : memref<1x128xi32, #tpu.memory_space<hbm>>) target(%dma_start3A_423 : memref<1x128xi32, #tpu.memory_space<vmem>>) target_semaphore(%arg7 : memref<!tpu.dma_semaphore, #tpu.memory_space<semaphore_mem>>)
      %slice3A_426 = vector.extract_strided_slice %get3A_411 {offsets = [1], sizes = [1], strides = [1]} : vector<16xi32> to vector<1xi32>
      %squeeze3A_427 = vector.extract %slice3A_426[0] : i32 from vector<1xi32>
      %add3A_428 = arith.constant 0 : i32
      %add3A_429 = arith.addi %mul3A_406, %add3A_428 : i32
      %add3A_430 = arith.constant 1 : i32
      %add3A_431 = arith.addi %add3A_429, %add3A_430 : i32
      %dma_start3A_432 = arith.constant 0 : i32
      %dma_start3A_433 = tpu.memref_slice %arg6[%add3A_431, %dma_start3A_432] : memref<512x128xi32, #tpu.memory_space<vmem>> -> memref<1x128xi32, #tpu.memory_space<vmem>>
      %dma_start3A_434 = arith.constant 0 : i32
      %dma_start3A_435 = tpu.memref_slice %arg3[%squeeze3A_427, %dma_start3A_434] : memref<16384x128xi32, #tpu.memory_space<hbm>> -> memref<1x128xi32, #tpu.memory_space<hbm>>
      %dma_start3A_436 = arith.constant 0 : i32
      %dma_start3A_437 = tpu.memref_slice %arg6[%add3A_431, %dma_start3A_436] : memref<512x128xi32, #tpu.memory_space<vmem>> -> memref<1x128xi32, #tpu.memory_space<vmem>>
      %dma_start3A_438 = arith.constant 0 : i32
      %dma_start3A_439 = tpu.memref_slice %arg3[%squeeze3A_427, %dma_start3A_438] : memref<16384x128xi32, #tpu.memory_space<hbm>> -> memref<1x128xi32, #tpu.memory_space<hbm>>
      tpu.enqueue_dma source(%dma_start3A_439 : memref<1x128xi32, #tpu.memory_space<hbm>>) target(%dma_start3A_437 : memref<1x128xi32, #tpu.memory_space<vmem>>) target_semaphore(%arg7 : memref<!tpu.dma_semaphore, #tpu.memory_space<semaphore_mem>>)
      %slice3A_440 = vector.extract_strided_slice %get3A_411 {offsets = [2], sizes = [1], strides = [1]} : vector<16xi32> to vector<1xi32>
      %squeeze3A_441 = vector.extract %slice3A_440[0] : i32 from vector<1xi32>
      %add3A_442 = arith.constant 0 : i32
      %add3A_443 = arith.addi %mul3A_406, %add3A_442 : i32
      %add3A_444 = arith.constant 2 : i32
      %add3A_445 = arith.addi %add3A_443, %add3A_444 : i32
      %dma_start3A_446 = arith.constant 0 : i32
      %dma_start3A_447 = tpu.memref_slice %arg6[%add3A_445, %dma_start3A_446] : memref<512x128xi32, #tpu.memory_space<vmem>> -> memref<1x128xi32, #tpu.memory_space<vmem>>
      %dma_start3A_448 = arith.constant 0 : i32
      %dma_start3A_449 = tpu.memref_slice %arg3[%squeeze3A_441, %dma_start3A_448] : memref<16384x128xi32, #tpu.memory_space<hbm>> -> memref<1x128xi32, #tpu.memory_space<hbm>>
      %dma_start3A_450 = arith.constant 0 : i32
      %dma_start3A_451 = tpu.memref_slice %arg6[%add3A_445, %dma_start3A_450] : memref<512x128xi32, #tpu.memory_space<vmem>> -> memref<1x128xi32, #tpu.memory_space<vmem>>
      %dma_start3A_452 = arith.constant 0 : i32
      %dma_start3A_453 = tpu.memref_slice %arg3[%squeeze3A_441, %dma_start3A_452] : memref<16384x128xi32, #tpu.memory_space<hbm>> -> memref<1x128xi32, #tpu.memory_space<hbm>>
      tpu.enqueue_dma source(%dma_start3A_453 : memref<1x128xi32, #tpu.memory_space<hbm>>) target(%dma_start3A_451 : memref<1x128xi32, #tpu.memory_space<vmem>>) target_semaphore(%arg7 : memref<!tpu.dma_semaphore, #tpu.memory_space<semaphore_mem>>)
      %slice3A_454 = vector.extract_strided_slice %get3A_411 {offsets = [3], sizes = [1], strides = [1]} : vector<16xi32> to vector<1xi32>
      %squeeze3A_455 = vector.extract %slice3A_454[0] : i32 from vector<1xi32>
      %add3A_456 = arith.constant 0 : i32
      %add3A_457 = arith.addi %mul3A_406, %add3A_456 : i32
      %add3A_458 = arith.constant 3 : i32
      %add3A_459 = arith.addi %add3A_457, %add3A_458 : i32
      %dma_start3A_460 = arith.constant 0 : i32
      %dma_start3A_461 = tpu.memref_slice %arg6[%add3A_459, %dma_start3A_460] : memref<512x128xi32, #tpu.memory_space<vmem>> -> memref<1x128xi32, #tpu.memory_space<vmem>>
      %dma_start3A_462 = arith.constant 0 : i32
      %dma_start3A_463 = tpu.memref_slice %arg3[%squeeze3A_455, %dma_start3A_462] : memref<16384x128xi32, #tpu.memory_space<hbm>> -> memref<1x128xi32, #tpu.memory_space<hbm>>
      %dma_start3A_464 = arith.constant 0 : i32
      %dma_start3A_465 = tpu.memref_slice %arg6[%add3A_459, %dma_start3A_464] : memref<512x128xi32, #tpu.memory_space<vmem>> -> memref<1x128xi32, #tpu.memory_space<vmem>>
      %dma_start3A_466 = arith.constant 0 : i32
      %dma_start3A_467 = tpu.memref_slice %arg3[%squeeze3A_455, %dma_start3A_466] : memref<16384x128xi32, #tpu.memory_space<hbm>> -> memref<1x128xi32, #tpu.memory_space<hbm>>
      tpu.enqueue_dma source(%dma_start3A_467 : memref<1x128xi32, #tpu.memory_space<hbm>>) target(%dma_start3A_465 : memref<1x128xi32, #tpu.memory_space<vmem>>) target_semaphore(%arg7 : memref<!tpu.dma_semaphore, #tpu.memory_space<semaphore_mem>>)
      %slice3A_468 = vector.extract_strided_slice %get3A_411 {offsets = [4], sizes = [1], strides = [1]} : vector<16xi32> to vector<1xi32>
      %squeeze3A_469 = vector.extract %slice3A_468[0] : i32 from vector<1xi32>
      %add3A_470 = arith.constant 0 : i32
      %add3A_471 = arith.addi %mul3A_406, %add3A_470 : i32
      %add3A_472 = arith.constant 4 : i32
      %add3A_473 = arith.addi %add3A_471, %add3A_472 : i32
      %dma_start3A_474 = arith.constant 0 : i32
      %dma_start3A_475 = tpu.memref_slice %arg6[%add3A_473, %dma_start3A_474] : memref<512x128xi32, #tpu.memory_space<vmem>> -> memref<1x128xi32, #tpu.memory_space<vmem>>
      %dma_start3A_476 = arith.constant 0 : i32
      %dma_start3A_477 = tpu.memref_slice %arg3[%squeeze3A_469, %dma_start3A_476] : memref<16384x128xi32, #tpu.memory_space<hbm>> -> memref<1x128xi32, #tpu.memory_space<hbm>>
      %dma_start3A_478 = arith.constant 0 : i32
      %dma_start3A_479 = tpu.memref_slice %arg6[%add3A_473, %dma_start3A_478] : memref<512x128xi32, #tpu.memory_space<vmem>> -> memref<1x128xi32, #tpu.memory_space<vmem>>
      %dma_start3A_480 = arith.constant 0 : i32
      %dma_start3A_481 = tpu.memref_slice %arg3[%squeeze3A_469, %dma_start3A_480] : memref<16384x128xi32, #tpu.memory_space<hbm>> -> memref<1x128xi32, #tpu.memory_space<hbm>>
      tpu.enqueue_dma source(%dma_start3A_481 : memref<1x128xi32, #tpu.memory_space<hbm>>) target(%dma_start3A_479 : memref<1x128xi32, #tpu.memory_space<vmem>>) target_semaphore(%arg7 : memref<!tpu.dma_semaphore, #tpu.memory_space<semaphore_mem>>)
      %slice3A_482 = vector.extract_strided_slice %get3A_411 {offsets = [5], sizes = [1], strides = [1]} : vector<16xi32> to vector<1xi32>
      %squeeze3A_483 = vector.extract %slice3A_482[0] : i32 from vector<1xi32>
      %add3A_484 = arith.constant 0 : i32
      %add3A_485 = arith.addi %mul3A_406, %add3A_484 : i32
      %add3A_486 = arith.constant 5 : i32
      %add3A_487 = arith.addi %add3A_485, %add3A_486 : i32
      %dma_start3A_488 = arith.constant 0 : i32
      %dma_start3A_489 = tpu.memref_slice %arg6[%add3A_487, %dma_start3A_488] : memref<512x128xi32, #tpu.memory_space<vmem>> -> memref<1x128xi32, #tpu.memory_space<vmem>>
      %dma_start3A_490 = arith.constant 0 : i32
      %dma_start3A_491 = tpu.memref_slice %arg3[%squeeze3A_483, %dma_start3A_490] : memref<16384x128xi32, #tpu.memory_space<hbm>> -> memref<1x128xi32, #tpu.memory_space<hbm>>
      %dma_start3A_492 = arith.constant 0 : i32
      %dma_start3A_493 = tpu.memref_slice %arg6[%add3A_487, %dma_start3A_492] : memref<512x128xi32, #tpu.memory_space<vmem>> -> memref<1x128xi32, #tpu.memory_space<vmem>>
      %dma_start3A_494 = arith.constant 0 : i32
      %dma_start3A_495 = tpu.memref_slice %arg3[%squeeze3A_483, %dma_start3A_494] : memref<16384x128xi32, #tpu.memory_space<hbm>> -> memref<1x128xi32, #tpu.memory_space<hbm>>
      tpu.enqueue_dma source(%dma_start3A_495 : memref<1x128xi32, #tpu.memory_space<hbm>>) target(%dma_start3A_493 : memref<1x128xi32, #tpu.memory_space<vmem>>) target_semaphore(%arg7 : memref<!tpu.dma_semaphore, #tpu.memory_space<semaphore_mem>>)
      %slice3A_496 = vector.extract_strided_slice %get3A_411 {offsets = [6], sizes = [1], strides = [1]} : vector<16xi32> to vector<1xi32>
      %squeeze3A_497 = vector.extract %slice3A_496[0] : i32 from vector<1xi32>
      %add3A_498 = arith.constant 0 : i32
      %add3A_499 = arith.addi %mul3A_406, %add3A_498 : i32
      %add3A_500 = arith.constant 6 : i32
      %add3A_501 = arith.addi %add3A_499, %add3A_500 : i32
      %dma_start3A_502 = arith.constant 0 : i32
      %dma_start3A_503 = tpu.memref_slice %arg6[%add3A_501, %dma_start3A_502] : memref<512x128xi32, #tpu.memory_space<vmem>> -> memref<1x128xi32, #tpu.memory_space<vmem>>
      %dma_start3A_504 = arith.constant 0 : i32
      %dma_start3A_505 = tpu.memref_slice %arg3[%squeeze3A_497, %dma_start3A_504] : memref<16384x128xi32, #tpu.memory_space<hbm>> -> memref<1x128xi32, #tpu.memory_space<hbm>>
      %dma_start3A_506 = arith.constant 0 : i32
      %dma_start3A_507 = tpu.memref_slice %arg6[%add3A_501, %dma_start3A_506] : memref<512x128xi32, #tpu.memory_space<vmem>> -> memref<1x128xi32, #tpu.memory_space<vmem>>
      %dma_start3A_508 = arith.constant 0 : i32
      %dma_start3A_509 = tpu.memref_slice %arg3[%squeeze3A_497, %dma_start3A_508] : memref<16384x128xi32, #tpu.memory_space<hbm>> -> memref<1x128xi32, #tpu.memory_space<hbm>>
      tpu.enqueue_dma source(%dma_start3A_509 : memref<1x128xi32, #tpu.memory_space<hbm>>) target(%dma_start3A_507 : memref<1x128xi32, #tpu.memory_space<vmem>>) target_semaphore(%arg7 : memref<!tpu.dma_semaphore, #tpu.memory_space<semaphore_mem>>)
      %slice3A_510 = vector.extract_strided_slice %get3A_411 {offsets = [7], sizes = [1], strides = [1]} : vector<16xi32> to vector<1xi32>
      %squeeze3A_511 = vector.extract %slice3A_510[0] : i32 from vector<1xi32>
      %add3A_512 = arith.constant 0 : i32
      %add3A_513 = arith.addi %mul3A_406, %add3A_512 : i32
      %add3A_514 = arith.constant 7 : i32
      %add3A_515 = arith.addi %add3A_513, %add3A_514 : i32
      %dma_start3A_516 = arith.constant 0 : i32
      %dma_start3A_517 = tpu.memref_slice %arg6[%add3A_515, %dma_start3A_516] : memref<512x128xi32, #tpu.memory_space<vmem>> -> memref<1x128xi32, #tpu.memory_space<vmem>>
      %dma_start3A_518 = arith.constant 0 : i32
      %dma_start3A_519 = tpu.memref_slice %arg3[%squeeze3A_511, %dma_start3A_518] : memref<16384x128xi32, #tpu.memory_space<hbm>> -> memref<1x128xi32, #tpu.memory_space<hbm>>
      %dma_start3A_520 = arith.constant 0 : i32
      %dma_start3A_521 = tpu.memref_slice %arg6[%add3A_515, %dma_start3A_520] : memref<512x128xi32, #tpu.memory_space<vmem>> -> memref<1x128xi32, #tpu.memory_space<vmem>>
      %dma_start3A_522 = arith.constant 0 : i32
      %dma_start3A_523 = tpu.memref_slice %arg3[%squeeze3A_511, %dma_start3A_522] : memref<16384x128xi32, #tpu.memory_space<hbm>> -> memref<1x128xi32, #tpu.memory_space<hbm>>
      tpu.enqueue_dma source(%dma_start3A_523 : memref<1x128xi32, #tpu.memory_space<hbm>>) target(%dma_start3A_521 : memref<1x128xi32, #tpu.memory_space<vmem>>) target_semaphore(%arg7 : memref<!tpu.dma_semaphore, #tpu.memory_space<semaphore_mem>>)
      %slice3A_524 = vector.extract_strided_slice %get3A_411 {offsets = [8], sizes = [1], strides = [1]} : vector<16xi32> to vector<1xi32>
      %squeeze3A_525 = vector.extract %slice3A_524[0] : i32 from vector<1xi32>
      %add3A_526 = arith.constant 0 : i32
      %add3A_527 = arith.addi %mul3A_406, %add3A_526 : i32
      %add3A_528 = arith.constant 8 : i32
      %add3A_529 = arith.addi %add3A_527, %add3A_528 : i32
      %dma_start3A_530 = arith.constant 0 : i32
      %dma_start3A_531 = tpu.memref_slice %arg6[%add3A_529, %dma_start3A_530] : memref<512x128xi32, #tpu.memory_space<vmem>> -> memref<1x128xi32, #tpu.memory_space<vmem>>
      %dma_start3A_532 = arith.constant 0 : i32
      %dma_start3A_533 = tpu.memref_slice %arg3[%squeeze3A_525, %dma_start3A_532] : memref<16384x128xi32, #tpu.memory_space<hbm>> -> memref<1x128xi32, #tpu.memory_space<hbm>>
      %dma_start3A_534 = arith.constant 0 : i32
      %dma_start3A_535 = tpu.memref_slice %arg6[%add3A_529, %dma_start3A_534] : memref<512x128xi32, #tpu.memory_space<vmem>> -> memref<1x128xi32, #tpu.memory_space<vmem>>
      %dma_start3A_536 = arith.constant 0 : i32
      %dma_start3A_537 = tpu.memref_slice %arg3[%squeeze3A_525, %dma_start3A_536] : memref<16384x128xi32, #tpu.memory_space<hbm>> -> memref<1x128xi32, #tpu.memory_space<hbm>>
      tpu.enqueue_dma source(%dma_start3A_537 : memref<1x128xi32, #tpu.memory_space<hbm>>) target(%dma_start3A_535 : memref<1x128xi32, #tpu.memory_space<vmem>>) target_semaphore(%arg7 : memref<!tpu.dma_semaphore, #tpu.memory_space<semaphore_mem>>)
      %slice3A_538 = vector.extract_strided_slice %get3A_411 {offsets = [9], sizes = [1], strides = [1]} : vector<16xi32> to vector<1xi32>
      %squeeze3A_539 = vector.extract %slice3A_538[0] : i32 from vector<1xi32>
      %add3A_540 = arith.constant 0 : i32
      %add3A_541 = arith.addi %mul3A_406, %add3A_540 : i32
      %add3A_542 = arith.constant 9 : i32
      %add3A_543 = arith.addi %add3A_541, %add3A_542 : i32
      %dma_start3A_544 = arith.constant 0 : i32
      %dma_start3A_545 = tpu.memref_slice %arg6[%add3A_543, %dma_start3A_544] : memref<512x128xi32, #tpu.memory_space<vmem>> -> memref<1x128xi32, #tpu.memory_space<vmem>>
      %dma_start3A_546 = arith.constant 0 : i32
      %dma_start3A_547 = tpu.memref_slice %arg3[%squeeze3A_539, %dma_start3A_546] : memref<16384x128xi32, #tpu.memory_space<hbm>> -> memref<1x128xi32, #tpu.memory_space<hbm>>
      %dma_start3A_548 = arith.constant 0 : i32
      %dma_start3A_549 = tpu.memref_slice %arg6[%add3A_543, %dma_start3A_548] : memref<512x128xi32, #tpu.memory_space<vmem>> -> memref<1x128xi32, #tpu.memory_space<vmem>>
      %dma_start3A_550 = arith.constant 0 : i32
      %dma_start3A_551 = tpu.memref_slice %arg3[%squeeze3A_539, %dma_start3A_550] : memref<16384x128xi32, #tpu.memory_space<hbm>> -> memref<1x128xi32, #tpu.memory_space<hbm>>
      tpu.enqueue_dma source(%dma_start3A_551 : memref<1x128xi32, #tpu.memory_space<hbm>>) target(%dma_start3A_549 : memref<1x128xi32, #tpu.memory_space<vmem>>) target_semaphore(%arg7 : memref<!tpu.dma_semaphore, #tpu.memory_space<semaphore_mem>>)
      %slice3A_552 = vector.extract_strided_slice %get3A_411 {offsets = [10], sizes = [1], strides = [1]} : vector<16xi32> to vector<1xi32>
      %squeeze3A_553 = vector.extract %slice3A_552[0] : i32 from vector<1xi32>
      %add3A_554 = arith.constant 0 : i32
      %add3A_555 = arith.addi %mul3A_406, %add3A_554 : i32
      %add3A_556 = arith.constant 10 : i32
      %add3A_557 = arith.addi %add3A_555, %add3A_556 : i32
      %dma_start3A_558 = arith.constant 0 : i32
      %dma_start3A_559 = tpu.memref_slice %arg6[%add3A_557, %dma_start3A_558] : memref<512x128xi32, #tpu.memory_space<vmem>> -> memref<1x128xi32, #tpu.memory_space<vmem>>
      %dma_start3A_560 = arith.constant 0 : i32
      %dma_start3A_561 = tpu.memref_slice %arg3[%squeeze3A_553, %dma_start3A_560] : memref<16384x128xi32, #tpu.memory_space<hbm>> -> memref<1x128xi32, #tpu.memory_space<hbm>>
      %dma_start3A_562 = arith.constant 0 : i32
      %dma_start3A_563 = tpu.memref_slice %arg6[%add3A_557, %dma_start3A_562] : memref<512x128xi32, #tpu.memory_space<vmem>> -> memref<1x128xi32, #tpu.memory_space<vmem>>
      %dma_start3A_564 = arith.constant 0 : i32
      %dma_start3A_565 = tpu.memref_slice %arg3[%squeeze3A_553, %dma_start3A_564] : memref<16384x128xi32, #tpu.memory_space<hbm>> -> memref<1x128xi32, #tpu.memory_space<hbm>>
      tpu.enqueue_dma source(%dma_start3A_565 : memref<1x128xi32, #tpu.memory_space<hbm>>) target(%dma_start3A_563 : memref<1x128xi32, #tpu.memory_space<vmem>>) target_semaphore(%arg7 : memref<!tpu.dma_semaphore, #tpu.memory_space<semaphore_mem>>)
      %slice3A_566 = vector.extract_strided_slice %get3A_411 {offsets = [11], sizes = [1], strides = [1]} : vector<16xi32> to vector<1xi32>
      %squeeze3A_567 = vector.extract %slice3A_566[0] : i32 from vector<1xi32>
      %add3A_568 = arith.constant 0 : i32
      %add3A_569 = arith.addi %mul3A_406, %add3A_568 : i32
      %add3A_570 = arith.constant 11 : i32
      %add3A_571 = arith.addi %add3A_569, %add3A_570 : i32
      %dma_start3A_572 = arith.constant 0 : i32
      %dma_start3A_573 = tpu.memref_slice %arg6[%add3A_571, %dma_start3A_572] : memref<512x128xi32, #tpu.memory_space<vmem>> -> memref<1x128xi32, #tpu.memory_space<vmem>>
      %dma_start3A_574 = arith.constant 0 : i32
      %dma_start3A_575 = tpu.memref_slice %arg3[%squeeze3A_567, %dma_start3A_574] : memref<16384x128xi32, #tpu.memory_space<hbm>> -> memref<1x128xi32, #tpu.memory_space<hbm>>
      %dma_start3A_576 = arith.constant 0 : i32
      %dma_start3A_577 = tpu.memref_slice %arg6[%add3A_571, %dma_start3A_576] : memref<512x128xi32, #tpu.memory_space<vmem>> -> memref<1x128xi32, #tpu.memory_space<vmem>>
      %dma_start3A_578 = arith.constant 0 : i32
      %dma_start3A_579 = tpu.memref_slice %arg3[%squeeze3A_567, %dma_start3A_578] : memref<16384x128xi32, #tpu.memory_space<hbm>> -> memref<1x128xi32, #tpu.memory_space<hbm>>
      tpu.enqueue_dma source(%dma_start3A_579 : memref<1x128xi32, #tpu.memory_space<hbm>>) target(%dma_start3A_577 : memref<1x128xi32, #tpu.memory_space<vmem>>) target_semaphore(%arg7 : memref<!tpu.dma_semaphore, #tpu.memory_space<semaphore_mem>>)
      %slice3A_580 = vector.extract_strided_slice %get3A_411 {offsets = [12], sizes = [1], strides = [1]} : vector<16xi32> to vector<1xi32>
      %squeeze3A_581 = vector.extract %slice3A_580[0] : i32 from vector<1xi32>
      %add3A_582 = arith.constant 0 : i32
      %add3A_583 = arith.addi %mul3A_406, %add3A_582 : i32
      %add3A_584 = arith.constant 12 : i32
      %add3A_585 = arith.addi %add3A_583, %add3A_584 : i32
      %dma_start3A_586 = arith.constant 0 : i32
      %dma_start3A_587 = tpu.memref_slice %arg6[%add3A_585, %dma_start3A_586] : memref<512x128xi32, #tpu.memory_space<vmem>> -> memref<1x128xi32, #tpu.memory_space<vmem>>
      %dma_start3A_588 = arith.constant 0 : i32
      %dma_start3A_589 = tpu.memref_slice %arg3[%squeeze3A_581, %dma_start3A_588] : memref<16384x128xi32, #tpu.memory_space<hbm>> -> memref<1x128xi32, #tpu.memory_space<hbm>>
      %dma_start3A_590 = arith.constant 0 : i32
      %dma_start3A_591 = tpu.memref_slice %arg6[%add3A_585, %dma_start3A_590] : memref<512x128xi32, #tpu.memory_space<vmem>> -> memref<1x128xi32, #tpu.memory_space<vmem>>
      %dma_start3A_592 = arith.constant 0 : i32
      %dma_start3A_593 = tpu.memref_slice %arg3[%squeeze3A_581, %dma_start3A_592] : memref<16384x128xi32, #tpu.memory_space<hbm>> -> memref<1x128xi32, #tpu.memory_space<hbm>>
      tpu.enqueue_dma source(%dma_start3A_593 : memref<1x128xi32, #tpu.memory_space<hbm>>) target(%dma_start3A_591 : memref<1x128xi32, #tpu.memory_space<vmem>>) target_semaphore(%arg7 : memref<!tpu.dma_semaphore, #tpu.memory_space<semaphore_mem>>)
      %slice3A_594 = vector.extract_strided_slice %get3A_411 {offsets = [13], sizes = [1], strides = [1]} : vector<16xi32> to vector<1xi32>
      %squeeze3A_595 = vector.extract %slice3A_594[0] : i32 from vector<1xi32>
      %add3A_596 = arith.constant 0 : i32
      %add3A_597 = arith.addi %mul3A_406, %add3A_596 : i32
      %add3A_598 = arith.constant 13 : i32
      %add3A_599 = arith.addi %add3A_597, %add3A_598 : i32
      %dma_start3A_600 = arith.constant 0 : i32
      %dma_start3A_601 = tpu.memref_slice %arg6[%add3A_599, %dma_start3A_600] : memref<512x128xi32, #tpu.memory_space<vmem>> -> memref<1x128xi32, #tpu.memory_space<vmem>>
      %dma_start3A_602 = arith.constant 0 : i32
      %dma_start3A_603 = tpu.memref_slice %arg3[%squeeze3A_595, %dma_start3A_602] : memref<16384x128xi32, #tpu.memory_space<hbm>> -> memref<1x128xi32, #tpu.memory_space<hbm>>
      %dma_start3A_604 = arith.constant 0 : i32
      %dma_start3A_605 = tpu.memref_slice %arg6[%add3A_599, %dma_start3A_604] : memref<512x128xi32, #tpu.memory_space<vmem>> -> memref<1x128xi32, #tpu.memory_space<vmem>>
      %dma_start3A_606 = arith.constant 0 : i32
      %dma_start3A_607 = tpu.memref_slice %arg3[%squeeze3A_595, %dma_start3A_606] : memref<16384x128xi32, #tpu.memory_space<hbm>> -> memref<1x128xi32, #tpu.memory_space<hbm>>
      tpu.enqueue_dma source(%dma_start3A_607 : memref<1x128xi32, #tpu.memory_space<hbm>>) target(%dma_start3A_605 : memref<1x128xi32, #tpu.memory_space<vmem>>) target_semaphore(%arg7 : memref<!tpu.dma_semaphore, #tpu.memory_space<semaphore_mem>>)
      %slice3A_608 = vector.extract_strided_slice %get3A_411 {offsets = [14], sizes = [1], strides = [1]} : vector<16xi32> to vector<1xi32>
      %squeeze3A_609 = vector.extract %slice3A_608[0] : i32 from vector<1xi32>
      %add3A_610 = arith.constant 0 : i32
      %add3A_611 = arith.addi %mul3A_406, %add3A_610 : i32
      %add3A_612 = arith.constant 14 : i32
      %add3A_613 = arith.addi %add3A_611, %add3A_612 : i32
      %dma_start3A_614 = arith.constant 0 : i32
      %dma_start3A_615 = tpu.memref_slice %arg6[%add3A_613, %dma_start3A_614] : memref<512x128xi32, #tpu.memory_space<vmem>> -> memref<1x128xi32, #tpu.memory_space<vmem>>
      %dma_start3A_616 = arith.constant 0 : i32
      %dma_start3A_617 = tpu.memref_slice %arg3[%squeeze3A_609, %dma_start3A_616] : memref<16384x128xi32, #tpu.memory_space<hbm>> -> memref<1x128xi32, #tpu.memory_space<hbm>>
      %dma_start3A_618 = arith.constant 0 : i32
      %dma_start3A_619 = tpu.memref_slice %arg6[%add3A_613, %dma_start3A_618] : memref<512x128xi32, #tpu.memory_space<vmem>> -> memref<1x128xi32, #tpu.memory_space<vmem>>
      %dma_start3A_620 = arith.constant 0 : i32
      %dma_start3A_621 = tpu.memref_slice %arg3[%squeeze3A_609, %dma_start3A_620] : memref<16384x128xi32, #tpu.memory_space<hbm>> -> memref<1x128xi32, #tpu.memory_space<hbm>>
      tpu.enqueue_dma source(%dma_start3A_621 : memref<1x128xi32, #tpu.memory_space<hbm>>) target(%dma_start3A_619 : memref<1x128xi32, #tpu.memory_space<vmem>>) target_semaphore(%arg7 : memref<!tpu.dma_semaphore, #tpu.memory_space<semaphore_mem>>)
      %slice3A_622 = vector.extract_strided_slice %get3A_411 {offsets = [15], sizes = [1], strides = [1]} : vector<16xi32> to vector<1xi32>
      %squeeze3A_623 = vector.extract %slice3A_622[0] : i32 from vector<1xi32>
      %add3A_624 = arith.constant 0 : i32
      %add3A_625 = arith.addi %mul3A_406, %add3A_624 : i32
      %add3A_626 = arith.constant 15 : i32
      %add3A_627 = arith.addi %add3A_625, %add3A_626 : i32
      %dma_start3A_628 = arith.constant 0 : i32
      %dma_start3A_629 = tpu.memref_slice %arg6[%add3A_627, %dma_start3A_628] : memref<512x128xi32, #tpu.memory_space<vmem>> -> memref<1x128xi32, #tpu.memory_space<vmem>>
      %dma_start3A_630 = arith.constant 0 : i32
      %dma_start3A_631 = tpu.memref_slice %arg3[%squeeze3A_623, %dma_start3A_630] : memref<16384x128xi32, #tpu.memory_space<hbm>> -> memref<1x128xi32, #tpu.memory_space<hbm>>
      %dma_start3A_632 = arith.constant 0 : i32
      %dma_start3A_633 = tpu.memref_slice %arg6[%add3A_627, %dma_start3A_632] : memref<512x128xi32, #tpu.memory_space<vmem>> -> memref<1x128xi32, #tpu.memory_space<vmem>>
      %dma_start3A_634 = arith.constant 0 : i32
      %dma_start3A_635 = tpu.memref_slice %arg3[%squeeze3A_623, %dma_start3A_634] : memref<16384x128xi32, #tpu.memory_space<hbm>> -> memref<1x128xi32, #tpu.memory_space<hbm>>
      tpu.enqueue_dma source(%dma_start3A_635 : memref<1x128xi32, #tpu.memory_space<hbm>>) target(%dma_start3A_633 : memref<1x128xi32, #tpu.memory_space<vmem>>) target_semaphore(%arg7 : memref<!tpu.dma_semaphore, #tpu.memory_space<semaphore_mem>>)
      %add3A_636 = arith.constant 16 : i32
      %add3A_637 = arith.addi %mul3A_406, %add3A_636 : i32
      %get3A_638 = arith.index_cast %add3A_637 : i32 to index
      %get3A_639 = tpu.vector_load %arg5[%get3A_638] {strides = array<i32>} : memref<512xi32, #tpu.memory_space<vmem>>, vector<16xi32>,
      %get3A_640 = vector.shape_cast %get3A_639 : vector<16xi32> to vector<16xi32>
      %slice3A_641 = vector.extract_strided_slice %get3A_640 {offsets = [0], sizes = [1], strides = [1]} : vector<16xi32> to vector<1xi32>
      %squeeze3A_642 = vector.extract %slice3A_641[0] : i32 from vector<1xi32>
      %add3A_643 = arith.constant 16 : i32
      %add3A_644 = arith.addi %mul3A_406, %add3A_643 : i32
      %add3A_645 = arith.constant 0 : i32
      %add3A_646 = arith.addi %add3A_644, %add3A_645 : i32
      %dma_start3A_647 = arith.constant 0 : i32
      %dma_start3A_648 = tpu.memref_slice %arg6[%add3A_646, %dma_start3A_647] : memref<512x128xi32, #tpu.memory_space<vmem>> -> memref<1x128xi32, #tpu.memory_space<vmem>>
      %dma_start3A_649 = arith.constant 0 : i32
      %dma_start3A_650 = tpu.memref_slice %arg3[%squeeze3A_642, %dma_start3A_649] : memref<16384x128xi32, #tpu.memory_space<hbm>> -> memref<1x128xi32, #tpu.memory_space<hbm>>
      %dma_start3A_651 = arith.constant 0 : i32
      %dma_start3A_652 = tpu.memref_slice %arg6[%add3A_646, %dma_start3A_651] : memref<512x128xi32, #tpu.memory_space<vmem>> -> memref<1x128xi32, #tpu.memory_space<vmem>>
      %dma_start3A_653 = arith.constant 0 : i32
      %dma_start3A_654 = tpu.memref_slice %arg3[%squeeze3A_642, %dma_start3A_653] : memref<16384x128xi32, #tpu.memory_space<hbm>> -> memref<1x128xi32, #tpu.memory_space<hbm>>
      tpu.enqueue_dma source(%dma_start3A_654 : memref<1x128xi32, #tpu.memory_space<hbm>>) target(%dma_start3A_652 : memref<1x128xi32, #tpu.memory_space<vmem>>) target_semaphore(%arg7 : memref<!tpu.dma_semaphore, #tpu.memory_space<semaphore_mem>>)
      %slice3A_655 = vector.extract_strided_slice %get3A_640 {offsets = [1], sizes = [1], strides = [1]} : vector<16xi32> to vector<1xi32>
      %squeeze3A_656 = vector.extract %slice3A_655[0] : i32 from vector<1xi32>
      %add3A_657 = arith.constant 16 : i32
      %add3A_658 = arith.addi %mul3A_406, %add3A_657 : i32
      %add3A_659 = arith.constant 1 : i32
      %add3A_660 = arith.addi %add3A_658, %add3A_659 : i32
      %dma_start3A_661 = arith.constant 0 : i32
      %dma_start3A_662 = tpu.memref_slice %arg6[%add3A_660, %dma_start3A_661] : memref<512x128xi32, #tpu.memory_space<vmem>> -> memref<1x128xi32, #tpu.memory_space<vmem>>
      %dma_start3A_663 = arith.constant 0 : i32
      %dma_start3A_664 = tpu.memref_slice %arg3[%squeeze3A_656, %dma_start3A_663] : memref<16384x128xi32, #tpu.memory_space<hbm>> -> memref<1x128xi32, #tpu.memory_space<hbm>>
      %dma_start3A_665 = arith.constant 0 : i32
      %dma_start3A_666 = tpu.memref_slice %arg6[%add3A_660, %dma_start3A_665] : memref<512x128xi32, #tpu.memory_space<vmem>> -> memref<1x128xi32, #tpu.memory_space<vmem>>
      %dma_start3A_667 = arith.constant 0 : i32
      %dma_start3A_668 = tpu.memref_slice %arg3[%squeeze3A_656, %dma_start3A_667] : memref<16384x128xi32, #tpu.memory_space<hbm>> -> memref<1x128xi32, #tpu.memory_space<hbm>>
      tpu.enqueue_dma source(%dma_start3A_668 : memref<1x128xi32, #tpu.memory_space<hbm>>) target(%dma_start3A_666 : memref<1x128xi32, #tpu.memory_space<vmem>>) target_semaphore(%arg7 : memref<!tpu.dma_semaphore, #tpu.memory_space<semaphore_mem>>)
      %slice3A_669 = vector.extract_strided_slice %get3A_640 {offsets = [2], sizes = [1], strides = [1]} : vector<16xi32> to vector<1xi32>
      %squeeze3A_670 = vector.extract %slice3A_669[0] : i32 from vector<1xi32>
      %add3A_671 = arith.constant 16 : i32
      %add3A_672 = arith.addi %mul3A_406, %add3A_671 : i32
      %add3A_673 = arith.constant 2 : i32
      %add3A_674 = arith.addi %add3A_672, %add3A_673 : i32
      %dma_start3A_675 = arith.constant 0 : i32
      %dma_start3A_676 = tpu.memref_slice %arg6[%add3A_674, %dma_start3A_675] : memref<512x128xi32, #tpu.memory_space<vmem>> -> memref<1x128xi32, #tpu.memory_space<vmem>>
      %dma_start3A_677 = arith.constant 0 : i32
      %dma_start3A_678 = tpu.memref_slice %arg3[%squeeze3A_670, %dma_start3A_677] : memref<16384x128xi32, #tpu.memory_space<hbm>> -> memref<1x128xi32, #tpu.memory_space<hbm>>
      %dma_start3A_679 = arith.constant 0 : i32
      %dma_start3A_680 = tpu.memref_slice %arg6[%add3A_674, %dma_start3A_679] : memref<512x128xi32, #tpu.memory_space<vmem>> -> memref<1x128xi32, #tpu.memory_space<vmem>>
      %dma_start3A_681 = arith.constant 0 : i32
      %dma_start3A_682 = tpu.memref_slice %arg3[%squeeze3A_670, %dma_start3A_681] : memref<16384x128xi32, #tpu.memory_space<hbm>> -> memref<1x128xi32, #tpu.memory_space<hbm>>
      tpu.enqueue_dma source(%dma_start3A_682 : memref<1x128xi32, #tpu.memory_space<hbm>>) target(%dma_start3A_680 : memref<1x128xi32, #tpu.memory_space<vmem>>) target_semaphore(%arg7 : memref<!tpu.dma_semaphore, #tpu.memory_space<semaphore_mem>>)
      %slice3A_683 = vector.extract_strided_slice %get3A_640 {offsets = [3], sizes = [1], strides = [1]} : vector<16xi32> to vector<1xi32>
      %squeeze3A_684 = vector.extract %slice3A_683[0] : i32 from vector<1xi32>
      %add3A_685 = arith.constant 16 : i32
      %add3A_686 = arith.addi %mul3A_406, %add3A_685 : i32
      %add3A_687 = arith.constant 3 : i32
      %add3A_688 = arith.addi %add3A_686, %add3A_687 : i32
      %dma_start3A_689 = arith.constant 0 : i32
      %dma_start3A_690 = tpu.memref_slice %arg6[%add3A_688, %dma_start3A_689] : memref<512x128xi32, #tpu.memory_space<vmem>> -> memref<1x128xi32, #tpu.memory_space<vmem>>
      %dma_start3A_691 = arith.constant 0 : i32
      %dma_start3A_692 = tpu.memref_slice %arg3[%squeeze3A_684, %dma_start3A_691] : memref<16384x128xi32, #tpu.memory_space<hbm>> -> memref<1x128xi32, #tpu.memory_space<hbm>>
      %dma_start3A_693 = arith.constant 0 : i32
      %dma_start3A_694 = tpu.memref_slice %arg6[%add3A_688, %dma_start3A_693] : memref<512x128xi32, #tpu.memory_space<vmem>> -> memref<1x128xi32, #tpu.memory_space<vmem>>
      %dma_start3A_695 = arith.constant 0 : i32
      %dma_start3A_696 = tpu.memref_slice %arg3[%squeeze3A_684, %dma_start3A_695] : memref<16384x128xi32, #tpu.memory_space<hbm>> -> memref<1x128xi32, #tpu.memory_space<hbm>>
      tpu.enqueue_dma source(%dma_start3A_696 : memref<1x128xi32, #tpu.memory_space<hbm>>) target(%dma_start3A_694 : memref<1x128xi32, #tpu.memory_space<vmem>>) target_semaphore(%arg7 : memref<!tpu.dma_semaphore, #tpu.memory_space<semaphore_mem>>)
      %slice3A_697 = vector.extract_strided_slice %get3A_640 {offsets = [4], sizes = [1], strides = [1]} : vector<16xi32> to vector<1xi32>
      %squeeze3A_698 = vector.extract %slice3A_697[0] : i32 from vector<1xi32>
      %add3A_699 = arith.constant 16 : i32
      %add3A_700 = arith.addi %mul3A_406, %add3A_699 : i32
      %add3A_701 = arith.constant 4 : i32
      %add3A_702 = arith.addi %add3A_700, %add3A_701 : i32
      %dma_start3A_703 = arith.constant 0 : i32
      %dma_start3A_704 = tpu.memref_slice %arg6[%add3A_702, %dma_start3A_703] : memref<512x128xi32, #tpu.memory_space<vmem>> -> memref<1x128xi32, #tpu.memory_space<vmem>>
      %dma_start3A_705 = arith.constant 0 : i32
      %dma_start3A_706 = tpu.memref_slice %arg3[%squeeze3A_698, %dma_start3A_705] : memref<16384x128xi32, #tpu.memory_space<hbm>> -> memref<1x128xi32, #tpu.memory_space<hbm>>
      %dma_start3A_707 = arith.constant 0 : i32
      %dma_start3A_708 = tpu.memref_slice %arg6[%add3A_702, %dma_start3A_707] : memref<512x128xi32, #tpu.memory_space<vmem>> -> memref<1x128xi32, #tpu.memory_space<vmem>>
      %dma_start3A_709 = arith.constant 0 : i32
      %dma_start3A_710 = tpu.memref_slice %arg3[%squeeze3A_698, %dma_start3A_709] : memref<16384x128xi32, #tpu.memory_space<hbm>> -> memref<1x128xi32, #tpu.memory_space<hbm>>
      tpu.enqueue_dma source(%dma_start3A_710 : memref<1x128xi32, #tpu.memory_space<hbm>>) target(%dma_start3A_708 : memref<1x128xi32, #tpu.memory_space<vmem>>) target_semaphore(%arg7 : memref<!tpu.dma_semaphore, #tpu.memory_space<semaphore_mem>>)
      %slice3A_711 = vector.extract_strided_slice %get3A_640 {offsets = [5], sizes = [1], strides = [1]} : vector<16xi32> to vector<1xi32>
      %squeeze3A_712 = vector.extract %slice3A_711[0] : i32 from vector<1xi32>
      %add3A_713 = arith.constant 16 : i32
      %add3A_714 = arith.addi %mul3A_406, %add3A_713 : i32
      %add3A_715 = arith.constant 5 : i32
      %add3A_716 = arith.addi %add3A_714, %add3A_715 : i32
      %dma_start3A_717 = arith.constant 0 : i32
      %dma_start3A_718 = tpu.memref_slice %arg6[%add3A_716, %dma_start3A_717] : memref<512x128xi32, #tpu.memory_space<vmem>> -> memref<1x128xi32, #tpu.memory_space<vmem>>
      %dma_start3A_719 = arith.constant 0 : i32
      %dma_start3A_720 = tpu.memref_slice %arg3[%squeeze3A_712, %dma_start3A_719] : memref<16384x128xi32, #tpu.memory_space<hbm>> -> memref<1x128xi32, #tpu.memory_space<hbm>>
      %dma_start3A_721 = arith.constant 0 : i32
      %dma_start3A_722 = tpu.memref_slice %arg6[%add3A_716, %dma_start3A_721] : memref<512x128xi32, #tpu.memory_space<vmem>> -> memref<1x128xi32, #tpu.memory_space<vmem>>
      %dma_start3A_723 = arith.constant 0 : i32
      %dma_start3A_724 = tpu.memref_slice %arg3[%squeeze3A_712, %dma_start3A_723] : memref<16384x128xi32, #tpu.memory_space<hbm>> -> memref<1x128xi32, #tpu.memory_space<hbm>>
      tpu.enqueue_dma source(%dma_start3A_724 : memref<1x128xi32, #tpu.memory_space<hbm>>) target(%dma_start3A_722 : memref<1x128xi32, #tpu.memory_space<vmem>>) target_semaphore(%arg7 : memref<!tpu.dma_semaphore, #tpu.memory_space<semaphore_mem>>)
      %slice3A_725 = vector.extract_strided_slice %get3A_640 {offsets = [6], sizes = [1], strides = [1]} : vector<16xi32> to vector<1xi32>
      %squeeze3A_726 = vector.extract %slice3A_725[0] : i32 from vector<1xi32>
      %add3A_727 = arith.constant 16 : i32
      %add3A_728 = arith.addi %mul3A_406, %add3A_727 : i32
      %add3A_729 = arith.constant 6 : i32
      %add3A_730 = arith.addi %add3A_728, %add3A_729 : i32
      %dma_start3A_731 = arith.constant 0 : i32
      %dma_start3A_732 = tpu.memref_slice %arg6[%add3A_730, %dma_start3A_731] : memref<512x128xi32, #tpu.memory_space<vmem>> -> memref<1x128xi32, #tpu.memory_space<vmem>>
      %dma_start3A_733 = arith.constant 0 : i32
      %dma_start3A_734 = tpu.memref_slice %arg3[%squeeze3A_726, %dma_start3A_733] : memref<16384x128xi32, #tpu.memory_space<hbm>> -> memref<1x128xi32, #tpu.memory_space<hbm>>
      %dma_start3A_735 = arith.constant 0 : i32
      %dma_start3A_736 = tpu.memref_slice %arg6[%add3A_730, %dma_start3A_735] : memref<512x128xi32, #tpu.memory_space<vmem>> -> memref<1x128xi32, #tpu.memory_space<vmem>>
      %dma_start3A_737 = arith.constant 0 : i32
      %dma_start3A_738 = tpu.memref_slice %arg3[%squeeze3A_726, %dma_start3A_737] : memref<16384x128xi32, #tpu.memory_space<hbm>> -> memref<1x128xi32, #tpu.memory_space<hbm>>
      tpu.enqueue_dma source(%dma_start3A_738 : memref<1x128xi32, #tpu.memory_space<hbm>>) target(%dma_start3A_736 : memref<1x128xi32, #tpu.memory_space<vmem>>) target_semaphore(%arg7 : memref<!tpu.dma_semaphore, #tpu.memory_space<semaphore_mem>>)
      %slice3A_739 = vector.extract_strided_slice %get3A_640 {offsets = [7], sizes = [1], strides = [1]} : vector<16xi32> to vector<1xi32>
      %squeeze3A_740 = vector.extract %slice3A_739[0] : i32 from vector<1xi32>
      %add3A_741 = arith.constant 16 : i32
      %add3A_742 = arith.addi %mul3A_406, %add3A_741 : i32
      %add3A_743 = arith.constant 7 : i32
      %add3A_744 = arith.addi %add3A_742, %add3A_743 : i32
      %dma_start3A_745 = arith.constant 0 : i32
      %dma_start3A_746 = tpu.memref_slice %arg6[%add3A_744, %dma_start3A_745] : memref<512x128xi32, #tpu.memory_space<vmem>> -> memref<1x128xi32, #tpu.memory_space<vmem>>
      %dma_start3A_747 = arith.constant 0 : i32
      %dma_start3A_748 = tpu.memref_slice %arg3[%squeeze3A_740, %dma_start3A_747] : memref<16384x128xi32, #tpu.memory_space<hbm>> -> memref<1x128xi32, #tpu.memory_space<hbm>>
      %dma_start3A_749 = arith.constant 0 : i32
      %dma_start3A_750 = tpu.memref_slice %arg6[%add3A_744, %dma_start3A_749] : memref<512x128xi32, #tpu.memory_space<vmem>> -> memref<1x128xi32, #tpu.memory_space<vmem>>
      %dma_start3A_751 = arith.constant 0 : i32
      %dma_start3A_752 = tpu.memref_slice %arg3[%squeeze3A_740, %dma_start3A_751] : memref<16384x128xi32, #tpu.memory_space<hbm>> -> memref<1x128xi32, #tpu.memory_space<hbm>>
      tpu.enqueue_dma source(%dma_start3A_752 : memref<1x128xi32, #tpu.memory_space<hbm>>) target(%dma_start3A_750 : memref<1x128xi32, #tpu.memory_space<vmem>>) target_semaphore(%arg7 : memref<!tpu.dma_semaphore, #tpu.memory_space<semaphore_mem>>)
      %slice3A_753 = vector.extract_strided_slice %get3A_640 {offsets = [8], sizes = [1], strides = [1]} : vector<16xi32> to vector<1xi32>
      %squeeze3A_754 = vector.extract %slice3A_753[0] : i32 from vector<1xi32>
      %add3A_755 = arith.constant 16 : i32
      %add3A_756 = arith.addi %mul3A_406, %add3A_755 : i32
      %add3A_757 = arith.constant 8 : i32
      %add3A_758 = arith.addi %add3A_756, %add3A_757 : i32
      %dma_start3A_759 = arith.constant 0 : i32
      %dma_start3A_760 = tpu.memref_slice %arg6[%add3A_758, %dma_start3A_759] : memref<512x128xi32, #tpu.memory_space<vmem>> -> memref<1x128xi32, #tpu.memory_space<vmem>>
      %dma_start3A_761 = arith.constant 0 : i32
      %dma_start3A_762 = tpu.memref_slice %arg3[%squeeze3A_754, %dma_start3A_761] : memref<16384x128xi32, #tpu.memory_space<hbm>> -> memref<1x128xi32, #tpu.memory_space<hbm>>
      %dma_start3A_763 = arith.constant 0 : i32
      %dma_start3A_764 = tpu.memref_slice %arg6[%add3A_758, %dma_start3A_763] : memref<512x128xi32, #tpu.memory_space<vmem>> -> memref<1x128xi32, #tpu.memory_space<vmem>>
      %dma_start3A_765 = arith.constant 0 : i32
      %dma_start3A_766 = tpu.memref_slice %arg3[%squeeze3A_754, %dma_start3A_765] : memref<16384x128xi32, #tpu.memory_space<hbm>> -> memref<1x128xi32, #tpu.memory_space<hbm>>
      tpu.enqueue_dma source(%dma_start3A_766 : memref<1x128xi32, #tpu.memory_space<hbm>>) target(%dma_start3A_764 : memref<1x128xi32, #tpu.memory_space<vmem>>) target_semaphore(%arg7 : memref<!tpu.dma_semaphore, #tpu.memory_space<semaphore_mem>>)
      %slice3A_767 = vector.extract_strided_slice %get3A_640 {offsets = [9], sizes = [1], strides = [1]} : vector<16xi32> to vector<1xi32>
      %squeeze3A_768 = vector.extract %slice3A_767[0] : i32 from vector<1xi32>
      %add3A_769 = arith.constant 16 : i32
      %add3A_770 = arith.addi %mul3A_406, %add3A_769 : i32
      %add3A_771 = arith.constant 9 : i32
      %add3A_772 = arith.addi %add3A_770, %add3A_771 : i32
      %dma_start3A_773 = arith.constant 0 : i32
      %dma_start3A_774 = tpu.memref_slice %arg6[%add3A_772, %dma_start3A_773] : memref<512x128xi32, #tpu.memory_space<vmem>> -> memref<1x128xi32, #tpu.memory_space<vmem>>
      %dma_start3A_775 = arith.constant 0 : i32
      %dma_start3A_776 = tpu.memref_slice %arg3[%squeeze3A_768, %dma_start3A_775] : memref<16384x128xi32, #tpu.memory_space<hbm>> -> memref<1x128xi32, #tpu.memory_space<hbm>>
      %dma_start3A_777 = arith.constant 0 : i32
      %dma_start3A_778 = tpu.memref_slice %arg6[%add3A_772, %dma_start3A_777] : memref<512x128xi32, #tpu.memory_space<vmem>> -> memref<1x128xi32, #tpu.memory_space<vmem>>
      %dma_start3A_779 = arith.constant 0 : i32
      %dma_start3A_780 = tpu.memref_slice %arg3[%squeeze3A_768, %dma_start3A_779] : memref<16384x128xi32, #tpu.memory_space<hbm>> -> memref<1x128xi32, #tpu.memory_space<hbm>>
      tpu.enqueue_dma source(%dma_start3A_780 : memref<1x128xi32, #tpu.memory_space<hbm>>) target(%dma_start3A_778 : memref<1x128xi32, #tpu.memory_space<vmem>>) target_semaphore(%arg7 : memref<!tpu.dma_semaphore, #tpu.memory_space<semaphore_mem>>)
      %slice3A_781 = vector.extract_strided_slice %get3A_640 {offsets = [10], sizes = [1], strides = [1]} : vector<16xi32> to vector<1xi32>
      %squeeze3A_782 = vector.extract %slice3A_781[0] : i32 from vector<1xi32>
      %add3A_783 = arith.constant 16 : i32
      %add3A_784 = arith.addi %mul3A_406, %add3A_783 : i32
      %add3A_785 = arith.constant 10 : i32
      %add3A_786 = arith.addi %add3A_784, %add3A_785 : i32
      %dma_start3A_787 = arith.constant 0 : i32
      %dma_start3A_788 = tpu.memref_slice %arg6[%add3A_786, %dma_start3A_787] : memref<512x128xi32, #tpu.memory_space<vmem>> -> memref<1x128xi32, #tpu.memory_space<vmem>>
      %dma_start3A_789 = arith.constant 0 : i32
      %dma_start3A_790 = tpu.memref_slice %arg3[%squeeze3A_782, %dma_start3A_789] : memref<16384x128xi32, #tpu.memory_space<hbm>> -> memref<1x128xi32, #tpu.memory_space<hbm>>
      %dma_start3A_791 = arith.constant 0 : i32
      %dma_start3A_792 = tpu.memref_slice %arg6[%add3A_786, %dma_start3A_791] : memref<512x128xi32, #tpu.memory_space<vmem>> -> memref<1x128xi32, #tpu.memory_space<vmem>>
      %dma_start3A_793 = arith.constant 0 : i32
      %dma_start3A_794 = tpu.memref_slice %arg3[%squeeze3A_782, %dma_start3A_793] : memref<16384x128xi32, #tpu.memory_space<hbm>> -> memref<1x128xi32, #tpu.memory_space<hbm>>
      tpu.enqueue_dma source(%dma_start3A_794 : memref<1x128xi32, #tpu.memory_space<hbm>>) target(%dma_start3A_792 : memref<1x128xi32, #tpu.memory_space<vmem>>) target_semaphore(%arg7 : memref<!tpu.dma_semaphore, #tpu.memory_space<semaphore_mem>>)
      %slice3A_795 = vector.extract_strided_slice %get3A_640 {offsets = [11], sizes = [1], strides = [1]} : vector<16xi32> to vector<1xi32>
      %squeeze3A_796 = vector.extract %slice3A_795[0] : i32 from vector<1xi32>
      %add3A_797 = arith.constant 16 : i32
      %add3A_798 = arith.addi %mul3A_406, %add3A_797 : i32
      %add3A_799 = arith.constant 11 : i32
      %add3A_800 = arith.addi %add3A_798, %add3A_799 : i32
      %dma_start3A_801 = arith.constant 0 : i32
      %dma_start3A_802 = tpu.memref_slice %arg6[%add3A_800, %dma_start3A_801] : memref<512x128xi32, #tpu.memory_space<vmem>> -> memref<1x128xi32, #tpu.memory_space<vmem>>
      %dma_start3A_803 = arith.constant 0 : i32
      %dma_start3A_804 = tpu.memref_slice %arg3[%squeeze3A_796, %dma_start3A_803] : memref<16384x128xi32, #tpu.memory_space<hbm>> -> memref<1x128xi32, #tpu.memory_space<hbm>>
      %dma_start3A_805 = arith.constant 0 : i32
      %dma_start3A_806 = tpu.memref_slice %arg6[%add3A_800, %dma_start3A_805] : memref<512x128xi32, #tpu.memory_space<vmem>> -> memref<1x128xi32, #tpu.memory_space<vmem>>
      %dma_start3A_807 = arith.constant 0 : i32
      %dma_start3A_808 = tpu.memref_slice %arg3[%squeeze3A_796, %dma_start3A_807] : memref<16384x128xi32, #tpu.memory_space<hbm>> -> memref<1x128xi32, #tpu.memory_space<hbm>>
      tpu.enqueue_dma source(%dma_start3A_808 : memref<1x128xi32, #tpu.memory_space<hbm>>) target(%dma_start3A_806 : memref<1x128xi32, #tpu.memory_space<vmem>>) target_semaphore(%arg7 : memref<!tpu.dma_semaphore, #tpu.memory_space<semaphore_mem>>)
      %slice3A_809 = vector.extract_strided_slice %get3A_640 {offsets = [12], sizes = [1], strides = [1]} : vector<16xi32> to vector<1xi32>
      %squeeze3A_810 = vector.extract %slice3A_809[0] : i32 from vector<1xi32>
      %add3A_811 = arith.constant 16 : i32
      %add3A_812 = arith.addi %mul3A_406, %add3A_811 : i32
      %add3A_813 = arith.constant 12 : i32
      %add3A_814 = arith.addi %add3A_812, %add3A_813 : i32
      %dma_start3A_815 = arith.constant 0 : i32
      %dma_start3A_816 = tpu.memref_slice %arg6[%add3A_814, %dma_start3A_815] : memref<512x128xi32, #tpu.memory_space<vmem>> -> memref<1x128xi32, #tpu.memory_space<vmem>>
      %dma_start3A_817 = arith.constant 0 : i32
      %dma_start3A_818 = tpu.memref_slice %arg3[%squeeze3A_810, %dma_start3A_817] : memref<16384x128xi32, #tpu.memory_space<hbm>> -> memref<1x128xi32, #tpu.memory_space<hbm>>
      %dma_start3A_819 = arith.constant 0 : i32
      %dma_start3A_820 = tpu.memref_slice %arg6[%add3A_814, %dma_start3A_819] : memref<512x128xi32, #tpu.memory_space<vmem>> -> memref<1x128xi32, #tpu.memory_space<vmem>>
      %dma_start3A_821 = arith.constant 0 : i32
      %dma_start3A_822 = tpu.memref_slice %arg3[%squeeze3A_810, %dma_start3A_821] : memref<16384x128xi32, #tpu.memory_space<hbm>> -> memref<1x128xi32, #tpu.memory_space<hbm>>
      tpu.enqueue_dma source(%dma_start3A_822 : memref<1x128xi32, #tpu.memory_space<hbm>>) target(%dma_start3A_820 : memref<1x128xi32, #tpu.memory_space<vmem>>) target_semaphore(%arg7 : memref<!tpu.dma_semaphore, #tpu.memory_space<semaphore_mem>>)
      %slice3A_823 = vector.extract_strided_slice %get3A_640 {offsets = [13], sizes = [1], strides = [1]} : vector<16xi32> to vector<1xi32>
      %squeeze3A_824 = vector.extract %slice3A_823[0] : i32 from vector<1xi32>
      %add3A_825 = arith.constant 16 : i32
      %add3A_826 = arith.addi %mul3A_406, %add3A_825 : i32
      %add3A_827 = arith.constant 13 : i32
      %add3A_828 = arith.addi %add3A_826, %add3A_827 : i32
      %dma_start3A_829 = arith.constant 0 : i32
      %dma_start3A_830 = tpu.memref_slice %arg6[%add3A_828, %dma_start3A_829] : memref<512x128xi32, #tpu.memory_space<vmem>> -> memref<1x128xi32, #tpu.memory_space<vmem>>
      %dma_start3A_831 = arith.constant 0 : i32
      %dma_start3A_832 = tpu.memref_slice %arg3[%squeeze3A_824, %dma_start3A_831] : memref<16384x128xi32, #tpu.memory_space<hbm>> -> memref<1x128xi32, #tpu.memory_space<hbm>>
      %dma_start3A_833 = arith.constant 0 : i32
      %dma_start3A_834 = tpu.memref_slice %arg6[%add3A_828, %dma_start3A_833] : memref<512x128xi32, #tpu.memory_space<vmem>> -> memref<1x128xi32, #tpu.memory_space<vmem>>
      %dma_start3A_835 = arith.constant 0 : i32
      %dma_start3A_836 = tpu.memref_slice %arg3[%squeeze3A_824, %dma_start3A_835] : memref<16384x128xi32, #tpu.memory_space<hbm>> -> memref<1x128xi32, #tpu.memory_space<hbm>>
      tpu.enqueue_dma source(%dma_start3A_836 : memref<1x128xi32, #tpu.memory_space<hbm>>) target(%dma_start3A_834 : memref<1x128xi32, #tpu.memory_space<vmem>>) target_semaphore(%arg7 : memref<!tpu.dma_semaphore, #tpu.memory_space<semaphore_mem>>)
      %slice3A_837 = vector.extract_strided_slice %get3A_640 {offsets = [14], sizes = [1], strides = [1]} : vector<16xi32> to vector<1xi32>
      %squeeze3A_838 = vector.extract %slice3A_837[0] : i32 from vector<1xi32>
      %add3A_839 = arith.constant 16 : i32
      %add3A_840 = arith.addi %mul3A_406, %add3A_839 : i32
      %add3A_841 = arith.constant 14 : i32
      %add3A_842 = arith.addi %add3A_840, %add3A_841 : i32
      %dma_start3A_843 = arith.constant 0 : i32
      %dma_start3A_844 = tpu.memref_slice %arg6[%add3A_842, %dma_start3A_843] : memref<512x128xi32, #tpu.memory_space<vmem>> -> memref<1x128xi32, #tpu.memory_space<vmem>>
      %dma_start3A_845 = arith.constant 0 : i32
      %dma_start3A_846 = tpu.memref_slice %arg3[%squeeze3A_838, %dma_start3A_845] : memref<16384x128xi32, #tpu.memory_space<hbm>> -> memref<1x128xi32, #tpu.memory_space<hbm>>
      %dma_start3A_847 = arith.constant 0 : i32
      %dma_start3A_848 = tpu.memref_slice %arg6[%add3A_842, %dma_start3A_847] : memref<512x128xi32, #tpu.memory_space<vmem>> -> memref<1x128xi32, #tpu.memory_space<vmem>>
      %dma_start3A_849 = arith.constant 0 : i32
      %dma_start3A_850 = tpu.memref_slice %arg3[%squeeze3A_838, %dma_start3A_849] : memref<16384x128xi32, #tpu.memory_space<hbm>> -> memref<1x128xi32, #tpu.memory_space<hbm>>
      tpu.enqueue_dma source(%dma_start3A_850 : memref<1x128xi32, #tpu.memory_space<hbm>>) target(%dma_start3A_848 : memref<1x128xi32, #tpu.memory_space<vmem>>) target_semaphore(%arg7 : memref<!tpu.dma_semaphore, #tpu.memory_space<semaphore_mem>>)
      %slice3A_851 = vector.extract_strided_slice %get3A_640 {offsets = [15], sizes = [1], strides = [1]} : vector<16xi32> to vector<1xi32>
      %squeeze3A_852 = vector.extract %slice3A_851[0] : i32 from vector<1xi32>
      %add3A_853 = arith.constant 16 : i32
      %add3A_854 = arith.addi %mul3A_406, %add3A_853 : i32
      %add3A_855 = arith.constant 15 : i32
      %add3A_856 = arith.addi %add3A_854, %add3A_855 : i32
      %dma_start3A_857 = arith.constant 0 : i32
      %dma_start3A_858 = tpu.memref_slice %arg6[%add3A_856, %dma_start3A_857] : memref<512x128xi32, #tpu.memory_space<vmem>> -> memref<1x128xi32, #tpu.memory_space<vmem>>
      %dma_start3A_859 = arith.constant 0 : i32
      %dma_start3A_860 = tpu.memref_slice %arg3[%squeeze3A_852, %dma_start3A_859] : memref<16384x128xi32, #tpu.memory_space<hbm>> -> memref<1x128xi32, #tpu.memory_space<hbm>>
      %dma_start3A_861 = arith.constant 0 : i32
      %dma_start3A_862 = tpu.memref_slice %arg6[%add3A_856, %dma_start3A_861] : memref<512x128xi32, #tpu.memory_space<vmem>> -> memref<1x128xi32, #tpu.memory_space<vmem>>
      %dma_start3A_863 = arith.constant 0 : i32
      %dma_start3A_864 = tpu.memref_slice %arg3[%squeeze3A_852, %dma_start3A_863] : memref<16384x128xi32, #tpu.memory_space<hbm>> -> memref<1x128xi32, #tpu.memory_space<hbm>>
      tpu.enqueue_dma source(%dma_start3A_864 : memref<1x128xi32, #tpu.memory_space<hbm>>) target(%dma_start3A_862 : memref<1x128xi32, #tpu.memory_space<vmem>>) target_semaphore(%arg7 : memref<!tpu.dma_semaphore, #tpu.memory_space<semaphore_mem>>)
      %sub3A = arith.constant 1 : i32
      %sub3A_865 = arith.subi %scan3A_404, %sub3A : i32
      %mul3A_866 = arith.constant 32 : i32
      %mul3A_867 = arith.muli %sub3A_865, %mul3A_866 : i32
      %dma_wait3A_868 = arith.constant 0 : i32
      %dma_wait3A_869 = tpu.memref_slice %arg6[%mul3A_867, %dma_wait3A_868] : memref<512x128xi32, #tpu.memory_space<vmem>> -> memref<32x128xi32, #tpu.memory_space<vmem>>
      %dma_wait3A_870 = arith.constant 0 : i32
      %dma_wait3A_871 = arith.constant 0 : i32
      %dma_wait3A_872 = tpu.memref_slice %arg3[%dma_wait3A_870, %dma_wait3A_871] : memref<16384x128xi32, #tpu.memory_space<hbm>> -> memref<32x128xi32, #tpu.memory_space<hbm>>
      %dma_wait3A_873 = arith.constant 0 : i32
      %dma_wait3A_874 = tpu.memref_slice %arg6[%mul3A_867, %dma_wait3A_873] : memref<512x128xi32, #tpu.memory_space<vmem>> -> memref<32x128xi32, #tpu.memory_space<vmem>>
      %dma_wait3A_875 = arith.constant 0 : i32
      %dma_wait3A_876 = arith.constant 0 : i32
      %dma_wait3A_877 = tpu.memref_slice %arg3[%dma_wait3A_875, %dma_wait3A_876] : memref<16384x128xi32, #tpu.memory_space<hbm>> -> memref<32x128xi32, #tpu.memory_space<hbm>>
      tpu.wait_dma2 semaphore(%arg7 : memref<!tpu.dma_semaphore, #tpu.memory_space<semaphore_mem>>) src(%dma_wait3A_877 : memref<32x128xi32, #tpu.memory_space<hbm>>) dst(%dma_wait3A_874 : memref<32x128xi32, #tpu.memory_space<vmem>>)
    }
    %scan3A_392 = arith.constant 15 : i32
    %dma_wait3A = arith.constant 480 : i32
    %dma_wait3A_393 = arith.constant 0 : i32
    %dma_wait3A_394 = tpu.memref_slice %arg6[%dma_wait3A, %dma_wait3A_393] : memref<512x128xi32, #tpu.memory_space<vmem>> -> memref<32x128xi32, #tpu.memory_space<vmem>>
    %dma_wait3A_395 = arith.constant 0 : i32
    %dma_wait3A_396 = arith.constant 0 : i32
    %dma_wait3A_397 = tpu.memref_slice %arg3[%dma_wait3A_395, %dma_wait3A_396] : memref<16384x128xi32, #tpu.memory_space<hbm>> -> memref<32x128xi32, #tpu.memory_space<hbm>>
    %dma_wait3A_398 = arith.constant 480 : i32
    %dma_wait3A_399 = arith.constant 0 : i32
    %dma_wait3A_400 = tpu.memref_slice %arg6[%dma_wait3A_398, %dma_wait3A_399] : memref<512x128xi32, #tpu.memory_space<vmem>> -> memref<32x128xi32, #tpu.memory_space<vmem>>
    %dma_wait3A_401 = arith.constant 0 : i32
    %dma_wait3A_402 = arith.constant 0 : i32
    %dma_wait3A_403 = tpu.memref_slice %arg3[%dma_wait3A_401, %dma_wait3A_402] : memref<16384x128xi32, #tpu.memory_space<hbm>> -> memref<32x128xi32, #tpu.memory_space<hbm>>
    tpu.wait_dma2 semaphore(%arg7 : memref<!tpu.dma_semaphore, #tpu.memory_space<semaphore_mem>>) src(%dma_wait3A_403 : memref<32x128xi32, #tpu.memory_space<hbm>>) dst(%dma_wait3A_400 : memref<32x128xi32, #tpu.memory_space<vmem>>)
    "tpu.region"() ({
      %run_scoped3A = tpu.sem_alloc : memref<!tpu.dma_semaphore, #tpu.memory_space<semaphore_mem>>
      %dma_start3A_404 = arith.constant 0 : i32
      %dma_start3A_405 = tpu.memref_slice %arg4[%mul3A_2, %dma_start3A_404] : memref<16384x128xi32, #tpu.memory_space<hbm>> -> memref<512x128xi32, #tpu.memory_space<hbm>>
      %dma_start3A_406 = arith.constant 0 : i32
      %dma_start3A_407 = tpu.memref_slice %arg4[%mul3A_2, %dma_start3A_406] : memref<16384x128xi32, #tpu.memory_space<hbm>> -> memref<512x128xi32, #tpu.memory_space<hbm>>
      tpu.enqueue_dma source(%arg6 : memref<512x128xi32, #tpu.memory_space<vmem>>) target(%dma_start3A_407 : memref<512x128xi32, #tpu.memory_space<hbm>>) target_semaphore(%run_scoped3A : memref<!tpu.dma_semaphore, #tpu.memory_space<semaphore_mem>>)
      %dma_wait3A_408 = arith.constant 0 : i32
      %dma_wait3A_409 = tpu.memref_slice %arg4[%mul3A_2, %dma_wait3A_408] : memref<16384x128xi32, #tpu.memory_space<hbm>> -> memref<512x128xi32, #tpu.memory_space<hbm>>
      %dma_wait3A_410 = arith.constant 0 : i32
      %dma_wait3A_411 = tpu.memref_slice %arg4[%mul3A_2, %dma_wait3A_410] : memref<16384x128xi32, #tpu.memory_space<hbm>> -> memref<512x128xi32, #tpu.memory_space<hbm>>
      tpu.wait_dma2 semaphore(%run_scoped3A : memref<!tpu.dma_semaphore, #tpu.memory_space<semaphore_mem>>) src(%arg6 : memref<512x128xi32, #tpu.memory_space<vmem>>) dst(%dma_wait3A_411 : memref<512x128xi32, #tpu.memory_space<hbm>>)
      tpu.yield
    }) : () -> ()
    return
  }
}

#map = affine_map<(d0, d1) -> (0)>
#map1 = affine_map<(d0, d1) -> (0, 0)>
module attributes {stable_mosaic.version = 14 : i64} {
  func.func @gather(%arg0: i32, %arg1: i32, %arg2: memref<16384xi32, #tpu.memory_space<hbm>>, %arg3: memref<126976x128xi32, #tpu.memory_space<hbm>>, %arg4: memref<16384x128xi32, #tpu.memory_space<hbm>>, %arg5: memref<512xi32, #tpu.memory_space<vmem>>, %arg6: memref<512x128xi32, #tpu.memory_space<vmem>>, %arg7: memref<!tpu.dma_semaphore, #tpu.memory_space<semaphore_mem>>) attributes {dimension_semantics = [#tpu.dimension_semantics<core_parallel>, #tpu.dimension_semantics<subcore_parallel>], iteration_bounds = array<i64: 2, 16>, scalar_prefetch = 0 : i64, scratch_operands = 3 : i64, tpu.core_type = #tpu.core_type<sc_vector_subcore>, window_params = [{transform_indices = #map}, {transform_indices = #map1}, {transform_indices = #map1}]} {
    %mul3A = arith.constant 2 : i32
    %mul3A_0 = arith.muli %arg1, %mul3A : i32
    %add3A = arith.addi %mul3A_0, %arg0 : i32
    %mul3A_1 = arith.constant 512 : i32
    %mul3A_2 = arith.muli %add3A, %mul3A_1 : i32
    "tpu.region"() ({
      %run_scoped3A = tpu.sem_alloc : memref<!tpu.dma_semaphore, #tpu.memory_space<semaphore_mem>>
      %dma_start3A_404 = tpu.memref_slice %arg2[%mul3A_2] : memref<16384xi32, #tpu.memory_space<hbm>> -> memref<512xi32, #tpu.memory_space<hbm>>
      %dma_start3A_405 = tpu.memref_slice %arg2[%mul3A_2] : memref<16384xi32, #tpu.memory_space<hbm>> -> memref<512xi32, #tpu.memory_space<hbm>>
      tpu.enqueue_dma source(%dma_start3A_405 : memref<512xi32, #tpu.memory_space<hbm>>) target(%arg5 : memref<512xi32, #tpu.memory_space<vmem>>) target_semaphore(%run_scoped3A : memref<!tpu.dma_semaphore, #tpu.memory_space<semaphore_mem>>)
      %dma_wait3A_406 = tpu.memref_slice %arg2[%mul3A_2] : memref<16384xi32, #tpu.memory_space<hbm>> -> memref<512xi32, #tpu.memory_space<hbm>>
      %dma_wait3A_407 = tpu.memref_slice %arg2[%mul3A_2] : memref<16384xi32, #tpu.memory_space<hbm>> -> memref<512xi32, #tpu.memory_space<hbm>>
      tpu.wait_dma2 semaphore(%run_scoped3A : memref<!tpu.dma_semaphore, #tpu.memory_space<semaphore_mem>>) src(%dma_wait3A_407 : memref<512xi32, #tpu.memory_space<hbm>>) dst(%arg5 : memref<512xi32, #tpu.memory_space<vmem>>)
      tpu.yield
    }) : () -> ()
    %get3A = arith.constant 0 : index
    %get3A_3 = tpu.vector_load %arg5[%get3A] {strides = array<i32>} : memref<512xi32, #tpu.memory_space<vmem>>, vector<16xi32>,
    %get3A_4 = vector.shape_cast %get3A_3 : vector<16xi32> to vector<16xi32>
    %slice3A = vector.extract_strided_slice %get3A_4 {offsets = [0], sizes = [1], strides = [1]} : vector<16xi32> to vector<1xi32>
    %squeeze3A = vector.extract %slice3A[0] : i32 from vector<1xi32>
    %dma_start3A = arith.constant 0 : i32
    %dma_start3A_5 = arith.constant 0 : i32
    %dma_start3A_6 = tpu.memref_slice %arg6[%dma_start3A, %dma_start3A_5] : memref<512x128xi32, #tpu.memory_space<vmem>> -> memref<1x128xi32, #tpu.memory_space<vmem>>
    %dma_start3A_7 = arith.constant 0 : i32
    %dma_start3A_8 = tpu.memref_slice %arg3[%squeeze3A, %dma_start3A_7] : memref<126976x128xi32, #tpu.memory_space<hbm>> -> memref<1x128xi32, #tpu.memory_space<hbm>>
    %dma_start3A_9 = arith.constant 0 : i32
    %dma_start3A_10 = arith.constant 0 : i32
    %dma_start3A_11 = tpu.memref_slice %arg6[%dma_start3A_9, %dma_start3A_10] : memref<512x128xi32, #tpu.memory_space<vmem>> -> memref<1x128xi32, #tpu.memory_space<vmem>>
    %dma_start3A_12 = arith.constant 0 : i32
    %dma_start3A_13 = tpu.memref_slice %arg3[%squeeze3A, %dma_start3A_12] : memref<126976x128xi32, #tpu.memory_space<hbm>> -> memref<1x128xi32, #tpu.memory_space<hbm>>
    tpu.enqueue_dma source(%dma_start3A_13 : memref<1x128xi32, #tpu.memory_space<hbm>>) target(%dma_start3A_11 : memref<1x128xi32, #tpu.memory_space<vmem>>) target_semaphore(%arg7 : memref<!tpu.dma_semaphore, #tpu.memory_space<semaphore_mem>>)
    %slice3A_14 = vector.extract_strided_slice %get3A_4 {offsets = [1], sizes = [1], strides = [1]} : vector<16xi32> to vector<1xi32>
    %squeeze3A_15 = vector.extract %slice3A_14[0] : i32 from vector<1xi32>
    %dma_start3A_16 = arith.constant 1 : i32
    %dma_start3A_17 = arith.constant 0 : i32
    %dma_start3A_18 = tpu.memref_slice %arg6[%dma_start3A_16, %dma_start3A_17] : memref<512x128xi32, #tpu.memory_space<vmem>> -> memref<1x128xi32, #tpu.memory_space<vmem>>
    %dma_start3A_19 = arith.constant 0 : i32
    %dma_start3A_20 = tpu.memref_slice %arg3[%squeeze3A_15, %dma_start3A_19] : memref<126976x128xi32, #tpu.memory_space<hbm>> -> memref<1x128xi32, #tpu.memory_space<hbm>>
    %dma_start3A_21 = arith.constant 1 : i32
    %dma_start3A_22 = arith.constant 0 : i32
    %dma_start3A_23 = tpu.memref_slice %arg6[%dma_start3A_21, %dma_start3A_22] : memref<512x128xi32, #tpu.memory_space<vmem>> -> memref<1x128xi32, #tpu.memory_space<vmem>>
    %dma_start3A_24 = arith.constant 0 : i32
    %dma_start3A_25 = tpu.memref_slice %arg3[%squeeze3A_15, %dma_start3A_24] : memref<126976x128xi32, #tpu.memory_space<hbm>> -> memref<1x128xi32, #tpu.memory_space<hbm>>
    tpu.enqueue_dma source(%dma_start3A_25 : memref<1x128xi32, #tpu.memory_space<hbm>>) target(%dma_start3A_23 : memref<1x128xi32, #tpu.memory_space<vmem>>) target_semaphore(%arg7 : memref<!tpu.dma_semaphore, #tpu.memory_space<semaphore_mem>>)
    %slice3A_26 = vector.extract_strided_slice %get3A_4 {offsets = [2], sizes = [1], strides = [1]} : vector<16xi32> to vector<1xi32>
    %squeeze3A_27 = vector.extract %slice3A_26[0] : i32 from vector<1xi32>
    %dma_start3A_28 = arith.constant 2 : i32
    %dma_start3A_29 = arith.constant 0 : i32
    %dma_start3A_30 = tpu.memref_slice %arg6[%dma_start3A_28, %dma_start3A_29] : memref<512x128xi32, #tpu.memory_space<vmem>> -> memref<1x128xi32, #tpu.memory_space<vmem>>
    %dma_start3A_31 = arith.constant 0 : i32
    %dma_start3A_32 = tpu.memref_slice %arg3[%squeeze3A_27, %dma_start3A_31] : memref<126976x128xi32, #tpu.memory_space<hbm>> -> memref<1x128xi32, #tpu.memory_space<hbm>>
    %dma_start3A_33 = arith.constant 2 : i32
    %dma_start3A_34 = arith.constant 0 : i32
    %dma_start3A_35 = tpu.memref_slice %arg6[%dma_start3A_33, %dma_start3A_34] : memref<512x128xi32, #tpu.memory_space<vmem>> -> memref<1x128xi32, #tpu.memory_space<vmem>>
    %dma_start3A_36 = arith.constant 0 : i32
    %dma_start3A_37 = tpu.memref_slice %arg3[%squeeze3A_27, %dma_start3A_36] : memref<126976x128xi32, #tpu.memory_space<hbm>> -> memref<1x128xi32, #tpu.memory_space<hbm>>
    tpu.enqueue_dma source(%dma_start3A_37 : memref<1x128xi32, #tpu.memory_space<hbm>>) target(%dma_start3A_35 : memref<1x128xi32, #tpu.memory_space<vmem>>) target_semaphore(%arg7 : memref<!tpu.dma_semaphore, #tpu.memory_space<semaphore_mem>>)
    %slice3A_38 = vector.extract_strided_slice %get3A_4 {offsets = [3], sizes = [1], strides = [1]} : vector<16xi32> to vector<1xi32>
    %squeeze3A_39 = vector.extract %slice3A_38[0] : i32 from vector<1xi32>
    %dma_start3A_40 = arith.constant 3 : i32
    %dma_start3A_41 = arith.constant 0 : i32
    %dma_start3A_42 = tpu.memref_slice %arg6[%dma_start3A_40, %dma_start3A_41] : memref<512x128xi32, #tpu.memory_space<vmem>> -> memref<1x128xi32, #tpu.memory_space<vmem>>
    %dma_start3A_43 = arith.constant 0 : i32
    %dma_start3A_44 = tpu.memref_slice %arg3[%squeeze3A_39, %dma_start3A_43] : memref<126976x128xi32, #tpu.memory_space<hbm>> -> memref<1x128xi32, #tpu.memory_space<hbm>>
    %dma_start3A_45 = arith.constant 3 : i32
    %dma_start3A_46 = arith.constant 0 : i32
    %dma_start3A_47 = tpu.memref_slice %arg6[%dma_start3A_45, %dma_start3A_46] : memref<512x128xi32, #tpu.memory_space<vmem>> -> memref<1x128xi32, #tpu.memory_space<vmem>>
    %dma_start3A_48 = arith.constant 0 : i32
    %dma_start3A_49 = tpu.memref_slice %arg3[%squeeze3A_39, %dma_start3A_48] : memref<126976x128xi32, #tpu.memory_space<hbm>> -> memref<1x128xi32, #tpu.memory_space<hbm>>
    tpu.enqueue_dma source(%dma_start3A_49 : memref<1x128xi32, #tpu.memory_space<hbm>>) target(%dma_start3A_47 : memref<1x128xi32, #tpu.memory_space<vmem>>) target_semaphore(%arg7 : memref<!tpu.dma_semaphore, #tpu.memory_space<semaphore_mem>>)
    %slice3A_50 = vector.extract_strided_slice %get3A_4 {offsets = [4], sizes = [1], strides = [1]} : vector<16xi32> to vector<1xi32>
    %squeeze3A_51 = vector.extract %slice3A_50[0] : i32 from vector<1xi32>
    %dma_start3A_52 = arith.constant 4 : i32
    %dma_start3A_53 = arith.constant 0 : i32
    %dma_start3A_54 = tpu.memref_slice %arg6[%dma_start3A_52, %dma_start3A_53] : memref<512x128xi32, #tpu.memory_space<vmem>> -> memref<1x128xi32, #tpu.memory_space<vmem>>
    %dma_start3A_55 = arith.constant 0 : i32
    %dma_start3A_56 = tpu.memref_slice %arg3[%squeeze3A_51, %dma_start3A_55] : memref<126976x128xi32, #tpu.memory_space<hbm>> -> memref<1x128xi32, #tpu.memory_space<hbm>>
    %dma_start3A_57 = arith.constant 4 : i32
    %dma_start3A_58 = arith.constant 0 : i32
    %dma_start3A_59 = tpu.memref_slice %arg6[%dma_start3A_57, %dma_start3A_58] : memref<512x128xi32, #tpu.memory_space<vmem>> -> memref<1x128xi32, #tpu.memory_space<vmem>>
    %dma_start3A_60 = arith.constant 0 : i32
    %dma_start3A_61 = tpu.memref_slice %arg3[%squeeze3A_51, %dma_start3A_60] : memref<126976x128xi32, #tpu.memory_space<hbm>> -> memref<1x128xi32, #tpu.memory_space<hbm>>
    tpu.enqueue_dma source(%dma_start3A_61 : memref<1x128xi32, #tpu.memory_space<hbm>>) target(%dma_start3A_59 : memref<1x128xi32, #tpu.memory_space<vmem>>) target_semaphore(%arg7 : memref<!tpu.dma_semaphore, #tpu.memory_space<semaphore_mem>>)
    %slice3A_62 = vector.extract_strided_slice %get3A_4 {offsets = [5], sizes = [1], strides = [1]} : vector<16xi32> to vector<1xi32>
    %squeeze3A_63 = vector.extract %slice3A_62[0] : i32 from vector<1xi32>
    %dma_start3A_64 = arith.constant 5 : i32
    %dma_start3A_65 = arith.constant 0 : i32
    %dma_start3A_66 = tpu.memref_slice %arg6[%dma_start3A_64, %dma_start3A_65] : memref<512x128xi32, #tpu.memory_space<vmem>> -> memref<1x128xi32, #tpu.memory_space<vmem>>
    %dma_start3A_67 = arith.constant 0 : i32
    %dma_start3A_68 = tpu.memref_slice %arg3[%squeeze3A_63, %dma_start3A_67] : memref<126976x128xi32, #tpu.memory_space<hbm>> -> memref<1x128xi32, #tpu.memory_space<hbm>>
    %dma_start3A_69 = arith.constant 5 : i32
    %dma_start3A_70 = arith.constant 0 : i32
    %dma_start3A_71 = tpu.memref_slice %arg6[%dma_start3A_69, %dma_start3A_70] : memref<512x128xi32, #tpu.memory_space<vmem>> -> memref<1x128xi32, #tpu.memory_space<vmem>>
    %dma_start3A_72 = arith.constant 0 : i32
    %dma_start3A_73 = tpu.memref_slice %arg3[%squeeze3A_63, %dma_start3A_72] : memref<126976x128xi32, #tpu.memory_space<hbm>> -> memref<1x128xi32, #tpu.memory_space<hbm>>
    tpu.enqueue_dma source(%dma_start3A_73 : memref<1x128xi32, #tpu.memory_space<hbm>>) target(%dma_start3A_71 : memref<1x128xi32, #tpu.memory_space<vmem>>) target_semaphore(%arg7 : memref<!tpu.dma_semaphore, #tpu.memory_space<semaphore_mem>>)
    %slice3A_74 = vector.extract_strided_slice %get3A_4 {offsets = [6], sizes = [1], strides = [1]} : vector<16xi32> to vector<1xi32>
    %squeeze3A_75 = vector.extract %slice3A_74[0] : i32 from vector<1xi32>
    %dma_start3A_76 = arith.constant 6 : i32
    %dma_start3A_77 = arith.constant 0 : i32
    %dma_start3A_78 = tpu.memref_slice %arg6[%dma_start3A_76, %dma_start3A_77] : memref<512x128xi32, #tpu.memory_space<vmem>> -> memref<1x128xi32, #tpu.memory_space<vmem>>
    %dma_start3A_79 = arith.constant 0 : i32
    %dma_start3A_80 = tpu.memref_slice %arg3[%squeeze3A_75, %dma_start3A_79] : memref<126976x128xi32, #tpu.memory_space<hbm>> -> memref<1x128xi32, #tpu.memory_space<hbm>>
    %dma_start3A_81 = arith.constant 6 : i32
    %dma_start3A_82 = arith.constant 0 : i32
    %dma_start3A_83 = tpu.memref_slice %arg6[%dma_start3A_81, %dma_start3A_82] : memref<512x128xi32, #tpu.memory_space<vmem>> -> memref<1x128xi32, #tpu.memory_space<vmem>>
    %dma_start3A_84 = arith.constant 0 : i32
    %dma_start3A_85 = tpu.memref_slice %arg3[%squeeze3A_75, %dma_start3A_84] : memref<126976x128xi32, #tpu.memory_space<hbm>> -> memref<1x128xi32, #tpu.memory_space<hbm>>
    tpu.enqueue_dma source(%dma_start3A_85 : memref<1x128xi32, #tpu.memory_space<hbm>>) target(%dma_start3A_83 : memref<1x128xi32, #tpu.memory_space<vmem>>) target_semaphore(%arg7 : memref<!tpu.dma_semaphore, #tpu.memory_space<semaphore_mem>>)
    %slice3A_86 = vector.extract_strided_slice %get3A_4 {offsets = [7], sizes = [1], strides = [1]} : vector<16xi32> to vector<1xi32>
    %squeeze3A_87 = vector.extract %slice3A_86[0] : i32 from vector<1xi32>
    %dma_start3A_88 = arith.constant 7 : i32
    %dma_start3A_89 = arith.constant 0 : i32
    %dma_start3A_90 = tpu.memref_slice %arg6[%dma_start3A_88, %dma_start3A_89] : memref<512x128xi32, #tpu.memory_space<vmem>> -> memref<1x128xi32, #tpu.memory_space<vmem>>
    %dma_start3A_91 = arith.constant 0 : i32
    %dma_start3A_92 = tpu.memref_slice %arg3[%squeeze3A_87, %dma_start3A_91] : memref<126976x128xi32, #tpu.memory_space<hbm>> -> memref<1x128xi32, #tpu.memory_space<hbm>>
    %dma_start3A_93 = arith.constant 7 : i32
    %dma_start3A_94 = arith.constant 0 : i32
    %dma_start3A_95 = tpu.memref_slice %arg6[%dma_start3A_93, %dma_start3A_94] : memref<512x128xi32, #tpu.memory_space<vmem>> -> memref<1x128xi32, #tpu.memory_space<vmem>>
    %dma_start3A_96 = arith.constant 0 : i32
    %dma_start3A_97 = tpu.memref_slice %arg3[%squeeze3A_87, %dma_start3A_96] : memref<126976x128xi32, #tpu.memory_space<hbm>> -> memref<1x128xi32, #tpu.memory_space<hbm>>
    tpu.enqueue_dma source(%dma_start3A_97 : memref<1x128xi32, #tpu.memory_space<hbm>>) target(%dma_start3A_95 : memref<1x128xi32, #tpu.memory_space<vmem>>) target_semaphore(%arg7 : memref<!tpu.dma_semaphore, #tpu.memory_space<semaphore_mem>>)
    %slice3A_98 = vector.extract_strided_slice %get3A_4 {offsets = [8], sizes = [1], strides = [1]} : vector<16xi32> to vector<1xi32>
    %squeeze3A_99 = vector.extract %slice3A_98[0] : i32 from vector<1xi32>
    %dma_start3A_100 = arith.constant 8 : i32
    %dma_start3A_101 = arith.constant 0 : i32
    %dma_start3A_102 = tpu.memref_slice %arg6[%dma_start3A_100, %dma_start3A_101] : memref<512x128xi32, #tpu.memory_space<vmem>> -> memref<1x128xi32, #tpu.memory_space<vmem>>
    %dma_start3A_103 = arith.constant 0 : i32
    %dma_start3A_104 = tpu.memref_slice %arg3[%squeeze3A_99, %dma_start3A_103] : memref<126976x128xi32, #tpu.memory_space<hbm>> -> memref<1x128xi32, #tpu.memory_space<hbm>>
    %dma_start3A_105 = arith.constant 8 : i32
    %dma_start3A_106 = arith.constant 0 : i32
    %dma_start3A_107 = tpu.memref_slice %arg6[%dma_start3A_105, %dma_start3A_106] : memref<512x128xi32, #tpu.memory_space<vmem>> -> memref<1x128xi32, #tpu.memory_space<vmem>>
    %dma_start3A_108 = arith.constant 0 : i32
    %dma_start3A_109 = tpu.memref_slice %arg3[%squeeze3A_99, %dma_start3A_108] : memref<126976x128xi32, #tpu.memory_space<hbm>> -> memref<1x128xi32, #tpu.memory_space<hbm>>
    tpu.enqueue_dma source(%dma_start3A_109 : memref<1x128xi32, #tpu.memory_space<hbm>>) target(%dma_start3A_107 : memref<1x128xi32, #tpu.memory_space<vmem>>) target_semaphore(%arg7 : memref<!tpu.dma_semaphore, #tpu.memory_space<semaphore_mem>>)
    %slice3A_110 = vector.extract_strided_slice %get3A_4 {offsets = [9], sizes = [1], strides = [1]} : vector<16xi32> to vector<1xi32>
    %squeeze3A_111 = vector.extract %slice3A_110[0] : i32 from vector<1xi32>
    %dma_start3A_112 = arith.constant 9 : i32
    %dma_start3A_113 = arith.constant 0 : i32
    %dma_start3A_114 = tpu.memref_slice %arg6[%dma_start3A_112, %dma_start3A_113] : memref<512x128xi32, #tpu.memory_space<vmem>> -> memref<1x128xi32, #tpu.memory_space<vmem>>
    %dma_start3A_115 = arith.constant 0 : i32
    %dma_start3A_116 = tpu.memref_slice %arg3[%squeeze3A_111, %dma_start3A_115] : memref<126976x128xi32, #tpu.memory_space<hbm>> -> memref<1x128xi32, #tpu.memory_space<hbm>>
    %dma_start3A_117 = arith.constant 9 : i32
    %dma_start3A_118 = arith.constant 0 : i32
    %dma_start3A_119 = tpu.memref_slice %arg6[%dma_start3A_117, %dma_start3A_118] : memref<512x128xi32, #tpu.memory_space<vmem>> -> memref<1x128xi32, #tpu.memory_space<vmem>>
    %dma_start3A_120 = arith.constant 0 : i32
    %dma_start3A_121 = tpu.memref_slice %arg3[%squeeze3A_111, %dma_start3A_120] : memref<126976x128xi32, #tpu.memory_space<hbm>> -> memref<1x128xi32, #tpu.memory_space<hbm>>
    tpu.enqueue_dma source(%dma_start3A_121 : memref<1x128xi32, #tpu.memory_space<hbm>>) target(%dma_start3A_119 : memref<1x128xi32, #tpu.memory_space<vmem>>) target_semaphore(%arg7 : memref<!tpu.dma_semaphore, #tpu.memory_space<semaphore_mem>>)
    %slice3A_122 = vector.extract_strided_slice %get3A_4 {offsets = [10], sizes = [1], strides = [1]} : vector<16xi32> to vector<1xi32>
    %squeeze3A_123 = vector.extract %slice3A_122[0] : i32 from vector<1xi32>
    %dma_start3A_124 = arith.constant 10 : i32
    %dma_start3A_125 = arith.constant 0 : i32
    %dma_start3A_126 = tpu.memref_slice %arg6[%dma_start3A_124, %dma_start3A_125] : memref<512x128xi32, #tpu.memory_space<vmem>> -> memref<1x128xi32, #tpu.memory_space<vmem>>
    %dma_start3A_127 = arith.constant 0 : i32
    %dma_start3A_128 = tpu.memref_slice %arg3[%squeeze3A_123, %dma_start3A_127] : memref<126976x128xi32, #tpu.memory_space<hbm>> -> memref<1x128xi32, #tpu.memory_space<hbm>>
    %dma_start3A_129 = arith.constant 10 : i32
    %dma_start3A_130 = arith.constant 0 : i32
    %dma_start3A_131 = tpu.memref_slice %arg6[%dma_start3A_129, %dma_start3A_130] : memref<512x128xi32, #tpu.memory_space<vmem>> -> memref<1x128xi32, #tpu.memory_space<vmem>>
    %dma_start3A_132 = arith.constant 0 : i32
    %dma_start3A_133 = tpu.memref_slice %arg3[%squeeze3A_123, %dma_start3A_132] : memref<126976x128xi32, #tpu.memory_space<hbm>> -> memref<1x128xi32, #tpu.memory_space<hbm>>
    tpu.enqueue_dma source(%dma_start3A_133 : memref<1x128xi32, #tpu.memory_space<hbm>>) target(%dma_start3A_131 : memref<1x128xi32, #tpu.memory_space<vmem>>) target_semaphore(%arg7 : memref<!tpu.dma_semaphore, #tpu.memory_space<semaphore_mem>>)
    %slice3A_134 = vector.extract_strided_slice %get3A_4 {offsets = [11], sizes = [1], strides = [1]} : vector<16xi32> to vector<1xi32>
    %squeeze3A_135 = vector.extract %slice3A_134[0] : i32 from vector<1xi32>
    %dma_start3A_136 = arith.constant 11 : i32
    %dma_start3A_137 = arith.constant 0 : i32
    %dma_start3A_138 = tpu.memref_slice %arg6[%dma_start3A_136, %dma_start3A_137] : memref<512x128xi32, #tpu.memory_space<vmem>> -> memref<1x128xi32, #tpu.memory_space<vmem>>
    %dma_start3A_139 = arith.constant 0 : i32
    %dma_start3A_140 = tpu.memref_slice %arg3[%squeeze3A_135, %dma_start3A_139] : memref<126976x128xi32, #tpu.memory_space<hbm>> -> memref<1x128xi32, #tpu.memory_space<hbm>>
    %dma_start3A_141 = arith.constant 11 : i32
    %dma_start3A_142 = arith.constant 0 : i32
    %dma_start3A_143 = tpu.memref_slice %arg6[%dma_start3A_141, %dma_start3A_142] : memref<512x128xi32, #tpu.memory_space<vmem>> -> memref<1x128xi32, #tpu.memory_space<vmem>>
    %dma_start3A_144 = arith.constant 0 : i32
    %dma_start3A_145 = tpu.memref_slice %arg3[%squeeze3A_135, %dma_start3A_144] : memref<126976x128xi32, #tpu.memory_space<hbm>> -> memref<1x128xi32, #tpu.memory_space<hbm>>
    tpu.enqueue_dma source(%dma_start3A_145 : memref<1x128xi32, #tpu.memory_space<hbm>>) target(%dma_start3A_143 : memref<1x128xi32, #tpu.memory_space<vmem>>) target_semaphore(%arg7 : memref<!tpu.dma_semaphore, #tpu.memory_space<semaphore_mem>>)
    %slice3A_146 = vector.extract_strided_slice %get3A_4 {offsets = [12], sizes = [1], strides = [1]} : vector<16xi32> to vector<1xi32>
    %squeeze3A_147 = vector.extract %slice3A_146[0] : i32 from vector<1xi32>
    %dma_start3A_148 = arith.constant 12 : i32
    %dma_start3A_149 = arith.constant 0 : i32
    %dma_start3A_150 = tpu.memref_slice %arg6[%dma_start3A_148, %dma_start3A_149] : memref<512x128xi32, #tpu.memory_space<vmem>> -> memref<1x128xi32, #tpu.memory_space<vmem>>
    %dma_start3A_151 = arith.constant 0 : i32
    %dma_start3A_152 = tpu.memref_slice %arg3[%squeeze3A_147, %dma_start3A_151] : memref<126976x128xi32, #tpu.memory_space<hbm>> -> memref<1x128xi32, #tpu.memory_space<hbm>>
    %dma_start3A_153 = arith.constant 12 : i32
    %dma_start3A_154 = arith.constant 0 : i32
    %dma_start3A_155 = tpu.memref_slice %arg6[%dma_start3A_153, %dma_start3A_154] : memref<512x128xi32, #tpu.memory_space<vmem>> -> memref<1x128xi32, #tpu.memory_space<vmem>>
    %dma_start3A_156 = arith.constant 0 : i32
    %dma_start3A_157 = tpu.memref_slice %arg3[%squeeze3A_147, %dma_start3A_156] : memref<126976x128xi32, #tpu.memory_space<hbm>> -> memref<1x128xi32, #tpu.memory_space<hbm>>
    tpu.enqueue_dma source(%dma_start3A_157 : memref<1x128xi32, #tpu.memory_space<hbm>>) target(%dma_start3A_155 : memref<1x128xi32, #tpu.memory_space<vmem>>) target_semaphore(%arg7 : memref<!tpu.dma_semaphore, #tpu.memory_space<semaphore_mem>>)
    %slice3A_158 = vector.extract_strided_slice %get3A_4 {offsets = [13], sizes = [1], strides = [1]} : vector<16xi32> to vector<1xi32>
    %squeeze3A_159 = vector.extract %slice3A_158[0] : i32 from vector<1xi32>
    %dma_start3A_160 = arith.constant 13 : i32
    %dma_start3A_161 = arith.constant 0 : i32
    %dma_start3A_162 = tpu.memref_slice %arg6[%dma_start3A_160, %dma_start3A_161] : memref<512x128xi32, #tpu.memory_space<vmem>> -> memref<1x128xi32, #tpu.memory_space<vmem>>
    %dma_start3A_163 = arith.constant 0 : i32
    %dma_start3A_164 = tpu.memref_slice %arg3[%squeeze3A_159, %dma_start3A_163] : memref<126976x128xi32, #tpu.memory_space<hbm>> -> memref<1x128xi32, #tpu.memory_space<hbm>>
    %dma_start3A_165 = arith.constant 13 : i32
    %dma_start3A_166 = arith.constant 0 : i32
    %dma_start3A_167 = tpu.memref_slice %arg6[%dma_start3A_165, %dma_start3A_166] : memref<512x128xi32, #tpu.memory_space<vmem>> -> memref<1x128xi32, #tpu.memory_space<vmem>>
    %dma_start3A_168 = arith.constant 0 : i32
    %dma_start3A_169 = tpu.memref_slice %arg3[%squeeze3A_159, %dma_start3A_168] : memref<126976x128xi32, #tpu.memory_space<hbm>> -> memref<1x128xi32, #tpu.memory_space<hbm>>
    tpu.enqueue_dma source(%dma_start3A_169 : memref<1x128xi32, #tpu.memory_space<hbm>>) target(%dma_start3A_167 : memref<1x128xi32, #tpu.memory_space<vmem>>) target_semaphore(%arg7 : memref<!tpu.dma_semaphore, #tpu.memory_space<semaphore_mem>>)
    %slice3A_170 = vector.extract_strided_slice %get3A_4 {offsets = [14], sizes = [1], strides = [1]} : vector<16xi32> to vector<1xi32>
    %squeeze3A_171 = vector.extract %slice3A_170[0] : i32 from vector<1xi32>
    %dma_start3A_172 = arith.constant 14 : i32
    %dma_start3A_173 = arith.constant 0 : i32
    %dma_start3A_174 = tpu.memref_slice %arg6[%dma_start3A_172, %dma_start3A_173] : memref<512x128xi32, #tpu.memory_space<vmem>> -> memref<1x128xi32, #tpu.memory_space<vmem>>
    %dma_start3A_175 = arith.constant 0 : i32
    %dma_start3A_176 = tpu.memref_slice %arg3[%squeeze3A_171, %dma_start3A_175] : memref<126976x128xi32, #tpu.memory_space<hbm>> -> memref<1x128xi32, #tpu.memory_space<hbm>>
    %dma_start3A_177 = arith.constant 14 : i32
    %dma_start3A_178 = arith.constant 0 : i32
    %dma_start3A_179 = tpu.memref_slice %arg6[%dma_start3A_177, %dma_start3A_178] : memref<512x128xi32, #tpu.memory_space<vmem>> -> memref<1x128xi32, #tpu.memory_space<vmem>>
    %dma_start3A_180 = arith.constant 0 : i32
    %dma_start3A_181 = tpu.memref_slice %arg3[%squeeze3A_171, %dma_start3A_180] : memref<126976x128xi32, #tpu.memory_space<hbm>> -> memref<1x128xi32, #tpu.memory_space<hbm>>
    tpu.enqueue_dma source(%dma_start3A_181 : memref<1x128xi32, #tpu.memory_space<hbm>>) target(%dma_start3A_179 : memref<1x128xi32, #tpu.memory_space<vmem>>) target_semaphore(%arg7 : memref<!tpu.dma_semaphore, #tpu.memory_space<semaphore_mem>>)
    %slice3A_182 = vector.extract_strided_slice %get3A_4 {offsets = [15], sizes = [1], strides = [1]} : vector<16xi32> to vector<1xi32>
    %squeeze3A_183 = vector.extract %slice3A_182[0] : i32 from vector<1xi32>
    %dma_start3A_184 = arith.constant 15 : i32
    %dma_start3A_185 = arith.constant 0 : i32
    %dma_start3A_186 = tpu.memref_slice %arg6[%dma_start3A_184, %dma_start3A_185] : memref<512x128xi32, #tpu.memory_space<vmem>> -> memref<1x128xi32, #tpu.memory_space<vmem>>
    %dma_start3A_187 = arith.constant 0 : i32
    %dma_start3A_188 = tpu.memref_slice %arg3[%squeeze3A_183, %dma_start3A_187] : memref<126976x128xi32, #tpu.memory_space<hbm>> -> memref<1x128xi32, #tpu.memory_space<hbm>>
    %dma_start3A_189 = arith.constant 15 : i32
    %dma_start3A_190 = arith.constant 0 : i32
    %dma_start3A_191 = tpu.memref_slice %arg6[%dma_start3A_189, %dma_start3A_190] : memref<512x128xi32, #tpu.memory_space<vmem>> -> memref<1x128xi32, #tpu.memory_space<vmem>>
    %dma_start3A_192 = arith.constant 0 : i32
    %dma_start3A_193 = tpu.memref_slice %arg3[%squeeze3A_183, %dma_start3A_192] : memref<126976x128xi32, #tpu.memory_space<hbm>> -> memref<1x128xi32, #tpu.memory_space<hbm>>
    tpu.enqueue_dma source(%dma_start3A_193 : memref<1x128xi32, #tpu.memory_space<hbm>>) target(%dma_start3A_191 : memref<1x128xi32, #tpu.memory_space<vmem>>) target_semaphore(%arg7 : memref<!tpu.dma_semaphore, #tpu.memory_space<semaphore_mem>>)
    %get3A_194 = arith.constant 16 : index
    %get3A_195 = tpu.vector_load %arg5[%get3A_194] {strides = array<i32>} : memref<512xi32, #tpu.memory_space<vmem>>, vector<16xi32>,
    %get3A_196 = vector.shape_cast %get3A_195 : vector<16xi32> to vector<16xi32>
    %slice3A_197 = vector.extract_strided_slice %get3A_196 {offsets = [0], sizes = [1], strides = [1]} : vector<16xi32> to vector<1xi32>
    %squeeze3A_198 = vector.extract %slice3A_197[0] : i32 from vector<1xi32>
    %dma_start3A_199 = arith.constant 16 : i32
    %dma_start3A_200 = arith.constant 0 : i32
    %dma_start3A_201 = tpu.memref_slice %arg6[%dma_start3A_199, %dma_start3A_200] : memref<512x128xi32, #tpu.memory_space<vmem>> -> memref<1x128xi32, #tpu.memory_space<vmem>>
    %dma_start3A_202 = arith.constant 0 : i32
    %dma_start3A_203 = tpu.memref_slice %arg3[%squeeze3A_198, %dma_start3A_202] : memref<126976x128xi32, #tpu.memory_space<hbm>> -> memref<1x128xi32, #tpu.memory_space<hbm>>
    %dma_start3A_204 = arith.constant 16 : i32
    %dma_start3A_205 = arith.constant 0 : i32
    %dma_start3A_206 = tpu.memref_slice %arg6[%dma_start3A_204, %dma_start3A_205] : memref<512x128xi32, #tpu.memory_space<vmem>> -> memref<1x128xi32, #tpu.memory_space<vmem>>
    %dma_start3A_207 = arith.constant 0 : i32
    %dma_start3A_208 = tpu.memref_slice %arg3[%squeeze3A_198, %dma_start3A_207] : memref<126976x128xi32, #tpu.memory_space<hbm>> -> memref<1x128xi32, #tpu.memory_space<hbm>>
    tpu.enqueue_dma source(%dma_start3A_208 : memref<1x128xi32, #tpu.memory_space<hbm>>) target(%dma_start3A_206 : memref<1x128xi32, #tpu.memory_space<vmem>>) target_semaphore(%arg7 : memref<!tpu.dma_semaphore, #tpu.memory_space<semaphore_mem>>)
    %slice3A_209 = vector.extract_strided_slice %get3A_196 {offsets = [1], sizes = [1], strides = [1]} : vector<16xi32> to vector<1xi32>
    %squeeze3A_210 = vector.extract %slice3A_209[0] : i32 from vector<1xi32>
    %dma_start3A_211 = arith.constant 17 : i32
    %dma_start3A_212 = arith.constant 0 : i32
    %dma_start3A_213 = tpu.memref_slice %arg6[%dma_start3A_211, %dma_start3A_212] : memref<512x128xi32, #tpu.memory_space<vmem>> -> memref<1x128xi32, #tpu.memory_space<vmem>>
    %dma_start3A_214 = arith.constant 0 : i32
    %dma_start3A_215 = tpu.memref_slice %arg3[%squeeze3A_210, %dma_start3A_214] : memref<126976x128xi32, #tpu.memory_space<hbm>> -> memref<1x128xi32, #tpu.memory_space<hbm>>
    %dma_start3A_216 = arith.constant 17 : i32
    %dma_start3A_217 = arith.constant 0 : i32
    %dma_start3A_218 = tpu.memref_slice %arg6[%dma_start3A_216, %dma_start3A_217] : memref<512x128xi32, #tpu.memory_space<vmem>> -> memref<1x128xi32, #tpu.memory_space<vmem>>
    %dma_start3A_219 = arith.constant 0 : i32
    %dma_start3A_220 = tpu.memref_slice %arg3[%squeeze3A_210, %dma_start3A_219] : memref<126976x128xi32, #tpu.memory_space<hbm>> -> memref<1x128xi32, #tpu.memory_space<hbm>>
    tpu.enqueue_dma source(%dma_start3A_220 : memref<1x128xi32, #tpu.memory_space<hbm>>) target(%dma_start3A_218 : memref<1x128xi32, #tpu.memory_space<vmem>>) target_semaphore(%arg7 : memref<!tpu.dma_semaphore, #tpu.memory_space<semaphore_mem>>)
    %slice3A_221 = vector.extract_strided_slice %get3A_196 {offsets = [2], sizes = [1], strides = [1]} : vector<16xi32> to vector<1xi32>
    %squeeze3A_222 = vector.extract %slice3A_221[0] : i32 from vector<1xi32>
    %dma_start3A_223 = arith.constant 18 : i32
    %dma_start3A_224 = arith.constant 0 : i32
    %dma_start3A_225 = tpu.memref_slice %arg6[%dma_start3A_223, %dma_start3A_224] : memref<512x128xi32, #tpu.memory_space<vmem>> -> memref<1x128xi32, #tpu.memory_space<vmem>>
    %dma_start3A_226 = arith.constant 0 : i32
    %dma_start3A_227 = tpu.memref_slice %arg3[%squeeze3A_222, %dma_start3A_226] : memref<126976x128xi32, #tpu.memory_space<hbm>> -> memref<1x128xi32, #tpu.memory_space<hbm>>
    %dma_start3A_228 = arith.constant 18 : i32
    %dma_start3A_229 = arith.constant 0 : i32
    %dma_start3A_230 = tpu.memref_slice %arg6[%dma_start3A_228, %dma_start3A_229] : memref<512x128xi32, #tpu.memory_space<vmem>> -> memref<1x128xi32, #tpu.memory_space<vmem>>
    %dma_start3A_231 = arith.constant 0 : i32
    %dma_start3A_232 = tpu.memref_slice %arg3[%squeeze3A_222, %dma_start3A_231] : memref<126976x128xi32, #tpu.memory_space<hbm>> -> memref<1x128xi32, #tpu.memory_space<hbm>>
    tpu.enqueue_dma source(%dma_start3A_232 : memref<1x128xi32, #tpu.memory_space<hbm>>) target(%dma_start3A_230 : memref<1x128xi32, #tpu.memory_space<vmem>>) target_semaphore(%arg7 : memref<!tpu.dma_semaphore, #tpu.memory_space<semaphore_mem>>)
    %slice3A_233 = vector.extract_strided_slice %get3A_196 {offsets = [3], sizes = [1], strides = [1]} : vector<16xi32> to vector<1xi32>
    %squeeze3A_234 = vector.extract %slice3A_233[0] : i32 from vector<1xi32>
    %dma_start3A_235 = arith.constant 19 : i32
    %dma_start3A_236 = arith.constant 0 : i32
    %dma_start3A_237 = tpu.memref_slice %arg6[%dma_start3A_235, %dma_start3A_236] : memref<512x128xi32, #tpu.memory_space<vmem>> -> memref<1x128xi32, #tpu.memory_space<vmem>>
    %dma_start3A_238 = arith.constant 0 : i32
    %dma_start3A_239 = tpu.memref_slice %arg3[%squeeze3A_234, %dma_start3A_238] : memref<126976x128xi32, #tpu.memory_space<hbm>> -> memref<1x128xi32, #tpu.memory_space<hbm>>
    %dma_start3A_240 = arith.constant 19 : i32
    %dma_start3A_241 = arith.constant 0 : i32
    %dma_start3A_242 = tpu.memref_slice %arg6[%dma_start3A_240, %dma_start3A_241] : memref<512x128xi32, #tpu.memory_space<vmem>> -> memref<1x128xi32, #tpu.memory_space<vmem>>
    %dma_start3A_243 = arith.constant 0 : i32
    %dma_start3A_244 = tpu.memref_slice %arg3[%squeeze3A_234, %dma_start3A_243] : memref<126976x128xi32, #tpu.memory_space<hbm>> -> memref<1x128xi32, #tpu.memory_space<hbm>>
    tpu.enqueue_dma source(%dma_start3A_244 : memref<1x128xi32, #tpu.memory_space<hbm>>) target(%dma_start3A_242 : memref<1x128xi32, #tpu.memory_space<vmem>>) target_semaphore(%arg7 : memref<!tpu.dma_semaphore, #tpu.memory_space<semaphore_mem>>)
    %slice3A_245 = vector.extract_strided_slice %get3A_196 {offsets = [4], sizes = [1], strides = [1]} : vector<16xi32> to vector<1xi32>
    %squeeze3A_246 = vector.extract %slice3A_245[0] : i32 from vector<1xi32>
    %dma_start3A_247 = arith.constant 20 : i32
    %dma_start3A_248 = arith.constant 0 : i32
    %dma_start3A_249 = tpu.memref_slice %arg6[%dma_start3A_247, %dma_start3A_248] : memref<512x128xi32, #tpu.memory_space<vmem>> -> memref<1x128xi32, #tpu.memory_space<vmem>>
    %dma_start3A_250 = arith.constant 0 : i32
    %dma_start3A_251 = tpu.memref_slice %arg3[%squeeze3A_246, %dma_start3A_250] : memref<126976x128xi32, #tpu.memory_space<hbm>> -> memref<1x128xi32, #tpu.memory_space<hbm>>
    %dma_start3A_252 = arith.constant 20 : i32
    %dma_start3A_253 = arith.constant 0 : i32
    %dma_start3A_254 = tpu.memref_slice %arg6[%dma_start3A_252, %dma_start3A_253] : memref<512x128xi32, #tpu.memory_space<vmem>> -> memref<1x128xi32, #tpu.memory_space<vmem>>
    %dma_start3A_255 = arith.constant 0 : i32
    %dma_start3A_256 = tpu.memref_slice %arg3[%squeeze3A_246, %dma_start3A_255] : memref<126976x128xi32, #tpu.memory_space<hbm>> -> memref<1x128xi32, #tpu.memory_space<hbm>>
    tpu.enqueue_dma source(%dma_start3A_256 : memref<1x128xi32, #tpu.memory_space<hbm>>) target(%dma_start3A_254 : memref<1x128xi32, #tpu.memory_space<vmem>>) target_semaphore(%arg7 : memref<!tpu.dma_semaphore, #tpu.memory_space<semaphore_mem>>)
    %slice3A_257 = vector.extract_strided_slice %get3A_196 {offsets = [5], sizes = [1], strides = [1]} : vector<16xi32> to vector<1xi32>
    %squeeze3A_258 = vector.extract %slice3A_257[0] : i32 from vector<1xi32>
    %dma_start3A_259 = arith.constant 21 : i32
    %dma_start3A_260 = arith.constant 0 : i32
    %dma_start3A_261 = tpu.memref_slice %arg6[%dma_start3A_259, %dma_start3A_260] : memref<512x128xi32, #tpu.memory_space<vmem>> -> memref<1x128xi32, #tpu.memory_space<vmem>>
    %dma_start3A_262 = arith.constant 0 : i32
    %dma_start3A_263 = tpu.memref_slice %arg3[%squeeze3A_258, %dma_start3A_262] : memref<126976x128xi32, #tpu.memory_space<hbm>> -> memref<1x128xi32, #tpu.memory_space<hbm>>
    %dma_start3A_264 = arith.constant 21 : i32
    %dma_start3A_265 = arith.constant 0 : i32
    %dma_start3A_266 = tpu.memref_slice %arg6[%dma_start3A_264, %dma_start3A_265] : memref<512x128xi32, #tpu.memory_space<vmem>> -> memref<1x128xi32, #tpu.memory_space<vmem>>
    %dma_start3A_267 = arith.constant 0 : i32
    %dma_start3A_268 = tpu.memref_slice %arg3[%squeeze3A_258, %dma_start3A_267] : memref<126976x128xi32, #tpu.memory_space<hbm>> -> memref<1x128xi32, #tpu.memory_space<hbm>>
    tpu.enqueue_dma source(%dma_start3A_268 : memref<1x128xi32, #tpu.memory_space<hbm>>) target(%dma_start3A_266 : memref<1x128xi32, #tpu.memory_space<vmem>>) target_semaphore(%arg7 : memref<!tpu.dma_semaphore, #tpu.memory_space<semaphore_mem>>)
    %slice3A_269 = vector.extract_strided_slice %get3A_196 {offsets = [6], sizes = [1], strides = [1]} : vector<16xi32> to vector<1xi32>
    %squeeze3A_270 = vector.extract %slice3A_269[0] : i32 from vector<1xi32>
    %dma_start3A_271 = arith.constant 22 : i32
    %dma_start3A_272 = arith.constant 0 : i32
    %dma_start3A_273 = tpu.memref_slice %arg6[%dma_start3A_271, %dma_start3A_272] : memref<512x128xi32, #tpu.memory_space<vmem>> -> memref<1x128xi32, #tpu.memory_space<vmem>>
    %dma_start3A_274 = arith.constant 0 : i32
    %dma_start3A_275 = tpu.memref_slice %arg3[%squeeze3A_270, %dma_start3A_274] : memref<126976x128xi32, #tpu.memory_space<hbm>> -> memref<1x128xi32, #tpu.memory_space<hbm>>
    %dma_start3A_276 = arith.constant 22 : i32
    %dma_start3A_277 = arith.constant 0 : i32
    %dma_start3A_278 = tpu.memref_slice %arg6[%dma_start3A_276, %dma_start3A_277] : memref<512x128xi32, #tpu.memory_space<vmem>> -> memref<1x128xi32, #tpu.memory_space<vmem>>
    %dma_start3A_279 = arith.constant 0 : i32
    %dma_start3A_280 = tpu.memref_slice %arg3[%squeeze3A_270, %dma_start3A_279] : memref<126976x128xi32, #tpu.memory_space<hbm>> -> memref<1x128xi32, #tpu.memory_space<hbm>>
    tpu.enqueue_dma source(%dma_start3A_280 : memref<1x128xi32, #tpu.memory_space<hbm>>) target(%dma_start3A_278 : memref<1x128xi32, #tpu.memory_space<vmem>>) target_semaphore(%arg7 : memref<!tpu.dma_semaphore, #tpu.memory_space<semaphore_mem>>)
    %slice3A_281 = vector.extract_strided_slice %get3A_196 {offsets = [7], sizes = [1], strides = [1]} : vector<16xi32> to vector<1xi32>
    %squeeze3A_282 = vector.extract %slice3A_281[0] : i32 from vector<1xi32>
    %dma_start3A_283 = arith.constant 23 : i32
    %dma_start3A_284 = arith.constant 0 : i32
    %dma_start3A_285 = tpu.memref_slice %arg6[%dma_start3A_283, %dma_start3A_284] : memref<512x128xi32, #tpu.memory_space<vmem>> -> memref<1x128xi32, #tpu.memory_space<vmem>>
    %dma_start3A_286 = arith.constant 0 : i32
    %dma_start3A_287 = tpu.memref_slice %arg3[%squeeze3A_282, %dma_start3A_286] : memref<126976x128xi32, #tpu.memory_space<hbm>> -> memref<1x128xi32, #tpu.memory_space<hbm>>
    %dma_start3A_288 = arith.constant 23 : i32
    %dma_start3A_289 = arith.constant 0 : i32
    %dma_start3A_290 = tpu.memref_slice %arg6[%dma_start3A_288, %dma_start3A_289] : memref<512x128xi32, #tpu.memory_space<vmem>> -> memref<1x128xi32, #tpu.memory_space<vmem>>
    %dma_start3A_291 = arith.constant 0 : i32
    %dma_start3A_292 = tpu.memref_slice %arg3[%squeeze3A_282, %dma_start3A_291] : memref<126976x128xi32, #tpu.memory_space<hbm>> -> memref<1x128xi32, #tpu.memory_space<hbm>>
    tpu.enqueue_dma source(%dma_start3A_292 : memref<1x128xi32, #tpu.memory_space<hbm>>) target(%dma_start3A_290 : memref<1x128xi32, #tpu.memory_space<vmem>>) target_semaphore(%arg7 : memref<!tpu.dma_semaphore, #tpu.memory_space<semaphore_mem>>)
    %slice3A_293 = vector.extract_strided_slice %get3A_196 {offsets = [8], sizes = [1], strides = [1]} : vector<16xi32> to vector<1xi32>
    %squeeze3A_294 = vector.extract %slice3A_293[0] : i32 from vector<1xi32>
    %dma_start3A_295 = arith.constant 24 : i32
    %dma_start3A_296 = arith.constant 0 : i32
    %dma_start3A_297 = tpu.memref_slice %arg6[%dma_start3A_295, %dma_start3A_296] : memref<512x128xi32, #tpu.memory_space<vmem>> -> memref<1x128xi32, #tpu.memory_space<vmem>>
    %dma_start3A_298 = arith.constant 0 : i32
    %dma_start3A_299 = tpu.memref_slice %arg3[%squeeze3A_294, %dma_start3A_298] : memref<126976x128xi32, #tpu.memory_space<hbm>> -> memref<1x128xi32, #tpu.memory_space<hbm>>
    %dma_start3A_300 = arith.constant 24 : i32
    %dma_start3A_301 = arith.constant 0 : i32
    %dma_start3A_302 = tpu.memref_slice %arg6[%dma_start3A_300, %dma_start3A_301] : memref<512x128xi32, #tpu.memory_space<vmem>> -> memref<1x128xi32, #tpu.memory_space<vmem>>
    %dma_start3A_303 = arith.constant 0 : i32
    %dma_start3A_304 = tpu.memref_slice %arg3[%squeeze3A_294, %dma_start3A_303] : memref<126976x128xi32, #tpu.memory_space<hbm>> -> memref<1x128xi32, #tpu.memory_space<hbm>>
    tpu.enqueue_dma source(%dma_start3A_304 : memref<1x128xi32, #tpu.memory_space<hbm>>) target(%dma_start3A_302 : memref<1x128xi32, #tpu.memory_space<vmem>>) target_semaphore(%arg7 : memref<!tpu.dma_semaphore, #tpu.memory_space<semaphore_mem>>)
    %slice3A_305 = vector.extract_strided_slice %get3A_196 {offsets = [9], sizes = [1], strides = [1]} : vector<16xi32> to vector<1xi32>
    %squeeze3A_306 = vector.extract %slice3A_305[0] : i32 from vector<1xi32>
    %dma_start3A_307 = arith.constant 25 : i32
    %dma_start3A_308 = arith.constant 0 : i32
    %dma_start3A_309 = tpu.memref_slice %arg6[%dma_start3A_307, %dma_start3A_308] : memref<512x128xi32, #tpu.memory_space<vmem>> -> memref<1x128xi32, #tpu.memory_space<vmem>>
    %dma_start3A_310 = arith.constant 0 : i32
    %dma_start3A_311 = tpu.memref_slice %arg3[%squeeze3A_306, %dma_start3A_310] : memref<126976x128xi32, #tpu.memory_space<hbm>> -> memref<1x128xi32, #tpu.memory_space<hbm>>
    %dma_start3A_312 = arith.constant 25 : i32
    %dma_start3A_313 = arith.constant 0 : i32
    %dma_start3A_314 = tpu.memref_slice %arg6[%dma_start3A_312, %dma_start3A_313] : memref<512x128xi32, #tpu.memory_space<vmem>> -> memref<1x128xi32, #tpu.memory_space<vmem>>
    %dma_start3A_315 = arith.constant 0 : i32
    %dma_start3A_316 = tpu.memref_slice %arg3[%squeeze3A_306, %dma_start3A_315] : memref<126976x128xi32, #tpu.memory_space<hbm>> -> memref<1x128xi32, #tpu.memory_space<hbm>>
    tpu.enqueue_dma source(%dma_start3A_316 : memref<1x128xi32, #tpu.memory_space<hbm>>) target(%dma_start3A_314 : memref<1x128xi32, #tpu.memory_space<vmem>>) target_semaphore(%arg7 : memref<!tpu.dma_semaphore, #tpu.memory_space<semaphore_mem>>)
    %slice3A_317 = vector.extract_strided_slice %get3A_196 {offsets = [10], sizes = [1], strides = [1]} : vector<16xi32> to vector<1xi32>
    %squeeze3A_318 = vector.extract %slice3A_317[0] : i32 from vector<1xi32>
    %dma_start3A_319 = arith.constant 26 : i32
    %dma_start3A_320 = arith.constant 0 : i32
    %dma_start3A_321 = tpu.memref_slice %arg6[%dma_start3A_319, %dma_start3A_320] : memref<512x128xi32, #tpu.memory_space<vmem>> -> memref<1x128xi32, #tpu.memory_space<vmem>>
    %dma_start3A_322 = arith.constant 0 : i32
    %dma_start3A_323 = tpu.memref_slice %arg3[%squeeze3A_318, %dma_start3A_322] : memref<126976x128xi32, #tpu.memory_space<hbm>> -> memref<1x128xi32, #tpu.memory_space<hbm>>
    %dma_start3A_324 = arith.constant 26 : i32
    %dma_start3A_325 = arith.constant 0 : i32
    %dma_start3A_326 = tpu.memref_slice %arg6[%dma_start3A_324, %dma_start3A_325] : memref<512x128xi32, #tpu.memory_space<vmem>> -> memref<1x128xi32, #tpu.memory_space<vmem>>
    %dma_start3A_327 = arith.constant 0 : i32
    %dma_start3A_328 = tpu.memref_slice %arg3[%squeeze3A_318, %dma_start3A_327] : memref<126976x128xi32, #tpu.memory_space<hbm>> -> memref<1x128xi32, #tpu.memory_space<hbm>>
    tpu.enqueue_dma source(%dma_start3A_328 : memref<1x128xi32, #tpu.memory_space<hbm>>) target(%dma_start3A_326 : memref<1x128xi32, #tpu.memory_space<vmem>>) target_semaphore(%arg7 : memref<!tpu.dma_semaphore, #tpu.memory_space<semaphore_mem>>)
    %slice3A_329 = vector.extract_strided_slice %get3A_196 {offsets = [11], sizes = [1], strides = [1]} : vector<16xi32> to vector<1xi32>
    %squeeze3A_330 = vector.extract %slice3A_329[0] : i32 from vector<1xi32>
    %dma_start3A_331 = arith.constant 27 : i32
    %dma_start3A_332 = arith.constant 0 : i32
    %dma_start3A_333 = tpu.memref_slice %arg6[%dma_start3A_331, %dma_start3A_332] : memref<512x128xi32, #tpu.memory_space<vmem>> -> memref<1x128xi32, #tpu.memory_space<vmem>>
    %dma_start3A_334 = arith.constant 0 : i32
    %dma_start3A_335 = tpu.memref_slice %arg3[%squeeze3A_330, %dma_start3A_334] : memref<126976x128xi32, #tpu.memory_space<hbm>> -> memref<1x128xi32, #tpu.memory_space<hbm>>
    %dma_start3A_336 = arith.constant 27 : i32
    %dma_start3A_337 = arith.constant 0 : i32
    %dma_start3A_338 = tpu.memref_slice %arg6[%dma_start3A_336, %dma_start3A_337] : memref<512x128xi32, #tpu.memory_space<vmem>> -> memref<1x128xi32, #tpu.memory_space<vmem>>
    %dma_start3A_339 = arith.constant 0 : i32
    %dma_start3A_340 = tpu.memref_slice %arg3[%squeeze3A_330, %dma_start3A_339] : memref<126976x128xi32, #tpu.memory_space<hbm>> -> memref<1x128xi32, #tpu.memory_space<hbm>>
    tpu.enqueue_dma source(%dma_start3A_340 : memref<1x128xi32, #tpu.memory_space<hbm>>) target(%dma_start3A_338 : memref<1x128xi32, #tpu.memory_space<vmem>>) target_semaphore(%arg7 : memref<!tpu.dma_semaphore, #tpu.memory_space<semaphore_mem>>)
    %slice3A_341 = vector.extract_strided_slice %get3A_196 {offsets = [12], sizes = [1], strides = [1]} : vector<16xi32> to vector<1xi32>
    %squeeze3A_342 = vector.extract %slice3A_341[0] : i32 from vector<1xi32>
    %dma_start3A_343 = arith.constant 28 : i32
    %dma_start3A_344 = arith.constant 0 : i32
    %dma_start3A_345 = tpu.memref_slice %arg6[%dma_start3A_343, %dma_start3A_344] : memref<512x128xi32, #tpu.memory_space<vmem>> -> memref<1x128xi32, #tpu.memory_space<vmem>>
    %dma_start3A_346 = arith.constant 0 : i32
    %dma_start3A_347 = tpu.memref_slice %arg3[%squeeze3A_342, %dma_start3A_346] : memref<126976x128xi32, #tpu.memory_space<hbm>> -> memref<1x128xi32, #tpu.memory_space<hbm>>
    %dma_start3A_348 = arith.constant 28 : i32
    %dma_start3A_349 = arith.constant 0 : i32
    %dma_start3A_350 = tpu.memref_slice %arg6[%dma_start3A_348, %dma_start3A_349] : memref<512x128xi32, #tpu.memory_space<vmem>> -> memref<1x128xi32, #tpu.memory_space<vmem>>
    %dma_start3A_351 = arith.constant 0 : i32
    %dma_start3A_352 = tpu.memref_slice %arg3[%squeeze3A_342, %dma_start3A_351] : memref<126976x128xi32, #tpu.memory_space<hbm>> -> memref<1x128xi32, #tpu.memory_space<hbm>>
    tpu.enqueue_dma source(%dma_start3A_352 : memref<1x128xi32, #tpu.memory_space<hbm>>) target(%dma_start3A_350 : memref<1x128xi32, #tpu.memory_space<vmem>>) target_semaphore(%arg7 : memref<!tpu.dma_semaphore, #tpu.memory_space<semaphore_mem>>)
    %slice3A_353 = vector.extract_strided_slice %get3A_196 {offsets = [13], sizes = [1], strides = [1]} : vector<16xi32> to vector<1xi32>
    %squeeze3A_354 = vector.extract %slice3A_353[0] : i32 from vector<1xi32>
    %dma_start3A_355 = arith.constant 29 : i32
    %dma_start3A_356 = arith.constant 0 : i32
    %dma_start3A_357 = tpu.memref_slice %arg6[%dma_start3A_355, %dma_start3A_356] : memref<512x128xi32, #tpu.memory_space<vmem>> -> memref<1x128xi32, #tpu.memory_space<vmem>>
    %dma_start3A_358 = arith.constant 0 : i32
    %dma_start3A_359 = tpu.memref_slice %arg3[%squeeze3A_354, %dma_start3A_358] : memref<126976x128xi32, #tpu.memory_space<hbm>> -> memref<1x128xi32, #tpu.memory_space<hbm>>
    %dma_start3A_360 = arith.constant 29 : i32
    %dma_start3A_361 = arith.constant 0 : i32
    %dma_start3A_362 = tpu.memref_slice %arg6[%dma_start3A_360, %dma_start3A_361] : memref<512x128xi32, #tpu.memory_space<vmem>> -> memref<1x128xi32, #tpu.memory_space<vmem>>
    %dma_start3A_363 = arith.constant 0 : i32
    %dma_start3A_364 = tpu.memref_slice %arg3[%squeeze3A_354, %dma_start3A_363] : memref<126976x128xi32, #tpu.memory_space<hbm>> -> memref<1x128xi32, #tpu.memory_space<hbm>>
    tpu.enqueue_dma source(%dma_start3A_364 : memref<1x128xi32, #tpu.memory_space<hbm>>) target(%dma_start3A_362 : memref<1x128xi32, #tpu.memory_space<vmem>>) target_semaphore(%arg7 : memref<!tpu.dma_semaphore, #tpu.memory_space<semaphore_mem>>)
    %slice3A_365 = vector.extract_strided_slice %get3A_196 {offsets = [14], sizes = [1], strides = [1]} : vector<16xi32> to vector<1xi32>
    %squeeze3A_366 = vector.extract %slice3A_365[0] : i32 from vector<1xi32>
    %dma_start3A_367 = arith.constant 30 : i32
    %dma_start3A_368 = arith.constant 0 : i32
    %dma_start3A_369 = tpu.memref_slice %arg6[%dma_start3A_367, %dma_start3A_368] : memref<512x128xi32, #tpu.memory_space<vmem>> -> memref<1x128xi32, #tpu.memory_space<vmem>>
    %dma_start3A_370 = arith.constant 0 : i32
    %dma_start3A_371 = tpu.memref_slice %arg3[%squeeze3A_366, %dma_start3A_370] : memref<126976x128xi32, #tpu.memory_space<hbm>> -> memref<1x128xi32, #tpu.memory_space<hbm>>
    %dma_start3A_372 = arith.constant 30 : i32
    %dma_start3A_373 = arith.constant 0 : i32
    %dma_start3A_374 = tpu.memref_slice %arg6[%dma_start3A_372, %dma_start3A_373] : memref<512x128xi32, #tpu.memory_space<vmem>> -> memref<1x128xi32, #tpu.memory_space<vmem>>
    %dma_start3A_375 = arith.constant 0 : i32
    %dma_start3A_376 = tpu.memref_slice %arg3[%squeeze3A_366, %dma_start3A_375] : memref<126976x128xi32, #tpu.memory_space<hbm>> -> memref<1x128xi32, #tpu.memory_space<hbm>>
    tpu.enqueue_dma source(%dma_start3A_376 : memref<1x128xi32, #tpu.memory_space<hbm>>) target(%dma_start3A_374 : memref<1x128xi32, #tpu.memory_space<vmem>>) target_semaphore(%arg7 : memref<!tpu.dma_semaphore, #tpu.memory_space<semaphore_mem>>)
    %slice3A_377 = vector.extract_strided_slice %get3A_196 {offsets = [15], sizes = [1], strides = [1]} : vector<16xi32> to vector<1xi32>
    %squeeze3A_378 = vector.extract %slice3A_377[0] : i32 from vector<1xi32>
    %dma_start3A_379 = arith.constant 31 : i32
    %dma_start3A_380 = arith.constant 0 : i32
    %dma_start3A_381 = tpu.memref_slice %arg6[%dma_start3A_379, %dma_start3A_380] : memref<512x128xi32, #tpu.memory_space<vmem>> -> memref<1x128xi32, #tpu.memory_space<vmem>>
    %dma_start3A_382 = arith.constant 0 : i32
    %dma_start3A_383 = tpu.memref_slice %arg3[%squeeze3A_378, %dma_start3A_382] : memref<126976x128xi32, #tpu.memory_space<hbm>> -> memref<1x128xi32, #tpu.memory_space<hbm>>
    %dma_start3A_384 = arith.constant 31 : i32
    %dma_start3A_385 = arith.constant 0 : i32
    %dma_start3A_386 = tpu.memref_slice %arg6[%dma_start3A_384, %dma_start3A_385] : memref<512x128xi32, #tpu.memory_space<vmem>> -> memref<1x128xi32, #tpu.memory_space<vmem>>
    %dma_start3A_387 = arith.constant 0 : i32
    %dma_start3A_388 = tpu.memref_slice %arg3[%squeeze3A_378, %dma_start3A_387] : memref<126976x128xi32, #tpu.memory_space<hbm>> -> memref<1x128xi32, #tpu.memory_space<hbm>>
    tpu.enqueue_dma source(%dma_start3A_388 : memref<1x128xi32, #tpu.memory_space<hbm>>) target(%dma_start3A_386 : memref<1x128xi32, #tpu.memory_space<vmem>>) target_semaphore(%arg7 : memref<!tpu.dma_semaphore, #tpu.memory_space<semaphore_mem>>)
    %scan3A = arith.constant 1 : i32
    %scan3A_389 = arith.constant 15 : i32
    %scan3A_390 = arith.addi %scan3A, %scan3A_389 : i32
    %scan3A_391 = arith.constant 1 : i32
    scf.for %scan3A_404 = %scan3A to %scan3A_390 step %scan3A_391  : i32 {
      %mul3A_405 = arith.constant 32 : i32
      %mul3A_406 = arith.muli %scan3A_404, %mul3A_405 : i32
      %add3A_407 = arith.constant 0 : i32
      %add3A_408 = arith.addi %mul3A_406, %add3A_407 : i32
      %get3A_409 = arith.index_cast %add3A_408 : i32 to index
      %get3A_410 = tpu.vector_load %arg5[%get3A_409] {strides = array<i32>} : memref<512xi32, #tpu.memory_space<vmem>>, vector<16xi32>,
      %get3A_411 = vector.shape_cast %get3A_410 : vector<16xi32> to vector<16xi32>
      %slice3A_412 = vector.extract_strided_slice %get3A_411 {offsets = [0], sizes = [1], strides = [1]} : vector<16xi32> to vector<1xi32>
      %squeeze3A_413 = vector.extract %slice3A_412[0] : i32 from vector<1xi32>
      %add3A_414 = arith.constant 0 : i32
      %add3A_415 = arith.addi %mul3A_406, %add3A_414 : i32
      %add3A_416 = arith.constant 0 : i32
      %add3A_417 = arith.addi %add3A_415, %add3A_416 : i32
      %dma_start3A_418 = arith.constant 0 : i32
      %dma_start3A_419 = tpu.memref_slice %arg6[%add3A_417, %dma_start3A_418] : memref<512x128xi32, #tpu.memory_space<vmem>> -> memref<1x128xi32, #tpu.memory_space<vmem>>
      %dma_start3A_420 = arith.constant 0 : i32
      %dma_start3A_421 = tpu.memref_slice %arg3[%squeeze3A_413, %dma_start3A_420] : memref<126976x128xi32, #tpu.memory_space<hbm>> -> memref<1x128xi32, #tpu.memory_space<hbm>>
      %dma_start3A_422 = arith.constant 0 : i32
      %dma_start3A_423 = tpu.memref_slice %arg6[%add3A_417, %dma_start3A_422] : memref<512x128xi32, #tpu.memory_space<vmem>> -> memref<1x128xi32, #tpu.memory_space<vmem>>
      %dma_start3A_424 = arith.constant 0 : i32
      %dma_start3A_425 = tpu.memref_slice %arg3[%squeeze3A_413, %dma_start3A_424] : memref<126976x128xi32, #tpu.memory_space<hbm>> -> memref<1x128xi32, #tpu.memory_space<hbm>>
      tpu.enqueue_dma source(%dma_start3A_425 : memref<1x128xi32, #tpu.memory_space<hbm>>) target(%dma_start3A_423 : memref<1x128xi32, #tpu.memory_space<vmem>>) target_semaphore(%arg7 : memref<!tpu.dma_semaphore, #tpu.memory_space<semaphore_mem>>)
      %slice3A_426 = vector.extract_strided_slice %get3A_411 {offsets = [1], sizes = [1], strides = [1]} : vector<16xi32> to vector<1xi32>
      %squeeze3A_427 = vector.extract %slice3A_426[0] : i32 from vector<1xi32>
      %add3A_428 = arith.constant 0 : i32
      %add3A_429 = arith.addi %mul3A_406, %add3A_428 : i32
      %add3A_430 = arith.constant 1 : i32
      %add3A_431 = arith.addi %add3A_429, %add3A_430 : i32
      %dma_start3A_432 = arith.constant 0 : i32
      %dma_start3A_433 = tpu.memref_slice %arg6[%add3A_431, %dma_start3A_432] : memref<512x128xi32, #tpu.memory_space<vmem>> -> memref<1x128xi32, #tpu.memory_space<vmem>>
      %dma_start3A_434 = arith.constant 0 : i32
      %dma_start3A_435 = tpu.memref_slice %arg3[%squeeze3A_427, %dma_start3A_434] : memref<126976x128xi32, #tpu.memory_space<hbm>> -> memref<1x128xi32, #tpu.memory_space<hbm>>
      %dma_start3A_436 = arith.constant 0 : i32
      %dma_start3A_437 = tpu.memref_slice %arg6[%add3A_431, %dma_start3A_436] : memref<512x128xi32, #tpu.memory_space<vmem>> -> memref<1x128xi32, #tpu.memory_space<vmem>>
      %dma_start3A_438 = arith.constant 0 : i32
      %dma_start3A_439 = tpu.memref_slice %arg3[%squeeze3A_427, %dma_start3A_438] : memref<126976x128xi32, #tpu.memory_space<hbm>> -> memref<1x128xi32, #tpu.memory_space<hbm>>
      tpu.enqueue_dma source(%dma_start3A_439 : memref<1x128xi32, #tpu.memory_space<hbm>>) target(%dma_start3A_437 : memref<1x128xi32, #tpu.memory_space<vmem>>) target_semaphore(%arg7 : memref<!tpu.dma_semaphore, #tpu.memory_space<semaphore_mem>>)
      %slice3A_440 = vector.extract_strided_slice %get3A_411 {offsets = [2], sizes = [1], strides = [1]} : vector<16xi32> to vector<1xi32>
      %squeeze3A_441 = vector.extract %slice3A_440[0] : i32 from vector<1xi32>
      %add3A_442 = arith.constant 0 : i32
      %add3A_443 = arith.addi %mul3A_406, %add3A_442 : i32
      %add3A_444 = arith.constant 2 : i32
      %add3A_445 = arith.addi %add3A_443, %add3A_444 : i32
      %dma_start3A_446 = arith.constant 0 : i32
      %dma_start3A_447 = tpu.memref_slice %arg6[%add3A_445, %dma_start3A_446] : memref<512x128xi32, #tpu.memory_space<vmem>> -> memref<1x128xi32, #tpu.memory_space<vmem>>
      %dma_start3A_448 = arith.constant 0 : i32
      %dma_start3A_449 = tpu.memref_slice %arg3[%squeeze3A_441, %dma_start3A_448] : memref<126976x128xi32, #tpu.memory_space<hbm>> -> memref<1x128xi32, #tpu.memory_space<hbm>>
      %dma_start3A_450 = arith.constant 0 : i32
      %dma_start3A_451 = tpu.memref_slice %arg6[%add3A_445, %dma_start3A_450] : memref<512x128xi32, #tpu.memory_space<vmem>> -> memref<1x128xi32, #tpu.memory_space<vmem>>
      %dma_start3A_452 = arith.constant 0 : i32
      %dma_start3A_453 = tpu.memref_slice %arg3[%squeeze3A_441, %dma_start3A_452] : memref<126976x128xi32, #tpu.memory_space<hbm>> -> memref<1x128xi32, #tpu.memory_space<hbm>>
      tpu.enqueue_dma source(%dma_start3A_453 : memref<1x128xi32, #tpu.memory_space<hbm>>) target(%dma_start3A_451 : memref<1x128xi32, #tpu.memory_space<vmem>>) target_semaphore(%arg7 : memref<!tpu.dma_semaphore, #tpu.memory_space<semaphore_mem>>)
      %slice3A_454 = vector.extract_strided_slice %get3A_411 {offsets = [3], sizes = [1], strides = [1]} : vector<16xi32> to vector<1xi32>
      %squeeze3A_455 = vector.extract %slice3A_454[0] : i32 from vector<1xi32>
      %add3A_456 = arith.constant 0 : i32
      %add3A_457 = arith.addi %mul3A_406, %add3A_456 : i32
      %add3A_458 = arith.constant 3 : i32
      %add3A_459 = arith.addi %add3A_457, %add3A_458 : i32
      %dma_start3A_460 = arith.constant 0 : i32
      %dma_start3A_461 = tpu.memref_slice %arg6[%add3A_459, %dma_start3A_460] : memref<512x128xi32, #tpu.memory_space<vmem>> -> memref<1x128xi32, #tpu.memory_space<vmem>>
      %dma_start3A_462 = arith.constant 0 : i32
      %dma_start3A_463 = tpu.memref_slice %arg3[%squeeze3A_455, %dma_start3A_462] : memref<126976x128xi32, #tpu.memory_space<hbm>> -> memref<1x128xi32, #tpu.memory_space<hbm>>
      %dma_start3A_464 = arith.constant 0 : i32
      %dma_start3A_465 = tpu.memref_slice %arg6[%add3A_459, %dma_start3A_464] : memref<512x128xi32, #tpu.memory_space<vmem>> -> memref<1x128xi32, #tpu.memory_space<vmem>>
      %dma_start3A_466 = arith.constant 0 : i32
      %dma_start3A_467 = tpu.memref_slice %arg3[%squeeze3A_455, %dma_start3A_466] : memref<126976x128xi32, #tpu.memory_space<hbm>> -> memref<1x128xi32, #tpu.memory_space<hbm>>
      tpu.enqueue_dma source(%dma_start3A_467 : memref<1x128xi32, #tpu.memory_space<hbm>>) target(%dma_start3A_465 : memref<1x128xi32, #tpu.memory_space<vmem>>) target_semaphore(%arg7 : memref<!tpu.dma_semaphore, #tpu.memory_space<semaphore_mem>>)
      %slice3A_468 = vector.extract_strided_slice %get3A_411 {offsets = [4], sizes = [1], strides = [1]} : vector<16xi32> to vector<1xi32>
      %squeeze3A_469 = vector.extract %slice3A_468[0] : i32 from vector<1xi32>
      %add3A_470 = arith.constant 0 : i32
      %add3A_471 = arith.addi %mul3A_406, %add3A_470 : i32
      %add3A_472 = arith.constant 4 : i32
      %add3A_473 = arith.addi %add3A_471, %add3A_472 : i32
      %dma_start3A_474 = arith.constant 0 : i32
      %dma_start3A_475 = tpu.memref_slice %arg6[%add3A_473, %dma_start3A_474] : memref<512x128xi32, #tpu.memory_space<vmem>> -> memref<1x128xi32, #tpu.memory_space<vmem>>
      %dma_start3A_476 = arith.constant 0 : i32
      %dma_start3A_477 = tpu.memref_slice %arg3[%squeeze3A_469, %dma_start3A_476] : memref<126976x128xi32, #tpu.memory_space<hbm>> -> memref<1x128xi32, #tpu.memory_space<hbm>>
      %dma_start3A_478 = arith.constant 0 : i32
      %dma_start3A_479 = tpu.memref_slice %arg6[%add3A_473, %dma_start3A_478] : memref<512x128xi32, #tpu.memory_space<vmem>> -> memref<1x128xi32, #tpu.memory_space<vmem>>
      %dma_start3A_480 = arith.constant 0 : i32
      %dma_start3A_481 = tpu.memref_slice %arg3[%squeeze3A_469, %dma_start3A_480] : memref<126976x128xi32, #tpu.memory_space<hbm>> -> memref<1x128xi32, #tpu.memory_space<hbm>>
      tpu.enqueue_dma source(%dma_start3A_481 : memref<1x128xi32, #tpu.memory_space<hbm>>) target(%dma_start3A_479 : memref<1x128xi32, #tpu.memory_space<vmem>>) target_semaphore(%arg7 : memref<!tpu.dma_semaphore, #tpu.memory_space<semaphore_mem>>)
      %slice3A_482 = vector.extract_strided_slice %get3A_411 {offsets = [5], sizes = [1], strides = [1]} : vector<16xi32> to vector<1xi32>
      %squeeze3A_483 = vector.extract %slice3A_482[0] : i32 from vector<1xi32>
      %add3A_484 = arith.constant 0 : i32
      %add3A_485 = arith.addi %mul3A_406, %add3A_484 : i32
      %add3A_486 = arith.constant 5 : i32
      %add3A_487 = arith.addi %add3A_485, %add3A_486 : i32
      %dma_start3A_488 = arith.constant 0 : i32
      %dma_start3A_489 = tpu.memref_slice %arg6[%add3A_487, %dma_start3A_488] : memref<512x128xi32, #tpu.memory_space<vmem>> -> memref<1x128xi32, #tpu.memory_space<vmem>>
      %dma_start3A_490 = arith.constant 0 : i32
      %dma_start3A_491 = tpu.memref_slice %arg3[%squeeze3A_483, %dma_start3A_490] : memref<126976x128xi32, #tpu.memory_space<hbm>> -> memref<1x128xi32, #tpu.memory_space<hbm>>
      %dma_start3A_492 = arith.constant 0 : i32
      %dma_start3A_493 = tpu.memref_slice %arg6[%add3A_487, %dma_start3A_492] : memref<512x128xi32, #tpu.memory_space<vmem>> -> memref<1x128xi32, #tpu.memory_space<vmem>>
      %dma_start3A_494 = arith.constant 0 : i32
      %dma_start3A_495 = tpu.memref_slice %arg3[%squeeze3A_483, %dma_start3A_494] : memref<126976x128xi32, #tpu.memory_space<hbm>> -> memref<1x128xi32, #tpu.memory_space<hbm>>
      tpu.enqueue_dma source(%dma_start3A_495 : memref<1x128xi32, #tpu.memory_space<hbm>>) target(%dma_start3A_493 : memref<1x128xi32, #tpu.memory_space<vmem>>) target_semaphore(%arg7 : memref<!tpu.dma_semaphore, #tpu.memory_space<semaphore_mem>>)
      %slice3A_496 = vector.extract_strided_slice %get3A_411 {offsets = [6], sizes = [1], strides = [1]} : vector<16xi32> to vector<1xi32>
      %squeeze3A_497 = vector.extract %slice3A_496[0] : i32 from vector<1xi32>
      %add3A_498 = arith.constant 0 : i32
      %add3A_499 = arith.addi %mul3A_406, %add3A_498 : i32
      %add3A_500 = arith.constant 6 : i32
      %add3A_501 = arith.addi %add3A_499, %add3A_500 : i32
      %dma_start3A_502 = arith.constant 0 : i32
      %dma_start3A_503 = tpu.memref_slice %arg6[%add3A_501, %dma_start3A_502] : memref<512x128xi32, #tpu.memory_space<vmem>> -> memref<1x128xi32, #tpu.memory_space<vmem>>
      %dma_start3A_504 = arith.constant 0 : i32
      %dma_start3A_505 = tpu.memref_slice %arg3[%squeeze3A_497, %dma_start3A_504] : memref<126976x128xi32, #tpu.memory_space<hbm>> -> memref<1x128xi32, #tpu.memory_space<hbm>>
      %dma_start3A_506 = arith.constant 0 : i32
      %dma_start3A_507 = tpu.memref_slice %arg6[%add3A_501, %dma_start3A_506] : memref<512x128xi32, #tpu.memory_space<vmem>> -> memref<1x128xi32, #tpu.memory_space<vmem>>
      %dma_start3A_508 = arith.constant 0 : i32
      %dma_start3A_509 = tpu.memref_slice %arg3[%squeeze3A_497, %dma_start3A_508] : memref<126976x128xi32, #tpu.memory_space<hbm>> -> memref<1x128xi32, #tpu.memory_space<hbm>>
      tpu.enqueue_dma source(%dma_start3A_509 : memref<1x128xi32, #tpu.memory_space<hbm>>) target(%dma_start3A_507 : memref<1x128xi32, #tpu.memory_space<vmem>>) target_semaphore(%arg7 : memref<!tpu.dma_semaphore, #tpu.memory_space<semaphore_mem>>)
      %slice3A_510 = vector.extract_strided_slice %get3A_411 {offsets = [7], sizes = [1], strides = [1]} : vector<16xi32> to vector<1xi32>
      %squeeze3A_511 = vector.extract %slice3A_510[0] : i32 from vector<1xi32>
      %add3A_512 = arith.constant 0 : i32
      %add3A_513 = arith.addi %mul3A_406, %add3A_512 : i32
      %add3A_514 = arith.constant 7 : i32
      %add3A_515 = arith.addi %add3A_513, %add3A_514 : i32
      %dma_start3A_516 = arith.constant 0 : i32
      %dma_start3A_517 = tpu.memref_slice %arg6[%add3A_515, %dma_start3A_516] : memref<512x128xi32, #tpu.memory_space<vmem>> -> memref<1x128xi32, #tpu.memory_space<vmem>>
      %dma_start3A_518 = arith.constant 0 : i32
      %dma_start3A_519 = tpu.memref_slice %arg3[%squeeze3A_511, %dma_start3A_518] : memref<126976x128xi32, #tpu.memory_space<hbm>> -> memref<1x128xi32, #tpu.memory_space<hbm>>
      %dma_start3A_520 = arith.constant 0 : i32
      %dma_start3A_521 = tpu.memref_slice %arg6[%add3A_515, %dma_start3A_520] : memref<512x128xi32, #tpu.memory_space<vmem>> -> memref<1x128xi32, #tpu.memory_space<vmem>>
      %dma_start3A_522 = arith.constant 0 : i32
      %dma_start3A_523 = tpu.memref_slice %arg3[%squeeze3A_511, %dma_start3A_522] : memref<126976x128xi32, #tpu.memory_space<hbm>> -> memref<1x128xi32, #tpu.memory_space<hbm>>
      tpu.enqueue_dma source(%dma_start3A_523 : memref<1x128xi32, #tpu.memory_space<hbm>>) target(%dma_start3A_521 : memref<1x128xi32, #tpu.memory_space<vmem>>) target_semaphore(%arg7 : memref<!tpu.dma_semaphore, #tpu.memory_space<semaphore_mem>>)
      %slice3A_524 = vector.extract_strided_slice %get3A_411 {offsets = [8], sizes = [1], strides = [1]} : vector<16xi32> to vector<1xi32>
      %squeeze3A_525 = vector.extract %slice3A_524[0] : i32 from vector<1xi32>
      %add3A_526 = arith.constant 0 : i32
      %add3A_527 = arith.addi %mul3A_406, %add3A_526 : i32
      %add3A_528 = arith.constant 8 : i32
      %add3A_529 = arith.addi %add3A_527, %add3A_528 : i32
      %dma_start3A_530 = arith.constant 0 : i32
      %dma_start3A_531 = tpu.memref_slice %arg6[%add3A_529, %dma_start3A_530] : memref<512x128xi32, #tpu.memory_space<vmem>> -> memref<1x128xi32, #tpu.memory_space<vmem>>
      %dma_start3A_532 = arith.constant 0 : i32
      %dma_start3A_533 = tpu.memref_slice %arg3[%squeeze3A_525, %dma_start3A_532] : memref<126976x128xi32, #tpu.memory_space<hbm>> -> memref<1x128xi32, #tpu.memory_space<hbm>>
      %dma_start3A_534 = arith.constant 0 : i32
      %dma_start3A_535 = tpu.memref_slice %arg6[%add3A_529, %dma_start3A_534] : memref<512x128xi32, #tpu.memory_space<vmem>> -> memref<1x128xi32, #tpu.memory_space<vmem>>
      %dma_start3A_536 = arith.constant 0 : i32
      %dma_start3A_537 = tpu.memref_slice %arg3[%squeeze3A_525, %dma_start3A_536] : memref<126976x128xi32, #tpu.memory_space<hbm>> -> memref<1x128xi32, #tpu.memory_space<hbm>>
      tpu.enqueue_dma source(%dma_start3A_537 : memref<1x128xi32, #tpu.memory_space<hbm>>) target(%dma_start3A_535 : memref<1x128xi32, #tpu.memory_space<vmem>>) target_semaphore(%arg7 : memref<!tpu.dma_semaphore, #tpu.memory_space<semaphore_mem>>)
      %slice3A_538 = vector.extract_strided_slice %get3A_411 {offsets = [9], sizes = [1], strides = [1]} : vector<16xi32> to vector<1xi32>
      %squeeze3A_539 = vector.extract %slice3A_538[0] : i32 from vector<1xi32>
      %add3A_540 = arith.constant 0 : i32
      %add3A_541 = arith.addi %mul3A_406, %add3A_540 : i32
      %add3A_542 = arith.constant 9 : i32
      %add3A_543 = arith.addi %add3A_541, %add3A_542 : i32
      %dma_start3A_544 = arith.constant 0 : i32
      %dma_start3A_545 = tpu.memref_slice %arg6[%add3A_543, %dma_start3A_544] : memref<512x128xi32, #tpu.memory_space<vmem>> -> memref<1x128xi32, #tpu.memory_space<vmem>>
      %dma_start3A_546 = arith.constant 0 : i32
      %dma_start3A_547 = tpu.memref_slice %arg3[%squeeze3A_539, %dma_start3A_546] : memref<126976x128xi32, #tpu.memory_space<hbm>> -> memref<1x128xi32, #tpu.memory_space<hbm>>
      %dma_start3A_548 = arith.constant 0 : i32
      %dma_start3A_549 = tpu.memref_slice %arg6[%add3A_543, %dma_start3A_548] : memref<512x128xi32, #tpu.memory_space<vmem>> -> memref<1x128xi32, #tpu.memory_space<vmem>>
      %dma_start3A_550 = arith.constant 0 : i32
      %dma_start3A_551 = tpu.memref_slice %arg3[%squeeze3A_539, %dma_start3A_550] : memref<126976x128xi32, #tpu.memory_space<hbm>> -> memref<1x128xi32, #tpu.memory_space<hbm>>
      tpu.enqueue_dma source(%dma_start3A_551 : memref<1x128xi32, #tpu.memory_space<hbm>>) target(%dma_start3A_549 : memref<1x128xi32, #tpu.memory_space<vmem>>) target_semaphore(%arg7 : memref<!tpu.dma_semaphore, #tpu.memory_space<semaphore_mem>>)
      %slice3A_552 = vector.extract_strided_slice %get3A_411 {offsets = [10], sizes = [1], strides = [1]} : vector<16xi32> to vector<1xi32>
      %squeeze3A_553 = vector.extract %slice3A_552[0] : i32 from vector<1xi32>
      %add3A_554 = arith.constant 0 : i32
      %add3A_555 = arith.addi %mul3A_406, %add3A_554 : i32
      %add3A_556 = arith.constant 10 : i32
      %add3A_557 = arith.addi %add3A_555, %add3A_556 : i32
      %dma_start3A_558 = arith.constant 0 : i32
      %dma_start3A_559 = tpu.memref_slice %arg6[%add3A_557, %dma_start3A_558] : memref<512x128xi32, #tpu.memory_space<vmem>> -> memref<1x128xi32, #tpu.memory_space<vmem>>
      %dma_start3A_560 = arith.constant 0 : i32
      %dma_start3A_561 = tpu.memref_slice %arg3[%squeeze3A_553, %dma_start3A_560] : memref<126976x128xi32, #tpu.memory_space<hbm>> -> memref<1x128xi32, #tpu.memory_space<hbm>>
      %dma_start3A_562 = arith.constant 0 : i32
      %dma_start3A_563 = tpu.memref_slice %arg6[%add3A_557, %dma_start3A_562] : memref<512x128xi32, #tpu.memory_space<vmem>> -> memref<1x128xi32, #tpu.memory_space<vmem>>
      %dma_start3A_564 = arith.constant 0 : i32
      %dma_start3A_565 = tpu.memref_slice %arg3[%squeeze3A_553, %dma_start3A_564] : memref<126976x128xi32, #tpu.memory_space<hbm>> -> memref<1x128xi32, #tpu.memory_space<hbm>>
      tpu.enqueue_dma source(%dma_start3A_565 : memref<1x128xi32, #tpu.memory_space<hbm>>) target(%dma_start3A_563 : memref<1x128xi32, #tpu.memory_space<vmem>>) target_semaphore(%arg7 : memref<!tpu.dma_semaphore, #tpu.memory_space<semaphore_mem>>)
      %slice3A_566 = vector.extract_strided_slice %get3A_411 {offsets = [11], sizes = [1], strides = [1]} : vector<16xi32> to vector<1xi32>
      %squeeze3A_567 = vector.extract %slice3A_566[0] : i32 from vector<1xi32>
      %add3A_568 = arith.constant 0 : i32
      %add3A_569 = arith.addi %mul3A_406, %add3A_568 : i32
      %add3A_570 = arith.constant 11 : i32
      %add3A_571 = arith.addi %add3A_569, %add3A_570 : i32
      %dma_start3A_572 = arith.constant 0 : i32
      %dma_start3A_573 = tpu.memref_slice %arg6[%add3A_571, %dma_start3A_572] : memref<512x128xi32, #tpu.memory_space<vmem>> -> memref<1x128xi32, #tpu.memory_space<vmem>>
      %dma_start3A_574 = arith.constant 0 : i32
      %dma_start3A_575 = tpu.memref_slice %arg3[%squeeze3A_567, %dma_start3A_574] : memref<126976x128xi32, #tpu.memory_space<hbm>> -> memref<1x128xi32, #tpu.memory_space<hbm>>
      %dma_start3A_576 = arith.constant 0 : i32
      %dma_start3A_577 = tpu.memref_slice %arg6[%add3A_571, %dma_start3A_576] : memref<512x128xi32, #tpu.memory_space<vmem>> -> memref<1x128xi32, #tpu.memory_space<vmem>>
      %dma_start3A_578 = arith.constant 0 : i32
      %dma_start3A_579 = tpu.memref_slice %arg3[%squeeze3A_567, %dma_start3A_578] : memref<126976x128xi32, #tpu.memory_space<hbm>> -> memref<1x128xi32, #tpu.memory_space<hbm>>
      tpu.enqueue_dma source(%dma_start3A_579 : memref<1x128xi32, #tpu.memory_space<hbm>>) target(%dma_start3A_577 : memref<1x128xi32, #tpu.memory_space<vmem>>) target_semaphore(%arg7 : memref<!tpu.dma_semaphore, #tpu.memory_space<semaphore_mem>>)
      %slice3A_580 = vector.extract_strided_slice %get3A_411 {offsets = [12], sizes = [1], strides = [1]} : vector<16xi32> to vector<1xi32>
      %squeeze3A_581 = vector.extract %slice3A_580[0] : i32 from vector<1xi32>
      %add3A_582 = arith.constant 0 : i32
      %add3A_583 = arith.addi %mul3A_406, %add3A_582 : i32
      %add3A_584 = arith.constant 12 : i32
      %add3A_585 = arith.addi %add3A_583, %add3A_584 : i32
      %dma_start3A_586 = arith.constant 0 : i32
      %dma_start3A_587 = tpu.memref_slice %arg6[%add3A_585, %dma_start3A_586] : memref<512x128xi32, #tpu.memory_space<vmem>> -> memref<1x128xi32, #tpu.memory_space<vmem>>
      %dma_start3A_588 = arith.constant 0 : i32
      %dma_start3A_589 = tpu.memref_slice %arg3[%squeeze3A_581, %dma_start3A_588] : memref<126976x128xi32, #tpu.memory_space<hbm>> -> memref<1x128xi32, #tpu.memory_space<hbm>>
      %dma_start3A_590 = arith.constant 0 : i32
      %dma_start3A_591 = tpu.memref_slice %arg6[%add3A_585, %dma_start3A_590] : memref<512x128xi32, #tpu.memory_space<vmem>> -> memref<1x128xi32, #tpu.memory_space<vmem>>
      %dma_start3A_592 = arith.constant 0 : i32
      %dma_start3A_593 = tpu.memref_slice %arg3[%squeeze3A_581, %dma_start3A_592] : memref<126976x128xi32, #tpu.memory_space<hbm>> -> memref<1x128xi32, #tpu.memory_space<hbm>>
      tpu.enqueue_dma source(%dma_start3A_593 : memref<1x128xi32, #tpu.memory_space<hbm>>) target(%dma_start3A_591 : memref<1x128xi32, #tpu.memory_space<vmem>>) target_semaphore(%arg7 : memref<!tpu.dma_semaphore, #tpu.memory_space<semaphore_mem>>)
      %slice3A_594 = vector.extract_strided_slice %get3A_411 {offsets = [13], sizes = [1], strides = [1]} : vector<16xi32> to vector<1xi32>
      %squeeze3A_595 = vector.extract %slice3A_594[0] : i32 from vector<1xi32>
      %add3A_596 = arith.constant 0 : i32
      %add3A_597 = arith.addi %mul3A_406, %add3A_596 : i32
      %add3A_598 = arith.constant 13 : i32
      %add3A_599 = arith.addi %add3A_597, %add3A_598 : i32
      %dma_start3A_600 = arith.constant 0 : i32
      %dma_start3A_601 = tpu.memref_slice %arg6[%add3A_599, %dma_start3A_600] : memref<512x128xi32, #tpu.memory_space<vmem>> -> memref<1x128xi32, #tpu.memory_space<vmem>>
      %dma_start3A_602 = arith.constant 0 : i32
      %dma_start3A_603 = tpu.memref_slice %arg3[%squeeze3A_595, %dma_start3A_602] : memref<126976x128xi32, #tpu.memory_space<hbm>> -> memref<1x128xi32, #tpu.memory_space<hbm>>
      %dma_start3A_604 = arith.constant 0 : i32
      %dma_start3A_605 = tpu.memref_slice %arg6[%add3A_599, %dma_start3A_604] : memref<512x128xi32, #tpu.memory_space<vmem>> -> memref<1x128xi32, #tpu.memory_space<vmem>>
      %dma_start3A_606 = arith.constant 0 : i32
      %dma_start3A_607 = tpu.memref_slice %arg3[%squeeze3A_595, %dma_start3A_606] : memref<126976x128xi32, #tpu.memory_space<hbm>> -> memref<1x128xi32, #tpu.memory_space<hbm>>
      tpu.enqueue_dma source(%dma_start3A_607 : memref<1x128xi32, #tpu.memory_space<hbm>>) target(%dma_start3A_605 : memref<1x128xi32, #tpu.memory_space<vmem>>) target_semaphore(%arg7 : memref<!tpu.dma_semaphore, #tpu.memory_space<semaphore_mem>>)
      %slice3A_608 = vector.extract_strided_slice %get3A_411 {offsets = [14], sizes = [1], strides = [1]} : vector<16xi32> to vector<1xi32>
      %squeeze3A_609 = vector.extract %slice3A_608[0] : i32 from vector<1xi32>
      %add3A_610 = arith.constant 0 : i32
      %add3A_611 = arith.addi %mul3A_406, %add3A_610 : i32
      %add3A_612 = arith.constant 14 : i32
      %add3A_613 = arith.addi %add3A_611, %add3A_612 : i32
      %dma_start3A_614 = arith.constant 0 : i32
      %dma_start3A_615 = tpu.memref_slice %arg6[%add3A_613, %dma_start3A_614] : memref<512x128xi32, #tpu.memory_space<vmem>> -> memref<1x128xi32, #tpu.memory_space<vmem>>
      %dma_start3A_616 = arith.constant 0 : i32
      %dma_start3A_617 = tpu.memref_slice %arg3[%squeeze3A_609, %dma_start3A_616] : memref<126976x128xi32, #tpu.memory_space<hbm>> -> memref<1x128xi32, #tpu.memory_space<hbm>>
      %dma_start3A_618 = arith.constant 0 : i32
      %dma_start3A_619 = tpu.memref_slice %arg6[%add3A_613, %dma_start3A_618] : memref<512x128xi32, #tpu.memory_space<vmem>> -> memref<1x128xi32, #tpu.memory_space<vmem>>
      %dma_start3A_620 = arith.constant 0 : i32
      %dma_start3A_621 = tpu.memref_slice %arg3[%squeeze3A_609, %dma_start3A_620] : memref<126976x128xi32, #tpu.memory_space<hbm>> -> memref<1x128xi32, #tpu.memory_space<hbm>>
      tpu.enqueue_dma source(%dma_start3A_621 : memref<1x128xi32, #tpu.memory_space<hbm>>) target(%dma_start3A_619 : memref<1x128xi32, #tpu.memory_space<vmem>>) target_semaphore(%arg7 : memref<!tpu.dma_semaphore, #tpu.memory_space<semaphore_mem>>)
      %slice3A_622 = vector.extract_strided_slice %get3A_411 {offsets = [15], sizes = [1], strides = [1]} : vector<16xi32> to vector<1xi32>
      %squeeze3A_623 = vector.extract %slice3A_622[0] : i32 from vector<1xi32>
      %add3A_624 = arith.constant 0 : i32
      %add3A_625 = arith.addi %mul3A_406, %add3A_624 : i32
      %add3A_626 = arith.constant 15 : i32
      %add3A_627 = arith.addi %add3A_625, %add3A_626 : i32
      %dma_start3A_628 = arith.constant 0 : i32
      %dma_start3A_629 = tpu.memref_slice %arg6[%add3A_627, %dma_start3A_628] : memref<512x128xi32, #tpu.memory_space<vmem>> -> memref<1x128xi32, #tpu.memory_space<vmem>>
      %dma_start3A_630 = arith.constant 0 : i32
      %dma_start3A_631 = tpu.memref_slice %arg3[%squeeze3A_623, %dma_start3A_630] : memref<126976x128xi32, #tpu.memory_space<hbm>> -> memref<1x128xi32, #tpu.memory_space<hbm>>
      %dma_start3A_632 = arith.constant 0 : i32
      %dma_start3A_633 = tpu.memref_slice %arg6[%add3A_627, %dma_start3A_632] : memref<512x128xi32, #tpu.memory_space<vmem>> -> memref<1x128xi32, #tpu.memory_space<vmem>>
      %dma_start3A_634 = arith.constant 0 : i32
      %dma_start3A_635 = tpu.memref_slice %arg3[%squeeze3A_623, %dma_start3A_634] : memref<126976x128xi32, #tpu.memory_space<hbm>> -> memref<1x128xi32, #tpu.memory_space<hbm>>
      tpu.enqueue_dma source(%dma_start3A_635 : memref<1x128xi32, #tpu.memory_space<hbm>>) target(%dma_start3A_633 : memref<1x128xi32, #tpu.memory_space<vmem>>) target_semaphore(%arg7 : memref<!tpu.dma_semaphore, #tpu.memory_space<semaphore_mem>>)
      %add3A_636 = arith.constant 16 : i32
      %add3A_637 = arith.addi %mul3A_406, %add3A_636 : i32
      %get3A_638 = arith.index_cast %add3A_637 : i32 to index
      %get3A_639 = tpu.vector_load %arg5[%get3A_638] {strides = array<i32>} : memref<512xi32, #tpu.memory_space<vmem>>, vector<16xi32>,
      %get3A_640 = vector.shape_cast %get3A_639 : vector<16xi32> to vector<16xi32>
      %slice3A_641 = vector.extract_strided_slice %get3A_640 {offsets = [0], sizes = [1], strides = [1]} : vector<16xi32> to vector<1xi32>
      %squeeze3A_642 = vector.extract %slice3A_641[0] : i32 from vector<1xi32>
      %add3A_643 = arith.constant 16 : i32
      %add3A_644 = arith.addi %mul3A_406, %add3A_643 : i32
      %add3A_645 = arith.constant 0 : i32
      %add3A_646 = arith.addi %add3A_644, %add3A_645 : i32
      %dma_start3A_647 = arith.constant 0 : i32
      %dma_start3A_648 = tpu.memref_slice %arg6[%add3A_646, %dma_start3A_647] : memref<512x128xi32, #tpu.memory_space<vmem>> -> memref<1x128xi32, #tpu.memory_space<vmem>>
      %dma_start3A_649 = arith.constant 0 : i32
      %dma_start3A_650 = tpu.memref_slice %arg3[%squeeze3A_642, %dma_start3A_649] : memref<126976x128xi32, #tpu.memory_space<hbm>> -> memref<1x128xi32, #tpu.memory_space<hbm>>
      %dma_start3A_651 = arith.constant 0 : i32
      %dma_start3A_652 = tpu.memref_slice %arg6[%add3A_646, %dma_start3A_651] : memref<512x128xi32, #tpu.memory_space<vmem>> -> memref<1x128xi32, #tpu.memory_space<vmem>>
      %dma_start3A_653 = arith.constant 0 : i32
      %dma_start3A_654 = tpu.memref_slice %arg3[%squeeze3A_642, %dma_start3A_653] : memref<126976x128xi32, #tpu.memory_space<hbm>> -> memref<1x128xi32, #tpu.memory_space<hbm>>
      tpu.enqueue_dma source(%dma_start3A_654 : memref<1x128xi32, #tpu.memory_space<hbm>>) target(%dma_start3A_652 : memref<1x128xi32, #tpu.memory_space<vmem>>) target_semaphore(%arg7 : memref<!tpu.dma_semaphore, #tpu.memory_space<semaphore_mem>>)
      %slice3A_655 = vector.extract_strided_slice %get3A_640 {offsets = [1], sizes = [1], strides = [1]} : vector<16xi32> to vector<1xi32>
      %squeeze3A_656 = vector.extract %slice3A_655[0] : i32 from vector<1xi32>
      %add3A_657 = arith.constant 16 : i32
      %add3A_658 = arith.addi %mul3A_406, %add3A_657 : i32
      %add3A_659 = arith.constant 1 : i32
      %add3A_660 = arith.addi %add3A_658, %add3A_659 : i32
      %dma_start3A_661 = arith.constant 0 : i32
      %dma_start3A_662 = tpu.memref_slice %arg6[%add3A_660, %dma_start3A_661] : memref<512x128xi32, #tpu.memory_space<vmem>> -> memref<1x128xi32, #tpu.memory_space<vmem>>
      %dma_start3A_663 = arith.constant 0 : i32
      %dma_start3A_664 = tpu.memref_slice %arg3[%squeeze3A_656, %dma_start3A_663] : memref<126976x128xi32, #tpu.memory_space<hbm>> -> memref<1x128xi32, #tpu.memory_space<hbm>>
      %dma_start3A_665 = arith.constant 0 : i32
      %dma_start3A_666 = tpu.memref_slice %arg6[%add3A_660, %dma_start3A_665] : memref<512x128xi32, #tpu.memory_space<vmem>> -> memref<1x128xi32, #tpu.memory_space<vmem>>
      %dma_start3A_667 = arith.constant 0 : i32
      %dma_start3A_668 = tpu.memref_slice %arg3[%squeeze3A_656, %dma_start3A_667] : memref<126976x128xi32, #tpu.memory_space<hbm>> -> memref<1x128xi32, #tpu.memory_space<hbm>>
      tpu.enqueue_dma source(%dma_start3A_668 : memref<1x128xi32, #tpu.memory_space<hbm>>) target(%dma_start3A_666 : memref<1x128xi32, #tpu.memory_space<vmem>>) target_semaphore(%arg7 : memref<!tpu.dma_semaphore, #tpu.memory_space<semaphore_mem>>)
      %slice3A_669 = vector.extract_strided_slice %get3A_640 {offsets = [2], sizes = [1], strides = [1]} : vector<16xi32> to vector<1xi32>
      %squeeze3A_670 = vector.extract %slice3A_669[0] : i32 from vector<1xi32>
      %add3A_671 = arith.constant 16 : i32
      %add3A_672 = arith.addi %mul3A_406, %add3A_671 : i32
      %add3A_673 = arith.constant 2 : i32
      %add3A_674 = arith.addi %add3A_672, %add3A_673 : i32
      %dma_start3A_675 = arith.constant 0 : i32
      %dma_start3A_676 = tpu.memref_slice %arg6[%add3A_674, %dma_start3A_675] : memref<512x128xi32, #tpu.memory_space<vmem>> -> memref<1x128xi32, #tpu.memory_space<vmem>>
      %dma_start3A_677 = arith.constant 0 : i32
      %dma_start3A_678 = tpu.memref_slice %arg3[%squeeze3A_670, %dma_start3A_677] : memref<126976x128xi32, #tpu.memory_space<hbm>> -> memref<1x128xi32, #tpu.memory_space<hbm>>
      %dma_start3A_679 = arith.constant 0 : i32
      %dma_start3A_680 = tpu.memref_slice %arg6[%add3A_674, %dma_start3A_679] : memref<512x128xi32, #tpu.memory_space<vmem>> -> memref<1x128xi32, #tpu.memory_space<vmem>>
      %dma_start3A_681 = arith.constant 0 : i32
      %dma_start3A_682 = tpu.memref_slice %arg3[%squeeze3A_670, %dma_start3A_681] : memref<126976x128xi32, #tpu.memory_space<hbm>> -> memref<1x128xi32, #tpu.memory_space<hbm>>
      tpu.enqueue_dma source(%dma_start3A_682 : memref<1x128xi32, #tpu.memory_space<hbm>>) target(%dma_start3A_680 : memref<1x128xi32, #tpu.memory_space<vmem>>) target_semaphore(%arg7 : memref<!tpu.dma_semaphore, #tpu.memory_space<semaphore_mem>>)
      %slice3A_683 = vector.extract_strided_slice %get3A_640 {offsets = [3], sizes = [1], strides = [1]} : vector<16xi32> to vector<1xi32>
      %squeeze3A_684 = vector.extract %slice3A_683[0] : i32 from vector<1xi32>
      %add3A_685 = arith.constant 16 : i32
      %add3A_686 = arith.addi %mul3A_406, %add3A_685 : i32
      %add3A_687 = arith.constant 3 : i32
      %add3A_688 = arith.addi %add3A_686, %add3A_687 : i32
      %dma_start3A_689 = arith.constant 0 : i32
      %dma_start3A_690 = tpu.memref_slice %arg6[%add3A_688, %dma_start3A_689] : memref<512x128xi32, #tpu.memory_space<vmem>> -> memref<1x128xi32, #tpu.memory_space<vmem>>
      %dma_start3A_691 = arith.constant 0 : i32
      %dma_start3A_692 = tpu.memref_slice %arg3[%squeeze3A_684, %dma_start3A_691] : memref<126976x128xi32, #tpu.memory_space<hbm>> -> memref<1x128xi32, #tpu.memory_space<hbm>>
      %dma_start3A_693 = arith.constant 0 : i32
      %dma_start3A_694 = tpu.memref_slice %arg6[%add3A_688, %dma_start3A_693] : memref<512x128xi32, #tpu.memory_space<vmem>> -> memref<1x128xi32, #tpu.memory_space<vmem>>
      %dma_start3A_695 = arith.constant 0 : i32
      %dma_start3A_696 = tpu.memref_slice %arg3[%squeeze3A_684, %dma_start3A_695] : memref<126976x128xi32, #tpu.memory_space<hbm>> -> memref<1x128xi32, #tpu.memory_space<hbm>>
      tpu.enqueue_dma source(%dma_start3A_696 : memref<1x128xi32, #tpu.memory_space<hbm>>) target(%dma_start3A_694 : memref<1x128xi32, #tpu.memory_space<vmem>>) target_semaphore(%arg7 : memref<!tpu.dma_semaphore, #tpu.memory_space<semaphore_mem>>)
      %slice3A_697 = vector.extract_strided_slice %get3A_640 {offsets = [4], sizes = [1], strides = [1]} : vector<16xi32> to vector<1xi32>
      %squeeze3A_698 = vector.extract %slice3A_697[0] : i32 from vector<1xi32>
      %add3A_699 = arith.constant 16 : i32
      %add3A_700 = arith.addi %mul3A_406, %add3A_699 : i32
      %add3A_701 = arith.constant 4 : i32
      %add3A_702 = arith.addi %add3A_700, %add3A_701 : i32
      %dma_start3A_703 = arith.constant 0 : i32
      %dma_start3A_704 = tpu.memref_slice %arg6[%add3A_702, %dma_start3A_703] : memref<512x128xi32, #tpu.memory_space<vmem>> -> memref<1x128xi32, #tpu.memory_space<vmem>>
      %dma_start3A_705 = arith.constant 0 : i32
      %dma_start3A_706 = tpu.memref_slice %arg3[%squeeze3A_698, %dma_start3A_705] : memref<126976x128xi32, #tpu.memory_space<hbm>> -> memref<1x128xi32, #tpu.memory_space<hbm>>
      %dma_start3A_707 = arith.constant 0 : i32
      %dma_start3A_708 = tpu.memref_slice %arg6[%add3A_702, %dma_start3A_707] : memref<512x128xi32, #tpu.memory_space<vmem>> -> memref<1x128xi32, #tpu.memory_space<vmem>>
      %dma_start3A_709 = arith.constant 0 : i32
      %dma_start3A_710 = tpu.memref_slice %arg3[%squeeze3A_698, %dma_start3A_709] : memref<126976x128xi32, #tpu.memory_space<hbm>> -> memref<1x128xi32, #tpu.memory_space<hbm>>
      tpu.enqueue_dma source(%dma_start3A_710 : memref<1x128xi32, #tpu.memory_space<hbm>>) target(%dma_start3A_708 : memref<1x128xi32, #tpu.memory_space<vmem>>) target_semaphore(%arg7 : memref<!tpu.dma_semaphore, #tpu.memory_space<semaphore_mem>>)
      %slice3A_711 = vector.extract_strided_slice %get3A_640 {offsets = [5], sizes = [1], strides = [1]} : vector<16xi32> to vector<1xi32>
      %squeeze3A_712 = vector.extract %slice3A_711[0] : i32 from vector<1xi32>
      %add3A_713 = arith.constant 16 : i32
      %add3A_714 = arith.addi %mul3A_406, %add3A_713 : i32
      %add3A_715 = arith.constant 5 : i32
      %add3A_716 = arith.addi %add3A_714, %add3A_715 : i32
      %dma_start3A_717 = arith.constant 0 : i32
      %dma_start3A_718 = tpu.memref_slice %arg6[%add3A_716, %dma_start3A_717] : memref<512x128xi32, #tpu.memory_space<vmem>> -> memref<1x128xi32, #tpu.memory_space<vmem>>
      %dma_start3A_719 = arith.constant 0 : i32
      %dma_start3A_720 = tpu.memref_slice %arg3[%squeeze3A_712, %dma_start3A_719] : memref<126976x128xi32, #tpu.memory_space<hbm>> -> memref<1x128xi32, #tpu.memory_space<hbm>>
      %dma_start3A_721 = arith.constant 0 : i32
      %dma_start3A_722 = tpu.memref_slice %arg6[%add3A_716, %dma_start3A_721] : memref<512x128xi32, #tpu.memory_space<vmem>> -> memref<1x128xi32, #tpu.memory_space<vmem>>
      %dma_start3A_723 = arith.constant 0 : i32
      %dma_start3A_724 = tpu.memref_slice %arg3[%squeeze3A_712, %dma_start3A_723] : memref<126976x128xi32, #tpu.memory_space<hbm>> -> memref<1x128xi32, #tpu.memory_space<hbm>>
      tpu.enqueue_dma source(%dma_start3A_724 : memref<1x128xi32, #tpu.memory_space<hbm>>) target(%dma_start3A_722 : memref<1x128xi32, #tpu.memory_space<vmem>>) target_semaphore(%arg7 : memref<!tpu.dma_semaphore, #tpu.memory_space<semaphore_mem>>)
      %slice3A_725 = vector.extract_strided_slice %get3A_640 {offsets = [6], sizes = [1], strides = [1]} : vector<16xi32> to vector<1xi32>
      %squeeze3A_726 = vector.extract %slice3A_725[0] : i32 from vector<1xi32>
      %add3A_727 = arith.constant 16 : i32
      %add3A_728 = arith.addi %mul3A_406, %add3A_727 : i32
      %add3A_729 = arith.constant 6 : i32
      %add3A_730 = arith.addi %add3A_728, %add3A_729 : i32
      %dma_start3A_731 = arith.constant 0 : i32
      %dma_start3A_732 = tpu.memref_slice %arg6[%add3A_730, %dma_start3A_731] : memref<512x128xi32, #tpu.memory_space<vmem>> -> memref<1x128xi32, #tpu.memory_space<vmem>>
      %dma_start3A_733 = arith.constant 0 : i32
      %dma_start3A_734 = tpu.memref_slice %arg3[%squeeze3A_726, %dma_start3A_733] : memref<126976x128xi32, #tpu.memory_space<hbm>> -> memref<1x128xi32, #tpu.memory_space<hbm>>
      %dma_start3A_735 = arith.constant 0 : i32
      %dma_start3A_736 = tpu.memref_slice %arg6[%add3A_730, %dma_start3A_735] : memref<512x128xi32, #tpu.memory_space<vmem>> -> memref<1x128xi32, #tpu.memory_space<vmem>>
      %dma_start3A_737 = arith.constant 0 : i32
      %dma_start3A_738 = tpu.memref_slice %arg3[%squeeze3A_726, %dma_start3A_737] : memref<126976x128xi32, #tpu.memory_space<hbm>> -> memref<1x128xi32, #tpu.memory_space<hbm>>
      tpu.enqueue_dma source(%dma_start3A_738 : memref<1x128xi32, #tpu.memory_space<hbm>>) target(%dma_start3A_736 : memref<1x128xi32, #tpu.memory_space<vmem>>) target_semaphore(%arg7 : memref<!tpu.dma_semaphore, #tpu.memory_space<semaphore_mem>>)
      %slice3A_739 = vector.extract_strided_slice %get3A_640 {offsets = [7], sizes = [1], strides = [1]} : vector<16xi32> to vector<1xi32>
      %squeeze3A_740 = vector.extract %slice3A_739[0] : i32 from vector<1xi32>
      %add3A_741 = arith.constant 16 : i32
      %add3A_742 = arith.addi %mul3A_406, %add3A_741 : i32
      %add3A_743 = arith.constant 7 : i32
      %add3A_744 = arith.addi %add3A_742, %add3A_743 : i32
      %dma_start3A_745 = arith.constant 0 : i32
      %dma_start3A_746 = tpu.memref_slice %arg6[%add3A_744, %dma_start3A_745] : memref<512x128xi32, #tpu.memory_space<vmem>> -> memref<1x128xi32, #tpu.memory_space<vmem>>
      %dma_start3A_747 = arith.constant 0 : i32
      %dma_start3A_748 = tpu.memref_slice %arg3[%squeeze3A_740, %dma_start3A_747] : memref<126976x128xi32, #tpu.memory_space<hbm>> -> memref<1x128xi32, #tpu.memory_space<hbm>>
      %dma_start3A_749 = arith.constant 0 : i32
      %dma_start3A_750 = tpu.memref_slice %arg6[%add3A_744, %dma_start3A_749] : memref<512x128xi32, #tpu.memory_space<vmem>> -> memref<1x128xi32, #tpu.memory_space<vmem>>
      %dma_start3A_751 = arith.constant 0 : i32
      %dma_start3A_752 = tpu.memref_slice %arg3[%squeeze3A_740, %dma_start3A_751] : memref<126976x128xi32, #tpu.memory_space<hbm>> -> memref<1x128xi32, #tpu.memory_space<hbm>>
      tpu.enqueue_dma source(%dma_start3A_752 : memref<1x128xi32, #tpu.memory_space<hbm>>) target(%dma_start3A_750 : memref<1x128xi32, #tpu.memory_space<vmem>>) target_semaphore(%arg7 : memref<!tpu.dma_semaphore, #tpu.memory_space<semaphore_mem>>)
      %slice3A_753 = vector.extract_strided_slice %get3A_640 {offsets = [8], sizes = [1], strides = [1]} : vector<16xi32> to vector<1xi32>
      %squeeze3A_754 = vector.extract %slice3A_753[0] : i32 from vector<1xi32>
      %add3A_755 = arith.constant 16 : i32
      %add3A_756 = arith.addi %mul3A_406, %add3A_755 : i32
      %add3A_757 = arith.constant 8 : i32
      %add3A_758 = arith.addi %add3A_756, %add3A_757 : i32
      %dma_start3A_759 = arith.constant 0 : i32
      %dma_start3A_760 = tpu.memref_slice %arg6[%add3A_758, %dma_start3A_759] : memref<512x128xi32, #tpu.memory_space<vmem>> -> memref<1x128xi32, #tpu.memory_space<vmem>>
      %dma_start3A_761 = arith.constant 0 : i32
      %dma_start3A_762 = tpu.memref_slice %arg3[%squeeze3A_754, %dma_start3A_761] : memref<126976x128xi32, #tpu.memory_space<hbm>> -> memref<1x128xi32, #tpu.memory_space<hbm>>
      %dma_start3A_763 = arith.constant 0 : i32
      %dma_start3A_764 = tpu.memref_slice %arg6[%add3A_758, %dma_start3A_763] : memref<512x128xi32, #tpu.memory_space<vmem>> -> memref<1x128xi32, #tpu.memory_space<vmem>>
      %dma_start3A_765 = arith.constant 0 : i32
      %dma_start3A_766 = tpu.memref_slice %arg3[%squeeze3A_754, %dma_start3A_765] : memref<126976x128xi32, #tpu.memory_space<hbm>> -> memref<1x128xi32, #tpu.memory_space<hbm>>
      tpu.enqueue_dma source(%dma_start3A_766 : memref<1x128xi32, #tpu.memory_space<hbm>>) target(%dma_start3A_764 : memref<1x128xi32, #tpu.memory_space<vmem>>) target_semaphore(%arg7 : memref<!tpu.dma_semaphore, #tpu.memory_space<semaphore_mem>>)
      %slice3A_767 = vector.extract_strided_slice %get3A_640 {offsets = [9], sizes = [1], strides = [1]} : vector<16xi32> to vector<1xi32>
      %squeeze3A_768 = vector.extract %slice3A_767[0] : i32 from vector<1xi32>
      %add3A_769 = arith.constant 16 : i32
      %add3A_770 = arith.addi %mul3A_406, %add3A_769 : i32
      %add3A_771 = arith.constant 9 : i32
      %add3A_772 = arith.addi %add3A_770, %add3A_771 : i32
      %dma_start3A_773 = arith.constant 0 : i32
      %dma_start3A_774 = tpu.memref_slice %arg6[%add3A_772, %dma_start3A_773] : memref<512x128xi32, #tpu.memory_space<vmem>> -> memref<1x128xi32, #tpu.memory_space<vmem>>
      %dma_start3A_775 = arith.constant 0 : i32
      %dma_start3A_776 = tpu.memref_slice %arg3[%squeeze3A_768, %dma_start3A_775] : memref<126976x128xi32, #tpu.memory_space<hbm>> -> memref<1x128xi32, #tpu.memory_space<hbm>>
      %dma_start3A_777 = arith.constant 0 : i32
      %dma_start3A_778 = tpu.memref_slice %arg6[%add3A_772, %dma_start3A_777] : memref<512x128xi32, #tpu.memory_space<vmem>> -> memref<1x128xi32, #tpu.memory_space<vmem>>
      %dma_start3A_779 = arith.constant 0 : i32
      %dma_start3A_780 = tpu.memref_slice %arg3[%squeeze3A_768, %dma_start3A_779] : memref<126976x128xi32, #tpu.memory_space<hbm>> -> memref<1x128xi32, #tpu.memory_space<hbm>>
      tpu.enqueue_dma source(%dma_start3A_780 : memref<1x128xi32, #tpu.memory_space<hbm>>) target(%dma_start3A_778 : memref<1x128xi32, #tpu.memory_space<vmem>>) target_semaphore(%arg7 : memref<!tpu.dma_semaphore, #tpu.memory_space<semaphore_mem>>)
      %slice3A_781 = vector.extract_strided_slice %get3A_640 {offsets = [10], sizes = [1], strides = [1]} : vector<16xi32> to vector<1xi32>
      %squeeze3A_782 = vector.extract %slice3A_781[0] : i32 from vector<1xi32>
      %add3A_783 = arith.constant 16 : i32
      %add3A_784 = arith.addi %mul3A_406, %add3A_783 : i32
      %add3A_785 = arith.constant 10 : i32
      %add3A_786 = arith.addi %add3A_784, %add3A_785 : i32
      %dma_start3A_787 = arith.constant 0 : i32
      %dma_start3A_788 = tpu.memref_slice %arg6[%add3A_786, %dma_start3A_787] : memref<512x128xi32, #tpu.memory_space<vmem>> -> memref<1x128xi32, #tpu.memory_space<vmem>>
      %dma_start3A_789 = arith.constant 0 : i32
      %dma_start3A_790 = tpu.memref_slice %arg3[%squeeze3A_782, %dma_start3A_789] : memref<126976x128xi32, #tpu.memory_space<hbm>> -> memref<1x128xi32, #tpu.memory_space<hbm>>
      %dma_start3A_791 = arith.constant 0 : i32
      %dma_start3A_792 = tpu.memref_slice %arg6[%add3A_786, %dma_start3A_791] : memref<512x128xi32, #tpu.memory_space<vmem>> -> memref<1x128xi32, #tpu.memory_space<vmem>>
      %dma_start3A_793 = arith.constant 0 : i32
      %dma_start3A_794 = tpu.memref_slice %arg3[%squeeze3A_782, %dma_start3A_793] : memref<126976x128xi32, #tpu.memory_space<hbm>> -> memref<1x128xi32, #tpu.memory_space<hbm>>
      tpu.enqueue_dma source(%dma_start3A_794 : memref<1x128xi32, #tpu.memory_space<hbm>>) target(%dma_start3A_792 : memref<1x128xi32, #tpu.memory_space<vmem>>) target_semaphore(%arg7 : memref<!tpu.dma_semaphore, #tpu.memory_space<semaphore_mem>>)
      %slice3A_795 = vector.extract_strided_slice %get3A_640 {offsets = [11], sizes = [1], strides = [1]} : vector<16xi32> to vector<1xi32>
      %squeeze3A_796 = vector.extract %slice3A_795[0] : i32 from vector<1xi32>
      %add3A_797 = arith.constant 16 : i32
      %add3A_798 = arith.addi %mul3A_406, %add3A_797 : i32
      %add3A_799 = arith.constant 11 : i32
      %add3A_800 = arith.addi %add3A_798, %add3A_799 : i32
      %dma_start3A_801 = arith.constant 0 : i32
      %dma_start3A_802 = tpu.memref_slice %arg6[%add3A_800, %dma_start3A_801] : memref<512x128xi32, #tpu.memory_space<vmem>> -> memref<1x128xi32, #tpu.memory_space<vmem>>
      %dma_start3A_803 = arith.constant 0 : i32
      %dma_start3A_804 = tpu.memref_slice %arg3[%squeeze3A_796, %dma_start3A_803] : memref<126976x128xi32, #tpu.memory_space<hbm>> -> memref<1x128xi32, #tpu.memory_space<hbm>>
      %dma_start3A_805 = arith.constant 0 : i32
      %dma_start3A_806 = tpu.memref_slice %arg6[%add3A_800, %dma_start3A_805] : memref<512x128xi32, #tpu.memory_space<vmem>> -> memref<1x128xi32, #tpu.memory_space<vmem>>
      %dma_start3A_807 = arith.constant 0 : i32
      %dma_start3A_808 = tpu.memref_slice %arg3[%squeeze3A_796, %dma_start3A_807] : memref<126976x128xi32, #tpu.memory_space<hbm>> -> memref<1x128xi32, #tpu.memory_space<hbm>>
      tpu.enqueue_dma source(%dma_start3A_808 : memref<1x128xi32, #tpu.memory_space<hbm>>) target(%dma_start3A_806 : memref<1x128xi32, #tpu.memory_space<vmem>>) target_semaphore(%arg7 : memref<!tpu.dma_semaphore, #tpu.memory_space<semaphore_mem>>)
      %slice3A_809 = vector.extract_strided_slice %get3A_640 {offsets = [12], sizes = [1], strides = [1]} : vector<16xi32> to vector<1xi32>
      %squeeze3A_810 = vector.extract %slice3A_809[0] : i32 from vector<1xi32>
      %add3A_811 = arith.constant 16 : i32
      %add3A_812 = arith.addi %mul3A_406, %add3A_811 : i32
      %add3A_813 = arith.constant 12 : i32
      %add3A_814 = arith.addi %add3A_812, %add3A_813 : i32
      %dma_start3A_815 = arith.constant 0 : i32
      %dma_start3A_816 = tpu.memref_slice %arg6[%add3A_814, %dma_start3A_815] : memref<512x128xi32, #tpu.memory_space<vmem>> -> memref<1x128xi32, #tpu.memory_space<vmem>>
      %dma_start3A_817 = arith.constant 0 : i32
      %dma_start3A_818 = tpu.memref_slice %arg3[%squeeze3A_810, %dma_start3A_817] : memref<126976x128xi32, #tpu.memory_space<hbm>> -> memref<1x128xi32, #tpu.memory_space<hbm>>
      %dma_start3A_819 = arith.constant 0 : i32
      %dma_start3A_820 = tpu.memref_slice %arg6[%add3A_814, %dma_start3A_819] : memref<512x128xi32, #tpu.memory_space<vmem>> -> memref<1x128xi32, #tpu.memory_space<vmem>>
      %dma_start3A_821 = arith.constant 0 : i32
      %dma_start3A_822 = tpu.memref_slice %arg3[%squeeze3A_810, %dma_start3A_821] : memref<126976x128xi32, #tpu.memory_space<hbm>> -> memref<1x128xi32, #tpu.memory_space<hbm>>
      tpu.enqueue_dma source(%dma_start3A_822 : memref<1x128xi32, #tpu.memory_space<hbm>>) target(%dma_start3A_820 : memref<1x128xi32, #tpu.memory_space<vmem>>) target_semaphore(%arg7 : memref<!tpu.dma_semaphore, #tpu.memory_space<semaphore_mem>>)
      %slice3A_823 = vector.extract_strided_slice %get3A_640 {offsets = [13], sizes = [1], strides = [1]} : vector<16xi32> to vector<1xi32>
      %squeeze3A_824 = vector.extract %slice3A_823[0] : i32 from vector<1xi32>
      %add3A_825 = arith.constant 16 : i32
      %add3A_826 = arith.addi %mul3A_406, %add3A_825 : i32
      %add3A_827 = arith.constant 13 : i32
      %add3A_828 = arith.addi %add3A_826, %add3A_827 : i32
      %dma_start3A_829 = arith.constant 0 : i32
      %dma_start3A_830 = tpu.memref_slice %arg6[%add3A_828, %dma_start3A_829] : memref<512x128xi32, #tpu.memory_space<vmem>> -> memref<1x128xi32, #tpu.memory_space<vmem>>
      %dma_start3A_831 = arith.constant 0 : i32
      %dma_start3A_832 = tpu.memref_slice %arg3[%squeeze3A_824, %dma_start3A_831] : memref<126976x128xi32, #tpu.memory_space<hbm>> -> memref<1x128xi32, #tpu.memory_space<hbm>>
      %dma_start3A_833 = arith.constant 0 : i32
      %dma_start3A_834 = tpu.memref_slice %arg6[%add3A_828, %dma_start3A_833] : memref<512x128xi32, #tpu.memory_space<vmem>> -> memref<1x128xi32, #tpu.memory_space<vmem>>
      %dma_start3A_835 = arith.constant 0 : i32
      %dma_start3A_836 = tpu.memref_slice %arg3[%squeeze3A_824, %dma_start3A_835] : memref<126976x128xi32, #tpu.memory_space<hbm>> -> memref<1x128xi32, #tpu.memory_space<hbm>>
      tpu.enqueue_dma source(%dma_start3A_836 : memref<1x128xi32, #tpu.memory_space<hbm>>) target(%dma_start3A_834 : memref<1x128xi32, #tpu.memory_space<vmem>>) target_semaphore(%arg7 : memref<!tpu.dma_semaphore, #tpu.memory_space<semaphore_mem>>)
      %slice3A_837 = vector.extract_strided_slice %get3A_640 {offsets = [14], sizes = [1], strides = [1]} : vector<16xi32> to vector<1xi32>
      %squeeze3A_838 = vector.extract %slice3A_837[0] : i32 from vector<1xi32>
      %add3A_839 = arith.constant 16 : i32
      %add3A_840 = arith.addi %mul3A_406, %add3A_839 : i32
      %add3A_841 = arith.constant 14 : i32
      %add3A_842 = arith.addi %add3A_840, %add3A_841 : i32
      %dma_start3A_843 = arith.constant 0 : i32
      %dma_start3A_844 = tpu.memref_slice %arg6[%add3A_842, %dma_start3A_843] : memref<512x128xi32, #tpu.memory_space<vmem>> -> memref<1x128xi32, #tpu.memory_space<vmem>>
      %dma_start3A_845 = arith.constant 0 : i32
      %dma_start3A_846 = tpu.memref_slice %arg3[%squeeze3A_838, %dma_start3A_845] : memref<126976x128xi32, #tpu.memory_space<hbm>> -> memref<1x128xi32, #tpu.memory_space<hbm>>
      %dma_start3A_847 = arith.constant 0 : i32
      %dma_start3A_848 = tpu.memref_slice %arg6[%add3A_842, %dma_start3A_847] : memref<512x128xi32, #tpu.memory_space<vmem>> -> memref<1x128xi32, #tpu.memory_space<vmem>>
      %dma_start3A_849 = arith.constant 0 : i32
      %dma_start3A_850 = tpu.memref_slice %arg3[%squeeze3A_838, %dma_start3A_849] : memref<126976x128xi32, #tpu.memory_space<hbm>> -> memref<1x128xi32, #tpu.memory_space<hbm>>
      tpu.enqueue_dma source(%dma_start3A_850 : memref<1x128xi32, #tpu.memory_space<hbm>>) target(%dma_start3A_848 : memref<1x128xi32, #tpu.memory_space<vmem>>) target_semaphore(%arg7 : memref<!tpu.dma_semaphore, #tpu.memory_space<semaphore_mem>>)
      %slice3A_851 = vector.extract_strided_slice %get3A_640 {offsets = [15], sizes = [1], strides = [1]} : vector<16xi32> to vector<1xi32>
      %squeeze3A_852 = vector.extract %slice3A_851[0] : i32 from vector<1xi32>
      %add3A_853 = arith.constant 16 : i32
      %add3A_854 = arith.addi %mul3A_406, %add3A_853 : i32
      %add3A_855 = arith.constant 15 : i32
      %add3A_856 = arith.addi %add3A_854, %add3A_855 : i32
      %dma_start3A_857 = arith.constant 0 : i32
      %dma_start3A_858 = tpu.memref_slice %arg6[%add3A_856, %dma_start3A_857] : memref<512x128xi32, #tpu.memory_space<vmem>> -> memref<1x128xi32, #tpu.memory_space<vmem>>
      %dma_start3A_859 = arith.constant 0 : i32
      %dma_start3A_860 = tpu.memref_slice %arg3[%squeeze3A_852, %dma_start3A_859] : memref<126976x128xi32, #tpu.memory_space<hbm>> -> memref<1x128xi32, #tpu.memory_space<hbm>>
      %dma_start3A_861 = arith.constant 0 : i32
      %dma_start3A_862 = tpu.memref_slice %arg6[%add3A_856, %dma_start3A_861] : memref<512x128xi32, #tpu.memory_space<vmem>> -> memref<1x128xi32, #tpu.memory_space<vmem>>
      %dma_start3A_863 = arith.constant 0 : i32
      %dma_start3A_864 = tpu.memref_slice %arg3[%squeeze3A_852, %dma_start3A_863] : memref<126976x128xi32, #tpu.memory_space<hbm>> -> memref<1x128xi32, #tpu.memory_space<hbm>>
      tpu.enqueue_dma source(%dma_start3A_864 : memref<1x128xi32, #tpu.memory_space<hbm>>) target(%dma_start3A_862 : memref<1x128xi32, #tpu.memory_space<vmem>>) target_semaphore(%arg7 : memref<!tpu.dma_semaphore, #tpu.memory_space<semaphore_mem>>)
      %sub3A = arith.constant 1 : i32
      %sub3A_865 = arith.subi %scan3A_404, %sub3A : i32
      %mul3A_866 = arith.constant 32 : i32
      %mul3A_867 = arith.muli %sub3A_865, %mul3A_866 : i32
      %dma_wait3A_868 = arith.constant 0 : i32
      %dma_wait3A_869 = tpu.memref_slice %arg6[%mul3A_867, %dma_wait3A_868] : memref<512x128xi32, #tpu.memory_space<vmem>> -> memref<32x128xi32, #tpu.memory_space<vmem>>
      %dma_wait3A_870 = arith.constant 0 : i32
      %dma_wait3A_871 = arith.constant 0 : i32
      %dma_wait3A_872 = tpu.memref_slice %arg3[%dma_wait3A_870, %dma_wait3A_871] : memref<126976x128xi32, #tpu.memory_space<hbm>> -> memref<32x128xi32, #tpu.memory_space<hbm>>
      %dma_wait3A_873 = arith.constant 0 : i32
      %dma_wait3A_874 = tpu.memref_slice %arg6[%mul3A_867, %dma_wait3A_873] : memref<512x128xi32, #tpu.memory_space<vmem>> -> memref<32x128xi32, #tpu.memory_space<vmem>>
      %dma_wait3A_875 = arith.constant 0 : i32
      %dma_wait3A_876 = arith.constant 0 : i32
      %dma_wait3A_877 = tpu.memref_slice %arg3[%dma_wait3A_875, %dma_wait3A_876] : memref<126976x128xi32, #tpu.memory_space<hbm>> -> memref<32x128xi32, #tpu.memory_space<hbm>>
      tpu.wait_dma2 semaphore(%arg7 : memref<!tpu.dma_semaphore, #tpu.memory_space<semaphore_mem>>) src(%dma_wait3A_877 : memref<32x128xi32, #tpu.memory_space<hbm>>) dst(%dma_wait3A_874 : memref<32x128xi32, #tpu.memory_space<vmem>>)
    }
    %scan3A_392 = arith.constant 15 : i32
    %dma_wait3A = arith.constant 480 : i32
    %dma_wait3A_393 = arith.constant 0 : i32
    %dma_wait3A_394 = tpu.memref_slice %arg6[%dma_wait3A, %dma_wait3A_393] : memref<512x128xi32, #tpu.memory_space<vmem>> -> memref<32x128xi32, #tpu.memory_space<vmem>>
    %dma_wait3A_395 = arith.constant 0 : i32
    %dma_wait3A_396 = arith.constant 0 : i32
    %dma_wait3A_397 = tpu.memref_slice %arg3[%dma_wait3A_395, %dma_wait3A_396] : memref<126976x128xi32, #tpu.memory_space<hbm>> -> memref<32x128xi32, #tpu.memory_space<hbm>>
    %dma_wait3A_398 = arith.constant 480 : i32
    %dma_wait3A_399 = arith.constant 0 : i32
    %dma_wait3A_400 = tpu.memref_slice %arg6[%dma_wait3A_398, %dma_wait3A_399] : memref<512x128xi32, #tpu.memory_space<vmem>> -> memref<32x128xi32, #tpu.memory_space<vmem>>
    %dma_wait3A_401 = arith.constant 0 : i32
    %dma_wait3A_402 = arith.constant 0 : i32
    %dma_wait3A_403 = tpu.memref_slice %arg3[%dma_wait3A_401, %dma_wait3A_402] : memref<126976x128xi32, #tpu.memory_space<hbm>> -> memref<32x128xi32, #tpu.memory_space<hbm>>
    tpu.wait_dma2 semaphore(%arg7 : memref<!tpu.dma_semaphore, #tpu.memory_space<semaphore_mem>>) src(%dma_wait3A_403 : memref<32x128xi32, #tpu.memory_space<hbm>>) dst(%dma_wait3A_400 : memref<32x128xi32, #tpu.memory_space<vmem>>)
    "tpu.region"() ({
      %run_scoped3A = tpu.sem_alloc : memref<!tpu.dma_semaphore, #tpu.memory_space<semaphore_mem>>
      %dma_start3A_404 = arith.constant 0 : i32
      %dma_start3A_405 = tpu.memref_slice %arg4[%mul3A_2, %dma_start3A_404] : memref<16384x128xi32, #tpu.memory_space<hbm>> -> memref<512x128xi32, #tpu.memory_space<hbm>>
      %dma_start3A_406 = arith.constant 0 : i32
      %dma_start3A_407 = tpu.memref_slice %arg4[%mul3A_2, %dma_start3A_406] : memref<16384x128xi32, #tpu.memory_space<hbm>> -> memref<512x128xi32, #tpu.memory_space<hbm>>
      tpu.enqueue_dma source(%arg6 : memref<512x128xi32, #tpu.memory_space<vmem>>) target(%dma_start3A_407 : memref<512x128xi32, #tpu.memory_space<hbm>>) target_semaphore(%run_scoped3A : memref<!tpu.dma_semaphore, #tpu.memory_space<semaphore_mem>>)
      %dma_wait3A_408 = arith.constant 0 : i32
      %dma_wait3A_409 = tpu.memref_slice %arg4[%mul3A_2, %dma_wait3A_408] : memref<16384x128xi32, #tpu.memory_space<hbm>> -> memref<512x128xi32, #tpu.memory_space<hbm>>
      %dma_wait3A_410 = arith.constant 0 : i32
      %dma_wait3A_411 = tpu.memref_slice %arg4[%mul3A_2, %dma_wait3A_410] : memref<16384x128xi32, #tpu.memory_space<hbm>> -> memref<512x128xi32, #tpu.memory_space<hbm>>
      tpu.wait_dma2 semaphore(%run_scoped3A : memref<!tpu.dma_semaphore, #tpu.memory_space<semaphore_mem>>) src(%arg6 : memref<512x128xi32, #tpu.memory_space<vmem>>) dst(%dma_wait3A_411 : memref<512x128xi32, #tpu.memory_space<hbm>>)
      tpu.yield
    }) : () -> ()
    return
  }
}

module attributes {stable_mosaic.version = 14 : i64} {
  func.func @_pack_body(%arg0: i32, %arg1: memref<32x4096xf32, #tpu.memory_space<vmem>>, %arg2: memref<32x4096xf32, #tpu.memory_space<vmem>>, %arg3: memref<32x4096xf32, #tpu.memory_space<vmem>>, %arg4: memref<32x4096xf32, #tpu.memory_space<vmem>>, %arg5: memref<32x4096xf32, #tpu.memory_space<vmem>>, %arg6: memref<32x4096xf32, #tpu.memory_space<vmem>>, %arg7: memref<32x4096xf32, #tpu.memory_space<vmem>>, %arg8: memref<32x4096xf32, #tpu.memory_space<vmem>>, %arg9: memref<4096x128xi32, #tpu.memory_space<vmem>>) attributes {dimension_semantics = [#tpu.dimension_semantics<arbitrary>], iteration_bounds = array<i64: 31>, scalar_prefetch = 0 : i64, scratch_operands = 0 : i64, tpu.core_type = #tpu.core_type<tc>, window_params = [{transform_indices = @transform_0, window_bounds = array<i64: 32, 4096>}, {transform_indices = @transform_1, window_bounds = array<i64: 32, 4096>}, {transform_indices = @transform_2, window_bounds = array<i64: 32, 4096>}, {transform_indices = @transform_3, window_bounds = array<i64: 32, 4096>}, {transform_indices = @transform_4, window_bounds = array<i64: 32, 4096>}, {transform_indices = @transform_5, window_bounds = array<i64: 32, 4096>}, {transform_indices = @transform_6, window_bounds = array<i64: 32, 4096>}, {transform_indices = @transform_7, window_bounds = array<i64: 32, 4096>}, {transform_indices = @transform_8, window_bounds = array<i64: 4096, 128>}]} {
    %iota3A = tpu.iota {dimensions = array<i32: 0>} : vector<32x32xi32>
    %iota3A_0 = tpu.iota {dimensions = array<i32: 1>} : vector<32x32xi32>
    %add3A = arith.constant 0 : i32
    %add3A_1 = vector.broadcast %add3A : i32 to vector<32x32xi32>
    %add3A_2 = arith.addi %iota3A, %add3A_1 : vector<32x32xi32>
    %eq3A = arith.cmpi eq, %add3A_2, %iota3A_0 : vector<32x32xi32>
    %convert_element_type3A = arith.extui %eq3A : vector<32x32xi1> to vector<32x32xi32>
    %convert_element_type3A_3 = arith.sitofp %convert_element_type3A : vector<32x32xi32> to vector<32x32xf32>
    %convert_element_type3A_4 = arith.truncf %convert_element_type3A_3 : vector<32x32xf32> to vector<32x32xbf16>
    %get3A = arith.constant 0 : index
    %get3A_5 = arith.constant 0 : index
    %get3A_6 = vector.load %arg1[%get3A, %get3A_5] : memref<32x4096xf32, #tpu.memory_space<vmem>>, vector<32x4096xf32>
    %convert_element_type3A_7 = arith.truncf %get3A_6 : vector<32x4096xf32> to vector<32x4096xbf16>
    %dot_general3A = arith.constant dense<0.000000e+00> : vector<4096x32xf32>
    %dot_general3A_8 = tpu.matmul %convert_element_type3A_7, %convert_element_type3A_4, %dot_general3A {dimension_numbers = #tpu.dot_dimension_numbers<[0], [0], [1], [1], [0, 1, 1, 1], [], []>, transpose_lhs_hint = false} : vector<32x4096xbf16>, vector<32x32xbf16>, vector<4096x32xf32> -> vector<4096x32xf32>
    %convert_element_type3A_9 = arith.truncf %dot_general3A_8 : vector<4096x32xf32> to vector<4096x32xbf16>
    %get3A_10 = arith.constant 0 : index
    %get3A_11 = arith.constant 0 : index
    %get3A_12 = vector.load %arg2[%get3A_10, %get3A_11] : memref<32x4096xf32, #tpu.memory_space<vmem>>, vector<32x4096xf32>
    %convert_element_type3A_13 = arith.truncf %get3A_12 : vector<32x4096xf32> to vector<32x4096xbf16>
    %dot_general3A_14 = arith.constant dense<0.000000e+00> : vector<4096x32xf32>
    %dot_general3A_15 = tpu.matmul %convert_element_type3A_13, %convert_element_type3A_4, %dot_general3A_14 {dimension_numbers = #tpu.dot_dimension_numbers<[0], [0], [1], [1], [0, 1, 1, 1], [], []>, transpose_lhs_hint = false} : vector<32x4096xbf16>, vector<32x32xbf16>, vector<4096x32xf32> -> vector<4096x32xf32>
    %convert_element_type3A_16 = arith.truncf %dot_general3A_15 : vector<4096x32xf32> to vector<4096x32xbf16>
    %get3A_17 = arith.constant 0 : index
    %get3A_18 = arith.constant 0 : index
    %get3A_19 = vector.load %arg3[%get3A_17, %get3A_18] : memref<32x4096xf32, #tpu.memory_space<vmem>>, vector<32x4096xf32>
    %convert_element_type3A_20 = arith.truncf %get3A_19 : vector<32x4096xf32> to vector<32x4096xbf16>
    %dot_general3A_21 = arith.constant dense<0.000000e+00> : vector<4096x32xf32>
    %dot_general3A_22 = tpu.matmul %convert_element_type3A_20, %convert_element_type3A_4, %dot_general3A_21 {dimension_numbers = #tpu.dot_dimension_numbers<[0], [0], [1], [1], [0, 1, 1, 1], [], []>, transpose_lhs_hint = false} : vector<32x4096xbf16>, vector<32x32xbf16>, vector<4096x32xf32> -> vector<4096x32xf32>
    %convert_element_type3A_23 = arith.truncf %dot_general3A_22 : vector<4096x32xf32> to vector<4096x32xbf16>
    %get3A_24 = arith.constant 0 : index
    %get3A_25 = arith.constant 0 : index
    %get3A_26 = vector.load %arg4[%get3A_24, %get3A_25] : memref<32x4096xf32, #tpu.memory_space<vmem>>, vector<32x4096xf32>
    %convert_element_type3A_27 = arith.truncf %get3A_26 : vector<32x4096xf32> to vector<32x4096xbf16>
    %dot_general3A_28 = arith.constant dense<0.000000e+00> : vector<4096x32xf32>
    %dot_general3A_29 = tpu.matmul %convert_element_type3A_27, %convert_element_type3A_4, %dot_general3A_28 {dimension_numbers = #tpu.dot_dimension_numbers<[0], [0], [1], [1], [0, 1, 1, 1], [], []>, transpose_lhs_hint = false} : vector<32x4096xbf16>, vector<32x32xbf16>, vector<4096x32xf32> -> vector<4096x32xf32>
    %convert_element_type3A_30 = arith.truncf %dot_general3A_29 : vector<4096x32xf32> to vector<4096x32xbf16>
    %get3A_31 = arith.constant 0 : index
    %get3A_32 = arith.constant 0 : index
    %get3A_33 = vector.load %arg5[%get3A_31, %get3A_32] : memref<32x4096xf32, #tpu.memory_space<vmem>>, vector<32x4096xf32>
    %convert_element_type3A_34 = arith.truncf %get3A_33 : vector<32x4096xf32> to vector<32x4096xbf16>
    %dot_general3A_35 = arith.constant dense<0.000000e+00> : vector<4096x32xf32>
    %dot_general3A_36 = tpu.matmul %convert_element_type3A_34, %convert_element_type3A_4, %dot_general3A_35 {dimension_numbers = #tpu.dot_dimension_numbers<[0], [0], [1], [1], [0, 1, 1, 1], [], []>, transpose_lhs_hint = false} : vector<32x4096xbf16>, vector<32x32xbf16>, vector<4096x32xf32> -> vector<4096x32xf32>
    %convert_element_type3A_37 = arith.truncf %dot_general3A_36 : vector<4096x32xf32> to vector<4096x32xbf16>
    %get3A_38 = arith.constant 0 : index
    %get3A_39 = arith.constant 0 : index
    %get3A_40 = vector.load %arg6[%get3A_38, %get3A_39] : memref<32x4096xf32, #tpu.memory_space<vmem>>, vector<32x4096xf32>
    %convert_element_type3A_41 = arith.truncf %get3A_40 : vector<32x4096xf32> to vector<32x4096xbf16>
    %dot_general3A_42 = arith.constant dense<0.000000e+00> : vector<4096x32xf32>
    %dot_general3A_43 = tpu.matmul %convert_element_type3A_41, %convert_element_type3A_4, %dot_general3A_42 {dimension_numbers = #tpu.dot_dimension_numbers<[0], [0], [1], [1], [0, 1, 1, 1], [], []>, transpose_lhs_hint = false} : vector<32x4096xbf16>, vector<32x32xbf16>, vector<4096x32xf32> -> vector<4096x32xf32>
    %convert_element_type3A_44 = arith.truncf %dot_general3A_43 : vector<4096x32xf32> to vector<4096x32xbf16>
    %get3A_45 = arith.constant 0 : index
    %get3A_46 = arith.constant 0 : index
    %get3A_47 = vector.load %arg7[%get3A_45, %get3A_46] : memref<32x4096xf32, #tpu.memory_space<vmem>>, vector<32x4096xf32>
    %convert_element_type3A_48 = arith.truncf %get3A_47 : vector<32x4096xf32> to vector<32x4096xbf16>
    %dot_general3A_49 = arith.constant dense<0.000000e+00> : vector<4096x32xf32>
    %dot_general3A_50 = tpu.matmul %convert_element_type3A_48, %convert_element_type3A_4, %dot_general3A_49 {dimension_numbers = #tpu.dot_dimension_numbers<[0], [0], [1], [1], [0, 1, 1, 1], [], []>, transpose_lhs_hint = false} : vector<32x4096xbf16>, vector<32x32xbf16>, vector<4096x32xf32> -> vector<4096x32xf32>
    %convert_element_type3A_51 = arith.truncf %dot_general3A_50 : vector<4096x32xf32> to vector<4096x32xbf16>
    %get3A_52 = arith.constant 0 : index
    %get3A_53 = arith.constant 0 : index
    %get3A_54 = vector.load %arg8[%get3A_52, %get3A_53] : memref<32x4096xf32, #tpu.memory_space<vmem>>, vector<32x4096xf32>
    %convert_element_type3A_55 = arith.truncf %get3A_54 : vector<32x4096xf32> to vector<32x4096xbf16>
    %dot_general3A_56 = arith.constant dense<0.000000e+00> : vector<4096x32xf32>
    %dot_general3A_57 = tpu.matmul %convert_element_type3A_55, %convert_element_type3A_4, %dot_general3A_56 {dimension_numbers = #tpu.dot_dimension_numbers<[0], [0], [1], [1], [0, 1, 1, 1], [], []>, transpose_lhs_hint = false} : vector<32x4096xbf16>, vector<32x32xbf16>, vector<4096x32xf32> -> vector<4096x32xf32>
    %convert_element_type3A_58 = arith.truncf %dot_general3A_57 : vector<4096x32xf32> to vector<4096x32xbf16>
    %concatenate3A = tpu.concatenate %convert_element_type3A_9, %convert_element_type3A_16, %convert_element_type3A_23, %convert_element_type3A_30, %convert_element_type3A_37, %convert_element_type3A_44, %convert_element_type3A_51, %convert_element_type3A_58 in 1 : vector<4096x32xbf16>, vector<4096x32xbf16>, vector<4096x32xbf16>, vector<4096x32xbf16>, vector<4096x32xbf16>, vector<4096x32xbf16>, vector<4096x32xbf16>, vector<4096x32xbf16> -> vector<4096x256xbf16>
    %slice3A = vector.extract_strided_slice %concatenate3A {offsets = [0, 0], sizes = [4096, 128], strides = [1, 1]} : vector<4096x256xbf16> to vector<4096x128xbf16>
    %bitcast_convert_type3A = tpu.bitcast %slice3A : vector<4096x128xbf16> -> vector<4096x128xi16>
    %convert_element_type3A_59 = arith.extui %bitcast_convert_type3A : vector<4096x128xi16> to vector<4096x128xi32>
    %slice3A_60 = vector.extract_strided_slice %concatenate3A {offsets = [0, 128], sizes = [4096, 128], strides = [1, 1]} : vector<4096x256xbf16> to vector<4096x128xbf16>
    %bitcast_convert_type3A_61 = tpu.bitcast %slice3A_60 : vector<4096x128xbf16> -> vector<4096x128xi16>
    %convert_element_type3A_62 = arith.extui %bitcast_convert_type3A_61 : vector<4096x128xi16> to vector<4096x128xi32>
    %shift_left3A = arith.constant 16 : i32
    %shift_left3A_63 = vector.broadcast %shift_left3A : i32 to vector<4096x128xi32>
    %shift_left3A_64 = arith.shli %convert_element_type3A_62, %shift_left3A_63 : vector<4096x128xi32>
    %or3A = arith.ori %convert_element_type3A_59, %shift_left3A_64 : vector<4096x128xi32>
    %swap3A = arith.constant 0 : index
    %swap3A_65 = arith.constant 0 : index
    %swap3A_66 = vector.load %arg9[%swap3A, %swap3A_65] : memref<4096x128xi32, #tpu.memory_space<vmem>>, vector<4096x128xi32>
    tpu.vector_store %arg9[%swap3A, %swap3A_65], %or3A {strides = array<i32>} : memref<4096x128xi32, #tpu.memory_space<vmem>>, vector<4096x128xi32>,
    return
  }
  func.func @transform_0(%arg0: i32) -> (i32, i32) {
    %add3A = arith.constant 0 : i32
    %add3A_0 = arith.addi %arg0, %add3A : i32
    %min3A = arith.constant 244 : i32
    %min3A_1 = arith.minsi %add3A_0, %min3A : i32
    %c0_i32 = arith.constant 0 : i32
    %c0_i32_2 = arith.constant 0 : i32
    return %c0_i32, %min3A_1 : i32, i32
  }
  func.func @transform_1(%arg0: i32) -> (i32, i32) {
    %add3A = arith.constant 31 : i32
    %add3A_0 = arith.addi %arg0, %add3A : i32
    %min3A = arith.constant 244 : i32
    %min3A_1 = arith.minsi %add3A_0, %min3A : i32
    %c0_i32 = arith.constant 0 : i32
    %c0_i32_2 = arith.constant 0 : i32
    return %c0_i32, %min3A_1 : i32, i32
  }
  func.func @transform_2(%arg0: i32) -> (i32, i32) {
    %add3A = arith.constant 62 : i32
    %add3A_0 = arith.addi %arg0, %add3A : i32
    %min3A = arith.constant 244 : i32
    %min3A_1 = arith.minsi %add3A_0, %min3A : i32
    %c0_i32 = arith.constant 0 : i32
    %c0_i32_2 = arith.constant 0 : i32
    return %c0_i32, %min3A_1 : i32, i32
  }
  func.func @transform_3(%arg0: i32) -> (i32, i32) {
    %add3A = arith.constant 93 : i32
    %add3A_0 = arith.addi %arg0, %add3A : i32
    %min3A = arith.constant 244 : i32
    %min3A_1 = arith.minsi %add3A_0, %min3A : i32
    %c0_i32 = arith.constant 0 : i32
    %c0_i32_2 = arith.constant 0 : i32
    return %c0_i32, %min3A_1 : i32, i32
  }
  func.func @transform_4(%arg0: i32) -> (i32, i32) {
    %add3A = arith.constant 124 : i32
    %add3A_0 = arith.addi %arg0, %add3A : i32
    %min3A = arith.constant 244 : i32
    %min3A_1 = arith.minsi %add3A_0, %min3A : i32
    %c0_i32 = arith.constant 0 : i32
    %c0_i32_2 = arith.constant 0 : i32
    return %c0_i32, %min3A_1 : i32, i32
  }
  func.func @transform_5(%arg0: i32) -> (i32, i32) {
    %add3A = arith.constant 155 : i32
    %add3A_0 = arith.addi %arg0, %add3A : i32
    %min3A = arith.constant 244 : i32
    %min3A_1 = arith.minsi %add3A_0, %min3A : i32
    %c0_i32 = arith.constant 0 : i32
    %c0_i32_2 = arith.constant 0 : i32
    return %c0_i32, %min3A_1 : i32, i32
  }
  func.func @transform_6(%arg0: i32) -> (i32, i32) {
    %add3A = arith.constant 186 : i32
    %add3A_0 = arith.addi %arg0, %add3A : i32
    %min3A = arith.constant 244 : i32
    %min3A_1 = arith.minsi %add3A_0, %min3A : i32
    %c0_i32 = arith.constant 0 : i32
    %c0_i32_2 = arith.constant 0 : i32
    return %c0_i32, %min3A_1 : i32, i32
  }
  func.func @transform_7(%arg0: i32) -> (i32, i32) {
    %add3A = arith.constant 217 : i32
    %add3A_0 = arith.addi %arg0, %add3A : i32
    %min3A = arith.constant 244 : i32
    %min3A_1 = arith.minsi %add3A_0, %min3A : i32
    %c0_i32 = arith.constant 0 : i32
    %c0_i32_2 = arith.constant 0 : i32
    return %c0_i32, %min3A_1 : i32, i32
  }
  func.func @transform_8(%arg0: i32) -> (i32, i32) {
    %c0_i32 = arith.constant 0 : i32
    %c0_i32_0 = arith.constant 0 : i32
    return %arg0, %c0_i32 : i32, i32
  }
}

module attributes {stable_mosaic.version = 14 : i64} {
  func.func @_pack_body(%arg0: i32, %arg1: memref<32x4096xf32, #tpu.memory_space<vmem>>, %arg2: memref<32x4096xf32, #tpu.memory_space<vmem>>, %arg3: memref<32x4096xf32, #tpu.memory_space<vmem>>, %arg4: memref<32x4096xf32, #tpu.memory_space<vmem>>, %arg5: memref<32x4096xf32, #tpu.memory_space<vmem>>, %arg6: memref<32x4096xf32, #tpu.memory_space<vmem>>, %arg7: memref<32x4096xf32, #tpu.memory_space<vmem>>, %arg8: memref<32x4096xf32, #tpu.memory_space<vmem>>, %arg9: memref<4096x128xi32, #tpu.memory_space<vmem>>) attributes {dimension_semantics = [#tpu.dimension_semantics<arbitrary>], iteration_bounds = array<i64: 4>, scalar_prefetch = 0 : i64, scratch_operands = 0 : i64, tpu.core_type = #tpu.core_type<tc>, window_params = [{transform_indices = @transform_0, window_bounds = array<i64: 32, 4096>}, {transform_indices = @transform_1, window_bounds = array<i64: 32, 4096>}, {transform_indices = @transform_2, window_bounds = array<i64: 32, 4096>}, {transform_indices = @transform_3, window_bounds = array<i64: 32, 4096>}, {transform_indices = @transform_4, window_bounds = array<i64: 32, 4096>}, {transform_indices = @transform_5, window_bounds = array<i64: 32, 4096>}, {transform_indices = @transform_6, window_bounds = array<i64: 32, 4096>}, {transform_indices = @transform_7, window_bounds = array<i64: 32, 4096>}, {transform_indices = @transform_8, window_bounds = array<i64: 4096, 128>}]} {
    %iota3A = tpu.iota {dimensions = array<i32: 0>} : vector<32x32xi32>
    %iota3A_0 = tpu.iota {dimensions = array<i32: 1>} : vector<32x32xi32>
    %add3A = arith.constant 0 : i32
    %add3A_1 = vector.broadcast %add3A : i32 to vector<32x32xi32>
    %add3A_2 = arith.addi %iota3A, %add3A_1 : vector<32x32xi32>
    %eq3A = arith.cmpi eq, %add3A_2, %iota3A_0 : vector<32x32xi32>
    %convert_element_type3A = arith.extui %eq3A : vector<32x32xi1> to vector<32x32xi32>
    %convert_element_type3A_3 = arith.sitofp %convert_element_type3A : vector<32x32xi32> to vector<32x32xf32>
    %convert_element_type3A_4 = arith.truncf %convert_element_type3A_3 : vector<32x32xf32> to vector<32x32xbf16>
    %get3A = arith.constant 0 : index
    %get3A_5 = arith.constant 0 : index
    %get3A_6 = vector.load %arg1[%get3A, %get3A_5] : memref<32x4096xf32, #tpu.memory_space<vmem>>, vector<32x4096xf32>
    %convert_element_type3A_7 = arith.truncf %get3A_6 : vector<32x4096xf32> to vector<32x4096xbf16>
    %dot_general3A = arith.constant dense<0.000000e+00> : vector<4096x32xf32>
    %dot_general3A_8 = tpu.matmul %convert_element_type3A_7, %convert_element_type3A_4, %dot_general3A {dimension_numbers = #tpu.dot_dimension_numbers<[0], [0], [1], [1], [0, 1, 1, 1], [], []>, transpose_lhs_hint = false} : vector<32x4096xbf16>, vector<32x32xbf16>, vector<4096x32xf32> -> vector<4096x32xf32>
    %convert_element_type3A_9 = arith.truncf %dot_general3A_8 : vector<4096x32xf32> to vector<4096x32xbf16>
    %get3A_10 = arith.constant 0 : index
    %get3A_11 = arith.constant 0 : index
    %get3A_12 = vector.load %arg2[%get3A_10, %get3A_11] : memref<32x4096xf32, #tpu.memory_space<vmem>>, vector<32x4096xf32>
    %convert_element_type3A_13 = arith.truncf %get3A_12 : vector<32x4096xf32> to vector<32x4096xbf16>
    %dot_general3A_14 = arith.constant dense<0.000000e+00> : vector<4096x32xf32>
    %dot_general3A_15 = tpu.matmul %convert_element_type3A_13, %convert_element_type3A_4, %dot_general3A_14 {dimension_numbers = #tpu.dot_dimension_numbers<[0], [0], [1], [1], [0, 1, 1, 1], [], []>, transpose_lhs_hint = false} : vector<32x4096xbf16>, vector<32x32xbf16>, vector<4096x32xf32> -> vector<4096x32xf32>
    %convert_element_type3A_16 = arith.truncf %dot_general3A_15 : vector<4096x32xf32> to vector<4096x32xbf16>
    %get3A_17 = arith.constant 0 : index
    %get3A_18 = arith.constant 0 : index
    %get3A_19 = vector.load %arg3[%get3A_17, %get3A_18] : memref<32x4096xf32, #tpu.memory_space<vmem>>, vector<32x4096xf32>
    %convert_element_type3A_20 = arith.truncf %get3A_19 : vector<32x4096xf32> to vector<32x4096xbf16>
    %dot_general3A_21 = arith.constant dense<0.000000e+00> : vector<4096x32xf32>
    %dot_general3A_22 = tpu.matmul %convert_element_type3A_20, %convert_element_type3A_4, %dot_general3A_21 {dimension_numbers = #tpu.dot_dimension_numbers<[0], [0], [1], [1], [0, 1, 1, 1], [], []>, transpose_lhs_hint = false} : vector<32x4096xbf16>, vector<32x32xbf16>, vector<4096x32xf32> -> vector<4096x32xf32>
    %convert_element_type3A_23 = arith.truncf %dot_general3A_22 : vector<4096x32xf32> to vector<4096x32xbf16>
    %get3A_24 = arith.constant 0 : index
    %get3A_25 = arith.constant 0 : index
    %get3A_26 = vector.load %arg4[%get3A_24, %get3A_25] : memref<32x4096xf32, #tpu.memory_space<vmem>>, vector<32x4096xf32>
    %convert_element_type3A_27 = arith.truncf %get3A_26 : vector<32x4096xf32> to vector<32x4096xbf16>
    %dot_general3A_28 = arith.constant dense<0.000000e+00> : vector<4096x32xf32>
    %dot_general3A_29 = tpu.matmul %convert_element_type3A_27, %convert_element_type3A_4, %dot_general3A_28 {dimension_numbers = #tpu.dot_dimension_numbers<[0], [0], [1], [1], [0, 1, 1, 1], [], []>, transpose_lhs_hint = false} : vector<32x4096xbf16>, vector<32x32xbf16>, vector<4096x32xf32> -> vector<4096x32xf32>
    %convert_element_type3A_30 = arith.truncf %dot_general3A_29 : vector<4096x32xf32> to vector<4096x32xbf16>
    %get3A_31 = arith.constant 0 : index
    %get3A_32 = arith.constant 0 : index
    %get3A_33 = vector.load %arg5[%get3A_31, %get3A_32] : memref<32x4096xf32, #tpu.memory_space<vmem>>, vector<32x4096xf32>
    %convert_element_type3A_34 = arith.truncf %get3A_33 : vector<32x4096xf32> to vector<32x4096xbf16>
    %dot_general3A_35 = arith.constant dense<0.000000e+00> : vector<4096x32xf32>
    %dot_general3A_36 = tpu.matmul %convert_element_type3A_34, %convert_element_type3A_4, %dot_general3A_35 {dimension_numbers = #tpu.dot_dimension_numbers<[0], [0], [1], [1], [0, 1, 1, 1], [], []>, transpose_lhs_hint = false} : vector<32x4096xbf16>, vector<32x32xbf16>, vector<4096x32xf32> -> vector<4096x32xf32>
    %convert_element_type3A_37 = arith.truncf %dot_general3A_36 : vector<4096x32xf32> to vector<4096x32xbf16>
    %get3A_38 = arith.constant 0 : index
    %get3A_39 = arith.constant 0 : index
    %get3A_40 = vector.load %arg6[%get3A_38, %get3A_39] : memref<32x4096xf32, #tpu.memory_space<vmem>>, vector<32x4096xf32>
    %convert_element_type3A_41 = arith.truncf %get3A_40 : vector<32x4096xf32> to vector<32x4096xbf16>
    %dot_general3A_42 = arith.constant dense<0.000000e+00> : vector<4096x32xf32>
    %dot_general3A_43 = tpu.matmul %convert_element_type3A_41, %convert_element_type3A_4, %dot_general3A_42 {dimension_numbers = #tpu.dot_dimension_numbers<[0], [0], [1], [1], [0, 1, 1, 1], [], []>, transpose_lhs_hint = false} : vector<32x4096xbf16>, vector<32x32xbf16>, vector<4096x32xf32> -> vector<4096x32xf32>
    %convert_element_type3A_44 = arith.truncf %dot_general3A_43 : vector<4096x32xf32> to vector<4096x32xbf16>
    %get3A_45 = arith.constant 0 : index
    %get3A_46 = arith.constant 0 : index
    %get3A_47 = vector.load %arg7[%get3A_45, %get3A_46] : memref<32x4096xf32, #tpu.memory_space<vmem>>, vector<32x4096xf32>
    %convert_element_type3A_48 = arith.truncf %get3A_47 : vector<32x4096xf32> to vector<32x4096xbf16>
    %dot_general3A_49 = arith.constant dense<0.000000e+00> : vector<4096x32xf32>
    %dot_general3A_50 = tpu.matmul %convert_element_type3A_48, %convert_element_type3A_4, %dot_general3A_49 {dimension_numbers = #tpu.dot_dimension_numbers<[0], [0], [1], [1], [0, 1, 1, 1], [], []>, transpose_lhs_hint = false} : vector<32x4096xbf16>, vector<32x32xbf16>, vector<4096x32xf32> -> vector<4096x32xf32>
    %convert_element_type3A_51 = arith.truncf %dot_general3A_50 : vector<4096x32xf32> to vector<4096x32xbf16>
    %get3A_52 = arith.constant 0 : index
    %get3A_53 = arith.constant 0 : index
    %get3A_54 = vector.load %arg8[%get3A_52, %get3A_53] : memref<32x4096xf32, #tpu.memory_space<vmem>>, vector<32x4096xf32>
    %convert_element_type3A_55 = arith.truncf %get3A_54 : vector<32x4096xf32> to vector<32x4096xbf16>
    %dot_general3A_56 = arith.constant dense<0.000000e+00> : vector<4096x32xf32>
    %dot_general3A_57 = tpu.matmul %convert_element_type3A_55, %convert_element_type3A_4, %dot_general3A_56 {dimension_numbers = #tpu.dot_dimension_numbers<[0], [0], [1], [1], [0, 1, 1, 1], [], []>, transpose_lhs_hint = false} : vector<32x4096xbf16>, vector<32x32xbf16>, vector<4096x32xf32> -> vector<4096x32xf32>
    %convert_element_type3A_58 = arith.truncf %dot_general3A_57 : vector<4096x32xf32> to vector<4096x32xbf16>
    %concatenate3A = tpu.concatenate %convert_element_type3A_9, %convert_element_type3A_16, %convert_element_type3A_23, %convert_element_type3A_30, %convert_element_type3A_37, %convert_element_type3A_44, %convert_element_type3A_51, %convert_element_type3A_58 in 1 : vector<4096x32xbf16>, vector<4096x32xbf16>, vector<4096x32xbf16>, vector<4096x32xbf16>, vector<4096x32xbf16>, vector<4096x32xbf16>, vector<4096x32xbf16>, vector<4096x32xbf16> -> vector<4096x256xbf16>
    %slice3A = vector.extract_strided_slice %concatenate3A {offsets = [0, 0], sizes = [4096, 128], strides = [1, 1]} : vector<4096x256xbf16> to vector<4096x128xbf16>
    %bitcast_convert_type3A = tpu.bitcast %slice3A : vector<4096x128xbf16> -> vector<4096x128xi16>
    %convert_element_type3A_59 = arith.extui %bitcast_convert_type3A : vector<4096x128xi16> to vector<4096x128xi32>
    %slice3A_60 = vector.extract_strided_slice %concatenate3A {offsets = [0, 128], sizes = [4096, 128], strides = [1, 1]} : vector<4096x256xbf16> to vector<4096x128xbf16>
    %bitcast_convert_type3A_61 = tpu.bitcast %slice3A_60 : vector<4096x128xbf16> -> vector<4096x128xi16>
    %convert_element_type3A_62 = arith.extui %bitcast_convert_type3A_61 : vector<4096x128xi16> to vector<4096x128xi32>
    %shift_left3A = arith.constant 16 : i32
    %shift_left3A_63 = vector.broadcast %shift_left3A : i32 to vector<4096x128xi32>
    %shift_left3A_64 = arith.shli %convert_element_type3A_62, %shift_left3A_63 : vector<4096x128xi32>
    %or3A = arith.ori %convert_element_type3A_59, %shift_left3A_64 : vector<4096x128xi32>
    %swap3A = arith.constant 0 : index
    %swap3A_65 = arith.constant 0 : index
    %swap3A_66 = vector.load %arg9[%swap3A, %swap3A_65] : memref<4096x128xi32, #tpu.memory_space<vmem>>, vector<4096x128xi32>
    tpu.vector_store %arg9[%swap3A, %swap3A_65], %or3A {strides = array<i32>} : memref<4096x128xi32, #tpu.memory_space<vmem>>, vector<4096x128xi32>,
    return
  }
  func.func @transform_0(%arg0: i32) -> (i32, i32) {
    %add3A = arith.constant 0 : i32
    %add3A_0 = arith.addi %arg0, %add3A : i32
    %min3A = arith.constant 24 : i32
    %min3A_1 = arith.minsi %add3A_0, %min3A : i32
    %c0_i32 = arith.constant 0 : i32
    %c0_i32_2 = arith.constant 0 : i32
    return %c0_i32, %min3A_1 : i32, i32
  }
  func.func @transform_1(%arg0: i32) -> (i32, i32) {
    %add3A = arith.constant 4 : i32
    %add3A_0 = arith.addi %arg0, %add3A : i32
    %min3A = arith.constant 24 : i32
    %min3A_1 = arith.minsi %add3A_0, %min3A : i32
    %c0_i32 = arith.constant 0 : i32
    %c0_i32_2 = arith.constant 0 : i32
    return %c0_i32, %min3A_1 : i32, i32
  }
  func.func @transform_2(%arg0: i32) -> (i32, i32) {
    %add3A = arith.constant 8 : i32
    %add3A_0 = arith.addi %arg0, %add3A : i32
    %min3A = arith.constant 24 : i32
    %min3A_1 = arith.minsi %add3A_0, %min3A : i32
    %c0_i32 = arith.constant 0 : i32
    %c0_i32_2 = arith.constant 0 : i32
    return %c0_i32, %min3A_1 : i32, i32
  }
  func.func @transform_3(%arg0: i32) -> (i32, i32) {
    %add3A = arith.constant 12 : i32
    %add3A_0 = arith.addi %arg0, %add3A : i32
    %min3A = arith.constant 24 : i32
    %min3A_1 = arith.minsi %add3A_0, %min3A : i32
    %c0_i32 = arith.constant 0 : i32
    %c0_i32_2 = arith.constant 0 : i32
    return %c0_i32, %min3A_1 : i32, i32
  }
  func.func @transform_4(%arg0: i32) -> (i32, i32) {
    %add3A = arith.constant 16 : i32
    %add3A_0 = arith.addi %arg0, %add3A : i32
    %min3A = arith.constant 24 : i32
    %min3A_1 = arith.minsi %add3A_0, %min3A : i32
    %c0_i32 = arith.constant 0 : i32
    %c0_i32_2 = arith.constant 0 : i32
    return %c0_i32, %min3A_1 : i32, i32
  }
  func.func @transform_5(%arg0: i32) -> (i32, i32) {
    %add3A = arith.constant 20 : i32
    %add3A_0 = arith.addi %arg0, %add3A : i32
    %min3A = arith.constant 24 : i32
    %min3A_1 = arith.minsi %add3A_0, %min3A : i32
    %c0_i32 = arith.constant 0 : i32
    %c0_i32_2 = arith.constant 0 : i32
    return %c0_i32, %min3A_1 : i32, i32
  }
  func.func @transform_6(%arg0: i32) -> (i32, i32) {
    %add3A = arith.constant 24 : i32
    %add3A_0 = arith.addi %arg0, %add3A : i32
    %min3A = arith.constant 24 : i32
    %min3A_1 = arith.minsi %add3A_0, %min3A : i32
    %c0_i32 = arith.constant 0 : i32
    %c0_i32_2 = arith.constant 0 : i32
    return %c0_i32, %min3A_1 : i32, i32
  }
  func.func @transform_7(%arg0: i32) -> (i32, i32) {
    %add3A = arith.constant 28 : i32
    %add3A_0 = arith.addi %arg0, %add3A : i32
    %min3A = arith.constant 24 : i32
    %min3A_1 = arith.minsi %add3A_0, %min3A : i32
    %c0_i32 = arith.constant 0 : i32
    %c0_i32_2 = arith.constant 0 : i32
    return %c0_i32, %min3A_1 : i32, i32
  }
  func.func @transform_8(%arg0: i32) -> (i32, i32) {
    %c0_i32 = arith.constant 0 : i32
    %c0_i32_0 = arith.constant 0 : i32
    return %arg0, %c0_i32 : i32, i32
  }
}

module attributes {stable_mosaic.version = 14 : i64} {
  func.func @_mlp_body(%arg0: i32, %arg1: memref<4096x128xi32, #tpu.memory_space<vmem>>, %arg2: memref<4096x128xi32, #tpu.memory_space<vmem>>, %arg3: memref<4096x1xi32, #tpu.memory_space<vmem>>, %arg4: memref<4096x1xi32, #tpu.memory_space<vmem>>, %arg5: memref<256x256xbf16, #tpu.memory_space<vmem>>, %arg6: memref<256x256xbf16, #tpu.memory_space<vmem>>, %arg7: memref<1x256xf32, #tpu.memory_space<vmem>>, %arg8: memref<256x64xf32, #tpu.memory_space<vmem>>, %arg9: memref<1x64xf32, #tpu.memory_space<vmem>>, %arg10: memref<64x1xf32, #tpu.memory_space<vmem>>, %arg11: memref<1x1xf32, #tpu.memory_space<vmem>>, %arg12: memref<1x4096xf32, #tpu.memory_space<vmem>>) attributes {dimension_semantics = [#tpu.dimension_semantics<arbitrary>], iteration_bounds = array<i64: 4>, scalar_prefetch = 0 : i64, scratch_operands = 0 : i64, tpu.core_type = #tpu.core_type<tc>, window_params = [{transform_indices = @transform_0, window_bounds = array<i64: 4096, 128>}, {transform_indices = @transform_1, window_bounds = array<i64: 4096, 128>}, {transform_indices = @transform_2, window_bounds = array<i64: 4096, 1>}, {transform_indices = @transform_3, window_bounds = array<i64: 4096, 1>}, {pipeline_mode = #tpu.pipeline_mode<synchronous>, transform_indices = @transform_4, window_bounds = array<i64: 256, 256>}, {pipeline_mode = #tpu.pipeline_mode<synchronous>, transform_indices = @transform_5, window_bounds = array<i64: 256, 256>}, {pipeline_mode = #tpu.pipeline_mode<synchronous>, transform_indices = @transform_6, window_bounds = array<i64: 1, 256>}, {pipeline_mode = #tpu.pipeline_mode<synchronous>, transform_indices = @transform_7, window_bounds = array<i64: 256, 64>}, {pipeline_mode = #tpu.pipeline_mode<synchronous>, transform_indices = @transform_8, window_bounds = array<i64: 1, 64>}, {pipeline_mode = #tpu.pipeline_mode<synchronous>, transform_indices = @transform_9, window_bounds = array<i64: 64, 1>}, {pipeline_mode = #tpu.pipeline_mode<synchronous>, transform_indices = @transform_10, window_bounds = array<i64: 1, 1>}, {transform_indices = @transform_11, window_bounds = array<i64: 1, 4096>}]} {
    %iota3A = tpu.iota {dimensions = array<i32: 1>} : vector<1x128xi32>
    %jit3A = arith.constant 32 : i32
    %div3A = vector.broadcast %jit3A : i32 to vector<1x128xi32>
    %div3A_0 = arith.divsi %iota3A, %div3A : vector<1x128xi32>
    %sign3A = arith.constant 0 : i32
    %sign3A_1 = vector.broadcast %sign3A : i32 to vector<1x128xi32>
    %sign3A_2 = arith.cmpi sgt, %iota3A, %sign3A_1 : vector<1x128xi32>
    %sign3A_3 = arith.extui %sign3A_2 : vector<1x128xi1> to vector<1x128xi32>
    %sign3A_4 = arith.constant 0 : i32
    %sign3A_5 = vector.broadcast %sign3A_4 : i32 to vector<1x128xi32>
    %sign3A_6 = arith.cmpi slt, %iota3A, %sign3A_5 : vector<1x128xi32>
    %sign3A_7 = arith.extui %sign3A_6 : vector<1x128xi1> to vector<1x128xi32>
    %sign3A_8 = arith.subi %sign3A_3, %sign3A_7 : vector<1x128xi32>
    %sign3A_9 = arith.constant 0 : i32
    %sign3A_10 = arith.cmpi sgt, %jit3A, %sign3A_9 : i32
    %sign3A_11 = arith.extui %sign3A_10 : i1 to i32
    %sign3A_12 = arith.constant 0 : i32
    %sign3A_13 = arith.cmpi slt, %jit3A, %sign3A_12 : i32
    %sign3A_14 = arith.extui %sign3A_13 : i1 to i32
    %sign3A_15 = arith.subi %sign3A_11, %sign3A_14 : i32
    %ne3A = vector.broadcast %sign3A_15 : i32 to vector<1x128xi32>
    %ne3A_16 = arith.cmpi ne, %sign3A_8, %ne3A : vector<1x128xi32>
    %rem3A = vector.broadcast %jit3A : i32 to vector<1x128xi32>
    %rem3A_17 = arith.remsi %iota3A, %rem3A : vector<1x128xi32>
    %ne3A_18 = arith.constant 0 : i32
    %ne3A_19 = vector.broadcast %ne3A_18 : i32 to vector<1x128xi32>
    %ne3A_20 = arith.cmpi ne, %rem3A_17, %ne3A_19 : vector<1x128xi32>
    %and3A = arith.andi %ne3A_16, %ne3A_20 : vector<1x128xi1>
    %sub3A = arith.constant 1 : i32
    %sub3A_21 = vector.broadcast %sub3A : i32 to vector<1x128xi32>
    %sub3A_22 = arith.subi %div3A_0, %sub3A_21 : vector<1x128xi32>
    %select_n3A = arith.select %and3A, %sub3A_22, %div3A_0 : vector<1x128xi1>, vector<1x128xi32>
    %get3A = arith.constant 0 : index
    %get3A_23 = arith.constant 0 : index
    %get3A_24 = vector.load %arg1[%get3A, %get3A_23] : memref<4096x128xi32, #tpu.memory_space<vmem>>, vector<4096x128xi32>
    %get3A_25 = arith.constant 0 : index
    %get3A_26 = arith.constant 0 : index
    %get3A_27 = vector.load %arg3[%get3A_25, %get3A_26] : memref<4096x1xi32, #tpu.memory_space<vmem>>, vector<4096x1xi32>
    %and3A_28 = arith.constant 65535 : i32
    %and3A_29 = vector.broadcast %and3A_28 : i32 to vector<4096x128xi32>
    %and3A_30 = arith.andi %get3A_24, %and3A_29 : vector<4096x128xi32>
    %convert_element_type3A = arith.trunci %and3A_30 : vector<4096x128xi32> to vector<4096x128xi16>
    %bitcast_convert_type3A = tpu.bitcast %convert_element_type3A : vector<4096x128xi16> -> vector<4096x128xbf16>
    %shift_right_logical3A = arith.constant 16 : i32
    %shift_right_logical3A_31 = vector.broadcast %shift_right_logical3A : i32 to vector<4096x128xi32>
    %shift_right_logical3A_32 = arith.shrui %get3A_24, %shift_right_logical3A_31 : vector<4096x128xi32>
    %convert_element_type3A_33 = arith.trunci %shift_right_logical3A_32 : vector<4096x128xi32> to vector<4096x128xi16>
    %bitcast_convert_type3A_34 = tpu.bitcast %convert_element_type3A_33 : vector<4096x128xi16> -> vector<4096x128xbf16>
    %broadcast_in_dim3A = arith.constant 0.000000e+00 : bf16
    %broadcast_in_dim3A_35 = vector.broadcast %broadcast_in_dim3A : bf16 to vector<4096x128xbf16>
    %eq3A = vector.broadcast %get3A_27 : vector<4096x1xi32> to vector<4096x128xi32>
    %eq3A_36 = vector.broadcast %select_n3A : vector<1x128xi32> to vector<4096x128xi32>
    %eq3A_37 = arith.cmpi eq, %eq3A, %eq3A_36 : vector<4096x128xi32>
    %select_n3A_38 = arith.select %eq3A_37, %bitcast_convert_type3A, %broadcast_in_dim3A_35 : vector<4096x128xi1>, vector<4096x128xbf16>
    %add3A = arith.constant 4 : i32
    %add3A_39 = vector.broadcast %add3A : i32 to vector<1x128xi32>
    %add3A_40 = arith.addi %add3A_39, %select_n3A : vector<1x128xi32>
    %eq3A_41 = vector.broadcast %get3A_27 : vector<4096x1xi32> to vector<4096x128xi32>
    %eq3A_42 = vector.broadcast %add3A_40 : vector<1x128xi32> to vector<4096x128xi32>
    %eq3A_43 = arith.cmpi eq, %eq3A_41, %eq3A_42 : vector<4096x128xi32>
    %select_n3A_44 = arith.select %eq3A_43, %bitcast_convert_type3A_34, %broadcast_in_dim3A_35 : vector<4096x128xi1>, vector<4096x128xbf16>
    %concatenate3A = tpu.concatenate %select_n3A_38, %select_n3A_44 in 1 : vector<4096x128xbf16>, vector<4096x128xbf16> -> vector<4096x256xbf16>
    %get3A_45 = arith.constant 0 : index
    %get3A_46 = arith.constant 0 : index
    %get3A_47 = vector.load %arg2[%get3A_45, %get3A_46] : memref<4096x128xi32, #tpu.memory_space<vmem>>, vector<4096x128xi32>
    %get3A_48 = arith.constant 0 : index
    %get3A_49 = arith.constant 0 : index
    %get3A_50 = vector.load %arg4[%get3A_48, %get3A_49] : memref<4096x1xi32, #tpu.memory_space<vmem>>, vector<4096x1xi32>
    %and3A_51 = arith.constant 65535 : i32
    %and3A_52 = vector.broadcast %and3A_51 : i32 to vector<4096x128xi32>
    %and3A_53 = arith.andi %get3A_47, %and3A_52 : vector<4096x128xi32>
    %convert_element_type3A_54 = arith.trunci %and3A_53 : vector<4096x128xi32> to vector<4096x128xi16>
    %bitcast_convert_type3A_55 = tpu.bitcast %convert_element_type3A_54 : vector<4096x128xi16> -> vector<4096x128xbf16>
    %shift_right_logical3A_56 = arith.constant 16 : i32
    %shift_right_logical3A_57 = vector.broadcast %shift_right_logical3A_56 : i32 to vector<4096x128xi32>
    %shift_right_logical3A_58 = arith.shrui %get3A_47, %shift_right_logical3A_57 : vector<4096x128xi32>
    %convert_element_type3A_59 = arith.trunci %shift_right_logical3A_58 : vector<4096x128xi32> to vector<4096x128xi16>
    %bitcast_convert_type3A_60 = tpu.bitcast %convert_element_type3A_59 : vector<4096x128xi16> -> vector<4096x128xbf16>
    %broadcast_in_dim3A_61 = arith.constant 0.000000e+00 : bf16
    %broadcast_in_dim3A_62 = vector.broadcast %broadcast_in_dim3A_61 : bf16 to vector<4096x128xbf16>
    %eq3A_63 = vector.broadcast %get3A_50 : vector<4096x1xi32> to vector<4096x128xi32>
    %eq3A_64 = vector.broadcast %select_n3A : vector<1x128xi32> to vector<4096x128xi32>
    %eq3A_65 = arith.cmpi eq, %eq3A_63, %eq3A_64 : vector<4096x128xi32>
    %select_n3A_66 = arith.select %eq3A_65, %bitcast_convert_type3A_55, %broadcast_in_dim3A_62 : vector<4096x128xi1>, vector<4096x128xbf16>
    %add3A_67 = arith.constant 4 : i32
    %add3A_68 = vector.broadcast %add3A_67 : i32 to vector<1x128xi32>
    %add3A_69 = arith.addi %add3A_68, %select_n3A : vector<1x128xi32>
    %eq3A_70 = vector.broadcast %get3A_50 : vector<4096x1xi32> to vector<4096x128xi32>
    %eq3A_71 = vector.broadcast %add3A_69 : vector<1x128xi32> to vector<4096x128xi32>
    %eq3A_72 = arith.cmpi eq, %eq3A_70, %eq3A_71 : vector<4096x128xi32>
    %select_n3A_73 = arith.select %eq3A_72, %bitcast_convert_type3A_60, %broadcast_in_dim3A_62 : vector<4096x128xi1>, vector<4096x128xbf16>
    %concatenate3A_74 = tpu.concatenate %select_n3A_66, %select_n3A_73 in 1 : vector<4096x128xbf16>, vector<4096x128xbf16> -> vector<4096x256xbf16>
    %get3A_75 = arith.constant 0 : index
    %get3A_76 = arith.constant 0 : index
    %get3A_77 = vector.load %arg5[%get3A_75, %get3A_76] : memref<256x256xbf16, #tpu.memory_space<vmem>>, vector<256x256xbf16>
    %dot_general3A = arith.constant dense<0.000000e+00> : vector<4096x256xf32>
    %dot_general3A_78 = tpu.matmul %concatenate3A, %get3A_77, %dot_general3A {dimension_numbers = #tpu.dot_dimension_numbers<[1], [0], [0], [1], [0, 0, 1, 1], [], []>, transpose_lhs_hint = false} : vector<4096x256xbf16>, vector<256x256xbf16>, vector<4096x256xf32> -> vector<4096x256xf32>
    %get3A_79 = arith.constant 0 : index
    %get3A_80 = arith.constant 0 : index
    %get3A_81 = vector.load %arg6[%get3A_79, %get3A_80] : memref<256x256xbf16, #tpu.memory_space<vmem>>, vector<256x256xbf16>
    %dot_general3A_82 = arith.constant dense<0.000000e+00> : vector<4096x256xf32>
    %dot_general3A_83 = tpu.matmul %concatenate3A_74, %get3A_81, %dot_general3A_82 {dimension_numbers = #tpu.dot_dimension_numbers<[1], [0], [0], [1], [0, 0, 1, 1], [], []>, transpose_lhs_hint = false} : vector<4096x256xbf16>, vector<256x256xbf16>, vector<4096x256xf32> -> vector<4096x256xf32>
    %add3A_84 = arith.addf %dot_general3A_78, %dot_general3A_83 : vector<4096x256xf32>
    %get3A_85 = arith.constant 0 : index
    %get3A_86 = arith.constant 0 : index
    %get3A_87 = vector.load %arg7[%get3A_85, %get3A_86] : memref<1x256xf32, #tpu.memory_space<vmem>>, vector<1x256xf32>
    %add3A_88 = vector.broadcast %get3A_87 : vector<1x256xf32> to vector<4096x256xf32>
    %add3A_89 = arith.addf %add3A_84, %add3A_88 : vector<4096x256xf32>
    %max3A = arith.constant 0.000000e+00 : f32
    %max3A_90 = vector.broadcast %max3A : f32 to vector<4096x256xf32>
    %max3A_91 = arith.maximumf %add3A_89, %max3A_90 : vector<4096x256xf32>
    %get3A_92 = arith.constant 0 : index
    %get3A_93 = arith.constant 0 : index
    %get3A_94 = vector.load %arg8[%get3A_92, %get3A_93] : memref<256x64xf32, #tpu.memory_space<vmem>>, vector<256x64xf32>
    %dot_general3A_95 = arith.constant dense<0.000000e+00> : vector<4096x64xf32>
    %dot_general3A_96 = tpu.matmul %max3A_91, %get3A_94, %dot_general3A_95 {dimension_numbers = #tpu.dot_dimension_numbers<[1], [0], [0], [1], [0, 0, 1, 1], [], []>, transpose_lhs_hint = false} : vector<4096x256xf32>, vector<256x64xf32>, vector<4096x64xf32> -> vector<4096x64xf32>
    %get3A_97 = arith.constant 0 : index
    %get3A_98 = arith.constant 0 : index
    %get3A_99 = vector.load %arg9[%get3A_97, %get3A_98] : memref<1x64xf32, #tpu.memory_space<vmem>>, vector<1x64xf32>
    %add3A_100 = vector.broadcast %get3A_99 : vector<1x64xf32> to vector<4096x64xf32>
    %add3A_101 = arith.addf %dot_general3A_96, %add3A_100 : vector<4096x64xf32>
    %max3A_102 = arith.constant 0.000000e+00 : f32
    %max3A_103 = vector.broadcast %max3A_102 : f32 to vector<4096x64xf32>
    %max3A_104 = arith.maximumf %add3A_101, %max3A_103 : vector<4096x64xf32>
    %get3A_105 = arith.constant 0 : index
    %get3A_106 = arith.constant 0 : index
    %get3A_107 = vector.load %arg10[%get3A_105, %get3A_106] : memref<64x1xf32, #tpu.memory_space<vmem>>, vector<64x1xf32>
    %dot_general3A_108 = arith.constant dense<0.000000e+00> : vector<1x4096xf32>
    %dot_general3A_109 = tpu.matmul %get3A_107, %max3A_104, %dot_general3A_108 {dimension_numbers = #tpu.dot_dimension_numbers<[0], [1], [1], [0], [0, 1, 1, 0], [], []>, transpose_lhs_hint = false} : vector<64x1xf32>, vector<4096x64xf32>, vector<1x4096xf32> -> vector<1x4096xf32>
    %get3A_110 = arith.constant 0 : index
    %get3A_111 = arith.constant 0 : index
    %get3A_112 = vector.load %arg11[%get3A_110, %get3A_111] : memref<1x1xf32, #tpu.memory_space<vmem>>, vector<1x1xf32>
    %add3A_113 = vector.broadcast %get3A_112 : vector<1x1xf32> to vector<1x4096xf32>
    %add3A_114 = arith.addf %dot_general3A_109, %add3A_113 : vector<1x4096xf32>
    %swap3A = arith.constant 0 : index
    %swap3A_115 = arith.constant 0 : index
    %swap3A_116 = vector.load %arg12[%swap3A, %swap3A_115] : memref<1x4096xf32, #tpu.memory_space<vmem>>, vector<1x4096xf32>
    tpu.vector_store %arg12[%swap3A, %swap3A_115], %add3A_114 {strides = array<i32>} : memref<1x4096xf32, #tpu.memory_space<vmem>>, vector<1x4096xf32>,
    return
  }
  func.func @transform_0(%arg0: i32) -> (i32, i32) {
    %c0_i32 = arith.constant 0 : i32
    %c0_i32_0 = arith.constant 0 : i32
    return %arg0, %c0_i32 : i32, i32
  }
  func.func @transform_1(%arg0: i32) -> (i32, i32) {
    %c0_i32 = arith.constant 0 : i32
    %c0_i32_0 = arith.constant 0 : i32
    return %arg0, %c0_i32 : i32, i32
  }
  func.func @transform_2(%arg0: i32) -> (i32, i32) {
    %c0_i32 = arith.constant 0 : i32
    %c0_i32_0 = arith.constant 0 : i32
    return %arg0, %c0_i32 : i32, i32
  }
  func.func @transform_3(%arg0: i32) -> (i32, i32) {
    %c0_i32 = arith.constant 0 : i32
    %c0_i32_0 = arith.constant 0 : i32
    return %arg0, %c0_i32 : i32, i32
  }
  func.func @transform_4(%arg0: i32) -> (i32, i32) {
    %c0_i32 = arith.constant 0 : i32
    %c0_i32_0 = arith.constant 0 : i32
    %c0_i32_1 = arith.constant 0 : i32
    return %c0_i32, %c0_i32_0 : i32, i32
  }
  func.func @transform_5(%arg0: i32) -> (i32, i32) {
    %c0_i32 = arith.constant 0 : i32
    %c0_i32_0 = arith.constant 0 : i32
    %c0_i32_1 = arith.constant 0 : i32
    return %c0_i32, %c0_i32_0 : i32, i32
  }
  func.func @transform_6(%arg0: i32) -> (i32, i32) {
    %c0_i32 = arith.constant 0 : i32
    %c0_i32_0 = arith.constant 0 : i32
    %c0_i32_1 = arith.constant 0 : i32
    return %c0_i32, %c0_i32_0 : i32, i32
  }
  func.func @transform_7(%arg0: i32) -> (i32, i32) {
    %c0_i32 = arith.constant 0 : i32
    %c0_i32_0 = arith.constant 0 : i32
    %c0_i32_1 = arith.constant 0 : i32
    return %c0_i32, %c0_i32_0 : i32, i32
  }
  func.func @transform_8(%arg0: i32) -> (i32, i32) {
    %c0_i32 = arith.constant 0 : i32
    %c0_i32_0 = arith.constant 0 : i32
    %c0_i32_1 = arith.constant 0 : i32
    return %c0_i32, %c0_i32_0 : i32, i32
  }
  func.func @transform_9(%arg0: i32) -> (i32, i32) {
    %c0_i32 = arith.constant 0 : i32
    %c0_i32_0 = arith.constant 0 : i32
    %c0_i32_1 = arith.constant 0 : i32
    return %c0_i32, %c0_i32_0 : i32, i32
  }
  func.func @transform_10(%arg0: i32) -> (i32, i32) {
    %c0_i32 = arith.constant 0 : i32
    %c0_i32_0 = arith.constant 0 : i32
    %c0_i32_1 = arith.constant 0 : i32
    return %c0_i32, %c0_i32_0 : i32, i32
  }
  func.func @transform_11(%arg0: i32) -> (i32, i32) {
    %c0_i32 = arith.constant 0 : i32
    %c0_i32_0 = arith.constant 0 : i32
    return %c0_i32, %arg0 : i32, i32
  }
}

</mosaic_0001>

<sc_bundles>
// kernel: kernel.10.cloned.1.call-start
scs
__scs_entry_jumppad:
0x0: {  	(pc) =	sbr.rel $0x88, $3  }
0x1: {  	(tag) =	ssettag $0x0;
	lr =	simm.s32 $0x1  }
0x2: {  	[smem:$0x3F97] =	sst lr;
	_ =	strace $0xD0000000  }
0x3: {  	_ = 	snop  }
0x4: {  	_ = 	snop  }
0x5: {  	_ = 	snop  }
0x6: {  	_ = 	snop  }
0x7: {  	_ = 	snop  }
__scs_overlays_trampoline_lowered:
0x8: {  	[smem:$0x3FA6] =	sst s0  }
0x9: {  	[smem:$0x3FA7] =	sst s1  }
0xa: {  	[smem:$0x3FA8] =	sst s2  }
0xb: {  	[smem:$0x3FA9] =	sst s3  }
0xc: {  	[smem:$0x3FAA] =	sst s4  }
0xd: {  	[smem:$0x3FAB] =	sst s5  }
0xe: {  	[smem:$0x3FAC] =	sst s6  }
0xf: {  	[smem:$0x3FAD] =	sst s7  }
0x10: {  	[smem:$0x3FAE] =	sst s8  }
0x11: {  	[smem:$0x3FAF] =	sst s9;
	s0 =	simm.s32 @!p0 $0x0  }
0x12: {  	s1 =	sld [smem:$0x3F95];
	s0 =	simm.s32 @p0 $0x1  }
0x13: {  	[smem:$0x3FB0] =	sst s0;
	s0 =	simm.s32 @!p1 $0x0  }
0x14: {  	s2 =	sld [smem:$0x3F94];
	s0 =	simm.s32 @p1 $0x1  }
0x15: {  	[smem:$0x3FB1] =	sst s0;
	s0 =	simm.s32 @!p2 $0x0  }
0x16: {  	s3 =	sld [smem:$0x3FDB];
	s0 =	simm.s32 @p2 $0x1  }
0x17: {  	s4 =	simm.s32 $0x1BF5;
	[smem:$0x3FB3] =	sst s0  }
0x18: {  	s0 =	sld [smem:$0x3F96];
	_ =	swait.ge [sflag:s4], $0x0  }
0x19: {  	s7 =	sld [smem:$0x3F97]  }
0x1a: {  	s8 =	sadd.s32 $0xFFFFE003, lr  }
0x1b: {  	s9 =	sadd.s32 $0xFFFFFEF7, lr;
	s5 =	simm.s32 $0xFFFFFFFF;
	p2 =	slt.u32 s8, $0xFFFFF086  }
0x1c: {  	p1 =	slt.u32 s9, $0xF7A;
	s5 =	simm.s32 @!p2 $0x0  }
0x1d: {  	s5 =	simm.s32 @p1 $0x1;
	p0 =	seq.s32 s7, s2  }
0x1e: {  	s7 =	smul.u32 @!p0 $0xF7A, s2;
	p2 =	seq.s32 @!p0 s5, $0x0  }
0x1f: {  	s9 =	smul.u32 $0xF7A, s1;
	s8 =	simm.s32 @!p0 $0x1BF5;
	p2 =	por !p2, p0  }
0x20: {  	[sflag:s8] =	ssyncset.s32 @!p0 $0xFFFFF086;
	s6 =	sadd.s32 @!p0 s3, s7;
	s7 =	simm.s32 @!p0 $0x108  }
0x21: {  	s3 =	sadd.s32 s3, s9;
	s6 =	sadd.s32 @!p0 $0x88, s6;
	s7 =	simm.s32 @p2 $0x1082  }
0x22: {  	[simem:s7], [sflag:s8] =	dma.local @!p0 [hbm:s6], $0xF7A  }
0x23: {  	s9 =	sor.u32 $0xD0000000, s2;
	s6 =	simm.s32 $0x108;
	_ =	swait.ge @!p0 [sflag:s8], $0x0  }
0x24: {  	s3 =	sadd.s32 $0x88, s3;
	s6 =	simm.s32 @!p1 $0x1082;
	[sflag:s4] =	ssyncset.s32 $0xFFFFF086  }
0x25: {  	[simem:s6], [sflag:s4] =	dma.local [hbm:s3], $0xF7A  }
0x26: {  	[smem:$0x3F97] =	sst s1;
	(tag) =	ssettag s2;
	_ =	strace s9  }
0x27: {  	s1 =	sld [smem:$0x3FA7]  }
0x28: {  	s2 =	sld [smem:$0x3FA8]  }
0x29: {  	s4 =	sld [smem:$0x3FAA]  }
0x2a: {  	p0 =	seq.s32 s5, $0x0;
	s5 =	sld [smem:$0x3FAB]  }
0x2b: {  	s6 =	sld [smem:$0x3FAC]  }
0x2c: {  	s7 =	sld [smem:$0x3FAD]  }
0x2d: {  	s3 =	simm.s32 $0x108;
	s8 =	sld [smem:$0x3FAE]  }
0x2e: {  	s3 =	simm.s32 @!p0 $0x1082;
	s9 =	sld [smem:$0x3FAF]  }
0x2f: {  	lr =	sadd.s32 s0, s3;
	s0 =	sld [smem:$0x3FA6]  }
0x30: {  	s3 =	sld [smem:$0x3FA9]  }
0x31: {  	[smem:$0x3FB2] =	sst s10  }
0x32: {  	s10 =	sld [smem:$0x3FB0];
	_ =	sdelay $0x3  }
0x33: {  	p0 =	seq.s32 s10, $0x1;
	s10 =	sld [smem:$0x3FB2];
	_ =	sdelay $0x3  }
0x34: {  	[smem:$0x3FB2] =	sst s10  }
0x35: {  	s10 =	sld [smem:$0x3FB1];
	_ =	sdelay $0x3  }
0x36: {  	p1 =	seq.s32 s10, $0x1;
	s10 =	sld [smem:$0x3FB2];
	_ =	sdelay $0x3  }
0x37: {  	[smem:$0x3FB2] =	sst s10  }
0x38: {  	s10 =	sld [smem:$0x3FB3]  }
0x39: {  	_ = 	snop;
	(pc) =	sbr.ind lr, $3  }
0x3a: {  	_ = 	snop  }
0x3b: {  	_ = 	snop  }
0x3c: {  	p2 =	seq.s32 s10, $0x1;
	s10 =	sld [smem:$0x3FB2]  }
0x3d: {  	_ =	shalt  }
0x3e: {  	_ =	shalt  }
0x3f: {  	_ =	shalt  }
0x40: {  	_ =	shalt  }
0x41: {  	_ =	shalt  }
0x42: {  	_ =	shalt  }
0x43: {  	_ =	shalt  }
0x44: {  	_ =	shalt  }
0x45: {  	_ =	shalt  }
0x46: {  	_ =	shalt  }
0x47: {  	_ =	shalt  }
0x48: {  	_ =	shalt  }
0x49: {  	_ =	shalt  }
0x4a: {  	_ =	shalt  }
0x4b: {  	_ =	shalt  }
0x4c: {  	_ =	shalt  }
0x4d: {  	_ =	shalt  }
0x4e: {  	_ =	shalt  }
0x4f: {  	_ =	shalt  }
0x50: {  	_ =	shalt  }
0x51: {  	_ =	shalt  }
0x52: {  	_ =	shalt  }
0x53: {  	_ =	shalt  }
0x54: {  	_ =	shalt  }
0x55: {  	_ =	shalt  }
0x56: {  	_ =	shalt  }
0x57: {  	_ =	shalt  }
0x58: {  	_ =	shalt  }
0x59: {  	_ =	shalt  }
0x5a: {  	_ =	shalt  }
0x5b: {  	_ =	shalt  }
0x5c: {  	_ =	shalt  }
0x5d: {  	_ =	shalt  }
0x5e: {  	_ =	shalt  }
0x5f: {  	_ =	shalt  }
0x60: {  	_ =	shalt  }
0x61: {  	_ =	shalt  }
0x62: {  	_ =	shalt  }
0x63: {  	_ =	shalt  }
0x64: {  	_ =	shalt  }
0x65: {  	_ =	shalt  }
0x66: {  	_ =	shalt  }
0x67: {  	_ =	shalt  }
0x68: {  	_ =	shalt  }
0x69: {  	_ =	shalt  }
0x6a: {  	_ =	shalt  }
0x6b: {  	_ =	shalt  }
0x6c: {  	_ =	shalt  }
0x6d: {  	_ =	shalt  }
0x6e: {  	_ =	shalt  }
0x6f: {  	_ =	shalt  }
0x70: {  	_ =	shalt  }
0x71: {  	_ =	shalt  }
0x72: {  	_ =	shalt  }
0x73: {  	_ =	shalt  }
0x74: {  	_ =	shalt  }
0x75: {  	_ =	shalt  }
0x76: {  	_ =	shalt  }
0x77: {  	_ =	shalt  }
0x78: {  	_ =	shalt  }
0x79: {  	_ =	shalt  }
0x7a: {  	_ =	shalt  }
0x7b: {  	_ =	shalt  }
0x7c: {  	_ =	shalt  }
0x7d: {  	_ =	shalt  }
0x7e: {  	_ =	shalt  }
0x7f: {  	_ =	shalt  }
0x80: {  	_ =	shalt  }
0x81: {  	_ =	shalt  }
0x82: {  	_ =	shalt  }
0x83: {  	_ =	shalt  }
0x84: {  	_ =	shalt  }
0x85: {  	_ =	shalt  }
0x86: {  	_ =	shalt  }
0x87: {  	_ =	shalt  }
.Lfunc_end0:
.L_simem_size_0:
called_computation.1_lowered:
.L_overlay_start_0:
0x88: {  	s2 =	sld [smem:$0x3FD9]  }
0x89: {  	s3 =	sld [smem:$0x3FFE];
	_ =	sdelay $0x1  }
0x8a: {  	s1 =	srdreg.scid  }
0x8b: {  	s0 =	sand.u32 $0x1, s1  }
0x8c: {  	s16 =	sshll.u32 s0, $0xA;
	s2 =	sadd.s32 s3, s2  }
0x8d: {  	s2 =	sadd.s32 s2, s16  }
0x8e: {  	[smem:$0x3FBE] =	sst s2  }
0x8f: {  	_ = 	snop  }
0x90: {  	(tm) =	ssettm $0x1  }
0x91: {  	s17 =	sld [smem:$0x3FFB];
	_ =	sdelay $0x3  }
0x92: {  	_ =	strace s17  }
0x93: {  	s2 =	sld [smem:$0x3FFC];
	_ =	sdelay $0x3  }
0x94: {  	_ =	strace s2  }
0x95: {  	s2 =	sld [smem:$0x3FFD];
	_ =	sdelay $0x3  }
0x96: {  	_ =	strace s2  }
0x97: {  	_ =	strace $0x8FFFFFFF  }
0x98: {  	s18 =	sld [smem:$0x3FDB];
	_ =	sdelay $0x1  }
0x99: {  	s19 =	simm.s32 $_scs_section_size  }
0x9a: {  	s4 =	simm.s32 $_size__tile_overlayer_lowered;
	s5 =	simm.s32 $_tile_overlayer_lowered  }
0x9b: {  	s22 =	simm.s32 $0x1BFF;
	s21 =	sshll.u32 s5, $0x1;
	s2 =	sadd.s32 s19, s18  }
0x9c: {  	s6 =	simm.s32 $0x0;
	s20 =	sshll.u32 s4, $0x1;
	s4 =	sadd.s32 s21, s2  }
0x9d: {  	[timem:s6], [sflag:s22] =	dma.local [hbm:s4], s20  }
0x9e: {  	_ =	swait.ge [sflag:s22], s20  }
0x9f: {  	s3 =	ssub.s32 $0x0, s20;
	[sflag:s22] =	ssyncset.done $0x0  }
0xa0: {  	[sflag:s22] =	ssyncadd.s32 s3;
	_ =	sdelay $0x1  }
0xa1: {  	s23 =	simm.s32 $0x1B8B  }
0xa2: {  	_ =	swait.ge [sflag:s23], $0x1  }
0xa3: {  	[sflag:s23] =	ssyncset.done $0x0  }
0xa4: {  	s25 =	simm.s32 $0x1B8E;
	s24 =	sld [smem:$0x3FFE];
	[sflag:s23] =	ssyncadd.s32 $0xFFFFFFFF  }
0xa5: {  	s26 =	simm.s32 $execute0_lowered;
	[smem:$0x3FD2] =	sst s25  }
0xa6: {  	s4 =	sshll.u32 s26, $0x1;
	_ =	strace $0x80000046;
	[dreg:$0x1] =	wrdreg $0xFFFFFFFF  }
0xa7: {  	s28 =	simm.s32 $_size_execute0_lowered;
	s2 =	sadd.s32 s2, s4;
	[dreg:$0x0] =	wrdreg $0x0  }
0xa8: {  	s4 =	sshll.u32 s28, $0x1;
	[dreg:$0x2] =	wrdreg s2  }
0xa9: {  	[dreg:$0x3] =	wrdreg s4  }
0xaa: {  	[dreg:$0x4] =	wrdreg $0xC0  }
0xab: {  	_ =	task [dreg:s6], $0x5FFFF  }
0xac: {  	[dreg:$0x1] =	wrdreg $0xFFFFFFFF  }
0xad: {  	[dreg:$0x0] =	wrdreg $0x60  }
0xae: {  	[dreg:$0x2] =	wrdreg s24  }
0xaf: {  	[dreg:$0x3] =	wrdreg $0xA  }
0xb0: {  	_ =	task.clear_ibuf [dreg:s6], $0x4FFFF;
	_ =	strace $0x90000046  }
0xb1: {  	s29 =	simm.s32 $0xA;
	_ =	strace $0x80000048  }
0xb2: {  	_ =	swait.ge [sflag:s29], $0x1  }
0xb3: {  	[sflag:s29] =	ssyncadd.s32 $0xFFFFFFFF  }
0xb4: {  	_ =	strace $0x90000048  }
0xb5: {  	_ =	sfence  }
0xb6: {  	s30 =	sld [smem:$0x0];
	_ =	sdelay $0x2  }
0xb7: {  	s31 =	sshll.u32 s1, $0xD;
	s1 =	sshrl.u32 s1, $0x2  }
0xb8: {  	s3 =	sand.u32 $0x4000, s31;
	s1 =	sadd.s32 s1, s30  }
0xb9: {  	s0 =	sor.u32 s3, s0;
	s1 =	sshll.u32 s1, $0x11  }
0xba: {  	s0 =	sor.u32 s1, s0  }
0xbb: {  	s0 =	sadd.s32 $0x8F2B, s0  }
0xbc: {  	[sflag:s0] =	ssyncadd.remote.s32 $0x1  }
0xbd: {  	_ =	sfence.sel $0xFFFF  }
0xbe: {  	[dreg:$0x0] =	wrdreg $0xFFFFFFFF;
	(pc) =	sbr.abs _section_cstart, $3  }
0xbf: {  	[dreg:$0x1] =	wrdreg $0xFFFFFFFF  }
0xc0: {  	_ =	task.clear_ibuf [dreg:s6], $0x2FFFF;
	_ =	strace $0x9FFFFFFF  }
0xc1: {  	(tm) =	ssettm $0x7FFFFFFF  }
tec
execute0_lowered:
.L_overlay_start_1:
0x0: {  	(tag) =	ssettag $0x1  }
0x1: {  	s0 =	rddreg [dreg:$0x0];
	s1 =	srdreg.scid  }
0x2: {  	s3 =	stileid.u32;
	s2 =	simm.s32 $0x0;
	s7 =	simm.s32 $0x2  }
0x3: {  	s8 =	simm.s32 $0x200;
	s15 =	simm.s32 $0x1180;
	s16 =	simm.s32 $0x1  }
0x4: {  	s17 =	simm.s32 $0x0;
	s1 =	sand.u32 $0x1, s1;
	s3 =	sshll.u32 s3, $0xA  }
0x5: {  	[smem:$0x7FF] =	sst s2;
	s4 =	sshll.u32 s1, $0x9;
	s1 =	ssub.s32 $0x2, s1  }
0x6: {  	_ =	strace $0x80000047;
	s3 =	sor.u32 s4, s3;
	s31 =	sshrl.u32 s1, $0x1  }
0x7: {  	s4 =	sshrl.u32 s3, $0x3;
	s5 =	sshll.u32 s3, $0x4;
	s3 =	sadd.s32 $0x3A00, s0  }
0x8: {  	s1 =	ssub.s32 s1, s31;
	s4 =	sadd.s32 s4, s0;
	s0 =	sadd.s32 s5, s0  }
0x9: {  	s6 =	smax.u32 s1, $0x1;
	s4 =	sadd.s32 $0x3200, s4;
	s5 =	sadd.s32 $0x1F3A00, s0  }
.LBB2_1:
0xa: {  	[tilespmem:s2], [sflag:$0x2] =	stream.linear.gather [hbm4b:s4+s2], $0x200, $0x38;
	[tilespmem:$0x10200] =	vst v63  }
0xb: {  	_ =	swait.ge [sflag:s7], $0x200  }
0xc: {  	[sflag:s7] =	ssyncset.done $0x0  }
0xd: {  	[sflag:s7] =	ssyncadd.s32 $0xFFFFFE00  }
0xe: {  	v0 =	vld [tilespmem:$0x0];
	_ =	sdelay $0x4  }
0xf: {  	v0 =	vshll.u32 v0, $0x4  }
0x10: {  	(v2sf) =	vpush v0, $0x0;
	_ =	sdelay $0x1  }
0x11: {  	(v2sf) =	vpush v0, $0x1;
	_ =	sdelay $0x2  }
0x12: {  	(v2sf) =	vpush v0, $0x2;
	_ =	sdelay $0x1  }
0x13: {  	(v2sf) =	vpush v0, $0x3  }
0x14: {  	(v2sf) =	vpush v0, $0x4;
	_ =	sdelay $0x1  }
0x15: {  	(v2sf) =	vpush v0, $0x5  }
0x16: {  	(v2sf) =	vpush v0, $0x6;
	_ =	sdelay $0x2  }
0x17: {  	(v2sf) =	vpush v0, $0x7  }
0x18: {  	s18 =	spop (v2sf)  }
0x19: {  	s18 =	sand.u32 $0x1FFFFFF0, s18  }
0x1a: {  	s1 =	spop (v2sf);
	s18 =	sadd.s32 s3, s18  }
0x1b: {  	[tilespmem:s8], [sflag:$0x1] =	stream.linear.gather [hbm4b:s18+s2], $0x80, $0x38;
	[tilespmem:$0x10200] =	vst v63  }
0x1c: {  	s18 =	sand.u32 $0x1FFFFFF0, s1  }
0x1d: {  	s0 =	simm.s32 $0x280;
	s9 =	spop (v2sf);
	s18 =	sadd.s32 s3, s18  }
0x1e: {  	[tilespmem:s0], [sflag:$0x1] =	stream.linear.gather [hbm4b:s18+s2], $0x80, $0x38;
	[tilespmem:$0x10200] =	vst v63  }
0x1f: {  	s11 =	spop (v2sf);
	s18 =	sand.u32 $0x1FFFFFF0, s9  }
0x20: {  	s10 =	simm.s32 $0x300;
	s13 =	spop (v2sf);
	(v2sf) =	vpush v0, $0x8;
	s18 =	sadd.s32 s3, s18  }
0x21: {  	[tilespmem:s10], [sflag:$0x1] =	stream.linear.gather [hbm4b:s18+s2], $0x80, $0x38;
	[tilespmem:$0x10200] =	vst v63  }
0x22: {  	s19 =	spop (v2sf);
	(v2sf) =	vpush v0, $0x9;
	s18 =	sand.u32 $0x1FFFFFF0, s11  }
0x23: {  	s12 =	simm.s32 $0x380;
	s21 =	spop (v2sf);
	s18 =	sadd.s32 s3, s18  }
0x24: {  	(v2sf) =	vpush v0, $0xA;
	[tilespmem:s12], [sflag:$0x1] =	stream.linear.gather [hbm4b:s18+s2], $0x80, $0x38;
	[tilespmem:$0x10200] =	vst v63  }
0x25: {  	s18 =	sand.u32 $0x1FFFFFF0, s13  }
0x26: {  	s14 =	simm.s32 $0x400;
	s23 =	spop (v2sf);
	s18 =	sadd.s32 s3, s18  }
0x27: {  	(v2sf) =	vpush v0, $0xB;
	[tilespmem:s14], [sflag:$0x1] =	stream.linear.gather [hbm4b:s18+s2], $0x80, $0x38;
	[tilespmem:$0x10200] =	vst v63  }
0x28: {  	s18 =	sand.u32 $0x1FFFFFF0, s19  }
0x29: {  	s20 =	simm.s32 $0x480;
	s18 =	sadd.s32 s3, s18  }
0x2a: {  	[tilespmem:s20], [sflag:$0x1] =	stream.linear.gather [hbm4b:s18+s2], $0x80, $0x38;
	[tilespmem:$0x10200] =	vst v63  }
0x2b: {  	s18 =	sand.u32 $0x1FFFFFF0, s21  }
0x2c: {  	s22 =	simm.s32 $0x500;
	s18 =	sadd.s32 s3, s18  }
0x2d: {  	[tilespmem:s22], [sflag:$0x1] =	stream.linear.gather [hbm4b:s18+s2], $0x80, $0x38;
	[tilespmem:$0x10200] =	vst v63  }
0x2e: {  	s18 =	sand.u32 $0x1FFFFFF0, s23  }
0x2f: {  	s24 =	simm.s32 $0x580;
	s18 =	sadd.s32 s3, s18;
	s25 =	spop (v2sf);
	(v2sf) =	vpush v0, $0xC  }
0x30: {  	[tilespmem:s24], [sflag:$0x1] =	stream.linear.gather [hbm4b:s18+s2], $0x80, $0x38;
	[tilespmem:$0x10200] =	vst v63  }
0x31: {  	s28 =	spop (v2sf);
	(v2sf) =	vpush v0, $0xD  }
0x32: {  	s18 =	sand.u32 $0x1FFFFFF0, s25  }
0x33: {  	s26 =	simm.s32 $0x600;
	s18 =	sadd.s32 s3, s18;
	s30 =	spop (v2sf)  }
0x34: {  	(v2sf) =	vpush v0, $0xE;
	[tilespmem:s26], [sflag:$0x1] =	stream.linear.gather [hbm4b:s18+s2], $0x80, $0x38;
	[tilespmem:$0x10200] =	vst v63  }
0x35: {  	s18 =	sand.u32 $0x1FFFFFF0, s28  }
0x36: {  	s29 =	simm.s32 $0x680;
	s0 =	spop (v2sf);
	s18 =	sadd.s32 s3, s18  }
0x37: {  	(v2sf) =	vpush v0, $0xF;
	[tilespmem:s29], [sflag:$0x1] =	stream.linear.gather [hbm4b:s18+s2], $0x80, $0x38;
	[tilespmem:$0x10200] =	vst v63  }
0x38: {  	s18 =	sand.u32 $0x1FFFFFF0, s30  }
0x39: {  	s31 =	simm.s32 $0x700;
	s18 =	sadd.s32 s3, s18  }
0x3a: {  	[tilespmem:s31], [sflag:$0x1] =	stream.linear.gather [hbm4b:s18+s2], $0x80, $0x38;
	[tilespmem:$0x10200] =	vst v63  }
0x3b: {  	s18 =	sand.u32 $0x1FFFFFF0, s0  }
0x3c: {  	s1 =	simm.s32 $0x780;
	s18 =	sadd.s32 s3, s18  }
0x3d: {  	[tilespmem:s1], [sflag:$0x1] =	stream.linear.gather [hbm4b:s18+s2], $0x80, $0x38;
	[tilespmem:$0x10200] =	vst v63  }
0x3e: {  	s9 =	spop (v2sf)  }
0x3f: {  	s18 =	sand.u32 $0x1FFFFFF0, s9  }
0x40: {  	s10 =	simm.s32 $0x800;
	s11 =	spop (v2sf);
	s18 =	sadd.s32 s3, s18  }
0x41: {  	[tilespmem:s10], [sflag:$0x1] =	stream.linear.gather [hbm4b:s18+s2], $0x80, $0x38;
	[tilespmem:$0x10200] =	vst v63  }
0x42: {  	s18 =	sand.u32 $0x1FFFFFF0, s11  }
0x43: {  	s12 =	simm.s32 $0x880;
	s13 =	spop (v2sf);
	s18 =	sadd.s32 s3, s18  }
0x44: {  	[tilespmem:s12], [sflag:$0x1] =	stream.linear.gather [hbm4b:s18+s2], $0x80, $0x38;
	[tilespmem:$0x10200] =	vst v63  }
0x45: {  	s18 =	sand.u32 $0x1FFFFFF0, s13  }
0x46: {  	s14 =	simm.s32 $0x900;
	s19 =	spop (v2sf);
	s18 =	sadd.s32 s3, s18  }
0x47: {  	[tilespmem:s14], [sflag:$0x1] =	stream.linear.gather [hbm4b:s18+s2], $0x80, $0x38;
	[tilespmem:$0x10200] =	vst v63  }
0x48: {  	s18 =	sand.u32 $0x1FFFFFF0, s19  }
0x49: {  	s20 =	simm.s32 $0x980;
	s18 =	sadd.s32 s3, s18  }
0x4a: {  	[tilespmem:s20], [sflag:$0x1] =	stream.linear.gather [hbm4b:s18+s2], $0x80, $0x38;
	[tilespmem:$0x10200] =	vst v63  }
0x4b: {  	v61 =	vld [tilespmem:$0x10];
	_ =	sdelay $0x4  }
0x4c: {  	v0 =	vshll.u32 v61, $0x4  }
0x4d: {  	(v2sf) =	vpush v0, $0x0;
	_ =	sdelay $0x1  }
0x4e: {  	(v2sf) =	vpush v0, $0x1;
	_ =	sdelay $0x1  }
0x4f: {  	(v2sf) =	vpush v0, $0x2;
	_ =	sdelay $0x2  }
0x50: {  	(v2sf) =	vpush v0, $0x3;
	_ =	sdelay $0x7  }
0x51: {  	s21 =	spop (v2sf);
	(v2sf) =	vpush v0, $0x4;
	_ =	sdelay $0x1  }
0x52: {  	s23 =	spop (v2sf);
	(v2sf) =	vpush v0, $0x5;
	_ =	sdelay $0x1  }
0x53: {  	s25 =	spop (v2sf);
	(v2sf) =	vpush v0, $0x6;
	_ =	sdelay $0x1  }
0x54: {  	s18 =	sand.u32 $0x1FFFFFF0, s21  }
0x55: {  	s22 =	simm.s32 $0xA00;
	s18 =	sadd.s32 s3, s18;
	s28 =	spop (v2sf);
	(v2sf) =	vpush v0, $0x7  }
0x56: {  	[tilespmem:s22], [sflag:$0x1] =	stream.linear.gather [hbm4b:s18+s2], $0x80, $0x38;
	[tilespmem:$0x10200] =	vst v63  }
0x57: {  	s18 =	sand.u32 $0x1FFFFFF0, s23  }
0x58: {  	s24 =	simm.s32 $0xA80;
	s18 =	sadd.s32 s3, s18  }
0x59: {  	[tilespmem:s24], [sflag:$0x1] =	stream.linear.gather [hbm4b:s18+s2], $0x80, $0x38;
	[tilespmem:$0x10200] =	vst v63  }
0x5a: {  	s18 =	sand.u32 $0x1FFFFFF0, s25  }
0x5b: {  	s26 =	simm.s32 $0xB00;
	s18 =	sadd.s32 s3, s18  }
0x5c: {  	[tilespmem:s26], [sflag:$0x1] =	stream.linear.gather [hbm4b:s18+s2], $0x80, $0x38;
	[tilespmem:$0x10200] =	vst v63  }
0x5d: {  	s30 =	spop (v2sf);
	(v2sf) =	vpush v0, $0x8  }
0x5e: {  	s18 =	sand.u32 $0x1FFFFFF0, s28  }
0x5f: {  	s29 =	simm.s32 $0xB80;
	s18 =	sadd.s32 s3, s18;
	s0 =	spop (v2sf);
	(v2sf) =	vpush v0, $0x9  }
0x60: {  	[tilespmem:s29], [sflag:$0x1] =	stream.linear.gather [hbm4b:s18+s2], $0x80, $0x38;
	[tilespmem:$0x10200] =	vst v63  }
0x61: {  	s18 =	sand.u32 $0x1FFFFFF0, s30;
	s9 =	spop (v2sf);
	(v2sf) =	vpush v0, $0xA  }
0x62: {  	s31 =	simm.s32 $0xC00;
	s18 =	sadd.s32 s3, s18  }
0x63: {  	[tilespmem:s31], [sflag:$0x1] =	stream.linear.gather [hbm4b:s18+s2], $0x80, $0x38;
	[tilespmem:$0x10200] =	vst v63  }
0x64: {  	s11 =	spop (v2sf);
	(v2sf) =	vpush v0, $0xB  }
0x65: {  	s18 =	sand.u32 $0x1FFFFFF0, s0  }
0x66: {  	s1 =	simm.s32 $0xC80;
	s18 =	sadd.s32 s3, s18  }
0x67: {  	[tilespmem:s1], [sflag:$0x1] =	stream.linear.gather [hbm4b:s18+s2], $0x80, $0x38;
	[tilespmem:$0x10200] =	vst v63  }
0x68: {  	s18 =	sand.u32 $0x1FFFFFF0, s9  }
0x69: {  	s10 =	simm.s32 $0xD00;
	s18 =	sadd.s32 s3, s18  }
0x6a: {  	[tilespmem:s10], [sflag:$0x1] =	stream.linear.gather [hbm4b:s18+s2], $0x80, $0x38;
	[tilespmem:$0x10200] =	vst v63  }
0x6b: {  	s18 =	sand.u32 $0x1FFFFFF0, s11  }
0x6c: {  	s12 =	simm.s32 $0xD80;
	s18 =	sadd.s32 s3, s18;
	s13 =	spop (v2sf);
	(v2sf) =	vpush v0, $0xC  }
0x6d: {  	[tilespmem:s12], [sflag:$0x1] =	stream.linear.gather [hbm4b:s18+s2], $0x80, $0x38;
	[tilespmem:$0x10200] =	vst v63  }
0x6e: {  	s19 =	spop (v2sf);
	(v2sf) =	vpush v0, $0xD  }
0x6f: {  	s18 =	sand.u32 $0x1FFFFFF0, s13  }
0x70: {  	s14 =	simm.s32 $0xE00;
	s18 =	sadd.s32 s3, s18;
	s21 =	spop (v2sf)  }
0x71: {  	(v2sf) =	vpush v0, $0xE;
	[tilespmem:s14], [sflag:$0x1] =	stream.linear.gather [hbm4b:s18+s2], $0x80, $0x38;
	[tilespmem:$0x10200] =	vst v63  }
0x72: {  	s18 =	sand.u32 $0x1FFFFFF0, s19  }
0x73: {  	s20 =	simm.s32 $0xE80;
	s23 =	spop (v2sf);
	s18 =	sadd.s32 s3, s18  }
0x74: {  	(v2sf) =	vpush v0, $0xF;
	[tilespmem:s20], [sflag:$0x1] =	stream.linear.gather [hbm4b:s18+s2], $0x80, $0x38;
	[tilespmem:$0x10200] =	vst v63  }
0x75: {  	s18 =	sand.u32 $0x1FFFFFF0, s21  }
0x76: {  	s22 =	simm.s32 $0xF00;
	s18 =	sadd.s32 s3, s18  }
0x77: {  	[tilespmem:s22], [sflag:$0x1] =	stream.linear.gather [hbm4b:s18+s2], $0x80, $0x38;
	[tilespmem:$0x10200] =	vst v63  }
0x78: {  	s18 =	sand.u32 $0x1FFFFFF0, s23  }
0x79: {  	s24 =	simm.s32 $0xF80;
	s18 =	sadd.s32 s3, s18  }
0x7a: {  	[tilespmem:s24], [sflag:$0x1] =	stream.linear.gather [hbm4b:s18+s2], $0x80, $0x38;
	[tilespmem:$0x10200] =	vst v63  }
0x7b: {  	s25 =	spop (v2sf)  }
0x7c: {  	s18 =	sand.u32 $0x1FFFFFF0, s25  }
0x7d: {  	s26 =	simm.s32 $0x1000;
	s28 =	spop (v2sf);
	s18 =	sadd.s32 s3, s18  }
0x7e: {  	[tilespmem:s26], [sflag:$0x1] =	stream.linear.gather [hbm4b:s18+s2], $0x80, $0x38;
	[tilespmem:$0x10200] =	vst v63  }
0x7f: {  	s18 =	sand.u32 $0x1FFFFFF0, s28  }
0x80: {  	s29 =	simm.s32 $0x1080;
	s30 =	spop (v2sf);
	s18 =	sadd.s32 s3, s18  }
0x81: {  	[tilespmem:s29], [sflag:$0x1] =	stream.linear.gather [hbm4b:s18+s2], $0x80, $0x38;
	[tilespmem:$0x10200] =	vst v63  }
0x82: {  	s18 =	sand.u32 $0x1FFFFFF0, s30  }
0x83: {  	s31 =	simm.s32 $0x1100;
	s1 =	spop (v2sf);
	s18 =	sadd.s32 s3, s18  }
0x84: {  	[tilespmem:s31], [sflag:$0x1] =	stream.linear.gather [hbm4b:s18+s2], $0x80, $0x38;
	[tilespmem:$0x10200] =	vst v63  }
0x85: {  	s18 =	sand.u32 $0x1FFFFFF0, s1  }
0x86: {  	s18 =	sadd.s32 s3, s18  }
0x87: {  	[tilespmem:s15], [sflag:$0x1] =	stream.linear.gather [hbm4b:s18+s2], $0x80, $0x38;
	[tilespmem:$0x10200] =	vst v63  }
0x88: {  	s18 =	simm.s32 $0x30  }
0x89: {  	v62 =	vld [tilespmem:s18+$0xFFFFFFF0];
	_ =	sdelay $0x4  }
0x8a: {  	v0 =	vshll.u32 v62, $0x4  }
0x8b: {  	(v2sf) =	vpush v0, $0x1  }
0x8c: {  	(v2sf) =	vpush v0, $0x0  }
0x8d: {  	(v2sf) =	vpush v0, $0x2  }
0x8e: {  	(v2sf) =	vpush v0, $0x3;
	_ =	sdelay $0x1  }
0x8f: {  	(v2sf) =	vpush v0, $0x4;
	_ =	sdelay $0x1  }
0x90: {  	(v2sf) =	vpush v0, $0x5;
	_ =	sdelay $0x1  }
0x91: {  	(v2sf) =	vpush v0, $0x6;
	_ =	sdelay $0x1  }
0x92: {  	(v2sf) =	vpush v0, $0x7;
	_ =	sdelay $0x1  }
0x93: {  	s9 =	simm.s32 $0x1280;
	s11 =	simm.s32 $0x1300  }
0x94: {  	s19 =	simm.s32 $0x1800;
	s22 =	simm.s32 $0x1200;
	s24 =	simm.s32 $0x1380  }
0x95: {  	s25 =	simm.s32 $0x1400;
	s29 =	simm.s32 $0x1480;
	s20 =	spop (v2sf);
	(v2sf) =	vpush v0, $0x8  }
0x96: {  	s31 =	simm.s32 $0x1500;
	s21 =	spop (v2sf);
	s20 =	sand.u32 $0x1FFFFFF0, s20  }
0x97: {  	s21 =	sand.u32 $0x1FFFFFF0, s21;
	s23 =	spop (v2sf);
	s20 =	sadd.s32 s3, s20  }
0x98: {  	(v2sf) =	vpush v0, $0x9;
	s21 =	sadd.s32 s3, s21;
	s10 =	spop (v2sf);
	s12 =	sand.u32 $0x1FFFFFF0, s23  }
0x99: {  	[tilespmem:s22], [sflag:$0x1] =	stream.linear.gather [hbm4b:s21+s2], $0x80, $0x38;
	[tilespmem:$0x10200] =	vst v63  }
0x9a: {  	(v2sf) =	vpush v0, $0xA;
	s13 =	spop (v2sf);
	s22 =	sand.u32 $0x1FFFFFF0, s10;
	s21 =	sadd.s32 s3, s12  }
0x9b: {  	[tilespmem:s9], [sflag:$0x1] =	stream.linear.gather [hbm4b:s20+s2], $0x80, $0x38;
	[tilespmem:$0x10200] =	vst v63  }
0x9c: {  	(v2sf) =	vpush v0, $0xB;
	s12 =	simm.s32 $0x1600;
	s23 =	sand.u32 $0x1FFFFFF0, s13;
	s14 =	spop (v2sf)  }
0x9d: {  	[tilespmem:s11], [sflag:$0x1] =	stream.linear.gather [hbm4b:s21+s2], $0x80, $0x38;
	[tilespmem:$0x10200] =	vst v63  }
0x9e: {  	s22 =	sadd.s32 s3, s22;
	(v2sf) =	vpush v0, $0xC;
	s20 =	sand.u32 $0x1FFFFFF0, s14;
	s28 =	spop (v2sf)  }
0x9f: {  	[tilespmem:s24], [sflag:$0x1] =	stream.linear.gather [hbm4b:s22+s2], $0x80, $0x38;
	[tilespmem:$0x10200] =	vst v63  }
0xa0: {  	s26 =	sadd.s32 s3, s23;
	(v2sf) =	vpush v0, $0xD;
	s9 =	simm.s32 $0x1580;
	s0 =	spop (v2sf)  }
0xa1: {  	[tilespmem:s25], [sflag:$0x1] =	stream.linear.gather [hbm4b:s26+s2], $0x80, $0x38;
	[tilespmem:$0x10200] =	vst v63  }
0xa2: {  	s14 =	simm.s32 $0x1680;
	s20 =	sadd.s32 s3, s20;
	(v2sf) =	vpush v0, $0xE;
	s22 =	sand.u32 $0x1FFFFFF0, s0  }
0xa3: {  	[tilespmem:s29], [sflag:$0x1] =	stream.linear.gather [hbm4b:s20+s2], $0x80, $0x38;
	[tilespmem:$0x10200] =	vst v63  }
0xa4: {  	s30 =	sand.u32 $0x1FFFFFF0, s28;
	s10 =	sadd.s32 s3, s22;
	s1 =	spop (v2sf);
	(v2sf) =	vpush v0, $0xF  }
0xa5: {  	s25 =	simm.s32 $0x1700;
	s20 =	sadd.s32 s3, s30;
	s29 =	simm.s32 $0x1780  }
0xa6: {  	[tilespmem:s31], [sflag:$0x1] =	stream.linear.gather [hbm4b:s20+s2], $0x80, $0x38;
	[tilespmem:$0x10200] =	vst v63  }
0xa7: {  	s11 =	sand.u32 $0x1FFFFFF0, s1;
	s13 =	spop (v2sf);
	s31 =	simm.s32 $0x1880  }
0xa8: {  	[tilespmem:s9], [sflag:$0x1] =	stream.linear.gather [hbm4b:s10+s2], $0x80, $0x38;
	[tilespmem:$0x10200] =	vst v63  }
0xa9: {  	s22 =	sadd.s32 s3, s11;
	s21 =	sand.u32 $0x1FFFFFF0, s13;
	s23 =	spop (v2sf)  }
0xaa: {  	[tilespmem:s12], [sflag:$0x1] =	stream.linear.gather [hbm4b:s22+s2], $0x80, $0x38;
	[tilespmem:$0x10200] =	vst v63  }
0xab: {  	s21 =	sadd.s32 s3, s21;
	s24 =	spop (v2sf);
	s22 =	sand.u32 $0x1FFFFFF0, s23  }
0xac: {  	[tilespmem:s14], [sflag:$0x1] =	stream.linear.gather [hbm4b:s21+s2], $0x80, $0x38;
	[tilespmem:$0x10200] =	vst v63  }
0xad: {  	s28 =	sand.u32 $0x1FFFFFF0, s24;
	s30 =	spop (v2sf);
	s26 =	sadd.s32 s3, s22  }
0xae: {  	[tilespmem:s25], [sflag:$0x1] =	stream.linear.gather [hbm4b:s26+s2], $0x80, $0x38;
	[tilespmem:$0x10200] =	vst v63  }
0xaf: {  	s22 =	sadd.s32 s3, s28;
	s0 =	spop (v2sf);
	s21 =	sand.u32 $0x1FFFFFF0, s30  }
0xb0: {  	[tilespmem:s29], [sflag:$0x1] =	stream.linear.gather [hbm4b:s22+s2], $0x80, $0x38;
	[tilespmem:$0x10200] =	vst v63  }
0xb1: {  	s1 =	spop (v2sf);
	s21 =	sadd.s32 s3, s21;
	s22 =	sand.u32 $0x1FFFFFF0, s0  }
0xb2: {  	[tilespmem:s19], [sflag:$0x1] =	stream.linear.gather [hbm4b:s21+s2], $0x80, $0x38;
	[tilespmem:$0x10200] =	vst v63  }
0xb3: {  	s10 =	sand.u32 $0x1FFFFFF0, s1;
	s9 =	sadd.s32 s3, s22;
	s11 =	spop (v2sf)  }
0xb4: {  	[tilespmem:s31], [sflag:$0x1] =	stream.linear.gather [hbm4b:s9+s2], $0x80, $0x38;
	[tilespmem:$0x10200] =	vst v63  }
0xb5: {  	s12 =	simm.s32 $0x1900;
	s13 =	sadd.s32 s3, s10;
	s14 =	sand.u32 $0x1FFFFFF0, s11  }
0xb6: {  	[tilespmem:s12], [sflag:$0x1] =	stream.linear.gather [hbm4b:s13+s2], $0x80, $0x38;
	[tilespmem:$0x10200] =	vst v63  }
0xb7: {  	s22 =	simm.s32 $0x1980;
	s23 =	sadd.s32 s3, s14  }
0xb8: {  	[tilespmem:s22], [sflag:$0x1] =	stream.linear.gather [hbm4b:s23+s2], $0x80, $0x38;
	[tilespmem:$0x10200] =	vst v63  }
0xb9: {  	v63 =	vld [tilespmem:s18+$0x0];
	_ =	sdelay $0x4  }
0xba: {  	v0 =	vshll.u32 v63, $0x4  }
0xbb: {  	(v2sf) =	vpush v0, $0x0  }
0xbc: {  	(v2sf) =	vpush v0, $0x1;
	_ =	sdelay $0x2  }
0xbd: {  	(v2sf) =	vpush v0, $0x2  }
0xbe: {  	(v2sf) =	vpush v0, $0x3  }
0xbf: {  	(v2sf) =	vpush v0, $0x4;
	_ =	sdelay $0x1  }
0xc0: {  	(v2sf) =	vpush v0, $0x5;
	_ =	sdelay $0x1  }
0xc1: {  	(v2sf) =	vpush v0, $0x6;
	_ =	sdelay $0x1  }
0xc2: {  	(v2sf) =	vpush v0, $0x7;
	_ =	sdelay $0x1  }
0xc3: {  	s20 =	simm.s32 $0x1E80;
	s28 =	simm.s32 $0x1A80  }
0xc4: {  	s25 =	simm.s32 $0x1A00;
	s10 =	simm.s32 $0x1B80;
	s24 =	spop (v2sf)  }
0xc5: {  	s0 =	simm.s32 $0x1B00;
	s19 =	sand.u32 $0x1FFFFFF0, s24;
	s26 =	spop (v2sf)  }
0xc6: {  	s12 =	simm.s32 $0x1C00;
	s19 =	sadd.s32 s3, s19;
	s29 =	sand.u32 $0x1FFFFFF0, s26  }
0xc7: {  	(v2sf) =	vpush v0, $0x8;
	[tilespmem:s25], [sflag:$0x1] =	stream.linear.gather [hbm4b:s19+s2], $0x80, $0x38;
	[tilespmem:$0x10200] =	vst v63  }
0xc8: {  	(v2sf) =	vpush v0, $0x9;
	s30 =	spop (v2sf);
	s26 =	simm.s32 $0x1D00;
	s21 =	sadd.s32 s3, s29  }
0xc9: {  	s22 =	sand.u32 $0x1FFFFFF0, s30;
	s31 =	spop (v2sf);
	s29 =	simm.s32 $0x1D80  }
0xca: {  	(v2sf) =	vpush v0, $0xA;
	s19 =	simm.s32 $0x4000;
	s1 =	sadd.s32 s3, s22;
	s11 =	spop (v2sf)  }
0xcb: {  	[tilespmem:s28], [sflag:$0x1] =	stream.linear.gather [hbm4b:s21+s2], $0x80, $0x38;
	[tilespmem:$0x10200] =	vst v63  }
0xcc: {  	(v2sf) =	vpush v0, $0xB;
	s9 =	sand.u32 $0x1FFFFFF0, s31;
	s21 =	sand.u32 $0x1FFFFFF0, s11;
	s13 =	spop (v2sf)  }
0xcd: {  	[tilespmem:s0], [sflag:$0x1] =	stream.linear.gather [hbm4b:s1+s2], $0x80, $0x38;
	[tilespmem:$0x10200] =	vst v63  }
0xce: {  	(v2sf) =	vpush v0, $0xC;
	s22 =	sadd.s32 s3, s9;
	s21 =	sadd.s32 s3, s21;
	s14 =	spop (v2sf)  }
0xcf: {  	[tilespmem:s10], [sflag:$0x1] =	stream.linear.gather [hbm4b:s22+s2], $0x80, $0x38;
	[tilespmem:$0x10200] =	vst v63  }
0xd0: {  	(v2sf) =	vpush v0, $0xD;
	s25 =	sand.u32 $0x1FFFFFF0, s14;
	s28 =	spop (v2sf);
	s22 =	sand.u32 $0x1FFFFFF0, s13  }
0xd1: {  	[tilespmem:s12], [sflag:$0x1] =	stream.linear.gather [hbm4b:s21+s2], $0x80, $0x38;
	[tilespmem:$0x10200] =	vst v63  }
0xd2: {  	s0 =	simm.s32 $0x1E00;
	s24 =	sadd.s32 s3, s22;
	s21 =	simm.s32 $0x1C80  }
0xd3: {  	[tilespmem:s21], [sflag:$0x1] =	stream.linear.gather [hbm4b:s24+s2], $0x80, $0x38;
	[tilespmem:$0x10200] =	vst v63  }
0xd4: {  	(v2sf) =	vpush v0, $0xE;
	s10 =	simm.s32 $0x1F00;
	s22 =	sadd.s32 s3, s25;
	s25 =	simm.s32 $0x2000  }
0xd5: {  	[tilespmem:s26], [sflag:$0x1] =	stream.linear.gather [hbm4b:s22+s2], $0x80, $0x38;
	[tilespmem:$0x10200] =	vst v63  }
0xd6: {  	s12 =	simm.s32 $0x1F80;
	s21 =	sand.u32 $0x1FFFFFF0, s28;
	s30 =	spop (v2sf);
	(v2sf) =	vpush v0, $0xF  }
0xd7: {  	s21 =	sadd.s32 s3, s21;
	s22 =	sand.u32 $0x1FFFFFF0, s30;
	s31 =	spop (v2sf)  }
0xd8: {  	[tilespmem:s29], [sflag:$0x1] =	stream.linear.gather [hbm4b:s21+s2], $0x80, $0x38;
	[tilespmem:$0x10200] =	vst v63  }
0xd9: {  	s1 =	sadd.s32 s3, s22;
	s9 =	sand.u32 $0x1FFFFFF0, s31;
	s11 =	spop (v2sf)  }
0xda: {  	[tilespmem:s0], [sflag:$0x1] =	stream.linear.gather [hbm4b:s1+s2], $0x80, $0x38;
	[tilespmem:$0x10200] =	vst v63  }
0xdb: {  	s22 =	sadd.s32 s3, s9;
	s21 =	sand.u32 $0x1FFFFFF0, s11;
	s13 =	spop (v2sf)  }
0xdc: {  	[tilespmem:s20], [sflag:$0x1] =	stream.linear.gather [hbm4b:s22+s2], $0x80, $0x38;
	[tilespmem:$0x10200] =	vst v63  }
0xdd: {  	s21 =	sadd.s32 s3, s21;
	s14 =	spop (v2sf);
	s22 =	sand.u32 $0x1FFFFFF0, s13  }
0xde: {  	[tilespmem:s10], [sflag:$0x1] =	stream.linear.gather [hbm4b:s21+s2], $0x80, $0x38;
	[tilespmem:$0x10200] =	vst v63  }
0xdf: {  	s23 =	sand.u32 $0x1FFFFFF0, s14;
	s24 =	spop (v2sf);
	s22 =	sadd.s32 s3, s22  }
0xe0: {  	[tilespmem:s12], [sflag:$0x1] =	stream.linear.gather [hbm4b:s22+s2], $0x80, $0x38;
	[tilespmem:$0x10200] =	vst v63  }
0xe1: {  	s29 =	simm.s32 $0x2080;
	s26 =	sadd.s32 s3, s23;
	s28 =	sand.u32 $0x1FFFFFF0, s24  }
0xe2: {  	[tilespmem:s25], [sflag:$0x1] =	stream.linear.gather [hbm4b:s26+s2], $0x80, $0x38;
	[tilespmem:$0x10200] =	vst v63  }
0xe3: {  	s20 =	simm.s32 $0x0;
	s30 =	sadd.s32 s3, s28;
	s31 =	spop (v2sf)  }
0xe4: {  	[tilespmem:s29], [sflag:$0x1] =	stream.linear.gather [hbm4b:s30+s2], $0x80, $0x38;
	[tilespmem:$0x10200] =	vst v63  }
0xe5: {  	s21 =	simm.s32 $0x2100;
	s23 =	sand.u32 $0x1FFFFFF0, s31;
	s24 =	spop (v2sf)  }
.LBB2_2:
0xe6: {  	s22 =	sadd.s32 s3, s23;
	s23 =	sand.u32 $0x1FFFFFF0, s24;
	s18 =	sadd.s32 $0x20, s18  }
0xe7: {  	[tilespmem:s21], [sflag:$0x1] =	stream.linear.gather [hbm4b:s22+s2], $0x80, $0x38;
	[tilespmem:$0x10200] =	vst v63  }
0xe8: {  	p0 =	sne.s32 s19, $0x38000;
	s20 =	sadd.s32 $0x2180, s20;
	s21 =	sadd.s32 s3, s23  }
0xe9: {  	[tilespmem:s20], [sflag:$0x1] =	stream.linear.gather [hbm4b:s21+s2], $0x80, $0x38;
	[tilespmem:$0x10200] =	vst v63  }
0xea: {  	s20 =	smov.u32 s19;
	s19 =	sadd.s32 $0x4000, s19;
	_ =	swait.ge [sflag:s16], $0x1000  }
0xeb: {  	[sflag:s16] =	ssyncset.done $0x0  }
0xec: {  	[sflag:s16] =	ssyncadd.s32 $0xFFFFF000  }
0xed: {  	v0 =	vld [tilespmem:s18+$0xFFFFFFF0];
	_ =	sdelay $0x4  }
0xee: {  	v0 =	vshll.u32 v0, $0x4  }
0xef: {  	(v2sf) =	vpush v0, $0x1  }
0xf0: {  	(v2sf) =	vpush v0, $0x0  }
0xf1: {  	(v2sf) =	vpush v0, $0x2  }
0xf2: {  	(v2sf) =	vpush v0, $0x3  }
0xf3: {  	(v2sf) =	vpush v0, $0x4;
	_ =	sdelay $0x1  }
0xf4: {  	(v2sf) =	vpush v0, $0x5;
	_ =	sdelay $0x3  }
0xf5: {  	(v2sf) =	vpush v0, $0x6;
	_ =	sdelay $0x1  }
0xf6: {  	s20 =	sshra.s32 s20, $0x2  }
0xf7: {  	s23 =	sadd.s32 $0x1800, s20;
	s22 =	sadd.s32 $0x1880, s20;
	s21 =	sadd.s32 $0x2100, s20  }
0xf8: {  	s29 =	sadd.s32 $0x1200, s20;
	s30 =	sadd.s32 $0x1280, s20;
	s24 =	sadd.s32 $0x1780, s20;
	(v2sf) =	vpush v0, $0x7  }
0xf9: {  	s26 =	sadd.s32 $0x1680, s20;
	s25 =	sadd.s32 $0x1700, s20;
	s28 =	spop (v2sf)  }
0xfa: {  	s0 =	sadd.s32 $0x1300, s20;
	s31 =	sand.u32 $0x1FFFFFF0, s28;
	s28 =	spop (v2sf);
	(v2sf) =	vpush v0, $0x8  }
0xfb: {  	s1 =	sand.u32 $0x1FFFFFF0, s28;
	s28 =	sadd.s32 $0x1600, s20;
	s9 =	spop (v2sf)  }
0xfc: {  	s1 =	sadd.s32 s3, s1;
	s9 =	sand.u32 $0x1FFFFFF0, s9;
	s10 =	spop (v2sf);
	(v2sf) =	vpush v0, $0x9  }
0xfd: {  	s11 =	sadd.s32 $0x1580, s20;
	s10 =	sand.u32 $0x1FFFFFF0, s10;
	s12 =	spop (v2sf)  }
0xfe: {  	[tilespmem:s29], [sflag:$0x1] =	stream.linear.gather [hbm4b:s1+s2], $0x80, $0x38;
	(v2sf) =	vpush v0, $0xA;
	[tilespmem:$0x10200] =	vst v63  }
0xff: {  	s1 =	sadd.s32 s3, s31;
	s12 =	sand.u32 $0x1FFFFFF0, s12;
	s29 =	spop (v2sf)  }
0x100: {  	[tilespmem:s30], [sflag:$0x1] =	stream.linear.gather [hbm4b:s1+s2], $0x80, $0x38;
	(v2sf) =	vpush v0, $0xB;
	[tilespmem:$0x10200] =	vst v63  }
0x101: {  	s1 =	sadd.s32 s3, s9;
	s9 =	sadd.s32 $0x1380, s20;
	s29 =	sand.u32 $0x1FFFFFF0, s29  }
0x102: {  	[tilespmem:s0], [sflag:$0x1] =	stream.linear.gather [hbm4b:s1+s2], $0x80, $0x38;
	(v2sf) =	vpush v0, $0xC;
	[tilespmem:$0x10200] =	vst v63  }
0x103: {  	s0 =	sadd.s32 s3, s10;
	s1 =	sadd.s32 $0x1400, s20;
	s10 =	spop (v2sf)  }
0x104: {  	[tilespmem:s9], [sflag:$0x1] =	stream.linear.gather [hbm4b:s0+s2], $0x80, $0x38;
	(v2sf) =	vpush v0, $0xD;
	[tilespmem:$0x10200] =	vst v63  }
0x105: {  	s0 =	sadd.s32 s3, s12;
	s9 =	sadd.s32 $0x1480, s20;
	s10 =	sand.u32 $0x1FFFFFF0, s10  }
0x106: {  	[tilespmem:s1], [sflag:$0x1] =	stream.linear.gather [hbm4b:s0+s2], $0x80, $0x38;
	(v2sf) =	vpush v0, $0xE;
	[tilespmem:$0x10200] =	vst v63  }
0x107: {  	s0 =	sadd.s32 s3, s29;
	s1 =	sadd.s32 $0x1500, s20;
	s12 =	spop (v2sf)  }
0x108: {  	[tilespmem:s9], [sflag:$0x1] =	stream.linear.gather [hbm4b:s0+s2], $0x80, $0x38;
	(v2sf) =	vpush v0, $0xF;
	[tilespmem:$0x10200] =	vst v63  }
0x109: {  	s0 =	sadd.s32 s3, s10;
	s9 =	sand.u32 $0x1FFFFFF0, s12;
	s10 =	spop (v2sf)  }
0x10a: {  	[tilespmem:s1], [sflag:$0x1] =	stream.linear.gather [hbm4b:s0+s2], $0x80, $0x38;
	[tilespmem:$0x10200] =	vst v63  }
0x10b: {  	s0 =	sadd.s32 s3, s9;
	s1 =	sand.u32 $0x1FFFFFF0, s10;
	s9 =	spop (v2sf)  }
0x10c: {  	[tilespmem:s11], [sflag:$0x1] =	stream.linear.gather [hbm4b:s0+s2], $0x80, $0x38;
	[tilespmem:$0x10200] =	vst v63  }
0x10d: {  	s0 =	sadd.s32 s3, s1;
	s1 =	sand.u32 $0x1FFFFFF0, s9;
	s9 =	spop (v2sf)  }
0x10e: {  	[tilespmem:s28], [sflag:$0x1] =	stream.linear.gather [hbm4b:s0+s2], $0x80, $0x38;
	[tilespmem:$0x10200] =	vst v63  }
0x10f: {  	s0 =	sadd.s32 s3, s1;
	s1 =	sand.u32 $0x1FFFFFF0, s9;
	s9 =	spop (v2sf)  }
0x110: {  	[tilespmem:s26], [sflag:$0x1] =	stream.linear.gather [hbm4b:s0+s2], $0x80, $0x38;
	[tilespmem:$0x10200] =	vst v63  }
0x111: {  	s0 =	sadd.s32 s3, s1;
	s1 =	sand.u32 $0x1FFFFFF0, s9;
	s9 =	spop (v2sf)  }
0x112: {  	[tilespmem:s25], [sflag:$0x1] =	stream.linear.gather [hbm4b:s0+s2], $0x80, $0x38;
	[tilespmem:$0x10200] =	vst v63  }
0x113: {  	s0 =	sadd.s32 s3, s1;
	s1 =	sand.u32 $0x1FFFFFF0, s9;
	s9 =	spop (v2sf)  }
0x114: {  	[tilespmem:s24], [sflag:$0x1] =	stream.linear.gather [hbm4b:s0+s2], $0x80, $0x38;
	[tilespmem:$0x10200] =	vst v63  }
0x115: {  	s0 =	sadd.s32 s3, s1;
	s1 =	sand.u32 $0x1FFFFFF0, s9;
	s9 =	spop (v2sf)  }
0x116: {  	[tilespmem:s23], [sflag:$0x1] =	stream.linear.gather [hbm4b:s0+s2], $0x80, $0x38;
	[tilespmem:$0x10200] =	vst v63  }
0x117: {  	s0 =	sadd.s32 s3, s1;
	s1 =	sand.u32 $0x1FFFFFF0, s9;
	s9 =	spop (v2sf)  }
0x118: {  	[tilespmem:s22], [sflag:$0x1] =	stream.linear.gather [hbm4b:s0+s2], $0x80, $0x38;
	[tilespmem:$0x10200] =	vst v63  }
0x119: {  	s1 =	sadd.s32 s3, s1;
	s0 =	sadd.s32 $0x1900, s20;
	s9 =	sand.u32 $0x1FFFFFF0, s9  }
0x11a: {  	[tilespmem:s0], [sflag:$0x1] =	stream.linear.gather [hbm4b:s1+s2], $0x80, $0x38;
	[tilespmem:$0x10200] =	vst v63  }
0x11b: {  	s0 =	sadd.s32 $0x1980, s20;
	s1 =	sadd.s32 s3, s9  }
0x11c: {  	[tilespmem:s0], [sflag:$0x1] =	stream.linear.gather [hbm4b:s1+s2], $0x80, $0x38;
	[tilespmem:$0x10200] =	vst v63  }
0x11d: {  	v0 =	vld [tilespmem:s18+$0x0];
	_ =	sdelay $0x4  }
0x11e: {  	v0 =	vshll.u32 v0, $0x4  }
0x11f: {  	(v2sf) =	vpush v0, $0x0  }
0x120: {  	(v2sf) =	vpush v0, $0x1  }
0x121: {  	(v2sf) =	vpush v0, $0x2;
	_ =	sdelay $0x1  }
0x122: {  	(v2sf) =	vpush v0, $0x3;
	_ =	sdelay $0x1  }
0x123: {  	(v2sf) =	vpush v0, $0x4;
	_ =	sdelay $0x1  }
0x124: {  	(v2sf) =	vpush v0, $0x5;
	_ =	sdelay $0x1  }
0x125: {  	(v2sf) =	vpush v0, $0x6  }
0x126: {  	s23 =	sadd.s32 $0x2000, s20;
	s22 =	sadd.s32 $0x2080, s20  }
0x127: {  	s26 =	sadd.s32 $0x1E80, s20;
	s25 =	sadd.s32 $0x1F00, s20;
	s24 =	sadd.s32 $0x1F80, s20;
	(v2sf) =	vpush v0, $0x7  }
0x128: {  	s30 =	sadd.s32 $0x1D00, s20;
	s29 =	sadd.s32 $0x1D80, s20;
	s28 =	sadd.s32 $0x1E00, s20  }
0x129: {  	s9 =	sadd.s32 $0x1C80, s20;
	s0 =	sadd.s32 $0x1B80, s20;
	s1 =	sadd.s32 $0x1C00, s20;
	(v2sf) =	vpush v0, $0x8  }
0x12a: {  	s10 =	sadd.s32 $0x1A80, s20;
	s11 =	sadd.s32 $0x1B00, s20;
	s12 =	spop (v2sf)  }
0x12b: {  	s31 =	sadd.s32 $0x1A00, s20;
	s12 =	sand.u32 $0x1FFFFFF0, s12;
	s13 =	spop (v2sf);
	(v2sf) =	vpush v0, $0x9  }
0x12c: {  	s12 =	sadd.s32 s3, s12;
	s13 =	sand.u32 $0x1FFFFFF0, s13;
	s14 =	spop (v2sf)  }
0x12d: {  	[tilespmem:s31], [sflag:$0x1] =	stream.linear.gather [hbm4b:s12+s2], $0x80, $0x38;
	(v2sf) =	vpush v0, $0xA;
	[tilespmem:$0x10200] =	vst v63  }
0x12e: {  	s12 =	sadd.s32 s3, s13;
	s13 =	sand.u32 $0x1FFFFFF0, s14;
	s14 =	spop (v2sf)  }
0x12f: {  	[tilespmem:s10], [sflag:$0x1] =	stream.linear.gather [hbm4b:s12+s2], $0x80, $0x38;
	(v2sf) =	vpush v0, $0xB;
	[tilespmem:$0x10200] =	vst v63  }
0x130: {  	s10 =	sadd.s32 s3, s13;
	s12 =	sand.u32 $0x1FFFFFF0, s14;
	s13 =	spop (v2sf)  }
0x131: {  	[tilespmem:s11], [sflag:$0x1] =	stream.linear.gather [hbm4b:s10+s2], $0x80, $0x38;
	(v2sf) =	vpush v0, $0xC;
	[tilespmem:$0x10200] =	vst v63  }
0x132: {  	s10 =	sadd.s32 s3, s12;
	s11 =	sand.u32 $0x1FFFFFF0, s13;
	s12 =	spop (v2sf)  }
0x133: {  	[tilespmem:s0], [sflag:$0x1] =	stream.linear.gather [hbm4b:s10+s2], $0x80, $0x38;
	(v2sf) =	vpush v0, $0xD;
	[tilespmem:$0x10200] =	vst v63  }
0x134: {  	s0 =	sadd.s32 s3, s11;
	s10 =	sand.u32 $0x1FFFFFF0, s12;
	s11 =	spop (v2sf)  }
0x135: {  	[tilespmem:s1], [sflag:$0x1] =	stream.linear.gather [hbm4b:s0+s2], $0x80, $0x38;
	(v2sf) =	vpush v0, $0xE;
	[tilespmem:$0x10200] =	vst v63  }
0x136: {  	s0 =	sadd.s32 s3, s10;
	s1 =	sand.u32 $0x1FFFFFF0, s11;
	s10 =	spop (v2sf)  }
0x137: {  	[tilespmem:s9], [sflag:$0x1] =	stream.linear.gather [hbm4b:s0+s2], $0x80, $0x38;
	(v2sf) =	vpush v0, $0xF;
	[tilespmem:$0x10200] =	vst v63  }
0x138: {  	s0 =	sadd.s32 s3, s1;
	s1 =	sand.u32 $0x1FFFFFF0, s10;
	s9 =	spop (v2sf)  }
0x139: {  	[tilespmem:s30], [sflag:$0x1] =	stream.linear.gather [hbm4b:s0+s2], $0x80, $0x38;
	[tilespmem:$0x10200] =	vst v63  }
0x13a: {  	s0 =	sadd.s32 s3, s1;
	s1 =	sand.u32 $0x1FFFFFF0, s9;
	s9 =	spop (v2sf)  }
0x13b: {  	[tilespmem:s29], [sflag:$0x1] =	stream.linear.gather [hbm4b:s0+s2], $0x80, $0x38;
	[tilespmem:$0x10200] =	vst v63  }
0x13c: {  	s0 =	sadd.s32 s3, s1;
	s1 =	sand.u32 $0x1FFFFFF0, s9;
	s9 =	spop (v2sf)  }
0x13d: {  	[tilespmem:s28], [sflag:$0x1] =	stream.linear.gather [hbm4b:s0+s2], $0x80, $0x38;
	[tilespmem:$0x10200] =	vst v63  }
0x13e: {  	s0 =	sadd.s32 s3, s1;
	s1 =	sand.u32 $0x1FFFFFF0, s9;
	s9 =	spop (v2sf)  }
0x13f: {  	[tilespmem:s26], [sflag:$0x1] =	stream.linear.gather [hbm4b:s0+s2], $0x80, $0x38;
	[tilespmem:$0x10200] =	vst v63  }
0x140: {  	s0 =	sadd.s32 s3, s1;
	s1 =	sand.u32 $0x1FFFFFF0, s9;
	s9 =	spop (v2sf)  }
0x141: {  	[tilespmem:s25], [sflag:$0x1] =	stream.linear.gather [hbm4b:s0+s2], $0x80, $0x38;
	[tilespmem:$0x10200] =	vst v63  }
0x142: {  	s0 =	sadd.s32 s3, s1;
	s1 =	sand.u32 $0x1FFFFFF0, s9;
	s9 =	spop (v2sf)  }
0x143: {  	[tilespmem:s24], [sflag:$0x1] =	stream.linear.gather [hbm4b:s0+s2], $0x80, $0x38;
	[tilespmem:$0x10200] =	vst v63  }
.Ltmp0:
0x144: {  	_ = 	snop;
	(pc) =	sbr.rel @p0 .LBB2_2-.Ltmp0, $4  }
0x145: {  	s0 =	sadd.s32 s3, s1;
	s1 =	sand.u32 $0x1FFFFFF0, s9;
	s9 =	spop (v2sf)  }
0x146: {  	[tilespmem:s23], [sflag:$0x1] =	stream.linear.gather [hbm4b:s0+s2], $0x80, $0x38;
	[tilespmem:$0x10200] =	vst v63  }
0x147: {  	s0 =	sadd.s32 s3, s1;
	s23 =	sand.u32 $0x1FFFFFF0, s9;
	s24 =	spop (v2sf)  }
0x148: {  	[tilespmem:s22], [sflag:$0x1] =	stream.linear.gather [hbm4b:s0+s2], $0x80, $0x38;
	[tilespmem:$0x10200] =	vst v63  }
0x149: {  	s0 =	sadd.s32 s3, s23;
	s1 =	sand.u32 $0x1FFFFFF0, s24  }
0x14a: {  	[tilespmem:s21], [sflag:$0x1] =	stream.linear.gather [hbm4b:s0+s2], $0x80, $0x38;
	[tilespmem:$0x10200] =	vst v63  }
0x14b: {  	s31 =	sadd.s32 $0x2180, s20;
	s1 =	sadd.s32 s3, s1  }
0x14c: {  	[tilespmem:s31], [sflag:$0x1] =	stream.linear.gather [hbm4b:s1+s2], $0x80, $0x38;
	[tilespmem:$0x10200] =	vst v63  }
0x14d: {  	_ =	swait.ge [sflag:s16], $0x1000  }
0x14e: {  	[sflag:s16] =	ssyncset.done $0x0  }
0x14f: {  	[sflag:s16] =	ssyncadd.s32 $0xFFFFF000  }
0x150: {  	s17 =	sadd.s32 $0x1, s17;
	_ =	swait.ge [sflag:s16], $0x1000  }
0x151: {  	p0 =	sne.s32 s17, s6;
	[sflag:s16] =	ssyncset.done $0x0  }
.Ltmp1:
0x152: {  	[sflag:s16] =	ssyncadd.s32 $0xFFFFF000;
	(pc) =	sbr.rel @p0 .LBB2_1-.Ltmp1, $4  }
0x153: {  	[hbm4b:s5+s2] =	stream.linear.scatter [tilespmem:s8], [sflag:$0x2], $0x10000, $0x38;
	[tilespmem:$0x10200] =	vst v63  }
0x154: {  	_ =	swait.ge [sflag:s7], $0x10000  }
0x155: {  	[sflag:s7] =	ssyncset.done $0x0  }
0x156: {  	[sflag:s7] =	ssyncadd.s32 $0xFFFF0000  }
0x157: {  	_ =	sfence.sel $0x180000  }
0x158: {  	[bflag:$0x0] =	sbarrier.arrive $0xFFFF  }
0x159: {  	_ =	strace $0x90000047  }
0x15a: {  	s0 =	stileid.u32;
	[bflag:$0x2] =	sbarrier.arrive $0xFFFF  }
0x15b: {  	p0 =	sne.s32 s0, $0x0;
	s0 =	rddreg [dreg:$0x1]  }
0x15c: {  	s0 =	sadd.s32 @!p0 $0x100000, s0  }
0x15d: {  	[sflag:s0] =	ssyncadd.tile.s32 @!p0 $0x1;
	_ =	shalt  }
.Lfunc_end2:
_tile_overlayer_lowered:
.L_overlay_start_2:
0x15e: {  	(tag) =	ssettag $0x2  }
0x15f: {  	s0 =	rddreg [dreg:$0x0];
	s2 =	stileid.u32  }
0x160: {  	s1 =	rddreg [dreg:$0x1];
	p0 =	sne.s32 s2, $0x0  }
0x161: {  	s3 =	rddreg [dreg:$0x2];
	[bflag:$0x3] =	sbarrier.arrive $0xFFFF;
	s2 =	simm.s32 @!p0 $0x1C02  }
0x162: {  	[timem:s3], [sflag:s2] =	dma.local @!p0 [hbm:s0], s1  }
0x163: {  	s0 =	simm.s32 @!p0 $0x2  }
0x164: {  	_ =	swait.ge @!p0 [sflag:s0], s1  }
0x165: {  	s1 =	ssub.s32 @!p0 $0x0, s1;
	[sflag:s0] =	ssyncset.done @!p0 $0x0  }
0x166: {  	[sflag:s0] =	ssyncadd.s32 @!p0 s1  }
0x167: {  	[bflag:$0x3] =	sbarrier.arrive $0xFFFF  }
0x168: {  	_ =	shalt  }

// kernel: kernel.7.cloned.1.call-start
scs
__scs_entry_jumppad:
0x0: {  	(pc) =	sbr.rel $0x88, $3  }
0x1: {  	(tag) =	ssettag $0x0;
	lr =	simm.s32 $0x1  }
0x2: {  	[smem:$0x3F97] =	sst lr;
	_ =	strace $0xD0000000  }
0x3: {  	_ = 	snop  }
0x4: {  	_ = 	snop  }
0x5: {  	_ = 	snop  }
0x6: {  	_ = 	snop  }
0x7: {  	_ = 	snop  }
__scs_overlays_trampoline_lowered:
0x8: {  	[smem:$0x3FA6] =	sst s0  }
0x9: {  	[smem:$0x3FA7] =	sst s1  }
0xa: {  	[smem:$0x3FA8] =	sst s2  }
0xb: {  	[smem:$0x3FA9] =	sst s3  }
0xc: {  	[smem:$0x3FAA] =	sst s4  }
0xd: {  	[smem:$0x3FAB] =	sst s5  }
0xe: {  	[smem:$0x3FAC] =	sst s6  }
0xf: {  	[smem:$0x3FAD] =	sst s7  }
0x10: {  	[smem:$0x3FAE] =	sst s8  }
0x11: {  	[smem:$0x3FAF] =	sst s9;
	s0 =	simm.s32 @!p0 $0x0  }
0x12: {  	s1 =	sld [smem:$0x3F95];
	s0 =	simm.s32 @p0 $0x1  }
0x13: {  	[smem:$0x3FB0] =	sst s0;
	s0 =	simm.s32 @!p1 $0x0  }
0x14: {  	s2 =	sld [smem:$0x3F94];
	s0 =	simm.s32 @p1 $0x1  }
0x15: {  	[smem:$0x3FB1] =	sst s0;
	s0 =	simm.s32 @!p2 $0x0  }
0x16: {  	s3 =	sld [smem:$0x3FDB];
	s0 =	simm.s32 @p2 $0x1  }
0x17: {  	s4 =	simm.s32 $0x1BF5;
	[smem:$0x3FB3] =	sst s0  }
0x18: {  	s0 =	sld [smem:$0x3F96];
	_ =	swait.ge [sflag:s4], $0x0  }
0x19: {  	s7 =	sld [smem:$0x3F97]  }
0x1a: {  	s8 =	sadd.s32 $0xFFFFE003, lr  }
0x1b: {  	s9 =	sadd.s32 $0xFFFFFEF7, lr;
	s5 =	simm.s32 $0xFFFFFFFF;
	p2 =	slt.u32 s8, $0xFFFFF086  }
0x1c: {  	p1 =	slt.u32 s9, $0xF7A;
	s5 =	simm.s32 @!p2 $0x0  }
0x1d: {  	s5 =	simm.s32 @p1 $0x1;
	p0 =	seq.s32 s7, s2  }
0x1e: {  	s7 =	smul.u32 @!p0 $0xF7A, s2;
	p2 =	seq.s32 @!p0 s5, $0x0  }
0x1f: {  	s9 =	smul.u32 $0xF7A, s1;
	s8 =	simm.s32 @!p0 $0x1BF5;
	p2 =	por !p2, p0  }
0x20: {  	[sflag:s8] =	ssyncset.s32 @!p0 $0xFFFFF086;
	s6 =	sadd.s32 @!p0 s3, s7;
	s7 =	simm.s32 @!p0 $0x108  }
0x21: {  	s3 =	sadd.s32 s3, s9;
	s6 =	sadd.s32 @!p0 $0x88, s6;
	s7 =	simm.s32 @p2 $0x1082  }
0x22: {  	[simem:s7], [sflag:s8] =	dma.local @!p0 [hbm:s6], $0xF7A  }
0x23: {  	s9 =	sor.u32 $0xD0000000, s2;
	s6 =	simm.s32 $0x108;
	_ =	swait.ge @!p0 [sflag:s8], $0x0  }
0x24: {  	s3 =	sadd.s32 $0x88, s3;
	s6 =	simm.s32 @!p1 $0x1082;
	[sflag:s4] =	ssyncset.s32 $0xFFFFF086  }
0x25: {  	[simem:s6], [sflag:s4] =	dma.local [hbm:s3], $0xF7A  }
0x26: {  	[smem:$0x3F97] =	sst s1;
	(tag) =	ssettag s2;
	_ =	strace s9  }
0x27: {  	s1 =	sld [smem:$0x3FA7]  }
0x28: {  	s2 =	sld [smem:$0x3FA8]  }
0x29: {  	s4 =	sld [smem:$0x3FAA]  }
0x2a: {  	p0 =	seq.s32 s5, $0x0;
	s5 =	sld [smem:$0x3FAB]  }
0x2b: {  	s6 =	sld [smem:$0x3FAC]  }
0x2c: {  	s7 =	sld [smem:$0x3FAD]  }
0x2d: {  	s3 =	simm.s32 $0x108;
	s8 =	sld [smem:$0x3FAE]  }
0x2e: {  	s3 =	simm.s32 @!p0 $0x1082;
	s9 =	sld [smem:$0x3FAF]  }
0x2f: {  	lr =	sadd.s32 s0, s3;
	s0 =	sld [smem:$0x3FA6]  }
0x30: {  	s3 =	sld [smem:$0x3FA9]  }
0x31: {  	[smem:$0x3FB2] =	sst s10  }
0x32: {  	s10 =	sld [smem:$0x3FB0];
	_ =	sdelay $0x3  }
0x33: {  	p0 =	seq.s32 s10, $0x1;
	s10 =	sld [smem:$0x3FB2];
	_ =	sdelay $0x3  }
0x34: {  	[smem:$0x3FB2] =	sst s10  }
0x35: {  	s10 =	sld [smem:$0x3FB1];
	_ =	sdelay $0x3  }
0x36: {  	p1 =	seq.s32 s10, $0x1;
	s10 =	sld [smem:$0x3FB2];
	_ =	sdelay $0x3  }
0x37: {  	[smem:$0x3FB2] =	sst s10  }
0x38: {  	s10 =	sld [smem:$0x3FB3]  }
0x39: {  	_ = 	snop;
	(pc) =	sbr.ind lr, $3  }
0x3a: {  	_ = 	snop  }
0x3b: {  	_ = 	snop  }
0x3c: {  	p2 =	seq.s32 s10, $0x1;
	s10 =	sld [smem:$0x3FB2]  }
0x3d: {  	_ =	shalt  }
0x3e: {  	_ =	shalt  }
0x3f: {  	_ =	shalt  }
0x40: {  	_ =	shalt  }
0x41: {  	_ =	shalt  }
0x42: {  	_ =	shalt  }
0x43: {  	_ =	shalt  }
0x44: {  	_ =	shalt  }
0x45: {  	_ =	shalt  }
0x46: {  	_ =	shalt  }
0x47: {  	_ =	shalt  }
0x48: {  	_ =	shalt  }
0x49: {  	_ =	shalt  }
0x4a: {  	_ =	shalt  }
0x4b: {  	_ =	shalt  }
0x4c: {  	_ =	shalt  }
0x4d: {  	_ =	shalt  }
0x4e: {  	_ =	shalt  }
0x4f: {  	_ =	shalt  }
0x50: {  	_ =	shalt  }
0x51: {  	_ =	shalt  }
0x52: {  	_ =	shalt  }
0x53: {  	_ =	shalt  }
0x54: {  	_ =	shalt  }
0x55: {  	_ =	shalt  }
0x56: {  	_ =	shalt  }
0x57: {  	_ =	shalt  }
0x58: {  	_ =	shalt  }
0x59: {  	_ =	shalt  }
0x5a: {  	_ =	shalt  }
0x5b: {  	_ =	shalt  }
0x5c: {  	_ =	shalt  }
0x5d: {  	_ =	shalt  }
0x5e: {  	_ =	shalt  }
0x5f: {  	_ =	shalt  }
0x60: {  	_ =	shalt  }
0x61: {  	_ =	shalt  }
0x62: {  	_ =	shalt  }
0x63: {  	_ =	shalt  }
0x64: {  	_ =	shalt  }
0x65: {  	_ =	shalt  }
0x66: {  	_ =	shalt  }
0x67: {  	_ =	shalt  }
0x68: {  	_ =	shalt  }
0x69: {  	_ =	shalt  }
0x6a: {  	_ =	shalt  }
0x6b: {  	_ =	shalt  }
0x6c: {  	_ =	shalt  }
0x6d: {  	_ =	shalt  }
0x6e: {  	_ =	shalt  }
0x6f: {  	_ =	shalt  }
0x70: {  	_ =	shalt  }
0x71: {  	_ =	shalt  }
0x72: {  	_ =	shalt  }
0x73: {  	_ =	shalt  }
0x74: {  	_ =	shalt  }
0x75: {  	_ =	shalt  }
0x76: {  	_ =	shalt  }
0x77: {  	_ =	shalt  }
0x78: {  	_ =	shalt  }
0x79: {  	_ =	shalt  }
0x7a: {  	_ =	shalt  }
0x7b: {  	_ =	shalt  }
0x7c: {  	_ =	shalt  }
0x7d: {  	_ =	shalt  }
0x7e: {  	_ =	shalt  }
0x7f: {  	_ =	shalt  }
0x80: {  	_ =	shalt  }
0x81: {  	_ =	shalt  }
0x82: {  	_ =	shalt  }
0x83: {  	_ =	shalt  }
0x84: {  	_ =	shalt  }
0x85: {  	_ =	shalt  }
0x86: {  	_ =	shalt  }
0x87: {  	_ =	shalt  }
.Lfunc_end0:
.L_simem_size_0:
called_computation_lowered:
.L_overlay_start_0:
0x88: {  	s2 =	sld [smem:$0x3FD9]  }
0x89: {  	s3 =	sld [smem:$0x3FFE];
	_ =	sdelay $0x1  }
0x8a: {  	s1 =	srdreg.scid  }
0x8b: {  	s0 =	sand.u32 $0x1, s1  }
0x8c: {  	s17 =	sshll.u32 s0, $0xA;
	s2 =	sadd.s32 s3, s2  }
0x8d: {  	s2 =	sadd.s32 s2, s17  }
0x8e: {  	[smem:$0x3FBE] =	sst s2  }
0x8f: {  	_ = 	snop  }
0x90: {  	(tm) =	ssettm $0x1  }
0x91: {  	s18 =	sld [smem:$0x3FFB];
	_ =	sdelay $0x3  }
0x92: {  	_ =	strace s18  }
0x93: {  	s2 =	sld [smem:$0x3FFC];
	_ =	sdelay $0x3  }
0x94: {  	_ =	strace s2  }
0x95: {  	s2 =	sld [smem:$0x3FFD];
	_ =	sdelay $0x3  }
0x96: {  	_ =	strace s2  }
0x97: {  	_ =	strace $0x8FFFFFFF  }
0x98: {  	s19 =	sld [smem:$0x3FDB];
	_ =	sdelay $0x1  }
0x99: {  	s20 =	simm.s32 $_scs_section_size  }
0x9a: {  	s4 =	simm.s32 $_size__tile_overlayer_lowered;
	s5 =	simm.s32 $_tile_overlayer_lowered  }
0x9b: {  	s6 =	simm.s32 $0x1BFF;
	s21 =	sshll.u32 s5, $0x1;
	s3 =	sadd.s32 s20, s19  }
0x9c: {  	s22 =	simm.s32 $0x0;
	s4 =	sshll.u32 s4, $0x1;
	s5 =	sadd.s32 s21, s3  }
0x9d: {  	[timem:s22], [sflag:s6] =	dma.local [hbm:s5], s4  }
0x9e: {  	_ =	swait.ge [sflag:s6], s4  }
0x9f: {  	s4 =	ssub.s32 $0x0, s4;
	[sflag:s6] =	ssyncset.done $0x0  }
0xa0: {  	[sflag:s6] =	ssyncadd.s32 s4;
	_ =	sdelay $0x1  }
0xa1: {  	s23 =	simm.s32 $0x1B8B  }
0xa2: {  	_ =	swait.ge [sflag:s23], $0x1  }
0xa3: {  	[sflag:s23] =	ssyncset.done $0x0  }
0xa4: {  	[sflag:s23] =	ssyncadd.s32 $0xFFFFFFFF  }
0xa5: {  	s4 =	sld [smem:$0x0]  }
0xa6: {  	s5 =	sand.u32 $0xFFFFFFFE, s1  }
0xa7: {  	p0 =	sne.s32 s1, s5  }
0xa8: {  	s5 =	sshll.u32 @p0 s5, $0xE  }
0xa9: {  	s5 =	sadd.s32 @p0 $0x11B8D, s5;
	s6 =	sshll.u32 @p0 s4, $0x11  }
0xaa: {  	s5 =	sor.u32 @p0 s6, s5  }
0xab: {  	[sflag:s5] =	ssyncadd.remote.s32 @p0 $0x1;
	_ =	sdelay $0x1  }
0xac: {  	s5 =	simm.s32 @p0 $0x1B8D  }
0xad: {  	_ =	swait.eq @p0 [sflag:s5], $0x1  }
0xae: {  	[sflag:s5] =	ssyncadd.s32 @p0 $0xFFFFFFFF  }
0xaf: {  	s6 =	sshll.u32 @!p0 s1, $0xE  }
0xb0: {  	s6 =	sor.u32 @!p0 $0x4000, s6;
	s5 =	simm.s32 @!p0 $0x1B8D  }
0xb1: {  	s4 =	sshll.u32 @!p0 s4, $0x11;
	s6 =	sadd.s32 @!p0 $0x11B8D, s6;
	_ =	swait.eq @!p0 [sflag:s5], $0x1  }
0xb2: {  	s4 =	sor.u32 @!p0 s4, s6;
	[sflag:s5] =	ssyncadd.s32 @!p0 $0xFFFFFFFF  }
0xb3: {  	s25 =	simm.s32 $0x1B8E;
	s24 =	sld [smem:$0x3FFE];
	[sflag:s4] =	ssyncadd.remote.s32 @!p0 $0x1  }
0xb4: {  	s26 =	simm.s32 $execute0_lowered;
	[smem:$0x3FD2] =	sst s25  }
0xb5: {  	s5 =	sshll.u32 s26, $0x1;
	_ =	strace $0x80000049;
	[dreg:$0x1] =	wrdreg $0xFFFFFFFF  }
0xb6: {  	s28 =	simm.s32 $_size_execute0_lowered;
	s3 =	sadd.s32 s3, s5;
	[dreg:$0x0] =	wrdreg $0x0  }
0xb7: {  	s5 =	sshll.u32 s28, $0x1;
	[dreg:$0x2] =	wrdreg s3  }
0xb8: {  	[dreg:$0x3] =	wrdreg s5  }
0xb9: {  	[dreg:$0x4] =	wrdreg $0xC0  }
0xba: {  	_ =	task [dreg:s22], $0x5FFFF  }
0xbb: {  	[dreg:$0x1] =	wrdreg $0xFFFFFFFF  }
0xbc: {  	[dreg:$0x0] =	wrdreg $0x60  }
0xbd: {  	[dreg:$0x2] =	wrdreg s24  }
0xbe: {  	[dreg:$0x3] =	wrdreg $0x9  }
0xbf: {  	_ =	task.clear_ibuf [dreg:s22], $0x4FFFF;
	_ =	strace $0x90000049  }
0xc0: {  	s29 =	simm.s32 $0x9;
	_ =	strace $0x8000004B  }
0xc1: {  	_ =	swait.ge [sflag:s29], $0x1  }
0xc2: {  	[sflag:s29] =	ssyncadd.s32 $0xFFFFFFFF  }
0xc3: {  	_ =	strace $0x9000004B  }
0xc4: {  	_ =	sfence  }
0xc5: {  	s30 =	sld [smem:$0x0];
	_ =	sdelay $0x2  }
0xc6: {  	s31 =	sshll.u32 s1, $0xD;
	s1 =	sshrl.u32 s1, $0x2  }
0xc7: {  	s4 =	sand.u32 $0x4000, s31;
	s1 =	sadd.s32 s1, s30  }
0xc8: {  	s0 =	sor.u32 s4, s0;
	s1 =	sshll.u32 s1, $0x11  }
0xc9: {  	s0 =	sor.u32 s1, s0  }
0xca: {  	s0 =	sadd.s32 $0x8F2B, s0  }
0xcb: {  	[sflag:s0] =	ssyncadd.remote.s32 $0x1  }
0xcc: {  	_ =	sfence.sel $0xFFFF  }
0xcd: {  	[dreg:$0x0] =	wrdreg $0xFFFFFFFF;
	(pc) =	sbr.abs _section_cstart, $3  }
0xce: {  	[dreg:$0x1] =	wrdreg $0xFFFFFFFF  }
0xcf: {  	_ =	task.clear_ibuf [dreg:s22], $0x2FFFF;
	_ =	strace $0x9FFFFFFF  }
0xd0: {  	(tm) =	ssettm $0x7FFFFFFF  }
0xd1: {  	_ =	shalt  }
tec
execute0_lowered:
.L_overlay_start_1:
0x0: {  	(tag) =	ssettag $0x1  }
0x1: {  	s0 =	rddreg [dreg:$0x0];
	s1 =	srdreg.scid  }
0x2: {  	s3 =	stileid.u32;
	s2 =	simm.s32 $0x0;
	s7 =	simm.s32 $0x2  }
0x3: {  	s8 =	simm.s32 $0x200;
	s15 =	simm.s32 $0x1180;
	s16 =	simm.s32 $0x1  }
0x4: {  	s17 =	simm.s32 $0x0;
	s1 =	sand.u32 $0x1, s1;
	s3 =	sshll.u32 s3, $0xA  }
0x5: {  	[smem:$0x7FF] =	sst s2;
	s4 =	sshll.u32 s1, $0x9;
	s1 =	ssub.s32 $0x2, s1  }
0x6: {  	_ =	strace $0x8000004A;
	s3 =	sor.u32 s4, s3;
	s31 =	sshrl.u32 s1, $0x1  }
0x7: {  	s4 =	sshrl.u32 s3, $0x3;
	s5 =	sshll.u32 s3, $0x4;
	s3 =	sadd.s32 $0x233A00, s0  }
0x8: {  	s1 =	ssub.s32 s1, s31;
	s4 =	sadd.s32 s4, s0;
	s0 =	sadd.s32 s5, s0  }
0x9: {  	s6 =	smax.u32 s1, $0x1;
	s4 =	sadd.s32 $0x273A00, s4;
	s5 =	sadd.s32 $0x274200, s0  }
.LBB2_1:
0xa: {  	[tilespmem:s2], [sflag:$0x2] =	stream.linear.gather [hbm4b:s4+s2], $0x200, $0x38;
	[tilespmem:$0x10200] =	vst v63  }
0xb: {  	_ =	swait.ge [sflag:s7], $0x200  }
0xc: {  	[sflag:s7] =	ssyncset.done $0x0  }
0xd: {  	[sflag:s7] =	ssyncadd.s32 $0xFFFFFE00  }
0xe: {  	v0 =	vld [tilespmem:$0x0];
	_ =	sdelay $0x4  }
0xf: {  	v0 =	vshll.u32 v0, $0x4  }
0x10: {  	(v2sf) =	vpush v0, $0x0;
	_ =	sdelay $0x1  }
0x11: {  	(v2sf) =	vpush v0, $0x1;
	_ =	sdelay $0x2  }
0x12: {  	(v2sf) =	vpush v0, $0x2;
	_ =	sdelay $0x1  }
0x13: {  	(v2sf) =	vpush v0, $0x3  }
0x14: {  	(v2sf) =	vpush v0, $0x4;
	_ =	sdelay $0x1  }
0x15: {  	(v2sf) =	vpush v0, $0x5  }
0x16: {  	(v2sf) =	vpush v0, $0x6;
	_ =	sdelay $0x2  }
0x17: {  	(v2sf) =	vpush v0, $0x7  }
0x18: {  	s18 =	spop (v2sf)  }
0x19: {  	s18 =	sand.u32 $0x1FFFFFF0, s18  }
0x1a: {  	s1 =	spop (v2sf);
	s18 =	sadd.s32 s3, s18  }
0x1b: {  	[tilespmem:s8], [sflag:$0x1] =	stream.linear.gather [hbm4b:s18+s2], $0x80, $0x38;
	[tilespmem:$0x10200] =	vst v63  }
0x1c: {  	s18 =	sand.u32 $0x1FFFFFF0, s1  }
0x1d: {  	s0 =	simm.s32 $0x280;
	s9 =	spop (v2sf);
	s18 =	sadd.s32 s3, s18  }
0x1e: {  	[tilespmem:s0], [sflag:$0x1] =	stream.linear.gather [hbm4b:s18+s2], $0x80, $0x38;
	[tilespmem:$0x10200] =	vst v63  }
0x1f: {  	s11 =	spop (v2sf);
	s18 =	sand.u32 $0x1FFFFFF0, s9  }
0x20: {  	s10 =	simm.s32 $0x300;
	s13 =	spop (v2sf);
	(v2sf) =	vpush v0, $0x8;
	s18 =	sadd.s32 s3, s18  }
0x21: {  	[tilespmem:s10], [sflag:$0x1] =	stream.linear.gather [hbm4b:s18+s2], $0x80, $0x38;
	[tilespmem:$0x10200] =	vst v63  }
0x22: {  	s19 =	spop (v2sf);
	(v2sf) =	vpush v0, $0x9;
	s18 =	sand.u32 $0x1FFFFFF0, s11  }
0x23: {  	s12 =	simm.s32 $0x380;
	s21 =	spop (v2sf);
	s18 =	sadd.s32 s3, s18  }
0x24: {  	(v2sf) =	vpush v0, $0xA;
	[tilespmem:s12], [sflag:$0x1] =	stream.linear.gather [hbm4b:s18+s2], $0x80, $0x38;
	[tilespmem:$0x10200] =	vst v63  }
0x25: {  	s18 =	sand.u32 $0x1FFFFFF0, s13  }
0x26: {  	s14 =	simm.s32 $0x400;
	s23 =	spop (v2sf);
	s18 =	sadd.s32 s3, s18  }
0x27: {  	(v2sf) =	vpush v0, $0xB;
	[tilespmem:s14], [sflag:$0x1] =	stream.linear.gather [hbm4b:s18+s2], $0x80, $0x38;
	[tilespmem:$0x10200] =	vst v63  }
0x28: {  	s18 =	sand.u32 $0x1FFFFFF0, s19  }
0x29: {  	s20 =	simm.s32 $0x480;
	s18 =	sadd.s32 s3, s18  }
0x2a: {  	[tilespmem:s20], [sflag:$0x1] =	stream.linear.gather [hbm4b:s18+s2], $0x80, $0x38;
	[tilespmem:$0x10200] =	vst v63  }
0x2b: {  	s18 =	sand.u32 $0x1FFFFFF0, s21  }
0x2c: {  	s22 =	simm.s32 $0x500;
	s18 =	sadd.s32 s3, s18  }
0x2d: {  	[tilespmem:s22], [sflag:$0x1] =	stream.linear.gather [hbm4b:s18+s2], $0x80, $0x38;
	[tilespmem:$0x10200] =	vst v63  }
0x2e: {  	s18 =	sand.u32 $0x1FFFFFF0, s23  }
0x2f: {  	s24 =	simm.s32 $0x580;
	s18 =	sadd.s32 s3, s18;
	s25 =	spop (v2sf);
	(v2sf) =	vpush v0, $0xC  }
0x30: {  	[tilespmem:s24], [sflag:$0x1] =	stream.linear.gather [hbm4b:s18+s2], $0x80, $0x38;
	[tilespmem:$0x10200] =	vst v63  }
0x31: {  	s28 =	spop (v2sf);
	(v2sf) =	vpush v0, $0xD  }
0x32: {  	s18 =	sand.u32 $0x1FFFFFF0, s25  }
0x33: {  	s26 =	simm.s32 $0x600;
	s18 =	sadd.s32 s3, s18;
	s30 =	spop (v2sf)  }
0x34: {  	(v2sf) =	vpush v0, $0xE;
	[tilespmem:s26], [sflag:$0x1] =	stream.linear.gather [hbm4b:s18+s2], $0x80, $0x38;
	[tilespmem:$0x10200] =	vst v63  }
0x35: {  	s18 =	sand.u32 $0x1FFFFFF0, s28  }
0x36: {  	s29 =	simm.s32 $0x680;
	s0 =	spop (v2sf);
	s18 =	sadd.s32 s3, s18  }
0x37: {  	(v2sf) =	vpush v0, $0xF;
	[tilespmem:s29], [sflag:$0x1] =	stream.linear.gather [hbm4b:s18+s2], $0x80, $0x38;
	[tilespmem:$0x10200] =	vst v63  }
0x38: {  	s18 =	sand.u32 $0x1FFFFFF0, s30  }
0x39: {  	s31 =	simm.s32 $0x700;
	s18 =	sadd.s32 s3, s18  }
0x3a: {  	[tilespmem:s31], [sflag:$0x1] =	stream.linear.gather [hbm4b:s18+s2], $0x80, $0x38;
	[tilespmem:$0x10200] =	vst v63  }
0x3b: {  	s18 =	sand.u32 $0x1FFFFFF0, s0  }
0x3c: {  	s1 =	simm.s32 $0x780;
	s18 =	sadd.s32 s3, s18  }
0x3d: {  	[tilespmem:s1], [sflag:$0x1] =	stream.linear.gather [hbm4b:s18+s2], $0x80, $0x38;
	[tilespmem:$0x10200] =	vst v63  }
0x3e: {  	s9 =	spop (v2sf)  }
0x3f: {  	s18 =	sand.u32 $0x1FFFFFF0, s9  }
0x40: {  	s10 =	simm.s32 $0x800;
	s11 =	spop (v2sf);
	s18 =	sadd.s32 s3, s18  }
0x41: {  	[tilespmem:s10], [sflag:$0x1] =	stream.linear.gather [hbm4b:s18+s2], $0x80, $0x38;
	[tilespmem:$0x10200] =	vst v63  }
0x42: {  	s18 =	sand.u32 $0x1FFFFFF0, s11  }
0x43: {  	s12 =	simm.s32 $0x880;
	s13 =	spop (v2sf);
	s18 =	sadd.s32 s3, s18  }
0x44: {  	[tilespmem:s12], [sflag:$0x1] =	stream.linear.gather [hbm4b:s18+s2], $0x80, $0x38;
	[tilespmem:$0x10200] =	vst v63  }
0x45: {  	s18 =	sand.u32 $0x1FFFFFF0, s13  }
0x46: {  	s14 =	simm.s32 $0x900;
	s19 =	spop (v2sf);
	s18 =	sadd.s32 s3, s18  }
0x47: {  	[tilespmem:s14], [sflag:$0x1] =	stream.linear.gather [hbm4b:s18+s2], $0x80, $0x38;
	[tilespmem:$0x10200] =	vst v63  }
0x48: {  	s18 =	sand.u32 $0x1FFFFFF0, s19  }
0x49: {  	s20 =	simm.s32 $0x980;
	s18 =	sadd.s32 s3, s18  }
0x4a: {  	[tilespmem:s20], [sflag:$0x1] =	stream.linear.gather [hbm4b:s18+s2], $0x80, $0x38;
	[tilespmem:$0x10200] =	vst v63  }
0x4b: {  	v61 =	vld [tilespmem:$0x10];
	_ =	sdelay $0x4  }
0x4c: {  	v0 =	vshll.u32 v61, $0x4  }
0x4d: {  	(v2sf) =	vpush v0, $0x0;
	_ =	sdelay $0x1  }
0x4e: {  	(v2sf) =	vpush v0, $0x1;
	_ =	sdelay $0x1  }
0x4f: {  	(v2sf) =	vpush v0, $0x2;
	_ =	sdelay $0x2  }
0x50: {  	(v2sf) =	vpush v0, $0x3;
	_ =	sdelay $0x7  }
0x51: {  	s21 =	spop (v2sf);
	(v2sf) =	vpush v0, $0x4;
	_ =	sdelay $0x1  }
0x52: {  	s23 =	spop (v2sf);
	(v2sf) =	vpush v0, $0x5;
	_ =	sdelay $0x1  }
0x53: {  	s25 =	spop (v2sf);
	(v2sf) =	vpush v0, $0x6;
	_ =	sdelay $0x1  }
0x54: {  	s18 =	sand.u32 $0x1FFFFFF0, s21  }
0x55: {  	s22 =	simm.s32 $0xA00;
	s18 =	sadd.s32 s3, s18;
	s28 =	spop (v2sf);
	(v2sf) =	vpush v0, $0x7  }
0x56: {  	[tilespmem:s22], [sflag:$0x1] =	stream.linear.gather [hbm4b:s18+s2], $0x80, $0x38;
	[tilespmem:$0x10200] =	vst v63  }
0x57: {  	s18 =	sand.u32 $0x1FFFFFF0, s23  }
0x58: {  	s24 =	simm.s32 $0xA80;
	s18 =	sadd.s32 s3, s18  }
0x59: {  	[tilespmem:s24], [sflag:$0x1] =	stream.linear.gather [hbm4b:s18+s2], $0x80, $0x38;
	[tilespmem:$0x10200] =	vst v63  }
0x5a: {  	s18 =	sand.u32 $0x1FFFFFF0, s25  }
0x5b: {  	s26 =	simm.s32 $0xB00;
	s18 =	sadd.s32 s3, s18  }
0x5c: {  	[tilespmem:s26], [sflag:$0x1] =	stream.linear.gather [hbm4b:s18+s2], $0x80, $0x38;
	[tilespmem:$0x10200] =	vst v63  }
0x5d: {  	s30 =	spop (v2sf);
	(v2sf) =	vpush v0, $0x8  }
0x5e: {  	s18 =	sand.u32 $0x1FFFFFF0, s28  }
0x5f: {  	s29 =	simm.s32 $0xB80;
	s18 =	sadd.s32 s3, s18;
	s0 =	spop (v2sf);
	(v2sf) =	vpush v0, $0x9  }
0x60: {  	[tilespmem:s29], [sflag:$0x1] =	stream.linear.gather [hbm4b:s18+s2], $0x80, $0x38;
	[tilespmem:$0x10200] =	vst v63  }
0x61: {  	s18 =	sand.u32 $0x1FFFFFF0, s30;
	s9 =	spop (v2sf);
	(v2sf) =	vpush v0, $0xA  }
0x62: {  	s31 =	simm.s32 $0xC00;
	s18 =	sadd.s32 s3, s18  }
0x63: {  	[tilespmem:s31], [sflag:$0x1] =	stream.linear.gather [hbm4b:s18+s2], $0x80, $0x38;
	[tilespmem:$0x10200] =	vst v63  }
0x64: {  	s11 =	spop (v2sf);
	(v2sf) =	vpush v0, $0xB  }
0x65: {  	s18 =	sand.u32 $0x1FFFFFF0, s0  }
0x66: {  	s1 =	simm.s32 $0xC80;
	s18 =	sadd.s32 s3, s18  }
0x67: {  	[tilespmem:s1], [sflag:$0x1] =	stream.linear.gather [hbm4b:s18+s2], $0x80, $0x38;
	[tilespmem:$0x10200] =	vst v63  }
0x68: {  	s18 =	sand.u32 $0x1FFFFFF0, s9  }
0x69: {  	s10 =	simm.s32 $0xD00;
	s18 =	sadd.s32 s3, s18  }
0x6a: {  	[tilespmem:s10], [sflag:$0x1] =	stream.linear.gather [hbm4b:s18+s2], $0x80, $0x38;
	[tilespmem:$0x10200] =	vst v63  }
0x6b: {  	s18 =	sand.u32 $0x1FFFFFF0, s11  }
0x6c: {  	s12 =	simm.s32 $0xD80;
	s18 =	sadd.s32 s3, s18;
	s13 =	spop (v2sf);
	(v2sf) =	vpush v0, $0xC  }
0x6d: {  	[tilespmem:s12], [sflag:$0x1] =	stream.linear.gather [hbm4b:s18+s2], $0x80, $0x38;
	[tilespmem:$0x10200] =	vst v63  }
0x6e: {  	s19 =	spop (v2sf);
	(v2sf) =	vpush v0, $0xD  }
0x6f: {  	s18 =	sand.u32 $0x1FFFFFF0, s13  }
0x70: {  	s14 =	simm.s32 $0xE00;
	s18 =	sadd.s32 s3, s18;
	s21 =	spop (v2sf)  }
0x71: {  	(v2sf) =	vpush v0, $0xE;
	[tilespmem:s14], [sflag:$0x1] =	stream.linear.gather [hbm4b:s18+s2], $0x80, $0x38;
	[tilespmem:$0x10200] =	vst v63  }
0x72: {  	s18 =	sand.u32 $0x1FFFFFF0, s19  }
0x73: {  	s20 =	simm.s32 $0xE80;
	s23 =	spop (v2sf);
	s18 =	sadd.s32 s3, s18  }
0x74: {  	(v2sf) =	vpush v0, $0xF;
	[tilespmem:s20], [sflag:$0x1] =	stream.linear.gather [hbm4b:s18+s2], $0x80, $0x38;
	[tilespmem:$0x10200] =	vst v63  }
0x75: {  	s18 =	sand.u32 $0x1FFFFFF0, s21  }
0x76: {  	s22 =	simm.s32 $0xF00;
	s18 =	sadd.s32 s3, s18  }
0x77: {  	[tilespmem:s22], [sflag:$0x1] =	stream.linear.gather [hbm4b:s18+s2], $0x80, $0x38;
	[tilespmem:$0x10200] =	vst v63  }
0x78: {  	s18 =	sand.u32 $0x1FFFFFF0, s23  }
0x79: {  	s24 =	simm.s32 $0xF80;
	s18 =	sadd.s32 s3, s18  }
0x7a: {  	[tilespmem:s24], [sflag:$0x1] =	stream.linear.gather [hbm4b:s18+s2], $0x80, $0x38;
	[tilespmem:$0x10200] =	vst v63  }
0x7b: {  	s25 =	spop (v2sf)  }
0x7c: {  	s18 =	sand.u32 $0x1FFFFFF0, s25  }
0x7d: {  	s26 =	simm.s32 $0x1000;
	s28 =	spop (v2sf);
	s18 =	sadd.s32 s3, s18  }
0x7e: {  	[tilespmem:s26], [sflag:$0x1] =	stream.linear.gather [hbm4b:s18+s2], $0x80, $0x38;
	[tilespmem:$0x10200] =	vst v63  }
0x7f: {  	s18 =	sand.u32 $0x1FFFFFF0, s28  }
0x80: {  	s29 =	simm.s32 $0x1080;
	s30 =	spop (v2sf);
	s18 =	sadd.s32 s3, s18  }
0x81: {  	[tilespmem:s29], [sflag:$0x1] =	stream.linear.gather [hbm4b:s18+s2], $0x80, $0x38;
	[tilespmem:$0x10200] =	vst v63  }
0x82: {  	s18 =	sand.u32 $0x1FFFFFF0, s30  }
0x83: {  	s31 =	simm.s32 $0x1100;
	s1 =	spop (v2sf);
	s18 =	sadd.s32 s3, s18  }
0x84: {  	[tilespmem:s31], [sflag:$0x1] =	stream.linear.gather [hbm4b:s18+s2], $0x80, $0x38;
	[tilespmem:$0x10200] =	vst v63  }
0x85: {  	s18 =	sand.u32 $0x1FFFFFF0, s1  }
0x86: {  	s18 =	sadd.s32 s3, s18  }
0x87: {  	[tilespmem:s15], [sflag:$0x1] =	stream.linear.gather [hbm4b:s18+s2], $0x80, $0x38;
	[tilespmem:$0x10200] =	vst v63  }
0x88: {  	s18 =	simm.s32 $0x30  }
0x89: {  	v62 =	vld [tilespmem:s18+$0xFFFFFFF0];
	_ =	sdelay $0x4  }
0x8a: {  	v0 =	vshll.u32 v62, $0x4  }
0x8b: {  	(v2sf) =	vpush v0, $0x1  }
0x8c: {  	(v2sf) =	vpush v0, $0x0  }
0x8d: {  	(v2sf) =	vpush v0, $0x2  }
0x8e: {  	(v2sf) =	vpush v0, $0x3;
	_ =	sdelay $0x1  }
0x8f: {  	(v2sf) =	vpush v0, $0x4;
	_ =	sdelay $0x1  }
0x90: {  	(v2sf) =	vpush v0, $0x5;
	_ =	sdelay $0x1  }
0x91: {  	(v2sf) =	vpush v0, $0x6;
	_ =	sdelay $0x1  }
0x92: {  	(v2sf) =	vpush v0, $0x7;
	_ =	sdelay $0x1  }
0x93: {  	s9 =	simm.s32 $0x1280;
	s11 =	simm.s32 $0x1300  }
0x94: {  	s19 =	simm.s32 $0x1800;
	s22 =	simm.s32 $0x1200;
	s24 =	simm.s32 $0x1380  }
0x95: {  	s25 =	simm.s32 $0x1400;
	s29 =	simm.s32 $0x1480;
	s20 =	spop (v2sf);
	(v2sf) =	vpush v0, $0x8  }
0x96: {  	s31 =	simm.s32 $0x1500;
	s21 =	spop (v2sf);
	s20 =	sand.u32 $0x1FFFFFF0, s20  }
0x97: {  	s21 =	sand.u32 $0x1FFFFFF0, s21;
	s23 =	spop (v2sf);
	s20 =	sadd.s32 s3, s20  }
0x98: {  	(v2sf) =	vpush v0, $0x9;
	s21 =	sadd.s32 s3, s21;
	s10 =	spop (v2sf);
	s12 =	sand.u32 $0x1FFFFFF0, s23  }
0x99: {  	[tilespmem:s22], [sflag:$0x1] =	stream.linear.gather [hbm4b:s21+s2], $0x80, $0x38;
	[tilespmem:$0x10200] =	vst v63  }
0x9a: {  	(v2sf) =	vpush v0, $0xA;
	s13 =	spop (v2sf);
	s22 =	sand.u32 $0x1FFFFFF0, s10;
	s21 =	sadd.s32 s3, s12  }
0x9b: {  	[tilespmem:s9], [sflag:$0x1] =	stream.linear.gather [hbm4b:s20+s2], $0x80, $0x38;
	[tilespmem:$0x10200] =	vst v63  }
0x9c: {  	(v2sf) =	vpush v0, $0xB;
	s12 =	simm.s32 $0x1600;
	s23 =	sand.u32 $0x1FFFFFF0, s13;
	s14 =	spop (v2sf)  }
0x9d: {  	[tilespmem:s11], [sflag:$0x1] =	stream.linear.gather [hbm4b:s21+s2], $0x80, $0x38;
	[tilespmem:$0x10200] =	vst v63  }
0x9e: {  	s22 =	sadd.s32 s3, s22;
	(v2sf) =	vpush v0, $0xC;
	s20 =	sand.u32 $0x1FFFFFF0, s14;
	s28 =	spop (v2sf)  }
0x9f: {  	[tilespmem:s24], [sflag:$0x1] =	stream.linear.gather [hbm4b:s22+s2], $0x80, $0x38;
	[tilespmem:$0x10200] =	vst v63  }
0xa0: {  	s26 =	sadd.s32 s3, s23;
	(v2sf) =	vpush v0, $0xD;
	s9 =	simm.s32 $0x1580;
	s0 =	spop (v2sf)  }
0xa1: {  	[tilespmem:s25], [sflag:$0x1] =	stream.linear.gather [hbm4b:s26+s2], $0x80, $0x38;
	[tilespmem:$0x10200] =	vst v63  }
0xa2: {  	s14 =	simm.s32 $0x1680;
	s20 =	sadd.s32 s3, s20;
	(v2sf) =	vpush v0, $0xE;
	s22 =	sand.u32 $0x1FFFFFF0, s0  }
0xa3: {  	[tilespmem:s29], [sflag:$0x1] =	stream.linear.gather [hbm4b:s20+s2], $0x80, $0x38;
	[tilespmem:$0x10200] =	vst v63  }
0xa4: {  	s30 =	sand.u32 $0x1FFFFFF0, s28;
	s10 =	sadd.s32 s3, s22;
	s1 =	spop (v2sf);
	(v2sf) =	vpush v0, $0xF  }
0xa5: {  	s25 =	simm.s32 $0x1700;
	s20 =	sadd.s32 s3, s30;
	s29 =	simm.s32 $0x1780  }
0xa6: {  	[tilespmem:s31], [sflag:$0x1] =	stream.linear.gather [hbm4b:s20+s2], $0x80, $0x38;
	[tilespmem:$0x10200] =	vst v63  }
0xa7: {  	s11 =	sand.u32 $0x1FFFFFF0, s1;
	s13 =	spop (v2sf);
	s31 =	simm.s32 $0x1880  }
0xa8: {  	[tilespmem:s9], [sflag:$0x1] =	stream.linear.gather [hbm4b:s10+s2], $0x80, $0x38;
	[tilespmem:$0x10200] =	vst v63  }
0xa9: {  	s22 =	sadd.s32 s3, s11;
	s21 =	sand.u32 $0x1FFFFFF0, s13;
	s23 =	spop (v2sf)  }
0xaa: {  	[tilespmem:s12], [sflag:$0x1] =	stream.linear.gather [hbm4b:s22+s2], $0x80, $0x38;
	[tilespmem:$0x10200] =	vst v63  }
0xab: {  	s21 =	sadd.s32 s3, s21;
	s24 =	spop (v2sf);
	s22 =	sand.u32 $0x1FFFFFF0, s23  }
0xac: {  	[tilespmem:s14], [sflag:$0x1] =	stream.linear.gather [hbm4b:s21+s2], $0x80, $0x38;
	[tilespmem:$0x10200] =	vst v63  }
0xad: {  	s28 =	sand.u32 $0x1FFFFFF0, s24;
	s30 =	spop (v2sf);
	s26 =	sadd.s32 s3, s22  }
0xae: {  	[tilespmem:s25], [sflag:$0x1] =	stream.linear.gather [hbm4b:s26+s2], $0x80, $0x38;
	[tilespmem:$0x10200] =	vst v63  }
0xaf: {  	s22 =	sadd.s32 s3, s28;
	s0 =	spop (v2sf);
	s21 =	sand.u32 $0x1FFFFFF0, s30  }
0xb0: {  	[tilespmem:s29], [sflag:$0x1] =	stream.linear.gather [hbm4b:s22+s2], $0x80, $0x38;
	[tilespmem:$0x10200] =	vst v63  }
0xb1: {  	s1 =	spop (v2sf);
	s21 =	sadd.s32 s3, s21;
	s22 =	sand.u32 $0x1FFFFFF0, s0  }
0xb2: {  	[tilespmem:s19], [sflag:$0x1] =	stream.linear.gather [hbm4b:s21+s2], $0x80, $0x38;
	[tilespmem:$0x10200] =	vst v63  }
0xb3: {  	s10 =	sand.u32 $0x1FFFFFF0, s1;
	s9 =	sadd.s32 s3, s22;
	s11 =	spop (v2sf)  }
0xb4: {  	[tilespmem:s31], [sflag:$0x1] =	stream.linear.gather [hbm4b:s9+s2], $0x80, $0x38;
	[tilespmem:$0x10200] =	vst v63  }
0xb5: {  	s12 =	simm.s32 $0x1900;
	s13 =	sadd.s32 s3, s10;
	s14 =	sand.u32 $0x1FFFFFF0, s11  }
0xb6: {  	[tilespmem:s12], [sflag:$0x1] =	stream.linear.gather [hbm4b:s13+s2], $0x80, $0x38;
	[tilespmem:$0x10200] =	vst v63  }
0xb7: {  	s22 =	simm.s32 $0x1980;
	s23 =	sadd.s32 s3, s14  }
0xb8: {  	[tilespmem:s22], [sflag:$0x1] =	stream.linear.gather [hbm4b:s23+s2], $0x80, $0x38;
	[tilespmem:$0x10200] =	vst v63  }
0xb9: {  	v63 =	vld [tilespmem:s18+$0x0];
	_ =	sdelay $0x4  }
0xba: {  	v0 =	vshll.u32 v63, $0x4  }
0xbb: {  	(v2sf) =	vpush v0, $0x0  }
0xbc: {  	(v2sf) =	vpush v0, $0x1;
	_ =	sdelay $0x2  }
0xbd: {  	(v2sf) =	vpush v0, $0x2  }
0xbe: {  	(v2sf) =	vpush v0, $0x3  }
0xbf: {  	(v2sf) =	vpush v0, $0x4;
	_ =	sdelay $0x1  }
0xc0: {  	(v2sf) =	vpush v0, $0x5;
	_ =	sdelay $0x1  }
0xc1: {  	(v2sf) =	vpush v0, $0x6;
	_ =	sdelay $0x1  }
0xc2: {  	(v2sf) =	vpush v0, $0x7;
	_ =	sdelay $0x1  }
0xc3: {  	s20 =	simm.s32 $0x1E80;
	s28 =	simm.s32 $0x1A80  }
0xc4: {  	s25 =	simm.s32 $0x1A00;
	s10 =	simm.s32 $0x1B80;
	s24 =	spop (v2sf)  }
0xc5: {  	s0 =	simm.s32 $0x1B00;
	s19 =	sand.u32 $0x1FFFFFF0, s24;
	s26 =	spop (v2sf)  }
0xc6: {  	s12 =	simm.s32 $0x1C00;
	s19 =	sadd.s32 s3, s19;
	s29 =	sand.u32 $0x1FFFFFF0, s26  }
0xc7: {  	(v2sf) =	vpush v0, $0x8;
	[tilespmem:s25], [sflag:$0x1] =	stream.linear.gather [hbm4b:s19+s2], $0x80, $0x38;
	[tilespmem:$0x10200] =	vst v63  }
0xc8: {  	(v2sf) =	vpush v0, $0x9;
	s30 =	spop (v2sf);
	s26 =	simm.s32 $0x1D00;
	s21 =	sadd.s32 s3, s29  }
0xc9: {  	s22 =	sand.u32 $0x1FFFFFF0, s30;
	s31 =	spop (v2sf);
	s29 =	simm.s32 $0x1D80  }
0xca: {  	(v2sf) =	vpush v0, $0xA;
	s19 =	simm.s32 $0x4000;
	s1 =	sadd.s32 s3, s22;
	s11 =	spop (v2sf)  }
0xcb: {  	[tilespmem:s28], [sflag:$0x1] =	stream.linear.gather [hbm4b:s21+s2], $0x80, $0x38;
	[tilespmem:$0x10200] =	vst v63  }
0xcc: {  	(v2sf) =	vpush v0, $0xB;
	s9 =	sand.u32 $0x1FFFFFF0, s31;
	s21 =	sand.u32 $0x1FFFFFF0, s11;
	s13 =	spop (v2sf)  }
0xcd: {  	[tilespmem:s0], [sflag:$0x1] =	stream.linear.gather [hbm4b:s1+s2], $0x80, $0x38;
	[tilespmem:$0x10200] =	vst v63  }
0xce: {  	(v2sf) =	vpush v0, $0xC;
	s22 =	sadd.s32 s3, s9;
	s21 =	sadd.s32 s3, s21;
	s14 =	spop (v2sf)  }
0xcf: {  	[tilespmem:s10], [sflag:$0x1] =	stream.linear.gather [hbm4b:s22+s2], $0x80, $0x38;
	[tilespmem:$0x10200] =	vst v63  }
0xd0: {  	(v2sf) =	vpush v0, $0xD;
	s25 =	sand.u32 $0x1FFFFFF0, s14;
	s28 =	spop (v2sf);
	s22 =	sand.u32 $0x1FFFFFF0, s13  }
0xd1: {  	[tilespmem:s12], [sflag:$0x1] =	stream.linear.gather [hbm4b:s21+s2], $0x80, $0x38;
	[tilespmem:$0x10200] =	vst v63  }
0xd2: {  	s0 =	simm.s32 $0x1E00;
	s24 =	sadd.s32 s3, s22;
	s21 =	simm.s32 $0x1C80  }
0xd3: {  	[tilespmem:s21], [sflag:$0x1] =	stream.linear.gather [hbm4b:s24+s2], $0x80, $0x38;
	[tilespmem:$0x10200] =	vst v63  }
0xd4: {  	(v2sf) =	vpush v0, $0xE;
	s10 =	simm.s32 $0x1F00;
	s22 =	sadd.s32 s3, s25;
	s25 =	simm.s32 $0x2000  }
0xd5: {  	[tilespmem:s26], [sflag:$0x1] =	stream.linear.gather [hbm4b:s22+s2], $0x80, $0x38;
	[tilespmem:$0x10200] =	vst v63  }
0xd6: {  	s12 =	simm.s32 $0x1F80;
	s21 =	sand.u32 $0x1FFFFFF0, s28;
	s30 =	spop (v2sf);
	(v2sf) =	vpush v0, $0xF  }
0xd7: {  	s21 =	sadd.s32 s3, s21;
	s22 =	sand.u32 $0x1FFFFFF0, s30;
	s31 =	spop (v2sf)  }
0xd8: {  	[tilespmem:s29], [sflag:$0x1] =	stream.linear.gather [hbm4b:s21+s2], $0x80, $0x38;
	[tilespmem:$0x10200] =	vst v63  }
0xd9: {  	s1 =	sadd.s32 s3, s22;
	s9 =	sand.u32 $0x1FFFFFF0, s31;
	s11 =	spop (v2sf)  }
0xda: {  	[tilespmem:s0], [sflag:$0x1] =	stream.linear.gather [hbm4b:s1+s2], $0x80, $0x38;
	[tilespmem:$0x10200] =	vst v63  }
0xdb: {  	s22 =	sadd.s32 s3, s9;
	s21 =	sand.u32 $0x1FFFFFF0, s11;
	s13 =	spop (v2sf)  }
0xdc: {  	[tilespmem:s20], [sflag:$0x1] =	stream.linear.gather [hbm4b:s22+s2], $0x80, $0x38;
	[tilespmem:$0x10200] =	vst v63  }
0xdd: {  	s21 =	sadd.s32 s3, s21;
	s14 =	spop (v2sf);
	s22 =	sand.u32 $0x1FFFFFF0, s13  }
0xde: {  	[tilespmem:s10], [sflag:$0x1] =	stream.linear.gather [hbm4b:s21+s2], $0x80, $0x38;
	[tilespmem:$0x10200] =	vst v63  }
0xdf: {  	s23 =	sand.u32 $0x1FFFFFF0, s14;
	s24 =	spop (v2sf);
	s22 =	sadd.s32 s3, s22  }
0xe0: {  	[tilespmem:s12], [sflag:$0x1] =	stream.linear.gather [hbm4b:s22+s2], $0x80, $0x38;
	[tilespmem:$0x10200] =	vst v63  }
0xe1: {  	s29 =	simm.s32 $0x2080;
	s26 =	sadd.s32 s3, s23;
	s28 =	sand.u32 $0x1FFFFFF0, s24  }
0xe2: {  	[tilespmem:s25], [sflag:$0x1] =	stream.linear.gather [hbm4b:s26+s2], $0x80, $0x38;
	[tilespmem:$0x10200] =	vst v63  }
0xe3: {  	s20 =	simm.s32 $0x0;
	s30 =	sadd.s32 s3, s28;
	s31 =	spop (v2sf)  }
0xe4: {  	[tilespmem:s29], [sflag:$0x1] =	stream.linear.gather [hbm4b:s30+s2], $0x80, $0x38;
	[tilespmem:$0x10200] =	vst v63  }
0xe5: {  	s21 =	simm.s32 $0x2100;
	s23 =	sand.u32 $0x1FFFFFF0, s31;
	s24 =	spop (v2sf)  }
.LBB2_2:
0xe6: {  	s22 =	sadd.s32 s3, s23;
	s23 =	sand.u32 $0x1FFFFFF0, s24;
	s18 =	sadd.s32 $0x20, s18  }
0xe7: {  	[tilespmem:s21], [sflag:$0x1] =	stream.linear.gather [hbm4b:s22+s2], $0x80, $0x38;
	[tilespmem:$0x10200] =	vst v63  }
0xe8: {  	p0 =	sne.s32 s19, $0x38000;
	s20 =	sadd.s32 $0x2180, s20;
	s21 =	sadd.s32 s3, s23  }
0xe9: {  	[tilespmem:s20], [sflag:$0x1] =	stream.linear.gather [hbm4b:s21+s2], $0x80, $0x38;
	[tilespmem:$0x10200] =	vst v63  }
0xea: {  	s20 =	smov.u32 s19;
	s19 =	sadd.s32 $0x4000, s19;
	_ =	swait.ge [sflag:s16], $0x1000  }
0xeb: {  	[sflag:s16] =	ssyncset.done $0x0  }
0xec: {  	[sflag:s16] =	ssyncadd.s32 $0xFFFFF000  }
0xed: {  	v0 =	vld [tilespmem:s18+$0xFFFFFFF0];
	_ =	sdelay $0x4  }
0xee: {  	v0 =	vshll.u32 v0, $0x4  }
0xef: {  	(v2sf) =	vpush v0, $0x1  }
0xf0: {  	(v2sf) =	vpush v0, $0x0  }
0xf1: {  	(v2sf) =	vpush v0, $0x2  }
0xf2: {  	(v2sf) =	vpush v0, $0x3  }
0xf3: {  	(v2sf) =	vpush v0, $0x4;
	_ =	sdelay $0x1  }
0xf4: {  	(v2sf) =	vpush v0, $0x5;
	_ =	sdelay $0x3  }
0xf5: {  	(v2sf) =	vpush v0, $0x6;
	_ =	sdelay $0x1  }
0xf6: {  	s20 =	sshra.s32 s20, $0x2  }
0xf7: {  	s23 =	sadd.s32 $0x1800, s20;
	s22 =	sadd.s32 $0x1880, s20;
	s21 =	sadd.s32 $0x2100, s20  }
0xf8: {  	s29 =	sadd.s32 $0x1200, s20;
	s30 =	sadd.s32 $0x1280, s20;
	s24 =	sadd.s32 $0x1780, s20;
	(v2sf) =	vpush v0, $0x7  }
0xf9: {  	s26 =	sadd.s32 $0x1680, s20;
	s25 =	sadd.s32 $0x1700, s20;
	s28 =	spop (v2sf)  }
0xfa: {  	s0 =	sadd.s32 $0x1300, s20;
	s31 =	sand.u32 $0x1FFFFFF0, s28;
	s28 =	spop (v2sf);
	(v2sf) =	vpush v0, $0x8  }
0xfb: {  	s1 =	sand.u32 $0x1FFFFFF0, s28;
	s28 =	sadd.s32 $0x1600, s20;
	s9 =	spop (v2sf)  }
0xfc: {  	s1 =	sadd.s32 s3, s1;
	s9 =	sand.u32 $0x1FFFFFF0, s9;
	s10 =	spop (v2sf);
	(v2sf) =	vpush v0, $0x9  }
0xfd: {  	s11 =	sadd.s32 $0x1580, s20;
	s10 =	sand.u32 $0x1FFFFFF0, s10;
	s12 =	spop (v2sf)  }
0xfe: {  	[tilespmem:s29], [sflag:$0x1] =	stream.linear.gather [hbm4b:s1+s2], $0x80, $0x38;
	(v2sf) =	vpush v0, $0xA;
	[tilespmem:$0x10200] =	vst v63  }
0xff: {  	s1 =	sadd.s32 s3, s31;
	s12 =	sand.u32 $0x1FFFFFF0, s12;
	s29 =	spop (v2sf)  }
0x100: {  	[tilespmem:s30], [sflag:$0x1] =	stream.linear.gather [hbm4b:s1+s2], $0x80, $0x38;
	(v2sf) =	vpush v0, $0xB;
	[tilespmem:$0x10200] =	vst v63  }
0x101: {  	s1 =	sadd.s32 s3, s9;
	s9 =	sadd.s32 $0x1380, s20;
	s29 =	sand.u32 $0x1FFFFFF0, s29  }
0x102: {  	[tilespmem:s0], [sflag:$0x1] =	stream.linear.gather [hbm4b:s1+s2], $0x80, $0x38;
	(v2sf) =	vpush v0, $0xC;
	[tilespmem:$0x10200] =	vst v63  }
0x103: {  	s0 =	sadd.s32 s3, s10;
	s1 =	sadd.s32 $0x1400, s20;
	s10 =	spop (v2sf)  }
0x104: {  	[tilespmem:s9], [sflag:$0x1] =	stream.linear.gather [hbm4b:s0+s2], $0x80, $0x38;
	(v2sf) =	vpush v0, $0xD;
	[tilespmem:$0x10200] =	vst v63  }
0x105: {  	s0 =	sadd.s32 s3, s12;
	s9 =	sadd.s32 $0x1480, s20;
	s10 =	sand.u32 $0x1FFFFFF0, s10  }
0x106: {  	[tilespmem:s1], [sflag:$0x1] =	stream.linear.gather [hbm4b:s0+s2], $0x80, $0x38;
	(v2sf) =	vpush v0, $0xE;
	[tilespmem:$0x10200] =	vst v63  }
0x107: {  	s0 =	sadd.s32 s3, s29;
	s1 =	sadd.s32 $0x1500, s20;
	s12 =	spop (v2sf)  }
0x108: {  	[tilespmem:s9], [sflag:$0x1] =	stream.linear.gather [hbm4b:s0+s2], $0x80, $0x38;
	(v2sf) =	vpush v0, $0xF;
	[tilespmem:$0x10200] =	vst v63  }
0x109: {  	s0 =	sadd.s32 s3, s10;
	s9 =	sand.u32 $0x1FFFFFF0, s12;
	s10 =	spop (v2sf)  }
0x10a: {  	[tilespmem:s1], [sflag:$0x1] =	stream.linear.gather [hbm4b:s0+s2], $0x80, $0x38;
	[tilespmem:$0x10200] =	vst v63  }
0x10b: {  	s0 =	sadd.s32 s3, s9;
	s1 =	sand.u32 $0x1FFFFFF0, s10;
	s9 =	spop (v2sf)  }
0x10c: {  	[tilespmem:s11], [sflag:$0x1] =	stream.linear.gather [hbm4b:s0+s2], $0x80, $0x38;
	[tilespmem:$0x10200] =	vst v63  }
0x10d: {  	s0 =	sadd.s32 s3, s1;
	s1 =	sand.u32 $0x1FFFFFF0, s9;
	s9 =	spop (v2sf)  }
0x10e: {  	[tilespmem:s28], [sflag:$0x1] =	stream.linear.gather [hbm4b:s0+s2], $0x80, $0x38;
	[tilespmem:$0x10200] =	vst v63  }
0x10f: {  	s0 =	sadd.s32 s3, s1;
	s1 =	sand.u32 $0x1FFFFFF0, s9;
	s9 =	spop (v2sf)  }
0x110: {  	[tilespmem:s26], [sflag:$0x1] =	stream.linear.gather [hbm4b:s0+s2], $0x80, $0x38;
	[tilespmem:$0x10200] =	vst v63  }
0x111: {  	s0 =	sadd.s32 s3, s1;
	s1 =	sand.u32 $0x1FFFFFF0, s9;
	s9 =	spop (v2sf)  }
0x112: {  	[tilespmem:s25], [sflag:$0x1] =	stream.linear.gather [hbm4b:s0+s2], $0x80, $0x38;
	[tilespmem:$0x10200] =	vst v63  }
0x113: {  	s0 =	sadd.s32 s3, s1;
	s1 =	sand.u32 $0x1FFFFFF0, s9;
	s9 =	spop (v2sf)  }
0x114: {  	[tilespmem:s24], [sflag:$0x1] =	stream.linear.gather [hbm4b:s0+s2], $0x80, $0x38;
	[tilespmem:$0x10200] =	vst v63  }
0x115: {  	s0 =	sadd.s32 s3, s1;
	s1 =	sand.u32 $0x1FFFFFF0, s9;
	s9 =	spop (v2sf)  }
0x116: {  	[tilespmem:s23], [sflag:$0x1] =	stream.linear.gather [hbm4b:s0+s2], $0x80, $0x38;
	[tilespmem:$0x10200] =	vst v63  }
0x117: {  	s0 =	sadd.s32 s3, s1;
	s1 =	sand.u32 $0x1FFFFFF0, s9;
	s9 =	spop (v2sf)  }
0x118: {  	[tilespmem:s22], [sflag:$0x1] =	stream.linear.gather [hbm4b:s0+s2], $0x80, $0x38;
	[tilespmem:$0x10200] =	vst v63  }
0x119: {  	s1 =	sadd.s32 s3, s1;
	s0 =	sadd.s32 $0x1900, s20;
	s9 =	sand.u32 $0x1FFFFFF0, s9  }
0x11a: {  	[tilespmem:s0], [sflag:$0x1] =	stream.linear.gather [hbm4b:s1+s2], $0x80, $0x38;
	[tilespmem:$0x10200] =	vst v63  }
0x11b: {  	s0 =	sadd.s32 $0x1980, s20;
	s1 =	sadd.s32 s3, s9  }
0x11c: {  	[tilespmem:s0], [sflag:$0x1] =	stream.linear.gather [hbm4b:s1+s2], $0x80, $0x38;
	[tilespmem:$0x10200] =	vst v63  }
0x11d: {  	v0 =	vld [tilespmem:s18+$0x0];
	_ =	sdelay $0x4  }
0x11e: {  	v0 =	vshll.u32 v0, $0x4  }
0x11f: {  	(v2sf) =	vpush v0, $0x0  }
0x120: {  	(v2sf) =	vpush v0, $0x1  }
0x121: {  	(v2sf) =	vpush v0, $0x2;
	_ =	sdelay $0x1  }
0x122: {  	(v2sf) =	vpush v0, $0x3;
	_ =	sdelay $0x1  }
0x123: {  	(v2sf) =	vpush v0, $0x4;
	_ =	sdelay $0x1  }
0x124: {  	(v2sf) =	vpush v0, $0x5;
	_ =	sdelay $0x1  }
0x125: {  	(v2sf) =	vpush v0, $0x6  }
0x126: {  	s23 =	sadd.s32 $0x2000, s20;
	s22 =	sadd.s32 $0x2080, s20  }
0x127: {  	s26 =	sadd.s32 $0x1E80, s20;
	s25 =	sadd.s32 $0x1F00, s20;
	s24 =	sadd.s32 $0x1F80, s20;
	(v2sf) =	vpush v0, $0x7  }
0x128: {  	s30 =	sadd.s32 $0x1D00, s20;
	s29 =	sadd.s32 $0x1D80, s20;
	s28 =	sadd.s32 $0x1E00, s20  }
0x129: {  	s9 =	sadd.s32 $0x1C80, s20;
	s0 =	sadd.s32 $0x1B80, s20;
	s1 =	sadd.s32 $0x1C00, s20;
	(v2sf) =	vpush v0, $0x8  }
0x12a: {  	s10 =	sadd.s32 $0x1A80, s20;
	s11 =	sadd.s32 $0x1B00, s20;
	s12 =	spop (v2sf)  }
0x12b: {  	s31 =	sadd.s32 $0x1A00, s20;
	s12 =	sand.u32 $0x1FFFFFF0, s12;
	s13 =	spop (v2sf);
	(v2sf) =	vpush v0, $0x9  }
0x12c: {  	s12 =	sadd.s32 s3, s12;
	s13 =	sand.u32 $0x1FFFFFF0, s13;
	s14 =	spop (v2sf)  }
0x12d: {  	[tilespmem:s31], [sflag:$0x1] =	stream.linear.gather [hbm4b:s12+s2], $0x80, $0x38;
	(v2sf) =	vpush v0, $0xA;
	[tilespmem:$0x10200] =	vst v63  }
0x12e: {  	s12 =	sadd.s32 s3, s13;
	s13 =	sand.u32 $0x1FFFFFF0, s14;
	s14 =	spop (v2sf)  }
0x12f: {  	[tilespmem:s10], [sflag:$0x1] =	stream.linear.gather [hbm4b:s12+s2], $0x80, $0x38;
	(v2sf) =	vpush v0, $0xB;
	[tilespmem:$0x10200] =	vst v63  }
0x130: {  	s10 =	sadd.s32 s3, s13;
	s12 =	sand.u32 $0x1FFFFFF0, s14;
	s13 =	spop (v2sf)  }
0x131: {  	[tilespmem:s11], [sflag:$0x1] =	stream.linear.gather [hbm4b:s10+s2], $0x80, $0x38;
	(v2sf) =	vpush v0, $0xC;
	[tilespmem:$0x10200] =	vst v63  }
0x132: {  	s10 =	sadd.s32 s3, s12;
	s11 =	sand.u32 $0x1FFFFFF0, s13;
	s12 =	spop (v2sf)  }
0x133: {  	[tilespmem:s0], [sflag:$0x1] =	stream.linear.gather [hbm4b:s10+s2], $0x80, $0x38;
	(v2sf) =	vpush v0, $0xD;
	[tilespmem:$0x10200] =	vst v63  }
0x134: {  	s0 =	sadd.s32 s3, s11;
	s10 =	sand.u32 $0x1FFFFFF0, s12;
	s11 =	spop (v2sf)  }
0x135: {  	[tilespmem:s1], [sflag:$0x1] =	stream.linear.gather [hbm4b:s0+s2], $0x80, $0x38;
	(v2sf) =	vpush v0, $0xE;
	[tilespmem:$0x10200] =	vst v63  }
0x136: {  	s0 =	sadd.s32 s3, s10;
	s1 =	sand.u32 $0x1FFFFFF0, s11;
	s10 =	spop (v2sf)  }
0x137: {  	[tilespmem:s9], [sflag:$0x1] =	stream.linear.gather [hbm4b:s0+s2], $0x80, $0x38;
	(v2sf) =	vpush v0, $0xF;
	[tilespmem:$0x10200] =	vst v63  }
0x138: {  	s0 =	sadd.s32 s3, s1;
	s1 =	sand.u32 $0x1FFFFFF0, s10;
	s9 =	spop (v2sf)  }
0x139: {  	[tilespmem:s30], [sflag:$0x1] =	stream.linear.gather [hbm4b:s0+s2], $0x80, $0x38;
	[tilespmem:$0x10200] =	vst v63  }
0x13a: {  	s0 =	sadd.s32 s3, s1;
	s1 =	sand.u32 $0x1FFFFFF0, s9;
	s9 =	spop (v2sf)  }
0x13b: {  	[tilespmem:s29], [sflag:$0x1] =	stream.linear.gather [hbm4b:s0+s2], $0x80, $0x38;
	[tilespmem:$0x10200] =	vst v63  }
0x13c: {  	s0 =	sadd.s32 s3, s1;
	s1 =	sand.u32 $0x1FFFFFF0, s9;
	s9 =	spop (v2sf)  }
0x13d: {  	[tilespmem:s28], [sflag:$0x1] =	stream.linear.gather [hbm4b:s0+s2], $0x80, $0x38;
	[tilespmem:$0x10200] =	vst v63  }
0x13e: {  	s0 =	sadd.s32 s3, s1;
	s1 =	sand.u32 $0x1FFFFFF0, s9;
	s9 =	spop (v2sf)  }
0x13f: {  	[tilespmem:s26], [sflag:$0x1] =	stream.linear.gather [hbm4b:s0+s2], $0x80, $0x38;
	[tilespmem:$0x10200] =	vst v63  }
0x140: {  	s0 =	sadd.s32 s3, s1;
	s1 =	sand.u32 $0x1FFFFFF0, s9;
	s9 =	spop (v2sf)  }
0x141: {  	[tilespmem:s25], [sflag:$0x1] =	stream.linear.gather [hbm4b:s0+s2], $0x80, $0x38;
	[tilespmem:$0x10200] =	vst v63  }
0x142: {  	s0 =	sadd.s32 s3, s1;
	s1 =	sand.u32 $0x1FFFFFF0, s9;
	s9 =	spop (v2sf)  }
0x143: {  	[tilespmem:s24], [sflag:$0x1] =	stream.linear.gather [hbm4b:s0+s2], $0x80, $0x38;
	[tilespmem:$0x10200] =	vst v63  }
.Ltmp0:
0x144: {  	_ = 	snop;
	(pc) =	sbr.rel @p0 .LBB2_2-.Ltmp0, $4  }
0x145: {  	s0 =	sadd.s32 s3, s1;
	s1 =	sand.u32 $0x1FFFFFF0, s9;
	s9 =	spop (v2sf)  }
0x146: {  	[tilespmem:s23], [sflag:$0x1] =	stream.linear.gather [hbm4b:s0+s2], $0x80, $0x38;
	[tilespmem:$0x10200] =	vst v63  }
0x147: {  	s0 =	sadd.s32 s3, s1;
	s23 =	sand.u32 $0x1FFFFFF0, s9;
	s24 =	spop (v2sf)  }
0x148: {  	[tilespmem:s22], [sflag:$0x1] =	stream.linear.gather [hbm4b:s0+s2], $0x80, $0x38;
	[tilespmem:$0x10200] =	vst v63  }
0x149: {  	s0 =	sadd.s32 s3, s23;
	s1 =	sand.u32 $0x1FFFFFF0, s24  }
0x14a: {  	[tilespmem:s21], [sflag:$0x1] =	stream.linear.gather [hbm4b:s0+s2], $0x80, $0x38;
	[tilespmem:$0x10200] =	vst v63  }
0x14b: {  	s31 =	sadd.s32 $0x2180, s20;
	s1 =	sadd.s32 s3, s1  }
0x14c: {  	[tilespmem:s31], [sflag:$0x1] =	stream.linear.gather [hbm4b:s1+s2], $0x80, $0x38;
	[tilespmem:$0x10200] =	vst v63  }
0x14d: {  	_ =	swait.ge [sflag:s16], $0x1000  }
0x14e: {  	[sflag:s16] =	ssyncset.done $0x0  }
0x14f: {  	[sflag:s16] =	ssyncadd.s32 $0xFFFFF000  }
0x150: {  	s17 =	sadd.s32 $0x1, s17;
	_ =	swait.ge [sflag:s16], $0x1000  }
0x151: {  	p0 =	sne.s32 s17, s6;
	[sflag:s16] =	ssyncset.done $0x0  }
.Ltmp1:
0x152: {  	[sflag:s16] =	ssyncadd.s32 $0xFFFFF000;
	(pc) =	sbr.rel @p0 .LBB2_1-.Ltmp1, $4  }
0x153: {  	[hbm4b:s5+s2] =	stream.linear.scatter [tilespmem:s8], [sflag:$0x2], $0x10000, $0x38;
	[tilespmem:$0x10200] =	vst v63  }
0x154: {  	_ =	swait.ge [sflag:s7], $0x10000  }
0x155: {  	[sflag:s7] =	ssyncset.done $0x0  }
0x156: {  	[sflag:s7] =	ssyncadd.s32 $0xFFFF0000  }
0x157: {  	_ =	sfence.sel $0x180000  }
0x158: {  	[bflag:$0x0] =	sbarrier.arrive $0xFFFF  }
0x159: {  	_ =	strace $0x9000004A  }
0x15a: {  	s0 =	stileid.u32;
	[bflag:$0x2] =	sbarrier.arrive $0xFFFF  }
0x15b: {  	p0 =	sne.s32 s0, $0x0;
	s0 =	rddreg [dreg:$0x1]  }
0x15c: {  	s0 =	sadd.s32 @!p0 $0x100000, s0  }
0x15d: {  	[sflag:s0] =	ssyncadd.tile.s32 @!p0 $0x1;
	_ =	shalt  }
.Lfunc_end2:
_tile_overlayer_lowered:
.L_overlay_start_2:
0x15e: {  	(tag) =	ssettag $0x2  }
0x15f: {  	s0 =	rddreg [dreg:$0x0];
	s2 =	stileid.u32  }
0x160: {  	s1 =	rddreg [dreg:$0x1];
	p0 =	sne.s32 s2, $0x0  }
0x161: {  	s3 =	rddreg [dreg:$0x2];
	[bflag:$0x3] =	sbarrier.arrive $0xFFFF;
	s2 =	simm.s32 @!p0 $0x1C02  }
0x162: {  	[timem:s3], [sflag:s2] =	dma.local @!p0 [hbm:s0], s1  }
0x163: {  	s0 =	simm.s32 @!p0 $0x2  }
0x164: {  	_ =	swait.ge @!p0 [sflag:s0], s1  }
0x165: {  	s1 =	ssub.s32 @!p0 $0x0, s1;
	[sflag:s0] =	ssyncset.done @!p0 $0x0  }
0x166: {  	[sflag:s0] =	ssyncadd.s32 @!p0 s1  }
0x167: {  	[bflag:$0x3] =	sbarrier.arrive $0xFFFF  }
0x168: {  	_ =	shalt  }

</sc_bundles>
